<compile_context>
chip_gen: v7x
topology: tpu7x:2x2x1
jax: 0.10.2.dev20260603
libtpu: 0.0.44.dev20260713+nightly
codegen_flags: <defaults>
</compile_context>

<pallas_src>
import functools

import jax
import jax.numpy as jnp
from jax import lax
from jax.experimental import pallas as pl
from jax.experimental.pallas import tpu as pltpu
from jax.experimental.pallas import tpu_sc as plsc

_D_MODEL = 128
_D_TIME = 32
_N_HW = 200
_N_TOD = 1440
_N_ROWS = _N_HW + _N_TOD
_N_ROWS_PAD = 1792
_B, _L = 4096, 200
_N = _B * _L


def _silu(x):
    return x / (1.0 + jnp.exp(-x))


def _lut_body(hour_t, wd_t, tw1v, tb1, tw2t, tb2,
              dw1v, db1, dw2t, db2, pwt, pb, out_ref, bf_ref):
    p1t = pwt[0:32, :]
    p2t = pwt[32:64, :]
    p3t = pwt[64:96, :]
    p4t = pwt[96:128, :]

    j = lax.broadcasted_iota(jnp.int32, (_N_HW, 1), 0)
    h_idx = lax.div(j, 8)
    w_idx = lax.rem(j, 8)
    oh_h = (h_idx == lax.broadcasted_iota(jnp.int32, (_N_HW, 25), 1)).astype(jnp.float32)
    oh_w = (w_idx == lax.broadcasted_iota(jnp.int32, (_N_HW, 8), 1)).astype(jnp.float32)
    hour_rows = jnp.dot(oh_h, hour_t[...], preferred_element_type=jnp.float32)
    wd_rows = jnp.dot(oh_w, wd_t[...], preferred_element_type=jnp.float32)

    dow_c = w_idx.astype(jnp.float32) / 7.0
    dh = _silu(dow_c * dw1v[...] + db1[...])
    dow_enc = jnp.dot(dh, dw2t[...], preferred_element_type=jnp.float32) + db2[...]

    hw = (jnp.dot(hour_rows, p1t, preferred_element_type=jnp.float32)
          + jnp.dot(wd_rows, p2t, preferred_element_type=jnp.float32)
          + jnp.dot(dow_enc, p4t, preferred_element_type=jnp.float32))
    out_ref[0:_N_HW, :] = hw

    m = lax.broadcasted_iota(jnp.int32, (_N_TOD, 1), 0).astype(jnp.float32) / 1440.0
    th = _silu(m * tw1v[...] + tb1[...])
    tod_enc = jnp.dot(th, tw2t[...], preferred_element_type=jnp.float32) + tb2[...]
    tod = jnp.dot(tod_enc, p3t, preferred_element_type=jnp.float32) + pb[...]
    out_ref[_N_HW:_N_ROWS, :] = tod
    out_ref[_N_ROWS:_N_ROWS_PAD, :] = jnp.zeros((_N_ROWS_PAD - _N_ROWS, _D_MODEL), jnp.float32)
    bf_ref[...] = out_ref[...].astype(jnp.bfloat16)


def _build_lut(hour_table, weekday_table, tod_w1, tod_b1, tod_w2, tod_b2,
               dow_w1, dow_b1, dow_w2, dow_b2, proj_w, proj_b, *, interpret=False):
    return pl.pallas_call(
        _lut_body,
        out_shape=(jax.ShapeDtypeStruct((_N_ROWS_PAD, _D_MODEL), jnp.float32),
                   jax.ShapeDtypeStruct((_N_ROWS_PAD, _D_MODEL), jnp.bfloat16)),
        interpret=interpret,
    )(
        hour_table, weekday_table,
        tod_w1.reshape(1, _D_TIME), tod_b1.reshape(1, _D_TIME),
        tod_w2.T, tod_b2.reshape(1, _D_TIME),
        dow_w1.reshape(1, _D_TIME), dow_b1.reshape(1, _D_TIME),
        dow_w2.T, dow_b2.reshape(1, _D_TIME),
        proj_w.T, proj_b.reshape(1, _D_MODEL),
    )


_CHUNK = 128
_NW = 32
_PER_W = _N // _NW
_NCHUNK = _PER_W // _CHUNK


def _sc_gather(table_bf, hwm_packed):
    info = plsc.get_sparse_core_info()
    nc = info.num_cores
    ns = info.num_subcores
    mesh = plsc.VectorSubcoreMesh(core_axis_name="c", subcore_axis_name="s")

    rows_per_tile = _N_ROWS_PAD // ns

    idxv = pltpu.VMEM((_CHUNK,), jnp.int32)
    hwmv = pltpu.VMEM((3, _CHUNK), jnp.int32)
    rowbf = pltpu.VMEM((_CHUNK, _D_MODEL // 2), jnp.int32)
    rowf = pltpu.VMEM((_CHUNK, _D_MODEL), jnp.float32)
    sharedv = pltpu.VMEM_SHARED((_N_ROWS_PAD, _D_MODEL // 2), jnp.int32)
    sem = pltpu.SemaphoreType.DMA

    @functools.partial(
        pl.kernel,
        mesh=mesh,
        out_type=jax.ShapeDtypeStruct((_N, _D_MODEL), jnp.float32),
        scratch_types=([sharedv] + [hwmv] * 2 + [idxv] * 4 + [rowbf] * 4
                       + [rowf] * 2
                       + [sem] * 2 + [sem] * 2 + [sem] * 2 + [sem] * 2),
    )
    def run(table_hbm, hwm_hbm, out_hbm,
            shared,
            hwm0, hwm1,
            i1_0, i1_1, i2_0, i2_1,
            a0, a1, b0, b1,
            f0, f1,
            shwm0, shwm1, sa0, sa1, sbm0, sbm1,
            so0, so1):
        hwm = (hwm0, hwm1)
        i1 = (i1_0, i1_1)
        i2 = (i2_0, i2_1)
        ba = (a0, a1)
        bb = (b0, b1)
        fo = (f0, f1)
        shwm = (shwm0, shwm1)
        sa = (sa0, sa1)
        sbm = (sbm0, sbm1)
        so = (so0, so1)

        wid = lax.axis_index("s") * nc + lax.axis_index("c")
        sid = lax.axis_index("s")
        base0 = wid * _PER_W
        cid0 = wid * _NCHUNK

        srow = sid * rows_per_tile
        pltpu.sync_copy(table_hbm.at[pl.ds(srow, rows_per_tile)],
                        shared.at[pl.ds(srow, rows_per_tile)])
        plsc.subcore_barrier()

        def issue_idx(g, q):
            pltpu.async_copy(hwm_hbm.at[cid0 + g], hwm[q], shwm[q])

        def wait_idx(q):
            pltpu.make_async_copy(hwm_hbm.at[0], hwm[q], shwm[q]).wait()

        def compute_idx(q):
            for j in range(_CHUNK // 16):
                sl = pl.ds(j * 16, 16)
                i1[q][sl] = hwm[q][0, sl] * 8 + hwm[q][1, sl]
                i2[q][sl] = hwm[q][2, sl] + _N_HW

        def issue_gather(q):
            pltpu.async_copy(shared.at[i1[q]], ba[q], sa[q])
            pltpu.async_copy(shared.at[i2[q]], bb[q], sbm[q])

        def wait_gather(q):
            pltpu.make_async_copy(shared.at[i1[q]], ba[q], sa[q]).wait()
            pltpu.make_async_copy(shared.at[i2[q]], bb[q], sbm[q]).wait()

        def wait_out(r):
            pltpu.make_async_copy(
                fo[r], out_hbm.at[pl.ds(base0, _CHUNK)], so[r]).wait()

        def merge_rows(q, r):
            def body(r4, c):
                hi_mask = jnp.full((16,), -65536, jnp.int32)
                for rr in range(4):
                    row = r4 * 4 + rr
                    for gg in range(_D_MODEL // 32):
                        va = ba[q][row, pl.ds(gg * 16, 16)]
                        vb = bb[q][row, pl.ds(gg * 16, 16)]
                        a_lo = lax.bitcast_convert_type(va << 16, jnp.float32)
                        b_lo = lax.bitcast_convert_type(vb << 16, jnp.float32)
                        a_hi = lax.bitcast_convert_type(va & hi_mask, jnp.float32)
                        b_hi = lax.bitcast_convert_type(vb & hi_mask, jnp.float32)
                        fo[r][row, pl.ds(gg * 32, 16)] = a_hi + b_hi
                        fo[r][row, pl.ds(gg * 32 + 16, 16)] = a_lo + b_lo
                return c
            lax.fori_loop(0, _CHUNK // 4, body, 0)

        def store_out(g, r):
            base = base0 + g * _CHUNK
            pltpu.async_copy(fo[r], out_hbm.at[pl.ds(base, _CHUNK)], so[r])

        issue_idx(0, 0)
        wait_idx(0)
        compute_idx(0)
        issue_gather(0)
        issue_idx(1, 1)

        def super_body(s, carry):
            for b4 in (0, 1, 2, 3):
                g = 4 * s + b4
                q = b4 % 2
                q1 = (b4 + 1) % 2

                @pl.when(g + 1 < _NCHUNK)
                def _():
                    wait_idx(q1)
                    compute_idx(q1)
                    issue_gather(q1)

                @pl.when(g + 2 < _NCHUNK)
                def _():
                    issue_idx(g + 2, q)

                @pl.when(g >= 2)
                def _():
                    wait_out(q)

                wait_gather(q)
                merge_rows(q, q)
                store_out(g, q)
            return carry

        lax.fori_loop(0, _NCHUNK // 4, super_body, 0)
        for r in range(2):
            wait_out(r)

    return run(table_bf, hwm_packed)


def kernel(hours, weekdays, start_mins, hour_table, weekday_table,
           tod_w1, tod_b1, tod_w2, tod_b2,
           dow_w1, dow_b1, dow_w2, dow_b2,
           proj_w, proj_b):
    _, lut_bf = _build_lut(hour_table, weekday_table, tod_w1, tod_b1, tod_w2,
                           tod_b2, dow_w1, dow_b1, dow_w2, dow_b2, proj_w,
                           proj_b)
    t = lut_bf.reshape(_N_ROWS_PAD, _D_MODEL // 32, 2, 16)
    table_perm = jnp.swapaxes(t, 2, 3).reshape(_N_ROWS_PAD, _D_MODEL // 2, 2)
    table_bf = lax.bitcast_convert_type(table_perm, jnp.int32)
    hwm_packed = jnp.stack(
        [hours.reshape(_N // _CHUNK, _CHUNK).astype(jnp.int32),
         weekdays.reshape(_N // _CHUNK, _CHUNK).astype(jnp.int32),
         start_mins.reshape(_N // _CHUNK, _CHUNK).astype(jnp.int32)],
        axis=1)
    out = _sc_gather(table_bf, hwm_packed)
    return out.reshape(_B, _L, _D_MODEL)

# --- scband reference (transcript-rebuilt; emitter-appended) ---
"""Pipeline reference for scband-temporal-encoder-49460843381668 (READ-ONLY COPY).

The authoritative reference and input builder live on the scoring server;
editing this copy changes nothing except your own understanding.
"""

import jax, jax.numpy as jnp
import numpy as np

D_MODEL = 128
D_TIME = D_MODEL // 4
B, L = 4096, 200


def _silu(x):
    return x * jax.nn.sigmoid(x)


def setup_inputs(seed: int = 0) -> dict:
    key = jax.random.key(seed)
    ks = jax.random.split(key, 16)
    hours = jax.random.randint(ks[0], (B, L), 0, 25)
    weekdays = jax.random.randint(ks[1], (B, L), 0, 8)
    start_mins = jax.random.randint(ks[2], (B, L), 0, 1440)
    hour_table = jax.random.normal(ks[3], (25, D_TIME), dtype=jnp.float32) * 0.02
    hour_table = hour_table.at[0].set(0.0)  # padding_idx=0
    weekday_table = jax.random.normal(ks[4], (8, D_TIME), dtype=jnp.float32) * 0.02
    weekday_table = weekday_table.at[0].set(0.0)  # padding_idx=0
    tod_w1 = jax.random.normal(ks[5], (D_TIME, 1), dtype=jnp.float32) * 0.5
    tod_b1 = jax.random.normal(ks[6], (D_TIME,), dtype=jnp.float32) * 0.02
    tod_w2 = jax.random.normal(ks[7], (D_TIME, D_TIME), dtype=jnp.float32) * (1.0 / np.sqrt(D_TIME))
    tod_b2 = jax.random.normal(ks[8], (D_TIME,), dtype=jnp.float32) * 0.02
    dow_w1 = jax.random.normal(ks[9], (D_TIME, 1), dtype=jnp.float32) * 0.5
    dow_b1 = jax.random.normal(ks[10], (D_TIME,), dtype=jnp.float32) * 0.02
    dow_w2 = jax.random.normal(ks[11], (D_TIME, D_TIME), dtype=jnp.float32) * (1.0 / np.sqrt(D_TIME))
    dow_b2 = jax.random.normal(ks[12], (D_TIME,), dtype=jnp.float32) * 0.02
    proj_w = jax.random.normal(ks[13], (D_MODEL, 4 * D_TIME), dtype=jnp.float32) * (1.0 / np.sqrt(4 * D_TIME))
    proj_b = jax.random.normal(ks[14], (D_MODEL,), dtype=jnp.float32) * 0.02
    return {
        "hours": hours, "weekdays": weekdays, "start_mins": start_mins,
        "hour_table": hour_table, "weekday_table": weekday_table,
        "tod_w1": tod_w1, "tod_b1": tod_b1, "tod_w2": tod_w2, "tod_b2": tod_b2,
        "dow_w1": dow_w1, "dow_b1": dow_b1, "dow_w2": dow_w2, "dow_b2": dow_b2,
        "proj_w": proj_w, "proj_b": proj_b,
    }


def reference(hours, weekdays, start_mins, hour_table, weekday_table,
              tod_w1, tod_b1, tod_w2, tod_b2,
              dow_w1, dow_b1, dow_w2, dow_b2,
              proj_w, proj_b):
    hour_emb = jnp.take(hour_table, hours, axis=0)
    weekday_emb = jnp.take(weekday_table, weekdays, axis=0)
    tod_continuous = (start_mins.astype(jnp.float32) / 1440.0)[..., None]
    dow_continuous = (weekdays.astype(jnp.float32) / 7.0)[..., None]
    tod_enc = _silu(tod_continuous @ tod_w1.T + tod_b1) @ tod_w2.T + tod_b2
    dow_enc = _silu(dow_continuous @ dow_w1.T + dow_b1) @ dow_w2.T + dow_b2
    combined = jnp.concatenate([hour_emb, weekday_emb, tod_enc, dow_enc], axis=-1)
    return combined @ proj_w.T + proj_b

if __name__ == "__main__":
    import jax
    _d = setup_inputs()
    print(jax.jit(kernel)(*tuple(_d.values())))

</pallas_src>

<mosaic_0001>
#map = affine_map<(d0, d1) -> (0, 0)>
#map1 = affine_map<(d0, d1) -> (0, 0, 0)>
module attributes {stable_mosaic.version = 14 : i64} {
  func.func @run(%arg0: i32, %arg1: i32, %arg2: memref<1792x64xi32, #tpu.memory_space<hbm>>, %arg3: memref<6400x3x128xi32, #tpu.memory_space<hbm>>, %arg4: memref<819200x128xf32, #tpu.memory_space<hbm>>, %arg5: memref<1792x64xi32, #tpu.memory_space<vmem_shared>>, %arg6: memref<3x128xi32, #tpu.memory_space<vmem>>, %arg7: memref<3x128xi32, #tpu.memory_space<vmem>>, %arg8: memref<128xi32, #tpu.memory_space<vmem>>, %arg9: memref<128xi32, #tpu.memory_space<vmem>>, %arg10: memref<128xi32, #tpu.memory_space<vmem>>, %arg11: memref<128xi32, #tpu.memory_space<vmem>>, %arg12: memref<128x64xi32, #tpu.memory_space<vmem>>, %arg13: memref<128x64xi32, #tpu.memory_space<vmem>>, %arg14: memref<128x64xi32, #tpu.memory_space<vmem>>, %arg15: memref<128x64xi32, #tpu.memory_space<vmem>>, %arg16: memref<128x128xf32, #tpu.memory_space<vmem>>, %arg17: memref<128x128xf32, #tpu.memory_space<vmem>>, %arg18: memref<!tpu.dma_semaphore, #tpu.memory_space<semaphore_mem>>, %arg19: memref<!tpu.dma_semaphore, #tpu.memory_space<semaphore_mem>>, %arg20: memref<!tpu.dma_semaphore, #tpu.memory_space<semaphore_mem>>, %arg21: memref<!tpu.dma_semaphore, #tpu.memory_space<semaphore_mem>>, %arg22: memref<!tpu.dma_semaphore, #tpu.memory_space<semaphore_mem>>, %arg23: memref<!tpu.dma_semaphore, #tpu.memory_space<semaphore_mem>>, %arg24: memref<!tpu.dma_semaphore, #tpu.memory_space<semaphore_mem>>, %arg25: memref<!tpu.dma_semaphore, #tpu.memory_space<semaphore_mem>>) attributes {dimension_semantics = [#tpu.dimension_semantics<core_parallel>, #tpu.dimension_semantics<subcore_parallel>], iteration_bounds = array<i64: 2, 16>, scalar_prefetch = 0 : i64, scratch_operands = 21 : i64, tpu.core_type = #tpu.core_type<sc_vector_subcore>, window_params = [{transform_indices = #map}, {transform_indices = #map1}, {transform_indices = #map}]} {
    %mul3A = arith.constant 2 : i32
    %mul3A_0 = arith.muli %arg1, %mul3A : i32
    %add3A = arith.addi %mul3A_0, %arg0 : i32
    %mul3A_1 = arith.constant 25600 : i32
    %mul3A_2 = arith.muli %add3A, %mul3A_1 : i32
    %mul3A_3 = arith.constant 200 : i32
    %mul3A_4 = arith.muli %add3A, %mul3A_3 : i32
    %mul3A_5 = arith.constant 112 : i32
    %mul3A_6 = arith.muli %arg1, %mul3A_5 : i32
    "tpu.region"() ({
      %run_scoped3A = tpu.sem_alloc : memref<!tpu.dma_semaphore, #tpu.memory_space<semaphore_mem>>
      %dma_start3A_291 = arith.constant 0 : i32
      %dma_start3A_292 = tpu.memref_slice %arg5[%mul3A_6, %dma_start3A_291] : memref<1792x64xi32, #tpu.memory_space<vmem_shared>> -> memref<112x64xi32, #tpu.memory_space<vmem_shared>>
      %dma_start3A_293 = arith.constant 0 : i32
      %dma_start3A_294 = tpu.memref_slice %arg2[%mul3A_6, %dma_start3A_293] : memref<1792x64xi32, #tpu.memory_space<hbm>> -> memref<112x64xi32, #tpu.memory_space<hbm>>
      tpu.enqueue_dma source(%dma_start3A_294 : memref<112x64xi32, #tpu.memory_space<hbm>>) target(%dma_start3A_292 : memref<112x64xi32, #tpu.memory_space<vmem_shared>>) target_semaphore(%run_scoped3A : memref<!tpu.dma_semaphore, #tpu.memory_space<semaphore_mem>>)
      %dma_wait3A_295 = arith.constant 0 : i32
      %dma_wait3A_296 = tpu.memref_slice %arg5[%mul3A_6, %dma_wait3A_295] : memref<1792x64xi32, #tpu.memory_space<vmem_shared>> -> memref<112x64xi32, #tpu.memory_space<vmem_shared>>
      %dma_wait3A_297 = arith.constant 0 : i32
      %dma_wait3A_298 = tpu.memref_slice %arg2[%mul3A_6, %dma_wait3A_297] : memref<1792x64xi32, #tpu.memory_space<hbm>> -> memref<112x64xi32, #tpu.memory_space<hbm>>
      tpu.wait_dma2 semaphore(%run_scoped3A : memref<!tpu.dma_semaphore, #tpu.memory_space<semaphore_mem>>) src(%dma_wait3A_298 : memref<112x64xi32, #tpu.memory_space<hbm>>) dst(%dma_wait3A_296 : memref<112x64xi32, #tpu.memory_space<vmem_shared>>)
      tpu.yield
    }) : () -> ()
    %barrier3A = arith.constant 0 : index
    tpu.barrier barrier_id(%barrier3A)
    %add3A_7 = arith.constant 0 : i32
    %add3A_8 = arith.addi %mul3A_4, %add3A_7 : i32
    %dma_start3A = arith.constant 0 : i32
    %dma_start3A_9 = arith.constant 0 : i32
    %dma_start3A_10 = tpu.memref_slice %arg3[%add3A_8, %dma_start3A, %dma_start3A_9] : memref<6400x3x128xi32, #tpu.memory_space<hbm>> -> memref<1x3x128xi32, #tpu.memory_space<hbm>>
    %dma_start3A_11 = tpu.memref_squeeze %dma_start3A_10 : memref<1x3x128xi32, #tpu.memory_space<hbm>> -> memref<3x128xi32, #tpu.memory_space<hbm>>
    %dma_start3A_12 = arith.constant 0 : i32
    %dma_start3A_13 = arith.constant 0 : i32
    %dma_start3A_14 = tpu.memref_slice %arg3[%add3A_8, %dma_start3A_12, %dma_start3A_13] : memref<6400x3x128xi32, #tpu.memory_space<hbm>> -> memref<1x3x128xi32, #tpu.memory_space<hbm>>
    %dma_start3A_15 = tpu.memref_squeeze %dma_start3A_14 : memref<1x3x128xi32, #tpu.memory_space<hbm>> -> memref<3x128xi32, #tpu.memory_space<hbm>>
    tpu.enqueue_dma source(%dma_start3A_15 : memref<3x128xi32, #tpu.memory_space<hbm>>) target(%arg6 : memref<3x128xi32, #tpu.memory_space<vmem>>) target_semaphore(%arg18 : memref<!tpu.dma_semaphore, #tpu.memory_space<semaphore_mem>>)
    %dma_wait3A = arith.constant 0 : i32
    %dma_wait3A_16 = arith.constant 0 : i32
    %dma_wait3A_17 = arith.constant 0 : i32
    %dma_wait3A_18 = tpu.memref_slice %arg3[%dma_wait3A, %dma_wait3A_16, %dma_wait3A_17] : memref<6400x3x128xi32, #tpu.memory_space<hbm>> -> memref<1x3x128xi32, #tpu.memory_space<hbm>>
    %dma_wait3A_19 = tpu.memref_squeeze %dma_wait3A_18 : memref<1x3x128xi32, #tpu.memory_space<hbm>> -> memref<3x128xi32, #tpu.memory_space<hbm>>
    %dma_wait3A_20 = arith.constant 0 : i32
    %dma_wait3A_21 = arith.constant 0 : i32
    %dma_wait3A_22 = tpu.memref_slice %arg3[%dma_wait3A, %dma_wait3A_20, %dma_wait3A_21] : memref<6400x3x128xi32, #tpu.memory_space<hbm>> -> memref<1x3x128xi32, #tpu.memory_space<hbm>>
    %dma_wait3A_23 = tpu.memref_squeeze %dma_wait3A_22 : memref<1x3x128xi32, #tpu.memory_space<hbm>> -> memref<3x128xi32, #tpu.memory_space<hbm>>
    tpu.wait_dma2 semaphore(%arg18 : memref<!tpu.dma_semaphore, #tpu.memory_space<semaphore_mem>>) src(%dma_wait3A_23 : memref<3x128xi32, #tpu.memory_space<hbm>>) dst(%arg6 : memref<3x128xi32, #tpu.memory_space<vmem>>)
    %get3A = arith.constant 0 : i32
    %get3A_24 = arith.index_cast %get3A : i32 to index
    %get3A_25 = arith.constant 0 : index
    %get3A_26 = tpu.vector_load %arg6[%get3A_24, %get3A_25] {strides = array<i32>} : memref<3x128xi32, #tpu.memory_space<vmem>>, vector<1x16xi32>,
    %get3A_27 = vector.shape_cast %get3A_26 : vector<1x16xi32> to vector<16xi32>
    %mul3A_28 = arith.constant 8 : i32
    %mul3A_29 = vector.broadcast %mul3A_28 : i32 to vector<16xi32>
    %mul3A_30 = arith.muli %get3A_27, %mul3A_29 : vector<16xi32>
    %get3A_31 = arith.constant 1 : i32
    %get3A_32 = arith.index_cast %get3A_31 : i32 to index
    %get3A_33 = arith.constant 0 : index
    %get3A_34 = tpu.vector_load %arg6[%get3A_32, %get3A_33] {strides = array<i32>} : memref<3x128xi32, #tpu.memory_space<vmem>>, vector<1x16xi32>,
    %get3A_35 = vector.shape_cast %get3A_34 : vector<1x16xi32> to vector<16xi32>
    %add3A_36 = arith.addi %mul3A_30, %get3A_35 : vector<16xi32>
    %swap3A = arith.constant 0 : index
    %swap3A_37 = tpu.vector_load %arg8[%swap3A] {strides = array<i32>} : memref<128xi32, #tpu.memory_space<vmem>>, vector<16xi32>,
    %swap3A_38 = vector.shape_cast %swap3A_37 : vector<16xi32> to vector<16xi32>
    %swap3A_39 = vector.shape_cast %add3A_36 : vector<16xi32> to vector<16xi32>
    tpu.vector_store %arg8[%swap3A], %swap3A_39 {strides = array<i32>} : memref<128xi32, #tpu.memory_space<vmem>>, vector<16xi32>,
    %get3A_40 = arith.constant 2 : i32
    %get3A_41 = arith.index_cast %get3A_40 : i32 to index
    %get3A_42 = arith.constant 0 : index
    %get3A_43 = tpu.vector_load %arg6[%get3A_41, %get3A_42] {strides = array<i32>} : memref<3x128xi32, #tpu.memory_space<vmem>>, vector<1x16xi32>,
    %get3A_44 = vector.shape_cast %get3A_43 : vector<1x16xi32> to vector<16xi32>
    %add3A_45 = arith.constant 200 : i32
    %add3A_46 = vector.broadcast %add3A_45 : i32 to vector<16xi32>
    %add3A_47 = arith.addi %get3A_44, %add3A_46 : vector<16xi32>
    %swap3A_48 = arith.constant 0 : index
    %swap3A_49 = tpu.vector_load %arg10[%swap3A_48] {strides = array<i32>} : memref<128xi32, #tpu.memory_space<vmem>>, vector<16xi32>,
    %swap3A_50 = vector.shape_cast %swap3A_49 : vector<16xi32> to vector<16xi32>
    %swap3A_51 = vector.shape_cast %add3A_47 : vector<16xi32> to vector<16xi32>
    tpu.vector_store %arg10[%swap3A_48], %swap3A_51 {strides = array<i32>} : memref<128xi32, #tpu.memory_space<vmem>>, vector<16xi32>,
    %get3A_52 = arith.constant 0 : i32
    %get3A_53 = arith.index_cast %get3A_52 : i32 to index
    %get3A_54 = arith.constant 16 : index
    %get3A_55 = tpu.vector_load %arg6[%get3A_53, %get3A_54] {strides = array<i32>} : memref<3x128xi32, #tpu.memory_space<vmem>>, vector<1x16xi32>,
    %get3A_56 = vector.shape_cast %get3A_55 : vector<1x16xi32> to vector<16xi32>
    %mul3A_57 = arith.constant 8 : i32
    %mul3A_58 = vector.broadcast %mul3A_57 : i32 to vector<16xi32>
    %mul3A_59 = arith.muli %get3A_56, %mul3A_58 : vector<16xi32>
    %get3A_60 = arith.constant 1 : i32
    %get3A_61 = arith.index_cast %get3A_60 : i32 to index
    %get3A_62 = arith.constant 16 : index
    %get3A_63 = tpu.vector_load %arg6[%get3A_61, %get3A_62] {strides = array<i32>} : memref<3x128xi32, #tpu.memory_space<vmem>>, vector<1x16xi32>,
    %get3A_64 = vector.shape_cast %get3A_63 : vector<1x16xi32> to vector<16xi32>
    %add3A_65 = arith.addi %mul3A_59, %get3A_64 : vector<16xi32>
    %swap3A_66 = arith.constant 16 : index
    %swap3A_67 = tpu.vector_load %arg8[%swap3A_66] {strides = array<i32>} : memref<128xi32, #tpu.memory_space<vmem>>, vector<16xi32>,
    %swap3A_68 = vector.shape_cast %swap3A_67 : vector<16xi32> to vector<16xi32>
    %swap3A_69 = vector.shape_cast %add3A_65 : vector<16xi32> to vector<16xi32>
    tpu.vector_store %arg8[%swap3A_66], %swap3A_69 {strides = array<i32>} : memref<128xi32, #tpu.memory_space<vmem>>, vector<16xi32>,
    %get3A_70 = arith.constant 2 : i32
    %get3A_71 = arith.index_cast %get3A_70 : i32 to index
    %get3A_72 = arith.constant 16 : index
    %get3A_73 = tpu.vector_load %arg6[%get3A_71, %get3A_72] {strides = array<i32>} : memref<3x128xi32, #tpu.memory_space<vmem>>, vector<1x16xi32>,
    %get3A_74 = vector.shape_cast %get3A_73 : vector<1x16xi32> to vector<16xi32>
    %add3A_75 = arith.constant 200 : i32
    %add3A_76 = vector.broadcast %add3A_75 : i32 to vector<16xi32>
    %add3A_77 = arith.addi %get3A_74, %add3A_76 : vector<16xi32>
    %swap3A_78 = arith.constant 16 : index
    %swap3A_79 = tpu.vector_load %arg10[%swap3A_78] {strides = array<i32>} : memref<128xi32, #tpu.memory_space<vmem>>, vector<16xi32>,
    %swap3A_80 = vector.shape_cast %swap3A_79 : vector<16xi32> to vector<16xi32>
    %swap3A_81 = vector.shape_cast %add3A_77 : vector<16xi32> to vector<16xi32>
    tpu.vector_store %arg10[%swap3A_78], %swap3A_81 {strides = array<i32>} : memref<128xi32, #tpu.memory_space<vmem>>, vector<16xi32>,
    %get3A_82 = arith.constant 0 : i32
    %get3A_83 = arith.index_cast %get3A_82 : i32 to index
    %get3A_84 = arith.constant 32 : index
    %get3A_85 = tpu.vector_load %arg6[%get3A_83, %get3A_84] {strides = array<i32>} : memref<3x128xi32, #tpu.memory_space<vmem>>, vector<1x16xi32>,
    %get3A_86 = vector.shape_cast %get3A_85 : vector<1x16xi32> to vector<16xi32>
    %mul3A_87 = arith.constant 8 : i32
    %mul3A_88 = vector.broadcast %mul3A_87 : i32 to vector<16xi32>
    %mul3A_89 = arith.muli %get3A_86, %mul3A_88 : vector<16xi32>
    %get3A_90 = arith.constant 1 : i32
    %get3A_91 = arith.index_cast %get3A_90 : i32 to index
    %get3A_92 = arith.constant 32 : index
    %get3A_93 = tpu.vector_load %arg6[%get3A_91, %get3A_92] {strides = array<i32>} : memref<3x128xi32, #tpu.memory_space<vmem>>, vector<1x16xi32>,
    %get3A_94 = vector.shape_cast %get3A_93 : vector<1x16xi32> to vector<16xi32>
    %add3A_95 = arith.addi %mul3A_89, %get3A_94 : vector<16xi32>
    %swap3A_96 = arith.constant 32 : index
    %swap3A_97 = tpu.vector_load %arg8[%swap3A_96] {strides = array<i32>} : memref<128xi32, #tpu.memory_space<vmem>>, vector<16xi32>,
    %swap3A_98 = vector.shape_cast %swap3A_97 : vector<16xi32> to vector<16xi32>
    %swap3A_99 = vector.shape_cast %add3A_95 : vector<16xi32> to vector<16xi32>
    tpu.vector_store %arg8[%swap3A_96], %swap3A_99 {strides = array<i32>} : memref<128xi32, #tpu.memory_space<vmem>>, vector<16xi32>,
    %get3A_100 = arith.constant 2 : i32
    %get3A_101 = arith.index_cast %get3A_100 : i32 to index
    %get3A_102 = arith.constant 32 : index
    %get3A_103 = tpu.vector_load %arg6[%get3A_101, %get3A_102] {strides = array<i32>} : memref<3x128xi32, #tpu.memory_space<vmem>>, vector<1x16xi32>,
    %get3A_104 = vector.shape_cast %get3A_103 : vector<1x16xi32> to vector<16xi32>
    %add3A_105 = arith.constant 200 : i32
    %add3A_106 = vector.broadcast %add3A_105 : i32 to vector<16xi32>
    %add3A_107 = arith.addi %get3A_104, %add3A_106 : vector<16xi32>
    %swap3A_108 = arith.constant 32 : index
    %swap3A_109 = tpu.vector_load %arg10[%swap3A_108] {strides = array<i32>} : memref<128xi32, #tpu.memory_space<vmem>>, vector<16xi32>,
    %swap3A_110 = vector.shape_cast %swap3A_109 : vector<16xi32> to vector<16xi32>
    %swap3A_111 = vector.shape_cast %add3A_107 : vector<16xi32> to vector<16xi32>
    tpu.vector_store %arg10[%swap3A_108], %swap3A_111 {strides = array<i32>} : memref<128xi32, #tpu.memory_space<vmem>>, vector<16xi32>,
    %get3A_112 = arith.constant 0 : i32
    %get3A_113 = arith.index_cast %get3A_112 : i32 to index
    %get3A_114 = arith.constant 48 : index
    %get3A_115 = tpu.vector_load %arg6[%get3A_113, %get3A_114] {strides = array<i32>} : memref<3x128xi32, #tpu.memory_space<vmem>>, vector<1x16xi32>,
    %get3A_116 = vector.shape_cast %get3A_115 : vector<1x16xi32> to vector<16xi32>
    %mul3A_117 = arith.constant 8 : i32
    %mul3A_118 = vector.broadcast %mul3A_117 : i32 to vector<16xi32>
    %mul3A_119 = arith.muli %get3A_116, %mul3A_118 : vector<16xi32>
    %get3A_120 = arith.constant 1 : i32
    %get3A_121 = arith.index_cast %get3A_120 : i32 to index
    %get3A_122 = arith.constant 48 : index
    %get3A_123 = tpu.vector_load %arg6[%get3A_121, %get3A_122] {strides = array<i32>} : memref<3x128xi32, #tpu.memory_space<vmem>>, vector<1x16xi32>,
    %get3A_124 = vector.shape_cast %get3A_123 : vector<1x16xi32> to vector<16xi32>
    %add3A_125 = arith.addi %mul3A_119, %get3A_124 : vector<16xi32>
    %swap3A_126 = arith.constant 48 : index
    %swap3A_127 = tpu.vector_load %arg8[%swap3A_126] {strides = array<i32>} : memref<128xi32, #tpu.memory_space<vmem>>, vector<16xi32>,
    %swap3A_128 = vector.shape_cast %swap3A_127 : vector<16xi32> to vector<16xi32>
    %swap3A_129 = vector.shape_cast %add3A_125 : vector<16xi32> to vector<16xi32>
    tpu.vector_store %arg8[%swap3A_126], %swap3A_129 {strides = array<i32>} : memref<128xi32, #tpu.memory_space<vmem>>, vector<16xi32>,
    %get3A_130 = arith.constant 2 : i32
    %get3A_131 = arith.index_cast %get3A_130 : i32 to index
    %get3A_132 = arith.constant 48 : index
    %get3A_133 = tpu.vector_load %arg6[%get3A_131, %get3A_132] {strides = array<i32>} : memref<3x128xi32, #tpu.memory_space<vmem>>, vector<1x16xi32>,
    %get3A_134 = vector.shape_cast %get3A_133 : vector<1x16xi32> to vector<16xi32>
    %add3A_135 = arith.constant 200 : i32
    %add3A_136 = vector.broadcast %add3A_135 : i32 to vector<16xi32>
    %add3A_137 = arith.addi %get3A_134, %add3A_136 : vector<16xi32>
    %swap3A_138 = arith.constant 48 : index
    %swap3A_139 = tpu.vector_load %arg10[%swap3A_138] {strides = array<i32>} : memref<128xi32, #tpu.memory_space<vmem>>, vector<16xi32>,
    %swap3A_140 = vector.shape_cast %swap3A_139 : vector<16xi32> to vector<16xi32>
    %swap3A_141 = vector.shape_cast %add3A_137 : vector<16xi32> to vector<16xi32>
    tpu.vector_store %arg10[%swap3A_138], %swap3A_141 {strides = array<i32>} : memref<128xi32, #tpu.memory_space<vmem>>, vector<16xi32>,
    %get3A_142 = arith.constant 0 : i32
    %get3A_143 = arith.index_cast %get3A_142 : i32 to index
    %get3A_144 = arith.constant 64 : index
    %get3A_145 = tpu.vector_load %arg6[%get3A_143, %get3A_144] {strides = array<i32>} : memref<3x128xi32, #tpu.memory_space<vmem>>, vector<1x16xi32>,
    %get3A_146 = vector.shape_cast %get3A_145 : vector<1x16xi32> to vector<16xi32>
    %mul3A_147 = arith.constant 8 : i32
    %mul3A_148 = vector.broadcast %mul3A_147 : i32 to vector<16xi32>
    %mul3A_149 = arith.muli %get3A_146, %mul3A_148 : vector<16xi32>
    %get3A_150 = arith.constant 1 : i32
    %get3A_151 = arith.index_cast %get3A_150 : i32 to index
    %get3A_152 = arith.constant 64 : index
    %get3A_153 = tpu.vector_load %arg6[%get3A_151, %get3A_152] {strides = array<i32>} : memref<3x128xi32, #tpu.memory_space<vmem>>, vector<1x16xi32>,
    %get3A_154 = vector.shape_cast %get3A_153 : vector<1x16xi32> to vector<16xi32>
    %add3A_155 = arith.addi %mul3A_149, %get3A_154 : vector<16xi32>
    %swap3A_156 = arith.constant 64 : index
    %swap3A_157 = tpu.vector_load %arg8[%swap3A_156] {strides = array<i32>} : memref<128xi32, #tpu.memory_space<vmem>>, vector<16xi32>,
    %swap3A_158 = vector.shape_cast %swap3A_157 : vector<16xi32> to vector<16xi32>
    %swap3A_159 = vector.shape_cast %add3A_155 : vector<16xi32> to vector<16xi32>
    tpu.vector_store %arg8[%swap3A_156], %swap3A_159 {strides = array<i32>} : memref<128xi32, #tpu.memory_space<vmem>>, vector<16xi32>,
    %get3A_160 = arith.constant 2 : i32
    %get3A_161 = arith.index_cast %get3A_160 : i32 to index
    %get3A_162 = arith.constant 64 : index
    %get3A_163 = tpu.vector_load %arg6[%get3A_161, %get3A_162] {strides = array<i32>} : memref<3x128xi32, #tpu.memory_space<vmem>>, vector<1x16xi32>,
    %get3A_164 = vector.shape_cast %get3A_163 : vector<1x16xi32> to vector<16xi32>
    %add3A_165 = arith.constant 200 : i32
    %add3A_166 = vector.broadcast %add3A_165 : i32 to vector<16xi32>
    %add3A_167 = arith.addi %get3A_164, %add3A_166 : vector<16xi32>
    %swap3A_168 = arith.constant 64 : index
    %swap3A_169 = tpu.vector_load %arg10[%swap3A_168] {strides = array<i32>} : memref<128xi32, #tpu.memory_space<vmem>>, vector<16xi32>,
    %swap3A_170 = vector.shape_cast %swap3A_169 : vector<16xi32> to vector<16xi32>
    %swap3A_171 = vector.shape_cast %add3A_167 : vector<16xi32> to vector<16xi32>
    tpu.vector_store %arg10[%swap3A_168], %swap3A_171 {strides = array<i32>} : memref<128xi32, #tpu.memory_space<vmem>>, vector<16xi32>,
    %get3A_172 = arith.constant 0 : i32
    %get3A_173 = arith.index_cast %get3A_172 : i32 to index
    %get3A_174 = arith.constant 80 : index
    %get3A_175 = tpu.vector_load %arg6[%get3A_173, %get3A_174] {strides = array<i32>} : memref<3x128xi32, #tpu.memory_space<vmem>>, vector<1x16xi32>,
    %get3A_176 = vector.shape_cast %get3A_175 : vector<1x16xi32> to vector<16xi32>
    %mul3A_177 = arith.constant 8 : i32
    %mul3A_178 = vector.broadcast %mul3A_177 : i32 to vector<16xi32>
    %mul3A_179 = arith.muli %get3A_176, %mul3A_178 : vector<16xi32>
    %get3A_180 = arith.constant 1 : i32
    %get3A_181 = arith.index_cast %get3A_180 : i32 to index
    %get3A_182 = arith.constant 80 : index
    %get3A_183 = tpu.vector_load %arg6[%get3A_181, %get3A_182] {strides = array<i32>} : memref<3x128xi32, #tpu.memory_space<vmem>>, vector<1x16xi32>,
    %get3A_184 = vector.shape_cast %get3A_183 : vector<1x16xi32> to vector<16xi32>
    %add3A_185 = arith.addi %mul3A_179, %get3A_184 : vector<16xi32>
    %swap3A_186 = arith.constant 80 : index
    %swap3A_187 = tpu.vector_load %arg8[%swap3A_186] {strides = array<i32>} : memref<128xi32, #tpu.memory_space<vmem>>, vector<16xi32>,
    %swap3A_188 = vector.shape_cast %swap3A_187 : vector<16xi32> to vector<16xi32>
    %swap3A_189 = vector.shape_cast %add3A_185 : vector<16xi32> to vector<16xi32>
    tpu.vector_store %arg8[%swap3A_186], %swap3A_189 {strides = array<i32>} : memref<128xi32, #tpu.memory_space<vmem>>, vector<16xi32>,
    %get3A_190 = arith.constant 2 : i32
    %get3A_191 = arith.index_cast %get3A_190 : i32 to index
    %get3A_192 = arith.constant 80 : index
    %get3A_193 = tpu.vector_load %arg6[%get3A_191, %get3A_192] {strides = array<i32>} : memref<3x128xi32, #tpu.memory_space<vmem>>, vector<1x16xi32>,
    %get3A_194 = vector.shape_cast %get3A_193 : vector<1x16xi32> to vector<16xi32>
    %add3A_195 = arith.constant 200 : i32
    %add3A_196 = vector.broadcast %add3A_195 : i32 to vector<16xi32>
    %add3A_197 = arith.addi %get3A_194, %add3A_196 : vector<16xi32>
    %swap3A_198 = arith.constant 80 : index
    %swap3A_199 = tpu.vector_load %arg10[%swap3A_198] {strides = array<i32>} : memref<128xi32, #tpu.memory_space<vmem>>, vector<16xi32>,
    %swap3A_200 = vector.shape_cast %swap3A_199 : vector<16xi32> to vector<16xi32>
    %swap3A_201 = vector.shape_cast %add3A_197 : vector<16xi32> to vector<16xi32>
    tpu.vector_store %arg10[%swap3A_198], %swap3A_201 {strides = array<i32>} : memref<128xi32, #tpu.memory_space<vmem>>, vector<16xi32>,
    %get3A_202 = arith.constant 0 : i32
    %get3A_203 = arith.index_cast %get3A_202 : i32 to index
    %get3A_204 = arith.constant 96 : index
    %get3A_205 = tpu.vector_load %arg6[%get3A_203, %get3A_204] {strides = array<i32>} : memref<3x128xi32, #tpu.memory_space<vmem>>, vector<1x16xi32>,
    %get3A_206 = vector.shape_cast %get3A_205 : vector<1x16xi32> to vector<16xi32>
    %mul3A_207 = arith.constant 8 : i32
    %mul3A_208 = vector.broadcast %mul3A_207 : i32 to vector<16xi32>
    %mul3A_209 = arith.muli %get3A_206, %mul3A_208 : vector<16xi32>
    %get3A_210 = arith.constant 1 : i32
    %get3A_211 = arith.index_cast %get3A_210 : i32 to index
    %get3A_212 = arith.constant 96 : index
    %get3A_213 = tpu.vector_load %arg6[%get3A_211, %get3A_212] {strides = array<i32>} : memref<3x128xi32, #tpu.memory_space<vmem>>, vector<1x16xi32>,
    %get3A_214 = vector.shape_cast %get3A_213 : vector<1x16xi32> to vector<16xi32>
    %add3A_215 = arith.addi %mul3A_209, %get3A_214 : vector<16xi32>
    %swap3A_216 = arith.constant 96 : index
    %swap3A_217 = tpu.vector_load %arg8[%swap3A_216] {strides = array<i32>} : memref<128xi32, #tpu.memory_space<vmem>>, vector<16xi32>,
    %swap3A_218 = vector.shape_cast %swap3A_217 : vector<16xi32> to vector<16xi32>
    %swap3A_219 = vector.shape_cast %add3A_215 : vector<16xi32> to vector<16xi32>
    tpu.vector_store %arg8[%swap3A_216], %swap3A_219 {strides = array<i32>} : memref<128xi32, #tpu.memory_space<vmem>>, vector<16xi32>,
    %get3A_220 = arith.constant 2 : i32
    %get3A_221 = arith.index_cast %get3A_220 : i32 to index
    %get3A_222 = arith.constant 96 : index
    %get3A_223 = tpu.vector_load %arg6[%get3A_221, %get3A_222] {strides = array<i32>} : memref<3x128xi32, #tpu.memory_space<vmem>>, vector<1x16xi32>,
    %get3A_224 = vector.shape_cast %get3A_223 : vector<1x16xi32> to vector<16xi32>
    %add3A_225 = arith.constant 200 : i32
    %add3A_226 = vector.broadcast %add3A_225 : i32 to vector<16xi32>
    %add3A_227 = arith.addi %get3A_224, %add3A_226 : vector<16xi32>
    %swap3A_228 = arith.constant 96 : index
    %swap3A_229 = tpu.vector_load %arg10[%swap3A_228] {strides = array<i32>} : memref<128xi32, #tpu.memory_space<vmem>>, vector<16xi32>,
    %swap3A_230 = vector.shape_cast %swap3A_229 : vector<16xi32> to vector<16xi32>
    %swap3A_231 = vector.shape_cast %add3A_227 : vector<16xi32> to vector<16xi32>
    tpu.vector_store %arg10[%swap3A_228], %swap3A_231 {strides = array<i32>} : memref<128xi32, #tpu.memory_space<vmem>>, vector<16xi32>,
    %get3A_232 = arith.constant 0 : i32
    %get3A_233 = arith.index_cast %get3A_232 : i32 to index
    %get3A_234 = arith.constant 112 : index
    %get3A_235 = tpu.vector_load %arg6[%get3A_233, %get3A_234] {strides = array<i32>} : memref<3x128xi32, #tpu.memory_space<vmem>>, vector<1x16xi32>,
    %get3A_236 = vector.shape_cast %get3A_235 : vector<1x16xi32> to vector<16xi32>
    %mul3A_237 = arith.constant 8 : i32
    %mul3A_238 = vector.broadcast %mul3A_237 : i32 to vector<16xi32>
    %mul3A_239 = arith.muli %get3A_236, %mul3A_238 : vector<16xi32>
    %get3A_240 = arith.constant 1 : i32
    %get3A_241 = arith.index_cast %get3A_240 : i32 to index
    %get3A_242 = arith.constant 112 : index
    %get3A_243 = tpu.vector_load %arg6[%get3A_241, %get3A_242] {strides = array<i32>} : memref<3x128xi32, #tpu.memory_space<vmem>>, vector<1x16xi32>,
    %get3A_244 = vector.shape_cast %get3A_243 : vector<1x16xi32> to vector<16xi32>
    %add3A_245 = arith.addi %mul3A_239, %get3A_244 : vector<16xi32>
    %swap3A_246 = arith.constant 112 : index
    %swap3A_247 = tpu.vector_load %arg8[%swap3A_246] {strides = array<i32>} : memref<128xi32, #tpu.memory_space<vmem>>, vector<16xi32>,
    %swap3A_248 = vector.shape_cast %swap3A_247 : vector<16xi32> to vector<16xi32>
    %swap3A_249 = vector.shape_cast %add3A_245 : vector<16xi32> to vector<16xi32>
    tpu.vector_store %arg8[%swap3A_246], %swap3A_249 {strides = array<i32>} : memref<128xi32, #tpu.memory_space<vmem>>, vector<16xi32>,
    %get3A_250 = arith.constant 2 : i32
    %get3A_251 = arith.index_cast %get3A_250 : i32 to index
    %get3A_252 = arith.constant 112 : index
    %get3A_253 = tpu.vector_load %arg6[%get3A_251, %get3A_252] {strides = array<i32>} : memref<3x128xi32, #tpu.memory_space<vmem>>, vector<1x16xi32>,
    %get3A_254 = vector.shape_cast %get3A_253 : vector<1x16xi32> to vector<16xi32>
    %add3A_255 = arith.constant 200 : i32
    %add3A_256 = vector.broadcast %add3A_255 : i32 to vector<16xi32>
    %add3A_257 = arith.addi %get3A_254, %add3A_256 : vector<16xi32>
    %swap3A_258 = arith.constant 112 : index
    %swap3A_259 = tpu.vector_load %arg10[%swap3A_258] {strides = array<i32>} : memref<128xi32, #tpu.memory_space<vmem>>, vector<16xi32>,
    %swap3A_260 = vector.shape_cast %swap3A_259 : vector<16xi32> to vector<16xi32>
    %swap3A_261 = vector.shape_cast %add3A_257 : vector<16xi32> to vector<16xi32>
    tpu.vector_store %arg10[%swap3A_258], %swap3A_261 {strides = array<i32>} : memref<128xi32, #tpu.memory_space<vmem>>, vector<16xi32>,
    %dma_start3A_262 = arith.constant 0 : i32
    %dma_start3A_263 = arith.constant 0 : i32
    %dma_start3A_264 = tpu.memref_slice %arg5[%dma_start3A_262, %dma_start3A_263] : memref<1792x64xi32, #tpu.memory_space<vmem_shared>> -> memref<1792x64xi32, #tpu.memory_space<vmem_shared>>
    tpu.enqueue_indirect_dma source(%dma_start3A_264 : memref<1792x64xi32, #tpu.memory_space<vmem_shared>>) target(%arg12 : memref<128x64xi32, #tpu.memory_space<vmem>>) offsets(%arg8 : memref<128xi32, #tpu.memory_space<vmem>>) semaphore(%arg20 : memref<!tpu.dma_semaphore, #tpu.memory_space<semaphore_mem>>)
    %dma_start3A_265 = arith.constant 0 : i32
    %dma_start3A_266 = arith.constant 0 : i32
    %dma_start3A_267 = tpu.memref_slice %arg5[%dma_start3A_265, %dma_start3A_266] : memref<1792x64xi32, #tpu.memory_space<vmem_shared>> -> memref<1792x64xi32, #tpu.memory_space<vmem_shared>>
    tpu.enqueue_indirect_dma source(%dma_start3A_267 : memref<1792x64xi32, #tpu.memory_space<vmem_shared>>) target(%arg14 : memref<128x64xi32, #tpu.memory_space<vmem>>) offsets(%arg10 : memref<128xi32, #tpu.memory_space<vmem>>) semaphore(%arg22 : memref<!tpu.dma_semaphore, #tpu.memory_space<semaphore_mem>>)
    %add3A_268 = arith.constant 1 : i32
    %add3A_269 = arith.addi %mul3A_4, %add3A_268 : i32
    %dma_start3A_270 = arith.constant 0 : i32
    %dma_start3A_271 = arith.constant 0 : i32
    %dma_start3A_272 = tpu.memref_slice %arg3[%add3A_269, %dma_start3A_270, %dma_start3A_271] : memref<6400x3x128xi32, #tpu.memory_space<hbm>> -> memref<1x3x128xi32, #tpu.memory_space<hbm>>
    %dma_start3A_273 = tpu.memref_squeeze %dma_start3A_272 : memref<1x3x128xi32, #tpu.memory_space<hbm>> -> memref<3x128xi32, #tpu.memory_space<hbm>>
    %dma_start3A_274 = arith.constant 0 : i32
    %dma_start3A_275 = arith.constant 0 : i32
    %dma_start3A_276 = tpu.memref_slice %arg3[%add3A_269, %dma_start3A_274, %dma_start3A_275] : memref<6400x3x128xi32, #tpu.memory_space<hbm>> -> memref<1x3x128xi32, #tpu.memory_space<hbm>>
    %dma_start3A_277 = tpu.memref_squeeze %dma_start3A_276 : memref<1x3x128xi32, #tpu.memory_space<hbm>> -> memref<3x128xi32, #tpu.memory_space<hbm>>
    tpu.enqueue_dma source(%dma_start3A_277 : memref<3x128xi32, #tpu.memory_space<hbm>>) target(%arg7 : memref<3x128xi32, #tpu.memory_space<vmem>>) target_semaphore(%arg19 : memref<!tpu.dma_semaphore, #tpu.memory_space<semaphore_mem>>)
    %scan3A = arith.constant 0 : i32
    %scan3A_278 = arith.constant 0 : i32
    %scan3A_279 = arith.constant 50 : i32
    %scan3A_280 = arith.addi %scan3A_278, %scan3A_279 : i32
    %scan3A_281 = arith.constant 1 : i32
    scf.for %scan3A_291 = %scan3A_278 to %scan3A_280 step %scan3A_281  : i32 {
      %mul3A_292 = arith.constant 4 : i32
      %mul3A_293 = arith.muli %mul3A_292, %scan3A_291 : i32
      %add3A_294 = arith.constant 0 : i32
      %add3A_295 = arith.addi %mul3A_293, %add3A_294 : i32
      %add3A_296 = arith.constant 1 : i32
      %add3A_297 = arith.addi %add3A_295, %add3A_296 : i32
      %lt3A = arith.constant 200 : i32
      %lt3A_298 = arith.cmpi slt, %add3A_297, %lt3A : i32
      %convert_element_type3A = arith.extui %lt3A_298 : i1 to i32
      %cond3A = arith.constant 0 : i32
      %cond3A_299 = arith.cmpi ne, %convert_element_type3A, %cond3A : i32
      scf.if %cond3A_299 {
        %dma_wait3A_456 = arith.constant 0 : i32
        %dma_wait3A_457 = arith.constant 0 : i32
        %dma_wait3A_458 = arith.constant 0 : i32
        %dma_wait3A_459 = tpu.memref_slice %arg3[%dma_wait3A_456, %dma_wait3A_457, %dma_wait3A_458] : memref<6400x3x128xi32, #tpu.memory_space<hbm>> -> memref<1x3x128xi32, #tpu.memory_space<hbm>>
        %dma_wait3A_460 = tpu.memref_squeeze %dma_wait3A_459 : memref<1x3x128xi32, #tpu.memory_space<hbm>> -> memref<3x128xi32, #tpu.memory_space<hbm>>
        %dma_wait3A_461 = arith.constant 0 : i32
        %dma_wait3A_462 = arith.constant 0 : i32
        %dma_wait3A_463 = tpu.memref_slice %arg3[%dma_wait3A_456, %dma_wait3A_461, %dma_wait3A_462] : memref<6400x3x128xi32, #tpu.memory_space<hbm>> -> memref<1x3x128xi32, #tpu.memory_space<hbm>>
        %dma_wait3A_464 = tpu.memref_squeeze %dma_wait3A_463 : memref<1x3x128xi32, #tpu.memory_space<hbm>> -> memref<3x128xi32, #tpu.memory_space<hbm>>
        tpu.wait_dma2 semaphore(%arg19 : memref<!tpu.dma_semaphore, #tpu.memory_space<semaphore_mem>>) src(%dma_wait3A_464 : memref<3x128xi32, #tpu.memory_space<hbm>>) dst(%arg7 : memref<3x128xi32, #tpu.memory_space<vmem>>)
        %get3A_465 = arith.constant 0 : i32
        %get3A_466 = arith.index_cast %get3A_465 : i32 to index
        %get3A_467 = arith.constant 0 : index
        %get3A_468 = tpu.vector_load %arg7[%get3A_466, %get3A_467] {strides = array<i32>} : memref<3x128xi32, #tpu.memory_space<vmem>>, vector<1x16xi32>,
        %get3A_469 = vector.shape_cast %get3A_468 : vector<1x16xi32> to vector<16xi32>
        %mul3A_470 = arith.constant 8 : i32
        %mul3A_471 = vector.broadcast %mul3A_470 : i32 to vector<16xi32>
        %mul3A_472 = arith.muli %get3A_469, %mul3A_471 : vector<16xi32>
        %get3A_473 = arith.constant 1 : i32
        %get3A_474 = arith.index_cast %get3A_473 : i32 to index
        %get3A_475 = arith.constant 0 : index
        %get3A_476 = tpu.vector_load %arg7[%get3A_474, %get3A_475] {strides = array<i32>} : memref<3x128xi32, #tpu.memory_space<vmem>>, vector<1x16xi32>,
        %get3A_477 = vector.shape_cast %get3A_476 : vector<1x16xi32> to vector<16xi32>
        %add3A_478 = arith.addi %mul3A_472, %get3A_477 : vector<16xi32>
        %swap3A_479 = arith.constant 0 : index
        %swap3A_480 = tpu.vector_load %arg9[%swap3A_479] {strides = array<i32>} : memref<128xi32, #tpu.memory_space<vmem>>, vector<16xi32>,
        %swap3A_481 = vector.shape_cast %swap3A_480 : vector<16xi32> to vector<16xi32>
        %swap3A_482 = vector.shape_cast %add3A_478 : vector<16xi32> to vector<16xi32>
        tpu.vector_store %arg9[%swap3A_479], %swap3A_482 {strides = array<i32>} : memref<128xi32, #tpu.memory_space<vmem>>, vector<16xi32>,
        %get3A_483 = arith.constant 2 : i32
        %get3A_484 = arith.index_cast %get3A_483 : i32 to index
        %get3A_485 = arith.constant 0 : index
        %get3A_486 = tpu.vector_load %arg7[%get3A_484, %get3A_485] {strides = array<i32>} : memref<3x128xi32, #tpu.memory_space<vmem>>, vector<1x16xi32>,
        %get3A_487 = vector.shape_cast %get3A_486 : vector<1x16xi32> to vector<16xi32>
        %add3A_488 = arith.constant 200 : i32
        %add3A_489 = vector.broadcast %add3A_488 : i32 to vector<16xi32>
        %add3A_490 = arith.addi %get3A_487, %add3A_489 : vector<16xi32>
        %swap3A_491 = arith.constant 0 : index
        %swap3A_492 = tpu.vector_load %arg11[%swap3A_491] {strides = array<i32>} : memref<128xi32, #tpu.memory_space<vmem>>, vector<16xi32>,
        %swap3A_493 = vector.shape_cast %swap3A_492 : vector<16xi32> to vector<16xi32>
        %swap3A_494 = vector.shape_cast %add3A_490 : vector<16xi32> to vector<16xi32>
        tpu.vector_store %arg11[%swap3A_491], %swap3A_494 {strides = array<i32>} : memref<128xi32, #tpu.memory_space<vmem>>, vector<16xi32>,
        %get3A_495 = arith.constant 0 : i32
        %get3A_496 = arith.index_cast %get3A_495 : i32 to index
        %get3A_497 = arith.constant 16 : index
        %get3A_498 = tpu.vector_load %arg7[%get3A_496, %get3A_497] {strides = array<i32>} : memref<3x128xi32, #tpu.memory_space<vmem>>, vector<1x16xi32>,
        %get3A_499 = vector.shape_cast %get3A_498 : vector<1x16xi32> to vector<16xi32>
        %mul3A_500 = arith.constant 8 : i32
        %mul3A_501 = vector.broadcast %mul3A_500 : i32 to vector<16xi32>
        %mul3A_502 = arith.muli %get3A_499, %mul3A_501 : vector<16xi32>
        %get3A_503 = arith.constant 1 : i32
        %get3A_504 = arith.index_cast %get3A_503 : i32 to index
        %get3A_505 = arith.constant 16 : index
        %get3A_506 = tpu.vector_load %arg7[%get3A_504, %get3A_505] {strides = array<i32>} : memref<3x128xi32, #tpu.memory_space<vmem>>, vector<1x16xi32>,
        %get3A_507 = vector.shape_cast %get3A_506 : vector<1x16xi32> to vector<16xi32>
        %add3A_508 = arith.addi %mul3A_502, %get3A_507 : vector<16xi32>
        %swap3A_509 = arith.constant 16 : index
        %swap3A_510 = tpu.vector_load %arg9[%swap3A_509] {strides = array<i32>} : memref<128xi32, #tpu.memory_space<vmem>>, vector<16xi32>,
        %swap3A_511 = vector.shape_cast %swap3A_510 : vector<16xi32> to vector<16xi32>
        %swap3A_512 = vector.shape_cast %add3A_508 : vector<16xi32> to vector<16xi32>
        tpu.vector_store %arg9[%swap3A_509], %swap3A_512 {strides = array<i32>} : memref<128xi32, #tpu.memory_space<vmem>>, vector<16xi32>,
        %get3A_513 = arith.constant 2 : i32
        %get3A_514 = arith.index_cast %get3A_513 : i32 to index
        %get3A_515 = arith.constant 16 : index
        %get3A_516 = tpu.vector_load %arg7[%get3A_514, %get3A_515] {strides = array<i32>} : memref<3x128xi32, #tpu.memory_space<vmem>>, vector<1x16xi32>,
        %get3A_517 = vector.shape_cast %get3A_516 : vector<1x16xi32> to vector<16xi32>
        %add3A_518 = arith.constant 200 : i32
        %add3A_519 = vector.broadcast %add3A_518 : i32 to vector<16xi32>
        %add3A_520 = arith.addi %get3A_517, %add3A_519 : vector<16xi32>
        %swap3A_521 = arith.constant 16 : index
        %swap3A_522 = tpu.vector_load %arg11[%swap3A_521] {strides = array<i32>} : memref<128xi32, #tpu.memory_space<vmem>>, vector<16xi32>,
        %swap3A_523 = vector.shape_cast %swap3A_522 : vector<16xi32> to vector<16xi32>
        %swap3A_524 = vector.shape_cast %add3A_520 : vector<16xi32> to vector<16xi32>
        tpu.vector_store %arg11[%swap3A_521], %swap3A_524 {strides = array<i32>} : memref<128xi32, #tpu.memory_space<vmem>>, vector<16xi32>,
        %get3A_525 = arith.constant 0 : i32
        %get3A_526 = arith.index_cast %get3A_525 : i32 to index
        %get3A_527 = arith.constant 32 : index
        %get3A_528 = tpu.vector_load %arg7[%get3A_526, %get3A_527] {strides = array<i32>} : memref<3x128xi32, #tpu.memory_space<vmem>>, vector<1x16xi32>,
        %get3A_529 = vector.shape_cast %get3A_528 : vector<1x16xi32> to vector<16xi32>
        %mul3A_530 = arith.constant 8 : i32
        %mul3A_531 = vector.broadcast %mul3A_530 : i32 to vector<16xi32>
        %mul3A_532 = arith.muli %get3A_529, %mul3A_531 : vector<16xi32>
        %get3A_533 = arith.constant 1 : i32
        %get3A_534 = arith.index_cast %get3A_533 : i32 to index
        %get3A_535 = arith.constant 32 : index
        %get3A_536 = tpu.vector_load %arg7[%get3A_534, %get3A_535] {strides = array<i32>} : memref<3x128xi32, #tpu.memory_space<vmem>>, vector<1x16xi32>,
        %get3A_537 = vector.shape_cast %get3A_536 : vector<1x16xi32> to vector<16xi32>
        %add3A_538 = arith.addi %mul3A_532, %get3A_537 : vector<16xi32>
        %swap3A_539 = arith.constant 32 : index
        %swap3A_540 = tpu.vector_load %arg9[%swap3A_539] {strides = array<i32>} : memref<128xi32, #tpu.memory_space<vmem>>, vector<16xi32>,
        %swap3A_541 = vector.shape_cast %swap3A_540 : vector<16xi32> to vector<16xi32>
        %swap3A_542 = vector.shape_cast %add3A_538 : vector<16xi32> to vector<16xi32>
        tpu.vector_store %arg9[%swap3A_539], %swap3A_542 {strides = array<i32>} : memref<128xi32, #tpu.memory_space<vmem>>, vector<16xi32>,
        %get3A_543 = arith.constant 2 : i32
        %get3A_544 = arith.index_cast %get3A_543 : i32 to index
        %get3A_545 = arith.constant 32 : index
        %get3A_546 = tpu.vector_load %arg7[%get3A_544, %get3A_545] {strides = array<i32>} : memref<3x128xi32, #tpu.memory_space<vmem>>, vector<1x16xi32>,
        %get3A_547 = vector.shape_cast %get3A_546 : vector<1x16xi32> to vector<16xi32>
        %add3A_548 = arith.constant 200 : i32
        %add3A_549 = vector.broadcast %add3A_548 : i32 to vector<16xi32>
        %add3A_550 = arith.addi %get3A_547, %add3A_549 : vector<16xi32>
        %swap3A_551 = arith.constant 32 : index
        %swap3A_552 = tpu.vector_load %arg11[%swap3A_551] {strides = array<i32>} : memref<128xi32, #tpu.memory_space<vmem>>, vector<16xi32>,
        %swap3A_553 = vector.shape_cast %swap3A_552 : vector<16xi32> to vector<16xi32>
        %swap3A_554 = vector.shape_cast %add3A_550 : vector<16xi32> to vector<16xi32>
        tpu.vector_store %arg11[%swap3A_551], %swap3A_554 {strides = array<i32>} : memref<128xi32, #tpu.memory_space<vmem>>, vector<16xi32>,
        %get3A_555 = arith.constant 0 : i32
        %get3A_556 = arith.index_cast %get3A_555 : i32 to index
        %get3A_557 = arith.constant 48 : index
        %get3A_558 = tpu.vector_load %arg7[%get3A_556, %get3A_557] {strides = array<i32>} : memref<3x128xi32, #tpu.memory_space<vmem>>, vector<1x16xi32>,
        %get3A_559 = vector.shape_cast %get3A_558 : vector<1x16xi32> to vector<16xi32>
        %mul3A_560 = arith.constant 8 : i32
        %mul3A_561 = vector.broadcast %mul3A_560 : i32 to vector<16xi32>
        %mul3A_562 = arith.muli %get3A_559, %mul3A_561 : vector<16xi32>
        %get3A_563 = arith.constant 1 : i32
        %get3A_564 = arith.index_cast %get3A_563 : i32 to index
        %get3A_565 = arith.constant 48 : index
        %get3A_566 = tpu.vector_load %arg7[%get3A_564, %get3A_565] {strides = array<i32>} : memref<3x128xi32, #tpu.memory_space<vmem>>, vector<1x16xi32>,
        %get3A_567 = vector.shape_cast %get3A_566 : vector<1x16xi32> to vector<16xi32>
        %add3A_568 = arith.addi %mul3A_562, %get3A_567 : vector<16xi32>
        %swap3A_569 = arith.constant 48 : index
        %swap3A_570 = tpu.vector_load %arg9[%swap3A_569] {strides = array<i32>} : memref<128xi32, #tpu.memory_space<vmem>>, vector<16xi32>,
        %swap3A_571 = vector.shape_cast %swap3A_570 : vector<16xi32> to vector<16xi32>
        %swap3A_572 = vector.shape_cast %add3A_568 : vector<16xi32> to vector<16xi32>
        tpu.vector_store %arg9[%swap3A_569], %swap3A_572 {strides = array<i32>} : memref<128xi32, #tpu.memory_space<vmem>>, vector<16xi32>,
        %get3A_573 = arith.constant 2 : i32
        %get3A_574 = arith.index_cast %get3A_573 : i32 to index
        %get3A_575 = arith.constant 48 : index
        %get3A_576 = tpu.vector_load %arg7[%get3A_574, %get3A_575] {strides = array<i32>} : memref<3x128xi32, #tpu.memory_space<vmem>>, vector<1x16xi32>,
        %get3A_577 = vector.shape_cast %get3A_576 : vector<1x16xi32> to vector<16xi32>
        %add3A_578 = arith.constant 200 : i32
        %add3A_579 = vector.broadcast %add3A_578 : i32 to vector<16xi32>
        %add3A_580 = arith.addi %get3A_577, %add3A_579 : vector<16xi32>
        %swap3A_581 = arith.constant 48 : index
        %swap3A_582 = tpu.vector_load %arg11[%swap3A_581] {strides = array<i32>} : memref<128xi32, #tpu.memory_space<vmem>>, vector<16xi32>,
        %swap3A_583 = vector.shape_cast %swap3A_582 : vector<16xi32> to vector<16xi32>
        %swap3A_584 = vector.shape_cast %add3A_580 : vector<16xi32> to vector<16xi32>
        tpu.vector_store %arg11[%swap3A_581], %swap3A_584 {strides = array<i32>} : memref<128xi32, #tpu.memory_space<vmem>>, vector<16xi32>,
        %get3A_585 = arith.constant 0 : i32
        %get3A_586 = arith.index_cast %get3A_585 : i32 to index
        %get3A_587 = arith.constant 64 : index
        %get3A_588 = tpu.vector_load %arg7[%get3A_586, %get3A_587] {strides = array<i32>} : memref<3x128xi32, #tpu.memory_space<vmem>>, vector<1x16xi32>,
        %get3A_589 = vector.shape_cast %get3A_588 : vector<1x16xi32> to vector<16xi32>
        %mul3A_590 = arith.constant 8 : i32
        %mul3A_591 = vector.broadcast %mul3A_590 : i32 to vector<16xi32>
        %mul3A_592 = arith.muli %get3A_589, %mul3A_591 : vector<16xi32>
        %get3A_593 = arith.constant 1 : i32
        %get3A_594 = arith.index_cast %get3A_593 : i32 to index
        %get3A_595 = arith.constant 64 : index
        %get3A_596 = tpu.vector_load %arg7[%get3A_594, %get3A_595] {strides = array<i32>} : memref<3x128xi32, #tpu.memory_space<vmem>>, vector<1x16xi32>,
        %get3A_597 = vector.shape_cast %get3A_596 : vector<1x16xi32> to vector<16xi32>
        %add3A_598 = arith.addi %mul3A_592, %get3A_597 : vector<16xi32>
        %swap3A_599 = arith.constant 64 : index
        %swap3A_600 = tpu.vector_load %arg9[%swap3A_599] {strides = array<i32>} : memref<128xi32, #tpu.memory_space<vmem>>, vector<16xi32>,
        %swap3A_601 = vector.shape_cast %swap3A_600 : vector<16xi32> to vector<16xi32>
        %swap3A_602 = vector.shape_cast %add3A_598 : vector<16xi32> to vector<16xi32>
        tpu.vector_store %arg9[%swap3A_599], %swap3A_602 {strides = array<i32>} : memref<128xi32, #tpu.memory_space<vmem>>, vector<16xi32>,
        %get3A_603 = arith.constant 2 : i32
        %get3A_604 = arith.index_cast %get3A_603 : i32 to index
        %get3A_605 = arith.constant 64 : index
        %get3A_606 = tpu.vector_load %arg7[%get3A_604, %get3A_605] {strides = array<i32>} : memref<3x128xi32, #tpu.memory_space<vmem>>, vector<1x16xi32>,
        %get3A_607 = vector.shape_cast %get3A_606 : vector<1x16xi32> to vector<16xi32>
        %add3A_608 = arith.constant 200 : i32
        %add3A_609 = vector.broadcast %add3A_608 : i32 to vector<16xi32>
        %add3A_610 = arith.addi %get3A_607, %add3A_609 : vector<16xi32>
        %swap3A_611 = arith.constant 64 : index
        %swap3A_612 = tpu.vector_load %arg11[%swap3A_611] {strides = array<i32>} : memref<128xi32, #tpu.memory_space<vmem>>, vector<16xi32>,
        %swap3A_613 = vector.shape_cast %swap3A_612 : vector<16xi32> to vector<16xi32>
        %swap3A_614 = vector.shape_cast %add3A_610 : vector<16xi32> to vector<16xi32>
        tpu.vector_store %arg11[%swap3A_611], %swap3A_614 {strides = array<i32>} : memref<128xi32, #tpu.memory_space<vmem>>, vector<16xi32>,
        %get3A_615 = arith.constant 0 : i32
        %get3A_616 = arith.index_cast %get3A_615 : i32 to index
        %get3A_617 = arith.constant 80 : index
        %get3A_618 = tpu.vector_load %arg7[%get3A_616, %get3A_617] {strides = array<i32>} : memref<3x128xi32, #tpu.memory_space<vmem>>, vector<1x16xi32>,
        %get3A_619 = vector.shape_cast %get3A_618 : vector<1x16xi32> to vector<16xi32>
        %mul3A_620 = arith.constant 8 : i32
        %mul3A_621 = vector.broadcast %mul3A_620 : i32 to vector<16xi32>
        %mul3A_622 = arith.muli %get3A_619, %mul3A_621 : vector<16xi32>
        %get3A_623 = arith.constant 1 : i32
        %get3A_624 = arith.index_cast %get3A_623 : i32 to index
        %get3A_625 = arith.constant 80 : index
        %get3A_626 = tpu.vector_load %arg7[%get3A_624, %get3A_625] {strides = array<i32>} : memref<3x128xi32, #tpu.memory_space<vmem>>, vector<1x16xi32>,
        %get3A_627 = vector.shape_cast %get3A_626 : vector<1x16xi32> to vector<16xi32>
        %add3A_628 = arith.addi %mul3A_622, %get3A_627 : vector<16xi32>
        %swap3A_629 = arith.constant 80 : index
        %swap3A_630 = tpu.vector_load %arg9[%swap3A_629] {strides = array<i32>} : memref<128xi32, #tpu.memory_space<vmem>>, vector<16xi32>,
        %swap3A_631 = vector.shape_cast %swap3A_630 : vector<16xi32> to vector<16xi32>
        %swap3A_632 = vector.shape_cast %add3A_628 : vector<16xi32> to vector<16xi32>
        tpu.vector_store %arg9[%swap3A_629], %swap3A_632 {strides = array<i32>} : memref<128xi32, #tpu.memory_space<vmem>>, vector<16xi32>,
        %get3A_633 = arith.constant 2 : i32
        %get3A_634 = arith.index_cast %get3A_633 : i32 to index
        %get3A_635 = arith.constant 80 : index
        %get3A_636 = tpu.vector_load %arg7[%get3A_634, %get3A_635] {strides = array<i32>} : memref<3x128xi32, #tpu.memory_space<vmem>>, vector<1x16xi32>,
        %get3A_637 = vector.shape_cast %get3A_636 : vector<1x16xi32> to vector<16xi32>
        %add3A_638 = arith.constant 200 : i32
        %add3A_639 = vector.broadcast %add3A_638 : i32 to vector<16xi32>
        %add3A_640 = arith.addi %get3A_637, %add3A_639 : vector<16xi32>
        %swap3A_641 = arith.constant 80 : index
        %swap3A_642 = tpu.vector_load %arg11[%swap3A_641] {strides = array<i32>} : memref<128xi32, #tpu.memory_space<vmem>>, vector<16xi32>,
        %swap3A_643 = vector.shape_cast %swap3A_642 : vector<16xi32> to vector<16xi32>
        %swap3A_644 = vector.shape_cast %add3A_640 : vector<16xi32> to vector<16xi32>
        tpu.vector_store %arg11[%swap3A_641], %swap3A_644 {strides = array<i32>} : memref<128xi32, #tpu.memory_space<vmem>>, vector<16xi32>,
        %get3A_645 = arith.constant 0 : i32
        %get3A_646 = arith.index_cast %get3A_645 : i32 to index
        %get3A_647 = arith.constant 96 : index
        %get3A_648 = tpu.vector_load %arg7[%get3A_646, %get3A_647] {strides = array<i32>} : memref<3x128xi32, #tpu.memory_space<vmem>>, vector<1x16xi32>,
        %get3A_649 = vector.shape_cast %get3A_648 : vector<1x16xi32> to vector<16xi32>
        %mul3A_650 = arith.constant 8 : i32
        %mul3A_651 = vector.broadcast %mul3A_650 : i32 to vector<16xi32>
        %mul3A_652 = arith.muli %get3A_649, %mul3A_651 : vector<16xi32>
        %get3A_653 = arith.constant 1 : i32
        %get3A_654 = arith.index_cast %get3A_653 : i32 to index
        %get3A_655 = arith.constant 96 : index
        %get3A_656 = tpu.vector_load %arg7[%get3A_654, %get3A_655] {strides = array<i32>} : memref<3x128xi32, #tpu.memory_space<vmem>>, vector<1x16xi32>,
        %get3A_657 = vector.shape_cast %get3A_656 : vector<1x16xi32> to vector<16xi32>
        %add3A_658 = arith.addi %mul3A_652, %get3A_657 : vector<16xi32>
        %swap3A_659 = arith.constant 96 : index
        %swap3A_660 = tpu.vector_load %arg9[%swap3A_659] {strides = array<i32>} : memref<128xi32, #tpu.memory_space<vmem>>, vector<16xi32>,
        %swap3A_661 = vector.shape_cast %swap3A_660 : vector<16xi32> to vector<16xi32>
        %swap3A_662 = vector.shape_cast %add3A_658 : vector<16xi32> to vector<16xi32>
        tpu.vector_store %arg9[%swap3A_659], %swap3A_662 {strides = array<i32>} : memref<128xi32, #tpu.memory_space<vmem>>, vector<16xi32>,
        %get3A_663 = arith.constant 2 : i32
        %get3A_664 = arith.index_cast %get3A_663 : i32 to index
        %get3A_665 = arith.constant 96 : index
        %get3A_666 = tpu.vector_load %arg7[%get3A_664, %get3A_665] {strides = array<i32>} : memref<3x128xi32, #tpu.memory_space<vmem>>, vector<1x16xi32>,
        %get3A_667 = vector.shape_cast %get3A_666 : vector<1x16xi32> to vector<16xi32>
        %add3A_668 = arith.constant 200 : i32
        %add3A_669 = vector.broadcast %add3A_668 : i32 to vector<16xi32>
        %add3A_670 = arith.addi %get3A_667, %add3A_669 : vector<16xi32>
        %swap3A_671 = arith.constant 96 : index
        %swap3A_672 = tpu.vector_load %arg11[%swap3A_671] {strides = array<i32>} : memref<128xi32, #tpu.memory_space<vmem>>, vector<16xi32>,
        %swap3A_673 = vector.shape_cast %swap3A_672 : vector<16xi32> to vector<16xi32>
        %swap3A_674 = vector.shape_cast %add3A_670 : vector<16xi32> to vector<16xi32>
        tpu.vector_store %arg11[%swap3A_671], %swap3A_674 {strides = array<i32>} : memref<128xi32, #tpu.memory_space<vmem>>, vector<16xi32>,
        %get3A_675 = arith.constant 0 : i32
        %get3A_676 = arith.index_cast %get3A_675 : i32 to index
        %get3A_677 = arith.constant 112 : index
        %get3A_678 = tpu.vector_load %arg7[%get3A_676, %get3A_677] {strides = array<i32>} : memref<3x128xi32, #tpu.memory_space<vmem>>, vector<1x16xi32>,
        %get3A_679 = vector.shape_cast %get3A_678 : vector<1x16xi32> to vector<16xi32>
        %mul3A_680 = arith.constant 8 : i32
        %mul3A_681 = vector.broadcast %mul3A_680 : i32 to vector<16xi32>
        %mul3A_682 = arith.muli %get3A_679, %mul3A_681 : vector<16xi32>
        %get3A_683 = arith.constant 1 : i32
        %get3A_684 = arith.index_cast %get3A_683 : i32 to index
        %get3A_685 = arith.constant 112 : index
        %get3A_686 = tpu.vector_load %arg7[%get3A_684, %get3A_685] {strides = array<i32>} : memref<3x128xi32, #tpu.memory_space<vmem>>, vector<1x16xi32>,
        %get3A_687 = vector.shape_cast %get3A_686 : vector<1x16xi32> to vector<16xi32>
        %add3A_688 = arith.addi %mul3A_682, %get3A_687 : vector<16xi32>
        %swap3A_689 = arith.constant 112 : index
        %swap3A_690 = tpu.vector_load %arg9[%swap3A_689] {strides = array<i32>} : memref<128xi32, #tpu.memory_space<vmem>>, vector<16xi32>,
        %swap3A_691 = vector.shape_cast %swap3A_690 : vector<16xi32> to vector<16xi32>
        %swap3A_692 = vector.shape_cast %add3A_688 : vector<16xi32> to vector<16xi32>
        tpu.vector_store %arg9[%swap3A_689], %swap3A_692 {strides = array<i32>} : memref<128xi32, #tpu.memory_space<vmem>>, vector<16xi32>,
        %get3A_693 = arith.constant 2 : i32
        %get3A_694 = arith.index_cast %get3A_693 : i32 to index
        %get3A_695 = arith.constant 112 : index
        %get3A_696 = tpu.vector_load %arg7[%get3A_694, %get3A_695] {strides = array<i32>} : memref<3x128xi32, #tpu.memory_space<vmem>>, vector<1x16xi32>,
        %get3A_697 = vector.shape_cast %get3A_696 : vector<1x16xi32> to vector<16xi32>
        %add3A_698 = arith.constant 200 : i32
        %add3A_699 = vector.broadcast %add3A_698 : i32 to vector<16xi32>
        %add3A_700 = arith.addi %get3A_697, %add3A_699 : vector<16xi32>
        %swap3A_701 = arith.constant 112 : index
        %swap3A_702 = tpu.vector_load %arg11[%swap3A_701] {strides = array<i32>} : memref<128xi32, #tpu.memory_space<vmem>>, vector<16xi32>,
        %swap3A_703 = vector.shape_cast %swap3A_702 : vector<16xi32> to vector<16xi32>
        %swap3A_704 = vector.shape_cast %add3A_700 : vector<16xi32> to vector<16xi32>
        tpu.vector_store %arg11[%swap3A_701], %swap3A_704 {strides = array<i32>} : memref<128xi32, #tpu.memory_space<vmem>>, vector<16xi32>,
        %dma_start3A_705 = arith.constant 0 : i32
        %dma_start3A_706 = arith.constant 0 : i32
        %dma_start3A_707 = tpu.memref_slice %arg5[%dma_start3A_705, %dma_start3A_706] : memref<1792x64xi32, #tpu.memory_space<vmem_shared>> -> memref<1792x64xi32, #tpu.memory_space<vmem_shared>>
        tpu.enqueue_indirect_dma source(%dma_start3A_707 : memref<1792x64xi32, #tpu.memory_space<vmem_shared>>) target(%arg13 : memref<128x64xi32, #tpu.memory_space<vmem>>) offsets(%arg9 : memref<128xi32, #tpu.memory_space<vmem>>) semaphore(%arg21 : memref<!tpu.dma_semaphore, #tpu.memory_space<semaphore_mem>>)
        %dma_start3A_708 = arith.constant 0 : i32
        %dma_start3A_709 = arith.constant 0 : i32
        %dma_start3A_710 = tpu.memref_slice %arg5[%dma_start3A_708, %dma_start3A_709] : memref<1792x64xi32, #tpu.memory_space<vmem_shared>> -> memref<1792x64xi32, #tpu.memory_space<vmem_shared>>
        tpu.enqueue_indirect_dma source(%dma_start3A_710 : memref<1792x64xi32, #tpu.memory_space<vmem_shared>>) target(%arg15 : memref<128x64xi32, #tpu.memory_space<vmem>>) offsets(%arg11 : memref<128xi32, #tpu.memory_space<vmem>>) semaphore(%arg23 : memref<!tpu.dma_semaphore, #tpu.memory_space<semaphore_mem>>)
      } else {
      }
      %add3A_300 = arith.constant 2 : i32
      %add3A_301 = arith.addi %add3A_295, %add3A_300 : i32
      %lt3A_302 = arith.constant 200 : i32
      %lt3A_303 = arith.cmpi slt, %add3A_301, %lt3A_302 : i32
      %convert_element_type3A_304 = arith.extui %lt3A_303 : i1 to i32
      %cond3A_305 = arith.constant 0 : i32
      %cond3A_306 = arith.cmpi ne, %convert_element_type3A_304, %cond3A_305 : i32
      scf.if %cond3A_306 {
        %add3A_456 = arith.constant 2 : i32
        %add3A_457 = arith.addi %add3A_295, %add3A_456 : i32
        %add3A_458 = arith.addi %mul3A_4, %add3A_457 : i32
        %dma_start3A_459 = arith.constant 0 : i32
        %dma_start3A_460 = arith.constant 0 : i32
        %dma_start3A_461 = tpu.memref_slice %arg3[%add3A_458, %dma_start3A_459, %dma_start3A_460] : memref<6400x3x128xi32, #tpu.memory_space<hbm>> -> memref<1x3x128xi32, #tpu.memory_space<hbm>>
        %dma_start3A_462 = tpu.memref_squeeze %dma_start3A_461 : memref<1x3x128xi32, #tpu.memory_space<hbm>> -> memref<3x128xi32, #tpu.memory_space<hbm>>
        %dma_start3A_463 = arith.constant 0 : i32
        %dma_start3A_464 = arith.constant 0 : i32
        %dma_start3A_465 = tpu.memref_slice %arg3[%add3A_458, %dma_start3A_463, %dma_start3A_464] : memref<6400x3x128xi32, #tpu.memory_space<hbm>> -> memref<1x3x128xi32, #tpu.memory_space<hbm>>
        %dma_start3A_466 = tpu.memref_squeeze %dma_start3A_465 : memref<1x3x128xi32, #tpu.memory_space<hbm>> -> memref<3x128xi32, #tpu.memory_space<hbm>>
        tpu.enqueue_dma source(%dma_start3A_466 : memref<3x128xi32, #tpu.memory_space<hbm>>) target(%arg6 : memref<3x128xi32, #tpu.memory_space<vmem>>) target_semaphore(%arg18 : memref<!tpu.dma_semaphore, #tpu.memory_space<semaphore_mem>>)
      } else {
      }
      %ge3A = arith.constant 2 : i32
      %ge3A_307 = arith.cmpi sge, %add3A_295, %ge3A : i32
      %convert_element_type3A_308 = arith.extui %ge3A_307 : i1 to i32
      %cond3A_309 = arith.constant 0 : i32
      %cond3A_310 = arith.cmpi ne, %convert_element_type3A_308, %cond3A_309 : i32
      scf.if %cond3A_310 {
        %dma_wait3A_456 = arith.constant 0 : i32
        %dma_wait3A_457 = tpu.memref_slice %arg4[%mul3A_2, %dma_wait3A_456] : memref<819200x128xf32, #tpu.memory_space<hbm>> -> memref<128x128xf32, #tpu.memory_space<hbm>>
        %dma_wait3A_458 = arith.constant 0 : i32
        %dma_wait3A_459 = tpu.memref_slice %arg4[%mul3A_2, %dma_wait3A_458] : memref<819200x128xf32, #tpu.memory_space<hbm>> -> memref<128x128xf32, #tpu.memory_space<hbm>>
        tpu.wait_dma2 semaphore(%arg24 : memref<!tpu.dma_semaphore, #tpu.memory_space<semaphore_mem>>) src(%arg16 : memref<128x128xf32, #tpu.memory_space<vmem>>) dst(%dma_wait3A_459 : memref<128x128xf32, #tpu.memory_space<hbm>>)
      } else {
      }
      %dma_wait3A_311 = arith.constant 0 : i32
      %dma_wait3A_312 = arith.constant 0 : i32
      %dma_wait3A_313 = tpu.memref_slice %arg5[%dma_wait3A_311, %dma_wait3A_312] : memref<1792x64xi32, #tpu.memory_space<vmem_shared>> -> memref<1792x64xi32, #tpu.memory_space<vmem_shared>>
      tpu.wait_indirect_dma semaphore(%arg20 : memref<!tpu.dma_semaphore, #tpu.memory_space<semaphore_mem>>) src(%dma_wait3A_313 : memref<1792x64xi32, #tpu.memory_space<vmem_shared>>) dst(%arg12 : memref<128x64xi32, #tpu.memory_space<vmem>>)
      %dma_wait3A_314 = arith.constant 0 : i32
      %dma_wait3A_315 = arith.constant 0 : i32
      %dma_wait3A_316 = tpu.memref_slice %arg5[%dma_wait3A_314, %dma_wait3A_315] : memref<1792x64xi32, #tpu.memory_space<vmem_shared>> -> memref<1792x64xi32, #tpu.memory_space<vmem_shared>>
      tpu.wait_indirect_dma semaphore(%arg22 : memref<!tpu.dma_semaphore, #tpu.memory_space<semaphore_mem>>) src(%dma_wait3A_316 : memref<1792x64xi32, #tpu.memory_space<vmem_shared>>) dst(%arg14 : memref<128x64xi32, #tpu.memory_space<vmem>>)
      %scan3A_317 = arith.constant 0 : i32
      %scan3A_318 = arith.constant 0 : i32
      %scan3A_319 = arith.constant 32 : i32
      %scan3A_320 = arith.addi %scan3A_318, %scan3A_319 : i32
      %scan3A_321 = arith.constant 1 : i32
      scf.for %scan3A_456 = %scan3A_318 to %scan3A_320 step %scan3A_321  : i32 {
        %broadcast_in_dim3A = arith.constant -65536 : i32
        %broadcast_in_dim3A_457 = vector.broadcast %broadcast_in_dim3A : i32 to vector<16xi32>
        %mul3A_458 = arith.constant 4 : i32
        %mul3A_459 = arith.muli %scan3A_456, %mul3A_458 : i32
        %add3A_460 = arith.constant 0 : i32
        %add3A_461 = arith.addi %mul3A_459, %add3A_460 : i32
        %get3A_462 = arith.index_cast %add3A_461 : i32 to index
        %get3A_463 = arith.constant 0 : index
        %get3A_464 = tpu.vector_load %arg12[%get3A_462, %get3A_463] {strides = array<i32>} : memref<128x64xi32, #tpu.memory_space<vmem>>, vector<1x16xi32>,
        %get3A_465 = vector.shape_cast %get3A_464 : vector<1x16xi32> to vector<16xi32>
        %get3A_466 = arith.index_cast %add3A_461 : i32 to index
        %get3A_467 = arith.constant 0 : index
        %get3A_468 = tpu.vector_load %arg14[%get3A_466, %get3A_467] {strides = array<i32>} : memref<128x64xi32, #tpu.memory_space<vmem>>, vector<1x16xi32>,
        %get3A_469 = vector.shape_cast %get3A_468 : vector<1x16xi32> to vector<16xi32>
        %shift_left3A = arith.constant 16 : i32
        %shift_left3A_470 = vector.broadcast %shift_left3A : i32 to vector<16xi32>
        %shift_left3A_471 = arith.shli %get3A_465, %shift_left3A_470 : vector<16xi32>
        %bitcast_convert_type3A = tpu.bitcast %shift_left3A_471 : vector<16xi32> -> vector<16xf32>
        %shift_left3A_472 = arith.constant 16 : i32
        %shift_left3A_473 = vector.broadcast %shift_left3A_472 : i32 to vector<16xi32>
        %shift_left3A_474 = arith.shli %get3A_469, %shift_left3A_473 : vector<16xi32>
        %bitcast_convert_type3A_475 = tpu.bitcast %shift_left3A_474 : vector<16xi32> -> vector<16xf32>
        %and3A = arith.andi %get3A_465, %broadcast_in_dim3A_457 : vector<16xi32>
        %bitcast_convert_type3A_476 = tpu.bitcast %and3A : vector<16xi32> -> vector<16xf32>
        %and3A_477 = arith.andi %get3A_469, %broadcast_in_dim3A_457 : vector<16xi32>
        %bitcast_convert_type3A_478 = tpu.bitcast %and3A_477 : vector<16xi32> -> vector<16xf32>
        %add3A_479 = arith.addf %bitcast_convert_type3A_476, %bitcast_convert_type3A_478 : vector<16xf32>
        %swap3A_480 = arith.index_cast %add3A_461 : i32 to index
        %swap3A_481 = arith.constant 0 : index
        %swap3A_482 = tpu.vector_load %arg16[%swap3A_480, %swap3A_481] {strides = array<i32>} : memref<128x128xf32, #tpu.memory_space<vmem>>, vector<1x16xf32>,
        %swap3A_483 = vector.shape_cast %swap3A_482 : vector<1x16xf32> to vector<16xf32>
        %swap3A_484 = vector.shape_cast %add3A_479 : vector<16xf32> to vector<1x16xf32>
        tpu.vector_store %arg16[%swap3A_480, %swap3A_481], %swap3A_484 {strides = array<i32>} : memref<128x128xf32, #tpu.memory_space<vmem>>, vector<1x16xf32>,
        %add3A_485 = arith.addf %bitcast_convert_type3A, %bitcast_convert_type3A_475 : vector<16xf32>
        %swap3A_486 = arith.index_cast %add3A_461 : i32 to index
        %swap3A_487 = arith.constant 16 : index
        %swap3A_488 = tpu.vector_load %arg16[%swap3A_486, %swap3A_487] {strides = array<i32>} : memref<128x128xf32, #tpu.memory_space<vmem>>, vector<1x16xf32>,
        %swap3A_489 = vector.shape_cast %swap3A_488 : vector<1x16xf32> to vector<16xf32>
        %swap3A_490 = vector.shape_cast %add3A_485 : vector<16xf32> to vector<1x16xf32>
        tpu.vector_store %arg16[%swap3A_486, %swap3A_487], %swap3A_490 {strides = array<i32>} : memref<128x128xf32, #tpu.memory_space<vmem>>, vector<1x16xf32>,
        %get3A_491 = arith.index_cast %add3A_461 : i32 to index
        %get3A_492 = arith.constant 16 : index
        %get3A_493 = tpu.vector_load %arg12[%get3A_491, %get3A_492] {strides = array<i32>} : memref<128x64xi32, #tpu.memory_space<vmem>>, vector<1x16xi32>,
        %get3A_494 = vector.shape_cast %get3A_493 : vector<1x16xi32> to vector<16xi32>
        %get3A_495 = arith.index_cast %add3A_461 : i32 to index
        %get3A_496 = arith.constant 16 : index
        %get3A_497 = tpu.vector_load %arg14[%get3A_495, %get3A_496] {strides = array<i32>} : memref<128x64xi32, #tpu.memory_space<vmem>>, vector<1x16xi32>,
        %get3A_498 = vector.shape_cast %get3A_497 : vector<1x16xi32> to vector<16xi32>
        %shift_left3A_499 = arith.constant 16 : i32
        %shift_left3A_500 = vector.broadcast %shift_left3A_499 : i32 to vector<16xi32>
        %shift_left3A_501 = arith.shli %get3A_494, %shift_left3A_500 : vector<16xi32>
        %bitcast_convert_type3A_502 = tpu.bitcast %shift_left3A_501 : vector<16xi32> -> vector<16xf32>
        %shift_left3A_503 = arith.constant 16 : i32
        %shift_left3A_504 = vector.broadcast %shift_left3A_503 : i32 to vector<16xi32>
        %shift_left3A_505 = arith.shli %get3A_498, %shift_left3A_504 : vector<16xi32>
        %bitcast_convert_type3A_506 = tpu.bitcast %shift_left3A_505 : vector<16xi32> -> vector<16xf32>
        %and3A_507 = arith.andi %get3A_494, %broadcast_in_dim3A_457 : vector<16xi32>
        %bitcast_convert_type3A_508 = tpu.bitcast %and3A_507 : vector<16xi32> -> vector<16xf32>
        %and3A_509 = arith.andi %get3A_498, %broadcast_in_dim3A_457 : vector<16xi32>
        %bitcast_convert_type3A_510 = tpu.bitcast %and3A_509 : vector<16xi32> -> vector<16xf32>
        %add3A_511 = arith.addf %bitcast_convert_type3A_508, %bitcast_convert_type3A_510 : vector<16xf32>
        %swap3A_512 = arith.index_cast %add3A_461 : i32 to index
        %swap3A_513 = arith.constant 32 : index
        %swap3A_514 = tpu.vector_load %arg16[%swap3A_512, %swap3A_513] {strides = array<i32>} : memref<128x128xf32, #tpu.memory_space<vmem>>, vector<1x16xf32>,
        %swap3A_515 = vector.shape_cast %swap3A_514 : vector<1x16xf32> to vector<16xf32>
        %swap3A_516 = vector.shape_cast %add3A_511 : vector<16xf32> to vector<1x16xf32>
        tpu.vector_store %arg16[%swap3A_512, %swap3A_513], %swap3A_516 {strides = array<i32>} : memref<128x128xf32, #tpu.memory_space<vmem>>, vector<1x16xf32>,
        %add3A_517 = arith.addf %bitcast_convert_type3A_502, %bitcast_convert_type3A_506 : vector<16xf32>
        %swap3A_518 = arith.index_cast %add3A_461 : i32 to index
        %swap3A_519 = arith.constant 48 : index
        %swap3A_520 = tpu.vector_load %arg16[%swap3A_518, %swap3A_519] {strides = array<i32>} : memref<128x128xf32, #tpu.memory_space<vmem>>, vector<1x16xf32>,
        %swap3A_521 = vector.shape_cast %swap3A_520 : vector<1x16xf32> to vector<16xf32>
        %swap3A_522 = vector.shape_cast %add3A_517 : vector<16xf32> to vector<1x16xf32>
        tpu.vector_store %arg16[%swap3A_518, %swap3A_519], %swap3A_522 {strides = array<i32>} : memref<128x128xf32, #tpu.memory_space<vmem>>, vector<1x16xf32>,
        %get3A_523 = arith.index_cast %add3A_461 : i32 to index
        %get3A_524 = arith.constant 32 : index
        %get3A_525 = tpu.vector_load %arg12[%get3A_523, %get3A_524] {strides = array<i32>} : memref<128x64xi32, #tpu.memory_space<vmem>>, vector<1x16xi32>,
        %get3A_526 = vector.shape_cast %get3A_525 : vector<1x16xi32> to vector<16xi32>
        %get3A_527 = arith.index_cast %add3A_461 : i32 to index
        %get3A_528 = arith.constant 32 : index
        %get3A_529 = tpu.vector_load %arg14[%get3A_527, %get3A_528] {strides = array<i32>} : memref<128x64xi32, #tpu.memory_space<vmem>>, vector<1x16xi32>,
        %get3A_530 = vector.shape_cast %get3A_529 : vector<1x16xi32> to vector<16xi32>
        %shift_left3A_531 = arith.constant 16 : i32
        %shift_left3A_532 = vector.broadcast %shift_left3A_531 : i32 to vector<16xi32>
        %shift_left3A_533 = arith.shli %get3A_526, %shift_left3A_532 : vector<16xi32>
        %bitcast_convert_type3A_534 = tpu.bitcast %shift_left3A_533 : vector<16xi32> -> vector<16xf32>
        %shift_left3A_535 = arith.constant 16 : i32
        %shift_left3A_536 = vector.broadcast %shift_left3A_535 : i32 to vector<16xi32>
        %shift_left3A_537 = arith.shli %get3A_530, %shift_left3A_536 : vector<16xi32>
        %bitcast_convert_type3A_538 = tpu.bitcast %shift_left3A_537 : vector<16xi32> -> vector<16xf32>
        %and3A_539 = arith.andi %get3A_526, %broadcast_in_dim3A_457 : vector<16xi32>
        %bitcast_convert_type3A_540 = tpu.bitcast %and3A_539 : vector<16xi32> -> vector<16xf32>
        %and3A_541 = arith.andi %get3A_530, %broadcast_in_dim3A_457 : vector<16xi32>
        %bitcast_convert_type3A_542 = tpu.bitcast %and3A_541 : vector<16xi32> -> vector<16xf32>
        %add3A_543 = arith.addf %bitcast_convert_type3A_540, %bitcast_convert_type3A_542 : vector<16xf32>
        %swap3A_544 = arith.index_cast %add3A_461 : i32 to index
        %swap3A_545 = arith.constant 64 : index
        %swap3A_546 = tpu.vector_load %arg16[%swap3A_544, %swap3A_545] {strides = array<i32>} : memref<128x128xf32, #tpu.memory_space<vmem>>, vector<1x16xf32>,
        %swap3A_547 = vector.shape_cast %swap3A_546 : vector<1x16xf32> to vector<16xf32>
        %swap3A_548 = vector.shape_cast %add3A_543 : vector<16xf32> to vector<1x16xf32>
        tpu.vector_store %arg16[%swap3A_544, %swap3A_545], %swap3A_548 {strides = array<i32>} : memref<128x128xf32, #tpu.memory_space<vmem>>, vector<1x16xf32>,
        %add3A_549 = arith.addf %bitcast_convert_type3A_534, %bitcast_convert_type3A_538 : vector<16xf32>
        %swap3A_550 = arith.index_cast %add3A_461 : i32 to index
        %swap3A_551 = arith.constant 80 : index
        %swap3A_552 = tpu.vector_load %arg16[%swap3A_550, %swap3A_551] {strides = array<i32>} : memref<128x128xf32, #tpu.memory_space<vmem>>, vector<1x16xf32>,
        %swap3A_553 = vector.shape_cast %swap3A_552 : vector<1x16xf32> to vector<16xf32>
        %swap3A_554 = vector.shape_cast %add3A_549 : vector<16xf32> to vector<1x16xf32>
        tpu.vector_store %arg16[%swap3A_550, %swap3A_551], %swap3A_554 {strides = array<i32>} : memref<128x128xf32, #tpu.memory_space<vmem>>, vector<1x16xf32>,
        %get3A_555 = arith.index_cast %add3A_461 : i32 to index
        %get3A_556 = arith.constant 48 : index
        %get3A_557 = tpu.vector_load %arg12[%get3A_555, %get3A_556] {strides = array<i32>} : memref<128x64xi32, #tpu.memory_space<vmem>>, vector<1x16xi32>,
        %get3A_558 = vector.shape_cast %get3A_557 : vector<1x16xi32> to vector<16xi32>
        %get3A_559 = arith.index_cast %add3A_461 : i32 to index
        %get3A_560 = arith.constant 48 : index
        %get3A_561 = tpu.vector_load %arg14[%get3A_559, %get3A_560] {strides = array<i32>} : memref<128x64xi32, #tpu.memory_space<vmem>>, vector<1x16xi32>,
        %get3A_562 = vector.shape_cast %get3A_561 : vector<1x16xi32> to vector<16xi32>
        %shift_left3A_563 = arith.constant 16 : i32
        %shift_left3A_564 = vector.broadcast %shift_left3A_563 : i32 to vector<16xi32>
        %shift_left3A_565 = arith.shli %get3A_558, %shift_left3A_564 : vector<16xi32>
        %bitcast_convert_type3A_566 = tpu.bitcast %shift_left3A_565 : vector<16xi32> -> vector<16xf32>
        %shift_left3A_567 = arith.constant 16 : i32
        %shift_left3A_568 = vector.broadcast %shift_left3A_567 : i32 to vector<16xi32>
        %shift_left3A_569 = arith.shli %get3A_562, %shift_left3A_568 : vector<16xi32>
        %bitcast_convert_type3A_570 = tpu.bitcast %shift_left3A_569 : vector<16xi32> -> vector<16xf32>
        %and3A_571 = arith.andi %get3A_558, %broadcast_in_dim3A_457 : vector<16xi32>
        %bitcast_convert_type3A_572 = tpu.bitcast %and3A_571 : vector<16xi32> -> vector<16xf32>
        %and3A_573 = arith.andi %get3A_562, %broadcast_in_dim3A_457 : vector<16xi32>
        %bitcast_convert_type3A_574 = tpu.bitcast %and3A_573 : vector<16xi32> -> vector<16xf32>
        %add3A_575 = arith.addf %bitcast_convert_type3A_572, %bitcast_convert_type3A_574 : vector<16xf32>
        %swap3A_576 = arith.index_cast %add3A_461 : i32 to index
        %swap3A_577 = arith.constant 96 : index
        %swap3A_578 = tpu.vector_load %arg16[%swap3A_576, %swap3A_577] {strides = array<i32>} : memref<128x128xf32, #tpu.memory_space<vmem>>, vector<1x16xf32>,
        %swap3A_579 = vector.shape_cast %swap3A_578 : vector<1x16xf32> to vector<16xf32>
        %swap3A_580 = vector.shape_cast %add3A_575 : vector<16xf32> to vector<1x16xf32>
        tpu.vector_store %arg16[%swap3A_576, %swap3A_577], %swap3A_580 {strides = array<i32>} : memref<128x128xf32, #tpu.memory_space<vmem>>, vector<1x16xf32>,
        %add3A_581 = arith.addf %bitcast_convert_type3A_566, %bitcast_convert_type3A_570 : vector<16xf32>
        %swap3A_582 = arith.index_cast %add3A_461 : i32 to index
        %swap3A_583 = arith.constant 112 : index
        %swap3A_584 = tpu.vector_load %arg16[%swap3A_582, %swap3A_583] {strides = array<i32>} : memref<128x128xf32, #tpu.memory_space<vmem>>, vector<1x16xf32>,
        %swap3A_585 = vector.shape_cast %swap3A_584 : vector<1x16xf32> to vector<16xf32>
        %swap3A_586 = vector.shape_cast %add3A_581 : vector<16xf32> to vector<1x16xf32>
        tpu.vector_store %arg16[%swap3A_582, %swap3A_583], %swap3A_586 {strides = array<i32>} : memref<128x128xf32, #tpu.memory_space<vmem>>, vector<1x16xf32>,
        %mul3A_587 = arith.constant 4 : i32
        %mul3A_588 = arith.muli %scan3A_456, %mul3A_587 : i32
        %add3A_589 = arith.constant 1 : i32
        %add3A_590 = arith.addi %mul3A_588, %add3A_589 : i32
        %get3A_591 = arith.index_cast %add3A_590 : i32 to index
        %get3A_592 = arith.constant 0 : index
        %get3A_593 = tpu.vector_load %arg12[%get3A_591, %get3A_592] {strides = array<i32>} : memref<128x64xi32, #tpu.memory_space<vmem>>, vector<1x16xi32>,
        %get3A_594 = vector.shape_cast %get3A_593 : vector<1x16xi32> to vector<16xi32>
        %get3A_595 = arith.index_cast %add3A_590 : i32 to index
        %get3A_596 = arith.constant 0 : index
        %get3A_597 = tpu.vector_load %arg14[%get3A_595, %get3A_596] {strides = array<i32>} : memref<128x64xi32, #tpu.memory_space<vmem>>, vector<1x16xi32>,
        %get3A_598 = vector.shape_cast %get3A_597 : vector<1x16xi32> to vector<16xi32>
        %shift_left3A_599 = arith.constant 16 : i32
        %shift_left3A_600 = vector.broadcast %shift_left3A_599 : i32 to vector<16xi32>
        %shift_left3A_601 = arith.shli %get3A_594, %shift_left3A_600 : vector<16xi32>
        %bitcast_convert_type3A_602 = tpu.bitcast %shift_left3A_601 : vector<16xi32> -> vector<16xf32>
        %shift_left3A_603 = arith.constant 16 : i32
        %shift_left3A_604 = vector.broadcast %shift_left3A_603 : i32 to vector<16xi32>
        %shift_left3A_605 = arith.shli %get3A_598, %shift_left3A_604 : vector<16xi32>
        %bitcast_convert_type3A_606 = tpu.bitcast %shift_left3A_605 : vector<16xi32> -> vector<16xf32>
        %and3A_607 = arith.andi %get3A_594, %broadcast_in_dim3A_457 : vector<16xi32>
        %bitcast_convert_type3A_608 = tpu.bitcast %and3A_607 : vector<16xi32> -> vector<16xf32>
        %and3A_609 = arith.andi %get3A_598, %broadcast_in_dim3A_457 : vector<16xi32>
        %bitcast_convert_type3A_610 = tpu.bitcast %and3A_609 : vector<16xi32> -> vector<16xf32>
        %add3A_611 = arith.addf %bitcast_convert_type3A_608, %bitcast_convert_type3A_610 : vector<16xf32>
        %swap3A_612 = arith.index_cast %add3A_590 : i32 to index
        %swap3A_613 = arith.constant 0 : index
        %swap3A_614 = tpu.vector_load %arg16[%swap3A_612, %swap3A_613] {strides = array<i32>} : memref<128x128xf32, #tpu.memory_space<vmem>>, vector<1x16xf32>,
        %swap3A_615 = vector.shape_cast %swap3A_614 : vector<1x16xf32> to vector<16xf32>
        %swap3A_616 = vector.shape_cast %add3A_611 : vector<16xf32> to vector<1x16xf32>
        tpu.vector_store %arg16[%swap3A_612, %swap3A_613], %swap3A_616 {strides = array<i32>} : memref<128x128xf32, #tpu.memory_space<vmem>>, vector<1x16xf32>,
        %add3A_617 = arith.addf %bitcast_convert_type3A_602, %bitcast_convert_type3A_606 : vector<16xf32>
        %swap3A_618 = arith.index_cast %add3A_590 : i32 to index
        %swap3A_619 = arith.constant 16 : index
        %swap3A_620 = tpu.vector_load %arg16[%swap3A_618, %swap3A_619] {strides = array<i32>} : memref<128x128xf32, #tpu.memory_space<vmem>>, vector<1x16xf32>,
        %swap3A_621 = vector.shape_cast %swap3A_620 : vector<1x16xf32> to vector<16xf32>
        %swap3A_622 = vector.shape_cast %add3A_617 : vector<16xf32> to vector<1x16xf32>
        tpu.vector_store %arg16[%swap3A_618, %swap3A_619], %swap3A_622 {strides = array<i32>} : memref<128x128xf32, #tpu.memory_space<vmem>>, vector<1x16xf32>,
        %get3A_623 = arith.index_cast %add3A_590 : i32 to index
        %get3A_624 = arith.constant 16 : index
        %get3A_625 = tpu.vector_load %arg12[%get3A_623, %get3A_624] {strides = array<i32>} : memref<128x64xi32, #tpu.memory_space<vmem>>, vector<1x16xi32>,
        %get3A_626 = vector.shape_cast %get3A_625 : vector<1x16xi32> to vector<16xi32>
        %get3A_627 = arith.index_cast %add3A_590 : i32 to index
        %get3A_628 = arith.constant 16 : index
        %get3A_629 = tpu.vector_load %arg14[%get3A_627, %get3A_628] {strides = array<i32>} : memref<128x64xi32, #tpu.memory_space<vmem>>, vector<1x16xi32>,
        %get3A_630 = vector.shape_cast %get3A_629 : vector<1x16xi32> to vector<16xi32>
        %shift_left3A_631 = arith.constant 16 : i32
        %shift_left3A_632 = vector.broadcast %shift_left3A_631 : i32 to vector<16xi32>
        %shift_left3A_633 = arith.shli %get3A_626, %shift_left3A_632 : vector<16xi32>
        %bitcast_convert_type3A_634 = tpu.bitcast %shift_left3A_633 : vector<16xi32> -> vector<16xf32>
        %shift_left3A_635 = arith.constant 16 : i32
        %shift_left3A_636 = vector.broadcast %shift_left3A_635 : i32 to vector<16xi32>
        %shift_left3A_637 = arith.shli %get3A_630, %shift_left3A_636 : vector<16xi32>
        %bitcast_convert_type3A_638 = tpu.bitcast %shift_left3A_637 : vector<16xi32> -> vector<16xf32>
        %and3A_639 = arith.andi %get3A_626, %broadcast_in_dim3A_457 : vector<16xi32>
        %bitcast_convert_type3A_640 = tpu.bitcast %and3A_639 : vector<16xi32> -> vector<16xf32>
        %and3A_641 = arith.andi %get3A_630, %broadcast_in_dim3A_457 : vector<16xi32>
        %bitcast_convert_type3A_642 = tpu.bitcast %and3A_641 : vector<16xi32> -> vector<16xf32>
        %add3A_643 = arith.addf %bitcast_convert_type3A_640, %bitcast_convert_type3A_642 : vector<16xf32>
        %swap3A_644 = arith.index_cast %add3A_590 : i32 to index
        %swap3A_645 = arith.constant 32 : index
        %swap3A_646 = tpu.vector_load %arg16[%swap3A_644, %swap3A_645] {strides = array<i32>} : memref<128x128xf32, #tpu.memory_space<vmem>>, vector<1x16xf32>,
        %swap3A_647 = vector.shape_cast %swap3A_646 : vector<1x16xf32> to vector<16xf32>
        %swap3A_648 = vector.shape_cast %add3A_643 : vector<16xf32> to vector<1x16xf32>
        tpu.vector_store %arg16[%swap3A_644, %swap3A_645], %swap3A_648 {strides = array<i32>} : memref<128x128xf32, #tpu.memory_space<vmem>>, vector<1x16xf32>,
        %add3A_649 = arith.addf %bitcast_convert_type3A_634, %bitcast_convert_type3A_638 : vector<16xf32>
        %swap3A_650 = arith.index_cast %add3A_590 : i32 to index
        %swap3A_651 = arith.constant 48 : index
        %swap3A_652 = tpu.vector_load %arg16[%swap3A_650, %swap3A_651] {strides = array<i32>} : memref<128x128xf32, #tpu.memory_space<vmem>>, vector<1x16xf32>,
        %swap3A_653 = vector.shape_cast %swap3A_652 : vector<1x16xf32> to vector<16xf32>
        %swap3A_654 = vector.shape_cast %add3A_649 : vector<16xf32> to vector<1x16xf32>
        tpu.vector_store %arg16[%swap3A_650, %swap3A_651], %swap3A_654 {strides = array<i32>} : memref<128x128xf32, #tpu.memory_space<vmem>>, vector<1x16xf32>,
        %get3A_655 = arith.index_cast %add3A_590 : i32 to index
        %get3A_656 = arith.constant 32 : index
        %get3A_657 = tpu.vector_load %arg12[%get3A_655, %get3A_656] {strides = array<i32>} : memref<128x64xi32, #tpu.memory_space<vmem>>, vector<1x16xi32>,
        %get3A_658 = vector.shape_cast %get3A_657 : vector<1x16xi32> to vector<16xi32>
        %get3A_659 = arith.index_cast %add3A_590 : i32 to index
        %get3A_660 = arith.constant 32 : index
        %get3A_661 = tpu.vector_load %arg14[%get3A_659, %get3A_660] {strides = array<i32>} : memref<128x64xi32, #tpu.memory_space<vmem>>, vector<1x16xi32>,
        %get3A_662 = vector.shape_cast %get3A_661 : vector<1x16xi32> to vector<16xi32>
        %shift_left3A_663 = arith.constant 16 : i32
        %shift_left3A_664 = vector.broadcast %shift_left3A_663 : i32 to vector<16xi32>
        %shift_left3A_665 = arith.shli %get3A_658, %shift_left3A_664 : vector<16xi32>
        %bitcast_convert_type3A_666 = tpu.bitcast %shift_left3A_665 : vector<16xi32> -> vector<16xf32>
        %shift_left3A_667 = arith.constant 16 : i32
        %shift_left3A_668 = vector.broadcast %shift_left3A_667 : i32 to vector<16xi32>
        %shift_left3A_669 = arith.shli %get3A_662, %shift_left3A_668 : vector<16xi32>
        %bitcast_convert_type3A_670 = tpu.bitcast %shift_left3A_669 : vector<16xi32> -> vector<16xf32>
        %and3A_671 = arith.andi %get3A_658, %broadcast_in_dim3A_457 : vector<16xi32>
        %bitcast_convert_type3A_672 = tpu.bitcast %and3A_671 : vector<16xi32> -> vector<16xf32>
        %and3A_673 = arith.andi %get3A_662, %broadcast_in_dim3A_457 : vector<16xi32>
        %bitcast_convert_type3A_674 = tpu.bitcast %and3A_673 : vector<16xi32> -> vector<16xf32>
        %add3A_675 = arith.addf %bitcast_convert_type3A_672, %bitcast_convert_type3A_674 : vector<16xf32>
        %swap3A_676 = arith.index_cast %add3A_590 : i32 to index
        %swap3A_677 = arith.constant 64 : index
        %swap3A_678 = tpu.vector_load %arg16[%swap3A_676, %swap3A_677] {strides = array<i32>} : memref<128x128xf32, #tpu.memory_space<vmem>>, vector<1x16xf32>,
        %swap3A_679 = vector.shape_cast %swap3A_678 : vector<1x16xf32> to vector<16xf32>
        %swap3A_680 = vector.shape_cast %add3A_675 : vector<16xf32> to vector<1x16xf32>
        tpu.vector_store %arg16[%swap3A_676, %swap3A_677], %swap3A_680 {strides = array<i32>} : memref<128x128xf32, #tpu.memory_space<vmem>>, vector<1x16xf32>,
        %add3A_681 = arith.addf %bitcast_convert_type3A_666, %bitcast_convert_type3A_670 : vector<16xf32>
        %swap3A_682 = arith.index_cast %add3A_590 : i32 to index
        %swap3A_683 = arith.constant 80 : index
        %swap3A_684 = tpu.vector_load %arg16[%swap3A_682, %swap3A_683] {strides = array<i32>} : memref<128x128xf32, #tpu.memory_space<vmem>>, vector<1x16xf32>,
        %swap3A_685 = vector.shape_cast %swap3A_684 : vector<1x16xf32> to vector<16xf32>
        %swap3A_686 = vector.shape_cast %add3A_681 : vector<16xf32> to vector<1x16xf32>
        tpu.vector_store %arg16[%swap3A_682, %swap3A_683], %swap3A_686 {strides = array<i32>} : memref<128x128xf32, #tpu.memory_space<vmem>>, vector<1x16xf32>,
        %get3A_687 = arith.index_cast %add3A_590 : i32 to index
        %get3A_688 = arith.constant 48 : index
        %get3A_689 = tpu.vector_load %arg12[%get3A_687, %get3A_688] {strides = array<i32>} : memref<128x64xi32, #tpu.memory_space<vmem>>, vector<1x16xi32>,
        %get3A_690 = vector.shape_cast %get3A_689 : vector<1x16xi32> to vector<16xi32>
        %get3A_691 = arith.index_cast %add3A_590 : i32 to index
        %get3A_692 = arith.constant 48 : index
        %get3A_693 = tpu.vector_load %arg14[%get3A_691, %get3A_692] {strides = array<i32>} : memref<128x64xi32, #tpu.memory_space<vmem>>, vector<1x16xi32>,
        %get3A_694 = vector.shape_cast %get3A_693 : vector<1x16xi32> to vector<16xi32>
        %shift_left3A_695 = arith.constant 16 : i32
        %shift_left3A_696 = vector.broadcast %shift_left3A_695 : i32 to vector<16xi32>
        %shift_left3A_697 = arith.shli %get3A_690, %shift_left3A_696 : vector<16xi32>
        %bitcast_convert_type3A_698 = tpu.bitcast %shift_left3A_697 : vector<16xi32> -> vector<16xf32>
        %shift_left3A_699 = arith.constant 16 : i32
        %shift_left3A_700 = vector.broadcast %shift_left3A_699 : i32 to vector<16xi32>
        %shift_left3A_701 = arith.shli %get3A_694, %shift_left3A_700 : vector<16xi32>
        %bitcast_convert_type3A_702 = tpu.bitcast %shift_left3A_701 : vector<16xi32> -> vector<16xf32>
        %and3A_703 = arith.andi %get3A_690, %broadcast_in_dim3A_457 : vector<16xi32>
        %bitcast_convert_type3A_704 = tpu.bitcast %and3A_703 : vector<16xi32> -> vector<16xf32>
        %and3A_705 = arith.andi %get3A_694, %broadcast_in_dim3A_457 : vector<16xi32>
        %bitcast_convert_type3A_706 = tpu.bitcast %and3A_705 : vector<16xi32> -> vector<16xf32>
        %add3A_707 = arith.addf %bitcast_convert_type3A_704, %bitcast_convert_type3A_706 : vector<16xf32>
        %swap3A_708 = arith.index_cast %add3A_590 : i32 to index
        %swap3A_709 = arith.constant 96 : index
        %swap3A_710 = tpu.vector_load %arg16[%swap3A_708, %swap3A_709] {strides = array<i32>} : memref<128x128xf32, #tpu.memory_space<vmem>>, vector<1x16xf32>,
        %swap3A_711 = vector.shape_cast %swap3A_710 : vector<1x16xf32> to vector<16xf32>
        %swap3A_712 = vector.shape_cast %add3A_707 : vector<16xf32> to vector<1x16xf32>
        tpu.vector_store %arg16[%swap3A_708, %swap3A_709], %swap3A_712 {strides = array<i32>} : memref<128x128xf32, #tpu.memory_space<vmem>>, vector<1x16xf32>,
        %add3A_713 = arith.addf %bitcast_convert_type3A_698, %bitcast_convert_type3A_702 : vector<16xf32>
        %swap3A_714 = arith.index_cast %add3A_590 : i32 to index
        %swap3A_715 = arith.constant 112 : index
        %swap3A_716 = tpu.vector_load %arg16[%swap3A_714, %swap3A_715] {strides = array<i32>} : memref<128x128xf32, #tpu.memory_space<vmem>>, vector<1x16xf32>,
        %swap3A_717 = vector.shape_cast %swap3A_716 : vector<1x16xf32> to vector<16xf32>
        %swap3A_718 = vector.shape_cast %add3A_713 : vector<16xf32> to vector<1x16xf32>
        tpu.vector_store %arg16[%swap3A_714, %swap3A_715], %swap3A_718 {strides = array<i32>} : memref<128x128xf32, #tpu.memory_space<vmem>>, vector<1x16xf32>,
        %mul3A_719 = arith.constant 4 : i32
        %mul3A_720 = arith.muli %scan3A_456, %mul3A_719 : i32
        %add3A_721 = arith.constant 2 : i32
        %add3A_722 = arith.addi %mul3A_720, %add3A_721 : i32
        %get3A_723 = arith.index_cast %add3A_722 : i32 to index
        %get3A_724 = arith.constant 0 : index
        %get3A_725 = tpu.vector_load %arg12[%get3A_723, %get3A_724] {strides = array<i32>} : memref<128x64xi32, #tpu.memory_space<vmem>>, vector<1x16xi32>,
        %get3A_726 = vector.shape_cast %get3A_725 : vector<1x16xi32> to vector<16xi32>
        %get3A_727 = arith.index_cast %add3A_722 : i32 to index
        %get3A_728 = arith.constant 0 : index
        %get3A_729 = tpu.vector_load %arg14[%get3A_727, %get3A_728] {strides = array<i32>} : memref<128x64xi32, #tpu.memory_space<vmem>>, vector<1x16xi32>,
        %get3A_730 = vector.shape_cast %get3A_729 : vector<1x16xi32> to vector<16xi32>
        %shift_left3A_731 = arith.constant 16 : i32
        %shift_left3A_732 = vector.broadcast %shift_left3A_731 : i32 to vector<16xi32>
        %shift_left3A_733 = arith.shli %get3A_726, %shift_left3A_732 : vector<16xi32>
        %bitcast_convert_type3A_734 = tpu.bitcast %shift_left3A_733 : vector<16xi32> -> vector<16xf32>
        %shift_left3A_735 = arith.constant 16 : i32
        %shift_left3A_736 = vector.broadcast %shift_left3A_735 : i32 to vector<16xi32>
        %shift_left3A_737 = arith.shli %get3A_730, %shift_left3A_736 : vector<16xi32>
        %bitcast_convert_type3A_738 = tpu.bitcast %shift_left3A_737 : vector<16xi32> -> vector<16xf32>
        %and3A_739 = arith.andi %get3A_726, %broadcast_in_dim3A_457 : vector<16xi32>
        %bitcast_convert_type3A_740 = tpu.bitcast %and3A_739 : vector<16xi32> -> vector<16xf32>
        %and3A_741 = arith.andi %get3A_730, %broadcast_in_dim3A_457 : vector<16xi32>
        %bitcast_convert_type3A_742 = tpu.bitcast %and3A_741 : vector<16xi32> -> vector<16xf32>
        %add3A_743 = arith.addf %bitcast_convert_type3A_740, %bitcast_convert_type3A_742 : vector<16xf32>
        %swap3A_744 = arith.index_cast %add3A_722 : i32 to index
        %swap3A_745 = arith.constant 0 : index
        %swap3A_746 = tpu.vector_load %arg16[%swap3A_744, %swap3A_745] {strides = array<i32>} : memref<128x128xf32, #tpu.memory_space<vmem>>, vector<1x16xf32>,
        %swap3A_747 = vector.shape_cast %swap3A_746 : vector<1x16xf32> to vector<16xf32>
        %swap3A_748 = vector.shape_cast %add3A_743 : vector<16xf32> to vector<1x16xf32>
        tpu.vector_store %arg16[%swap3A_744, %swap3A_745], %swap3A_748 {strides = array<i32>} : memref<128x128xf32, #tpu.memory_space<vmem>>, vector<1x16xf32>,
        %add3A_749 = arith.addf %bitcast_convert_type3A_734, %bitcast_convert_type3A_738 : vector<16xf32>
        %swap3A_750 = arith.index_cast %add3A_722 : i32 to index
        %swap3A_751 = arith.constant 16 : index
        %swap3A_752 = tpu.vector_load %arg16[%swap3A_750, %swap3A_751] {strides = array<i32>} : memref<128x128xf32, #tpu.memory_space<vmem>>, vector<1x16xf32>,
        %swap3A_753 = vector.shape_cast %swap3A_752 : vector<1x16xf32> to vector<16xf32>
        %swap3A_754 = vector.shape_cast %add3A_749 : vector<16xf32> to vector<1x16xf32>
        tpu.vector_store %arg16[%swap3A_750, %swap3A_751], %swap3A_754 {strides = array<i32>} : memref<128x128xf32, #tpu.memory_space<vmem>>, vector<1x16xf32>,
        %get3A_755 = arith.index_cast %add3A_722 : i32 to index
        %get3A_756 = arith.constant 16 : index
        %get3A_757 = tpu.vector_load %arg12[%get3A_755, %get3A_756] {strides = array<i32>} : memref<128x64xi32, #tpu.memory_space<vmem>>, vector<1x16xi32>,
        %get3A_758 = vector.shape_cast %get3A_757 : vector<1x16xi32> to vector<16xi32>
        %get3A_759 = arith.index_cast %add3A_722 : i32 to index
        %get3A_760 = arith.constant 16 : index
        %get3A_761 = tpu.vector_load %arg14[%get3A_759, %get3A_760] {strides = array<i32>} : memref<128x64xi32, #tpu.memory_space<vmem>>, vector<1x16xi32>,
        %get3A_762 = vector.shape_cast %get3A_761 : vector<1x16xi32> to vector<16xi32>
        %shift_left3A_763 = arith.constant 16 : i32
        %shift_left3A_764 = vector.broadcast %shift_left3A_763 : i32 to vector<16xi32>
        %shift_left3A_765 = arith.shli %get3A_758, %shift_left3A_764 : vector<16xi32>
        %bitcast_convert_type3A_766 = tpu.bitcast %shift_left3A_765 : vector<16xi32> -> vector<16xf32>
        %shift_left3A_767 = arith.constant 16 : i32
        %shift_left3A_768 = vector.broadcast %shift_left3A_767 : i32 to vector<16xi32>
        %shift_left3A_769 = arith.shli %get3A_762, %shift_left3A_768 : vector<16xi32>
        %bitcast_convert_type3A_770 = tpu.bitcast %shift_left3A_769 : vector<16xi32> -> vector<16xf32>
        %and3A_771 = arith.andi %get3A_758, %broadcast_in_dim3A_457 : vector<16xi32>
        %bitcast_convert_type3A_772 = tpu.bitcast %and3A_771 : vector<16xi32> -> vector<16xf32>
        %and3A_773 = arith.andi %get3A_762, %broadcast_in_dim3A_457 : vector<16xi32>
        %bitcast_convert_type3A_774 = tpu.bitcast %and3A_773 : vector<16xi32> -> vector<16xf32>
        %add3A_775 = arith.addf %bitcast_convert_type3A_772, %bitcast_convert_type3A_774 : vector<16xf32>
        %swap3A_776 = arith.index_cast %add3A_722 : i32 to index
        %swap3A_777 = arith.constant 32 : index
        %swap3A_778 = tpu.vector_load %arg16[%swap3A_776, %swap3A_777] {strides = array<i32>} : memref<128x128xf32, #tpu.memory_space<vmem>>, vector<1x16xf32>,
        %swap3A_779 = vector.shape_cast %swap3A_778 : vector<1x16xf32> to vector<16xf32>
        %swap3A_780 = vector.shape_cast %add3A_775 : vector<16xf32> to vector<1x16xf32>
        tpu.vector_store %arg16[%swap3A_776, %swap3A_777], %swap3A_780 {strides = array<i32>} : memref<128x128xf32, #tpu.memory_space<vmem>>, vector<1x16xf32>,
        %add3A_781 = arith.addf %bitcast_convert_type3A_766, %bitcast_convert_type3A_770 : vector<16xf32>
        %swap3A_782 = arith.index_cast %add3A_722 : i32 to index
        %swap3A_783 = arith.constant 48 : index
        %swap3A_784 = tpu.vector_load %arg16[%swap3A_782, %swap3A_783] {strides = array<i32>} : memref<128x128xf32, #tpu.memory_space<vmem>>, vector<1x16xf32>,
        %swap3A_785 = vector.shape_cast %swap3A_784 : vector<1x16xf32> to vector<16xf32>
        %swap3A_786 = vector.shape_cast %add3A_781 : vector<16xf32> to vector<1x16xf32>
        tpu.vector_store %arg16[%swap3A_782, %swap3A_783], %swap3A_786 {strides = array<i32>} : memref<128x128xf32, #tpu.memory_space<vmem>>, vector<1x16xf32>,
        %get3A_787 = arith.index_cast %add3A_722 : i32 to index
        %get3A_788 = arith.constant 32 : index
        %get3A_789 = tpu.vector_load %arg12[%get3A_787, %get3A_788] {strides = array<i32>} : memref<128x64xi32, #tpu.memory_space<vmem>>, vector<1x16xi32>,
        %get3A_790 = vector.shape_cast %get3A_789 : vector<1x16xi32> to vector<16xi32>
        %get3A_791 = arith.index_cast %add3A_722 : i32 to index
        %get3A_792 = arith.constant 32 : index
        %get3A_793 = tpu.vector_load %arg14[%get3A_791, %get3A_792] {strides = array<i32>} : memref<128x64xi32, #tpu.memory_space<vmem>>, vector<1x16xi32>,
        %get3A_794 = vector.shape_cast %get3A_793 : vector<1x16xi32> to vector<16xi32>
        %shift_left3A_795 = arith.constant 16 : i32
        %shift_left3A_796 = vector.broadcast %shift_left3A_795 : i32 to vector<16xi32>
        %shift_left3A_797 = arith.shli %get3A_790, %shift_left3A_796 : vector<16xi32>
        %bitcast_convert_type3A_798 = tpu.bitcast %shift_left3A_797 : vector<16xi32> -> vector<16xf32>
        %shift_left3A_799 = arith.constant 16 : i32
        %shift_left3A_800 = vector.broadcast %shift_left3A_799 : i32 to vector<16xi32>
        %shift_left3A_801 = arith.shli %get3A_794, %shift_left3A_800 : vector<16xi32>
        %bitcast_convert_type3A_802 = tpu.bitcast %shift_left3A_801 : vector<16xi32> -> vector<16xf32>
        %and3A_803 = arith.andi %get3A_790, %broadcast_in_dim3A_457 : vector<16xi32>
        %bitcast_convert_type3A_804 = tpu.bitcast %and3A_803 : vector<16xi32> -> vector<16xf32>
        %and3A_805 = arith.andi %get3A_794, %broadcast_in_dim3A_457 : vector<16xi32>
        %bitcast_convert_type3A_806 = tpu.bitcast %and3A_805 : vector<16xi32> -> vector<16xf32>
        %add3A_807 = arith.addf %bitcast_convert_type3A_804, %bitcast_convert_type3A_806 : vector<16xf32>
        %swap3A_808 = arith.index_cast %add3A_722 : i32 to index
        %swap3A_809 = arith.constant 64 : index
        %swap3A_810 = tpu.vector_load %arg16[%swap3A_808, %swap3A_809] {strides = array<i32>} : memref<128x128xf32, #tpu.memory_space<vmem>>, vector<1x16xf32>,
        %swap3A_811 = vector.shape_cast %swap3A_810 : vector<1x16xf32> to vector<16xf32>
        %swap3A_812 = vector.shape_cast %add3A_807 : vector<16xf32> to vector<1x16xf32>
        tpu.vector_store %arg16[%swap3A_808, %swap3A_809], %swap3A_812 {strides = array<i32>} : memref<128x128xf32, #tpu.memory_space<vmem>>, vector<1x16xf32>,
        %add3A_813 = arith.addf %bitcast_convert_type3A_798, %bitcast_convert_type3A_802 : vector<16xf32>
        %swap3A_814 = arith.index_cast %add3A_722 : i32 to index
        %swap3A_815 = arith.constant 80 : index
        %swap3A_816 = tpu.vector_load %arg16[%swap3A_814, %swap3A_815] {strides = array<i32>} : memref<128x128xf32, #tpu.memory_space<vmem>>, vector<1x16xf32>,
        %swap3A_817 = vector.shape_cast %swap3A_816 : vector<1x16xf32> to vector<16xf32>
        %swap3A_818 = vector.shape_cast %add3A_813 : vector<16xf32> to vector<1x16xf32>
        tpu.vector_store %arg16[%swap3A_814, %swap3A_815], %swap3A_818 {strides = array<i32>} : memref<128x128xf32, #tpu.memory_space<vmem>>, vector<1x16xf32>,
        %get3A_819 = arith.index_cast %add3A_722 : i32 to index
        %get3A_820 = arith.constant 48 : index
        %get3A_821 = tpu.vector_load %arg12[%get3A_819, %get3A_820] {strides = array<i32>} : memref<128x64xi32, #tpu.memory_space<vmem>>, vector<1x16xi32>,
        %get3A_822 = vector.shape_cast %get3A_821 : vector<1x16xi32> to vector<16xi32>
        %get3A_823 = arith.index_cast %add3A_722 : i32 to index
        %get3A_824 = arith.constant 48 : index
        %get3A_825 = tpu.vector_load %arg14[%get3A_823, %get3A_824] {strides = array<i32>} : memref<128x64xi32, #tpu.memory_space<vmem>>, vector<1x16xi32>,
        %get3A_826 = vector.shape_cast %get3A_825 : vector<1x16xi32> to vector<16xi32>
        %shift_left3A_827 = arith.constant 16 : i32
        %shift_left3A_828 = vector.broadcast %shift_left3A_827 : i32 to vector<16xi32>
        %shift_left3A_829 = arith.shli %get3A_822, %shift_left3A_828 : vector<16xi32>
        %bitcast_convert_type3A_830 = tpu.bitcast %shift_left3A_829 : vector<16xi32> -> vector<16xf32>
        %shift_left3A_831 = arith.constant 16 : i32
        %shift_left3A_832 = vector.broadcast %shift_left3A_831 : i32 to vector<16xi32>
        %shift_left3A_833 = arith.shli %get3A_826, %shift_left3A_832 : vector<16xi32>
        %bitcast_convert_type3A_834 = tpu.bitcast %shift_left3A_833 : vector<16xi32> -> vector<16xf32>
        %and3A_835 = arith.andi %get3A_822, %broadcast_in_dim3A_457 : vector<16xi32>
        %bitcast_convert_type3A_836 = tpu.bitcast %and3A_835 : vector<16xi32> -> vector<16xf32>
        %and3A_837 = arith.andi %get3A_826, %broadcast_in_dim3A_457 : vector<16xi32>
        %bitcast_convert_type3A_838 = tpu.bitcast %and3A_837 : vector<16xi32> -> vector<16xf32>
        %add3A_839 = arith.addf %bitcast_convert_type3A_836, %bitcast_convert_type3A_838 : vector<16xf32>
        %swap3A_840 = arith.index_cast %add3A_722 : i32 to index
        %swap3A_841 = arith.constant 96 : index
        %swap3A_842 = tpu.vector_load %arg16[%swap3A_840, %swap3A_841] {strides = array<i32>} : memref<128x128xf32, #tpu.memory_space<vmem>>, vector<1x16xf32>,
        %swap3A_843 = vector.shape_cast %swap3A_842 : vector<1x16xf32> to vector<16xf32>
        %swap3A_844 = vector.shape_cast %add3A_839 : vector<16xf32> to vector<1x16xf32>
        tpu.vector_store %arg16[%swap3A_840, %swap3A_841], %swap3A_844 {strides = array<i32>} : memref<128x128xf32, #tpu.memory_space<vmem>>, vector<1x16xf32>,
        %add3A_845 = arith.addf %bitcast_convert_type3A_830, %bitcast_convert_type3A_834 : vector<16xf32>
        %swap3A_846 = arith.index_cast %add3A_722 : i32 to index
        %swap3A_847 = arith.constant 112 : index
        %swap3A_848 = tpu.vector_load %arg16[%swap3A_846, %swap3A_847] {strides = array<i32>} : memref<128x128xf32, #tpu.memory_space<vmem>>, vector<1x16xf32>,
        %swap3A_849 = vector.shape_cast %swap3A_848 : vector<1x16xf32> to vector<16xf32>
        %swap3A_850 = vector.shape_cast %add3A_845 : vector<16xf32> to vector<1x16xf32>
        tpu.vector_store %arg16[%swap3A_846, %swap3A_847], %swap3A_850 {strides = array<i32>} : memref<128x128xf32, #tpu.memory_space<vmem>>, vector<1x16xf32>,
        %mul3A_851 = arith.constant 4 : i32
        %mul3A_852 = arith.muli %scan3A_456, %mul3A_851 : i32
        %add3A_853 = arith.constant 3 : i32
        %add3A_854 = arith.addi %mul3A_852, %add3A_853 : i32
        %get3A_855 = arith.index_cast %add3A_854 : i32 to index
        %get3A_856 = arith.constant 0 : index
        %get3A_857 = tpu.vector_load %arg12[%get3A_855, %get3A_856] {strides = array<i32>} : memref<128x64xi32, #tpu.memory_space<vmem>>, vector<1x16xi32>,
        %get3A_858 = vector.shape_cast %get3A_857 : vector<1x16xi32> to vector<16xi32>
        %get3A_859 = arith.index_cast %add3A_854 : i32 to index
        %get3A_860 = arith.constant 0 : index
        %get3A_861 = tpu.vector_load %arg14[%get3A_859, %get3A_860] {strides = array<i32>} : memref<128x64xi32, #tpu.memory_space<vmem>>, vector<1x16xi32>,
        %get3A_862 = vector.shape_cast %get3A_861 : vector<1x16xi32> to vector<16xi32>
        %shift_left3A_863 = arith.constant 16 : i32
        %shift_left3A_864 = vector.broadcast %shift_left3A_863 : i32 to vector<16xi32>
        %shift_left3A_865 = arith.shli %get3A_858, %shift_left3A_864 : vector<16xi32>
        %bitcast_convert_type3A_866 = tpu.bitcast %shift_left3A_865 : vector<16xi32> -> vector<16xf32>
        %shift_left3A_867 = arith.constant 16 : i32
        %shift_left3A_868 = vector.broadcast %shift_left3A_867 : i32 to vector<16xi32>
        %shift_left3A_869 = arith.shli %get3A_862, %shift_left3A_868 : vector<16xi32>
        %bitcast_convert_type3A_870 = tpu.bitcast %shift_left3A_869 : vector<16xi32> -> vector<16xf32>
        %and3A_871 = arith.andi %get3A_858, %broadcast_in_dim3A_457 : vector<16xi32>
        %bitcast_convert_type3A_872 = tpu.bitcast %and3A_871 : vector<16xi32> -> vector<16xf32>
        %and3A_873 = arith.andi %get3A_862, %broadcast_in_dim3A_457 : vector<16xi32>
        %bitcast_convert_type3A_874 = tpu.bitcast %and3A_873 : vector<16xi32> -> vector<16xf32>
        %add3A_875 = arith.addf %bitcast_convert_type3A_872, %bitcast_convert_type3A_874 : vector<16xf32>
        %swap3A_876 = arith.index_cast %add3A_854 : i32 to index
        %swap3A_877 = arith.constant 0 : index
        %swap3A_878 = tpu.vector_load %arg16[%swap3A_876, %swap3A_877] {strides = array<i32>} : memref<128x128xf32, #tpu.memory_space<vmem>>, vector<1x16xf32>,
        %swap3A_879 = vector.shape_cast %swap3A_878 : vector<1x16xf32> to vector<16xf32>
        %swap3A_880 = vector.shape_cast %add3A_875 : vector<16xf32> to vector<1x16xf32>
        tpu.vector_store %arg16[%swap3A_876, %swap3A_877], %swap3A_880 {strides = array<i32>} : memref<128x128xf32, #tpu.memory_space<vmem>>, vector<1x16xf32>,
        %add3A_881 = arith.addf %bitcast_convert_type3A_866, %bitcast_convert_type3A_870 : vector<16xf32>
        %swap3A_882 = arith.index_cast %add3A_854 : i32 to index
        %swap3A_883 = arith.constant 16 : index
        %swap3A_884 = tpu.vector_load %arg16[%swap3A_882, %swap3A_883] {strides = array<i32>} : memref<128x128xf32, #tpu.memory_space<vmem>>, vector<1x16xf32>,
        %swap3A_885 = vector.shape_cast %swap3A_884 : vector<1x16xf32> to vector<16xf32>
        %swap3A_886 = vector.shape_cast %add3A_881 : vector<16xf32> to vector<1x16xf32>
        tpu.vector_store %arg16[%swap3A_882, %swap3A_883], %swap3A_886 {strides = array<i32>} : memref<128x128xf32, #tpu.memory_space<vmem>>, vector<1x16xf32>,
        %get3A_887 = arith.index_cast %add3A_854 : i32 to index
        %get3A_888 = arith.constant 16 : index
        %get3A_889 = tpu.vector_load %arg12[%get3A_887, %get3A_888] {strides = array<i32>} : memref<128x64xi32, #tpu.memory_space<vmem>>, vector<1x16xi32>,
        %get3A_890 = vector.shape_cast %get3A_889 : vector<1x16xi32> to vector<16xi32>
        %get3A_891 = arith.index_cast %add3A_854 : i32 to index
        %get3A_892 = arith.constant 16 : index
        %get3A_893 = tpu.vector_load %arg14[%get3A_891, %get3A_892] {strides = array<i32>} : memref<128x64xi32, #tpu.memory_space<vmem>>, vector<1x16xi32>,
        %get3A_894 = vector.shape_cast %get3A_893 : vector<1x16xi32> to vector<16xi32>
        %shift_left3A_895 = arith.constant 16 : i32
        %shift_left3A_896 = vector.broadcast %shift_left3A_895 : i32 to vector<16xi32>
        %shift_left3A_897 = arith.shli %get3A_890, %shift_left3A_896 : vector<16xi32>
        %bitcast_convert_type3A_898 = tpu.bitcast %shift_left3A_897 : vector<16xi32> -> vector<16xf32>
        %shift_left3A_899 = arith.constant 16 : i32
        %shift_left3A_900 = vector.broadcast %shift_left3A_899 : i32 to vector<16xi32>
        %shift_left3A_901 = arith.shli %get3A_894, %shift_left3A_900 : vector<16xi32>
        %bitcast_convert_type3A_902 = tpu.bitcast %shift_left3A_901 : vector<16xi32> -> vector<16xf32>
        %and3A_903 = arith.andi %get3A_890, %broadcast_in_dim3A_457 : vector<16xi32>
        %bitcast_convert_type3A_904 = tpu.bitcast %and3A_903 : vector<16xi32> -> vector<16xf32>
        %and3A_905 = arith.andi %get3A_894, %broadcast_in_dim3A_457 : vector<16xi32>
        %bitcast_convert_type3A_906 = tpu.bitcast %and3A_905 : vector<16xi32> -> vector<16xf32>
        %add3A_907 = arith.addf %bitcast_convert_type3A_904, %bitcast_convert_type3A_906 : vector<16xf32>
        %swap3A_908 = arith.index_cast %add3A_854 : i32 to index
        %swap3A_909 = arith.constant 32 : index
        %swap3A_910 = tpu.vector_load %arg16[%swap3A_908, %swap3A_909] {strides = array<i32>} : memref<128x128xf32, #tpu.memory_space<vmem>>, vector<1x16xf32>,
        %swap3A_911 = vector.shape_cast %swap3A_910 : vector<1x16xf32> to vector<16xf32>
        %swap3A_912 = vector.shape_cast %add3A_907 : vector<16xf32> to vector<1x16xf32>
        tpu.vector_store %arg16[%swap3A_908, %swap3A_909], %swap3A_912 {strides = array<i32>} : memref<128x128xf32, #tpu.memory_space<vmem>>, vector<1x16xf32>,
        %add3A_913 = arith.addf %bitcast_convert_type3A_898, %bitcast_convert_type3A_902 : vector<16xf32>
        %swap3A_914 = arith.index_cast %add3A_854 : i32 to index
        %swap3A_915 = arith.constant 48 : index
        %swap3A_916 = tpu.vector_load %arg16[%swap3A_914, %swap3A_915] {strides = array<i32>} : memref<128x128xf32, #tpu.memory_space<vmem>>, vector<1x16xf32>,
        %swap3A_917 = vector.shape_cast %swap3A_916 : vector<1x16xf32> to vector<16xf32>
        %swap3A_918 = vector.shape_cast %add3A_913 : vector<16xf32> to vector<1x16xf32>
        tpu.vector_store %arg16[%swap3A_914, %swap3A_915], %swap3A_918 {strides = array<i32>} : memref<128x128xf32, #tpu.memory_space<vmem>>, vector<1x16xf32>,
        %get3A_919 = arith.index_cast %add3A_854 : i32 to index
        %get3A_920 = arith.constant 32 : index
        %get3A_921 = tpu.vector_load %arg12[%get3A_919, %get3A_920] {strides = array<i32>} : memref<128x64xi32, #tpu.memory_space<vmem>>, vector<1x16xi32>,
        %get3A_922 = vector.shape_cast %get3A_921 : vector<1x16xi32> to vector<16xi32>
        %get3A_923 = arith.index_cast %add3A_854 : i32 to index
        %get3A_924 = arith.constant 32 : index
        %get3A_925 = tpu.vector_load %arg14[%get3A_923, %get3A_924] {strides = array<i32>} : memref<128x64xi32, #tpu.memory_space<vmem>>, vector<1x16xi32>,
        %get3A_926 = vector.shape_cast %get3A_925 : vector<1x16xi32> to vector<16xi32>
        %shift_left3A_927 = arith.constant 16 : i32
        %shift_left3A_928 = vector.broadcast %shift_left3A_927 : i32 to vector<16xi32>
        %shift_left3A_929 = arith.shli %get3A_922, %shift_left3A_928 : vector<16xi32>
        %bitcast_convert_type3A_930 = tpu.bitcast %shift_left3A_929 : vector<16xi32> -> vector<16xf32>
        %shift_left3A_931 = arith.constant 16 : i32
        %shift_left3A_932 = vector.broadcast %shift_left3A_931 : i32 to vector<16xi32>
        %shift_left3A_933 = arith.shli %get3A_926, %shift_left3A_932 : vector<16xi32>
        %bitcast_convert_type3A_934 = tpu.bitcast %shift_left3A_933 : vector<16xi32> -> vector<16xf32>
        %and3A_935 = arith.andi %get3A_922, %broadcast_in_dim3A_457 : vector<16xi32>
        %bitcast_convert_type3A_936 = tpu.bitcast %and3A_935 : vector<16xi32> -> vector<16xf32>
        %and3A_937 = arith.andi %get3A_926, %broadcast_in_dim3A_457 : vector<16xi32>
        %bitcast_convert_type3A_938 = tpu.bitcast %and3A_937 : vector<16xi32> -> vector<16xf32>
        %add3A_939 = arith.addf %bitcast_convert_type3A_936, %bitcast_convert_type3A_938 : vector<16xf32>
        %swap3A_940 = arith.index_cast %add3A_854 : i32 to index
        %swap3A_941 = arith.constant 64 : index
        %swap3A_942 = tpu.vector_load %arg16[%swap3A_940, %swap3A_941] {strides = array<i32>} : memref<128x128xf32, #tpu.memory_space<vmem>>, vector<1x16xf32>,
        %swap3A_943 = vector.shape_cast %swap3A_942 : vector<1x16xf32> to vector<16xf32>
        %swap3A_944 = vector.shape_cast %add3A_939 : vector<16xf32> to vector<1x16xf32>
        tpu.vector_store %arg16[%swap3A_940, %swap3A_941], %swap3A_944 {strides = array<i32>} : memref<128x128xf32, #tpu.memory_space<vmem>>, vector<1x16xf32>,
        %add3A_945 = arith.addf %bitcast_convert_type3A_930, %bitcast_convert_type3A_934 : vector<16xf32>
        %swap3A_946 = arith.index_cast %add3A_854 : i32 to index
        %swap3A_947 = arith.constant 80 : index
        %swap3A_948 = tpu.vector_load %arg16[%swap3A_946, %swap3A_947] {strides = array<i32>} : memref<128x128xf32, #tpu.memory_space<vmem>>, vector<1x16xf32>,
        %swap3A_949 = vector.shape_cast %swap3A_948 : vector<1x16xf32> to vector<16xf32>
        %swap3A_950 = vector.shape_cast %add3A_945 : vector<16xf32> to vector<1x16xf32>
        tpu.vector_store %arg16[%swap3A_946, %swap3A_947], %swap3A_950 {strides = array<i32>} : memref<128x128xf32, #tpu.memory_space<vmem>>, vector<1x16xf32>,
        %get3A_951 = arith.index_cast %add3A_854 : i32 to index
        %get3A_952 = arith.constant 48 : index
        %get3A_953 = tpu.vector_load %arg12[%get3A_951, %get3A_952] {strides = array<i32>} : memref<128x64xi32, #tpu.memory_space<vmem>>, vector<1x16xi32>,
        %get3A_954 = vector.shape_cast %get3A_953 : vector<1x16xi32> to vector<16xi32>
        %get3A_955 = arith.index_cast %add3A_854 : i32 to index
        %get3A_956 = arith.constant 48 : index
        %get3A_957 = tpu.vector_load %arg14[%get3A_955, %get3A_956] {strides = array<i32>} : memref<128x64xi32, #tpu.memory_space<vmem>>, vector<1x16xi32>,
        %get3A_958 = vector.shape_cast %get3A_957 : vector<1x16xi32> to vector<16xi32>
        %shift_left3A_959 = arith.constant 16 : i32
        %shift_left3A_960 = vector.broadcast %shift_left3A_959 : i32 to vector<16xi32>
        %shift_left3A_961 = arith.shli %get3A_954, %shift_left3A_960 : vector<16xi32>
        %bitcast_convert_type3A_962 = tpu.bitcast %shift_left3A_961 : vector<16xi32> -> vector<16xf32>
        %shift_left3A_963 = arith.constant 16 : i32
        %shift_left3A_964 = vector.broadcast %shift_left3A_963 : i32 to vector<16xi32>
        %shift_left3A_965 = arith.shli %get3A_958, %shift_left3A_964 : vector<16xi32>
        %bitcast_convert_type3A_966 = tpu.bitcast %shift_left3A_965 : vector<16xi32> -> vector<16xf32>
        %and3A_967 = arith.andi %get3A_954, %broadcast_in_dim3A_457 : vector<16xi32>
        %bitcast_convert_type3A_968 = tpu.bitcast %and3A_967 : vector<16xi32> -> vector<16xf32>
        %and3A_969 = arith.andi %get3A_958, %broadcast_in_dim3A_457 : vector<16xi32>
        %bitcast_convert_type3A_970 = tpu.bitcast %and3A_969 : vector<16xi32> -> vector<16xf32>
        %add3A_971 = arith.addf %bitcast_convert_type3A_968, %bitcast_convert_type3A_970 : vector<16xf32>
        %swap3A_972 = arith.index_cast %add3A_854 : i32 to index
        %swap3A_973 = arith.constant 96 : index
        %swap3A_974 = tpu.vector_load %arg16[%swap3A_972, %swap3A_973] {strides = array<i32>} : memref<128x128xf32, #tpu.memory_space<vmem>>, vector<1x16xf32>,
        %swap3A_975 = vector.shape_cast %swap3A_974 : vector<1x16xf32> to vector<16xf32>
        %swap3A_976 = vector.shape_cast %add3A_971 : vector<16xf32> to vector<1x16xf32>
        tpu.vector_store %arg16[%swap3A_972, %swap3A_973], %swap3A_976 {strides = array<i32>} : memref<128x128xf32, #tpu.memory_space<vmem>>, vector<1x16xf32>,
        %add3A_977 = arith.addf %bitcast_convert_type3A_962, %bitcast_convert_type3A_966 : vector<16xf32>
        %swap3A_978 = arith.index_cast %add3A_854 : i32 to index
        %swap3A_979 = arith.constant 112 : index
        %swap3A_980 = tpu.vector_load %arg16[%swap3A_978, %swap3A_979] {strides = array<i32>} : memref<128x128xf32, #tpu.memory_space<vmem>>, vector<1x16xf32>,
        %swap3A_981 = vector.shape_cast %swap3A_980 : vector<1x16xf32> to vector<16xf32>
        %swap3A_982 = vector.shape_cast %add3A_977 : vector<16xf32> to vector<1x16xf32>
        tpu.vector_store %arg16[%swap3A_978, %swap3A_979], %swap3A_982 {strides = array<i32>} : memref<128x128xf32, #tpu.memory_space<vmem>>, vector<1x16xf32>,
      }
      %scan3A_322 = arith.constant 32 : i32
      %mul3A_323 = arith.constant 128 : i32
      %mul3A_324 = arith.muli %add3A_295, %mul3A_323 : i32
      %add3A_325 = arith.addi %mul3A_2, %mul3A_324 : i32
      %dma_start3A_326 = arith.constant 0 : i32
      %dma_start3A_327 = tpu.memref_slice %arg4[%add3A_325, %dma_start3A_326] : memref<819200x128xf32, #tpu.memory_space<hbm>> -> memref<128x128xf32, #tpu.memory_space<hbm>>
      %dma_start3A_328 = arith.constant 0 : i32
      %dma_start3A_329 = tpu.memref_slice %arg4[%add3A_325, %dma_start3A_328] : memref<819200x128xf32, #tpu.memory_space<hbm>> -> memref<128x128xf32, #tpu.memory_space<hbm>>
      tpu.enqueue_dma source(%arg16 : memref<128x128xf32, #tpu.memory_space<vmem>>) target(%dma_start3A_329 : memref<128x128xf32, #tpu.memory_space<hbm>>) target_semaphore(%arg24 : memref<!tpu.dma_semaphore, #tpu.memory_space<semaphore_mem>>)
      %mul3A_330 = arith.constant 4 : i32
      %mul3A_331 = arith.muli %mul3A_330, %scan3A_291 : i32
      %add3A_332 = arith.constant 1 : i32
      %add3A_333 = arith.addi %mul3A_331, %add3A_332 : i32
      %add3A_334 = arith.constant 1 : i32
      %add3A_335 = arith.addi %add3A_333, %add3A_334 : i32
      %lt3A_336 = arith.constant 200 : i32
      %lt3A_337 = arith.cmpi slt, %add3A_335, %lt3A_336 : i32
      %convert_element_type3A_338 = arith.extui %lt3A_337 : i1 to i32
      %cond3A_339 = arith.constant 0 : i32
      %cond3A_340 = arith.cmpi ne, %convert_element_type3A_338, %cond3A_339 : i32
      scf.if %cond3A_340 {
        %dma_wait3A_456 = arith.constant 0 : i32
        %dma_wait3A_457 = arith.constant 0 : i32
        %dma_wait3A_458 = arith.constant 0 : i32
        %dma_wait3A_459 = tpu.memref_slice %arg3[%dma_wait3A_456, %dma_wait3A_457, %dma_wait3A_458] : memref<6400x3x128xi32, #tpu.memory_space<hbm>> -> memref<1x3x128xi32, #tpu.memory_space<hbm>>
        %dma_wait3A_460 = tpu.memref_squeeze %dma_wait3A_459 : memref<1x3x128xi32, #tpu.memory_space<hbm>> -> memref<3x128xi32, #tpu.memory_space<hbm>>
        %dma_wait3A_461 = arith.constant 0 : i32
        %dma_wait3A_462 = arith.constant 0 : i32
        %dma_wait3A_463 = tpu.memref_slice %arg3[%dma_wait3A_456, %dma_wait3A_461, %dma_wait3A_462] : memref<6400x3x128xi32, #tpu.memory_space<hbm>> -> memref<1x3x128xi32, #tpu.memory_space<hbm>>
        %dma_wait3A_464 = tpu.memref_squeeze %dma_wait3A_463 : memref<1x3x128xi32, #tpu.memory_space<hbm>> -> memref<3x128xi32, #tpu.memory_space<hbm>>
        tpu.wait_dma2 semaphore(%arg18 : memref<!tpu.dma_semaphore, #tpu.memory_space<semaphore_mem>>) src(%dma_wait3A_464 : memref<3x128xi32, #tpu.memory_space<hbm>>) dst(%arg6 : memref<3x128xi32, #tpu.memory_space<vmem>>)
        %get3A_465 = arith.constant 0 : i32
        %get3A_466 = arith.index_cast %get3A_465 : i32 to index
        %get3A_467 = arith.constant 0 : index
        %get3A_468 = tpu.vector_load %arg6[%get3A_466, %get3A_467] {strides = array<i32>} : memref<3x128xi32, #tpu.memory_space<vmem>>, vector<1x16xi32>,
        %get3A_469 = vector.shape_cast %get3A_468 : vector<1x16xi32> to vector<16xi32>
        %mul3A_470 = arith.constant 8 : i32
        %mul3A_471 = vector.broadcast %mul3A_470 : i32 to vector<16xi32>
        %mul3A_472 = arith.muli %get3A_469, %mul3A_471 : vector<16xi32>
        %get3A_473 = arith.constant 1 : i32
        %get3A_474 = arith.index_cast %get3A_473 : i32 to index
        %get3A_475 = arith.constant 0 : index
        %get3A_476 = tpu.vector_load %arg6[%get3A_474, %get3A_475] {strides = array<i32>} : memref<3x128xi32, #tpu.memory_space<vmem>>, vector<1x16xi32>,
        %get3A_477 = vector.shape_cast %get3A_476 : vector<1x16xi32> to vector<16xi32>
        %add3A_478 = arith.addi %mul3A_472, %get3A_477 : vector<16xi32>
        %swap3A_479 = arith.constant 0 : index
        %swap3A_480 = tpu.vector_load %arg8[%swap3A_479] {strides = array<i32>} : memref<128xi32, #tpu.memory_space<vmem>>, vector<16xi32>,
        %swap3A_481 = vector.shape_cast %swap3A_480 : vector<16xi32> to vector<16xi32>
        %swap3A_482 = vector.shape_cast %add3A_478 : vector<16xi32> to vector<16xi32>
        tpu.vector_store %arg8[%swap3A_479], %swap3A_482 {strides = array<i32>} : memref<128xi32, #tpu.memory_space<vmem>>, vector<16xi32>,
        %get3A_483 = arith.constant 2 : i32
        %get3A_484 = arith.index_cast %get3A_483 : i32 to index
        %get3A_485 = arith.constant 0 : index
        %get3A_486 = tpu.vector_load %arg6[%get3A_484, %get3A_485] {strides = array<i32>} : memref<3x128xi32, #tpu.memory_space<vmem>>, vector<1x16xi32>,
        %get3A_487 = vector.shape_cast %get3A_486 : vector<1x16xi32> to vector<16xi32>
        %add3A_488 = arith.constant 200 : i32
        %add3A_489 = vector.broadcast %add3A_488 : i32 to vector<16xi32>
        %add3A_490 = arith.addi %get3A_487, %add3A_489 : vector<16xi32>
        %swap3A_491 = arith.constant 0 : index
        %swap3A_492 = tpu.vector_load %arg10[%swap3A_491] {strides = array<i32>} : memref<128xi32, #tpu.memory_space<vmem>>, vector<16xi32>,
        %swap3A_493 = vector.shape_cast %swap3A_492 : vector<16xi32> to vector<16xi32>
        %swap3A_494 = vector.shape_cast %add3A_490 : vector<16xi32> to vector<16xi32>
        tpu.vector_store %arg10[%swap3A_491], %swap3A_494 {strides = array<i32>} : memref<128xi32, #tpu.memory_space<vmem>>, vector<16xi32>,
        %get3A_495 = arith.constant 0 : i32
        %get3A_496 = arith.index_cast %get3A_495 : i32 to index
        %get3A_497 = arith.constant 16 : index
        %get3A_498 = tpu.vector_load %arg6[%get3A_496, %get3A_497] {strides = array<i32>} : memref<3x128xi32, #tpu.memory_space<vmem>>, vector<1x16xi32>,
        %get3A_499 = vector.shape_cast %get3A_498 : vector<1x16xi32> to vector<16xi32>
        %mul3A_500 = arith.constant 8 : i32
        %mul3A_501 = vector.broadcast %mul3A_500 : i32 to vector<16xi32>
        %mul3A_502 = arith.muli %get3A_499, %mul3A_501 : vector<16xi32>
        %get3A_503 = arith.constant 1 : i32
        %get3A_504 = arith.index_cast %get3A_503 : i32 to index
        %get3A_505 = arith.constant 16 : index
        %get3A_506 = tpu.vector_load %arg6[%get3A_504, %get3A_505] {strides = array<i32>} : memref<3x128xi32, #tpu.memory_space<vmem>>, vector<1x16xi32>,
        %get3A_507 = vector.shape_cast %get3A_506 : vector<1x16xi32> to vector<16xi32>
        %add3A_508 = arith.addi %mul3A_502, %get3A_507 : vector<16xi32>
        %swap3A_509 = arith.constant 16 : index
        %swap3A_510 = tpu.vector_load %arg8[%swap3A_509] {strides = array<i32>} : memref<128xi32, #tpu.memory_space<vmem>>, vector<16xi32>,
        %swap3A_511 = vector.shape_cast %swap3A_510 : vector<16xi32> to vector<16xi32>
        %swap3A_512 = vector.shape_cast %add3A_508 : vector<16xi32> to vector<16xi32>
        tpu.vector_store %arg8[%swap3A_509], %swap3A_512 {strides = array<i32>} : memref<128xi32, #tpu.memory_space<vmem>>, vector<16xi32>,
        %get3A_513 = arith.constant 2 : i32
        %get3A_514 = arith.index_cast %get3A_513 : i32 to index
        %get3A_515 = arith.constant 16 : index
        %get3A_516 = tpu.vector_load %arg6[%get3A_514, %get3A_515] {strides = array<i32>} : memref<3x128xi32, #tpu.memory_space<vmem>>, vector<1x16xi32>,
        %get3A_517 = vector.shape_cast %get3A_516 : vector<1x16xi32> to vector<16xi32>
        %add3A_518 = arith.constant 200 : i32
        %add3A_519 = vector.broadcast %add3A_518 : i32 to vector<16xi32>
        %add3A_520 = arith.addi %get3A_517, %add3A_519 : vector<16xi32>
        %swap3A_521 = arith.constant 16 : index
        %swap3A_522 = tpu.vector_load %arg10[%swap3A_521] {strides = array<i32>} : memref<128xi32, #tpu.memory_space<vmem>>, vector<16xi32>,
        %swap3A_523 = vector.shape_cast %swap3A_522 : vector<16xi32> to vector<16xi32>
        %swap3A_524 = vector.shape_cast %add3A_520 : vector<16xi32> to vector<16xi32>
        tpu.vector_store %arg10[%swap3A_521], %swap3A_524 {strides = array<i32>} : memref<128xi32, #tpu.memory_space<vmem>>, vector<16xi32>,
        %get3A_525 = arith.constant 0 : i32
        %get3A_526 = arith.index_cast %get3A_525 : i32 to index
        %get3A_527 = arith.constant 32 : index
        %get3A_528 = tpu.vector_load %arg6[%get3A_526, %get3A_527] {strides = array<i32>} : memref<3x128xi32, #tpu.memory_space<vmem>>, vector<1x16xi32>,
        %get3A_529 = vector.shape_cast %get3A_528 : vector<1x16xi32> to vector<16xi32>
        %mul3A_530 = arith.constant 8 : i32
        %mul3A_531 = vector.broadcast %mul3A_530 : i32 to vector<16xi32>
        %mul3A_532 = arith.muli %get3A_529, %mul3A_531 : vector<16xi32>
        %get3A_533 = arith.constant 1 : i32
        %get3A_534 = arith.index_cast %get3A_533 : i32 to index
        %get3A_535 = arith.constant 32 : index
        %get3A_536 = tpu.vector_load %arg6[%get3A_534, %get3A_535] {strides = array<i32>} : memref<3x128xi32, #tpu.memory_space<vmem>>, vector<1x16xi32>,
        %get3A_537 = vector.shape_cast %get3A_536 : vector<1x16xi32> to vector<16xi32>
        %add3A_538 = arith.addi %mul3A_532, %get3A_537 : vector<16xi32>
        %swap3A_539 = arith.constant 32 : index
        %swap3A_540 = tpu.vector_load %arg8[%swap3A_539] {strides = array<i32>} : memref<128xi32, #tpu.memory_space<vmem>>, vector<16xi32>,
        %swap3A_541 = vector.shape_cast %swap3A_540 : vector<16xi32> to vector<16xi32>
        %swap3A_542 = vector.shape_cast %add3A_538 : vector<16xi32> to vector<16xi32>
        tpu.vector_store %arg8[%swap3A_539], %swap3A_542 {strides = array<i32>} : memref<128xi32, #tpu.memory_space<vmem>>, vector<16xi32>,
        %get3A_543 = arith.constant 2 : i32
        %get3A_544 = arith.index_cast %get3A_543 : i32 to index
        %get3A_545 = arith.constant 32 : index
        %get3A_546 = tpu.vector_load %arg6[%get3A_544, %get3A_545] {strides = array<i32>} : memref<3x128xi32, #tpu.memory_space<vmem>>, vector<1x16xi32>,
        %get3A_547 = vector.shape_cast %get3A_546 : vector<1x16xi32> to vector<16xi32>
        %add3A_548 = arith.constant 200 : i32
        %add3A_549 = vector.broadcast %add3A_548 : i32 to vector<16xi32>
        %add3A_550 = arith.addi %get3A_547, %add3A_549 : vector<16xi32>
        %swap3A_551 = arith.constant 32 : index
        %swap3A_552 = tpu.vector_load %arg10[%swap3A_551] {strides = array<i32>} : memref<128xi32, #tpu.memory_space<vmem>>, vector<16xi32>,
        %swap3A_553 = vector.shape_cast %swap3A_552 : vector<16xi32> to vector<16xi32>
        %swap3A_554 = vector.shape_cast %add3A_550 : vector<16xi32> to vector<16xi32>
        tpu.vector_store %arg10[%swap3A_551], %swap3A_554 {strides = array<i32>} : memref<128xi32, #tpu.memory_space<vmem>>, vector<16xi32>,
        %get3A_555 = arith.constant 0 : i32
        %get3A_556 = arith.index_cast %get3A_555 : i32 to index
        %get3A_557 = arith.constant 48 : index
        %get3A_558 = tpu.vector_load %arg6[%get3A_556, %get3A_557] {strides = array<i32>} : memref<3x128xi32, #tpu.memory_space<vmem>>, vector<1x16xi32>,
        %get3A_559 = vector.shape_cast %get3A_558 : vector<1x16xi32> to vector<16xi32>
        %mul3A_560 = arith.constant 8 : i32
        %mul3A_561 = vector.broadcast %mul3A_560 : i32 to vector<16xi32>
        %mul3A_562 = arith.muli %get3A_559, %mul3A_561 : vector<16xi32>
        %get3A_563 = arith.constant 1 : i32
        %get3A_564 = arith.index_cast %get3A_563 : i32 to index
        %get3A_565 = arith.constant 48 : index
        %get3A_566 = tpu.vector_load %arg6[%get3A_564, %get3A_565] {strides = array<i32>} : memref<3x128xi32, #tpu.memory_space<vmem>>, vector<1x16xi32>,
        %get3A_567 = vector.shape_cast %get3A_566 : vector<1x16xi32> to vector<16xi32>
        %add3A_568 = arith.addi %mul3A_562, %get3A_567 : vector<16xi32>
        %swap3A_569 = arith.constant 48 : index
        %swap3A_570 = tpu.vector_load %arg8[%swap3A_569] {strides = array<i32>} : memref<128xi32, #tpu.memory_space<vmem>>, vector<16xi32>,
        %swap3A_571 = vector.shape_cast %swap3A_570 : vector<16xi32> to vector<16xi32>
        %swap3A_572 = vector.shape_cast %add3A_568 : vector<16xi32> to vector<16xi32>
        tpu.vector_store %arg8[%swap3A_569], %swap3A_572 {strides = array<i32>} : memref<128xi32, #tpu.memory_space<vmem>>, vector<16xi32>,
        %get3A_573 = arith.constant 2 : i32
        %get3A_574 = arith.index_cast %get3A_573 : i32 to index
        %get3A_575 = arith.constant 48 : index
        %get3A_576 = tpu.vector_load %arg6[%get3A_574, %get3A_575] {strides = array<i32>} : memref<3x128xi32, #tpu.memory_space<vmem>>, vector<1x16xi32>,
        %get3A_577 = vector.shape_cast %get3A_576 : vector<1x16xi32> to vector<16xi32>
        %add3A_578 = arith.constant 200 : i32
        %add3A_579 = vector.broadcast %add3A_578 : i32 to vector<16xi32>
        %add3A_580 = arith.addi %get3A_577, %add3A_579 : vector<16xi32>
        %swap3A_581 = arith.constant 48 : index
        %swap3A_582 = tpu.vector_load %arg10[%swap3A_581] {strides = array<i32>} : memref<128xi32, #tpu.memory_space<vmem>>, vector<16xi32>,
        %swap3A_583 = vector.shape_cast %swap3A_582 : vector<16xi32> to vector<16xi32>
        %swap3A_584 = vector.shape_cast %add3A_580 : vector<16xi32> to vector<16xi32>
        tpu.vector_store %arg10[%swap3A_581], %swap3A_584 {strides = array<i32>} : memref<128xi32, #tpu.memory_space<vmem>>, vector<16xi32>,
        %get3A_585 = arith.constant 0 : i32
        %get3A_586 = arith.index_cast %get3A_585 : i32 to index
        %get3A_587 = arith.constant 64 : index
        %get3A_588 = tpu.vector_load %arg6[%get3A_586, %get3A_587] {strides = array<i32>} : memref<3x128xi32, #tpu.memory_space<vmem>>, vector<1x16xi32>,
        %get3A_589 = vector.shape_cast %get3A_588 : vector<1x16xi32> to vector<16xi32>
        %mul3A_590 = arith.constant 8 : i32
        %mul3A_591 = vector.broadcast %mul3A_590 : i32 to vector<16xi32>
        %mul3A_592 = arith.muli %get3A_589, %mul3A_591 : vector<16xi32>
        %get3A_593 = arith.constant 1 : i32
        %get3A_594 = arith.index_cast %get3A_593 : i32 to index
        %get3A_595 = arith.constant 64 : index
        %get3A_596 = tpu.vector_load %arg6[%get3A_594, %get3A_595] {strides = array<i32>} : memref<3x128xi32, #tpu.memory_space<vmem>>, vector<1x16xi32>,
        %get3A_597 = vector.shape_cast %get3A_596 : vector<1x16xi32> to vector<16xi32>
        %add3A_598 = arith.addi %mul3A_592, %get3A_597 : vector<16xi32>
        %swap3A_599 = arith.constant 64 : index
        %swap3A_600 = tpu.vector_load %arg8[%swap3A_599] {strides = array<i32>} : memref<128xi32, #tpu.memory_space<vmem>>, vector<16xi32>,
        %swap3A_601 = vector.shape_cast %swap3A_600 : vector<16xi32> to vector<16xi32>
        %swap3A_602 = vector.shape_cast %add3A_598 : vector<16xi32> to vector<16xi32>
        tpu.vector_store %arg8[%swap3A_599], %swap3A_602 {strides = array<i32>} : memref<128xi32, #tpu.memory_space<vmem>>, vector<16xi32>,
        %get3A_603 = arith.constant 2 : i32
        %get3A_604 = arith.index_cast %get3A_603 : i32 to index
        %get3A_605 = arith.constant 64 : index
        %get3A_606 = tpu.vector_load %arg6[%get3A_604, %get3A_605] {strides = array<i32>} : memref<3x128xi32, #tpu.memory_space<vmem>>, vector<1x16xi32>,
        %get3A_607 = vector.shape_cast %get3A_606 : vector<1x16xi32> to vector<16xi32>
        %add3A_608 = arith.constant 200 : i32
        %add3A_609 = vector.broadcast %add3A_608 : i32 to vector<16xi32>
        %add3A_610 = arith.addi %get3A_607, %add3A_609 : vector<16xi32>
        %swap3A_611 = arith.constant 64 : index
        %swap3A_612 = tpu.vector_load %arg10[%swap3A_611] {strides = array<i32>} : memref<128xi32, #tpu.memory_space<vmem>>, vector<16xi32>,
        %swap3A_613 = vector.shape_cast %swap3A_612 : vector<16xi32> to vector<16xi32>
        %swap3A_614 = vector.shape_cast %add3A_610 : vector<16xi32> to vector<16xi32>
        tpu.vector_store %arg10[%swap3A_611], %swap3A_614 {strides = array<i32>} : memref<128xi32, #tpu.memory_space<vmem>>, vector<16xi32>,
        %get3A_615 = arith.constant 0 : i32
        %get3A_616 = arith.index_cast %get3A_615 : i32 to index
        %get3A_617 = arith.constant 80 : index
        %get3A_618 = tpu.vector_load %arg6[%get3A_616, %get3A_617] {strides = array<i32>} : memref<3x128xi32, #tpu.memory_space<vmem>>, vector<1x16xi32>,
        %get3A_619 = vector.shape_cast %get3A_618 : vector<1x16xi32> to vector<16xi32>
        %mul3A_620 = arith.constant 8 : i32
        %mul3A_621 = vector.broadcast %mul3A_620 : i32 to vector<16xi32>
        %mul3A_622 = arith.muli %get3A_619, %mul3A_621 : vector<16xi32>
        %get3A_623 = arith.constant 1 : i32
        %get3A_624 = arith.index_cast %get3A_623 : i32 to index
        %get3A_625 = arith.constant 80 : index
        %get3A_626 = tpu.vector_load %arg6[%get3A_624, %get3A_625] {strides = array<i32>} : memref<3x128xi32, #tpu.memory_space<vmem>>, vector<1x16xi32>,
        %get3A_627 = vector.shape_cast %get3A_626 : vector<1x16xi32> to vector<16xi32>
        %add3A_628 = arith.addi %mul3A_622, %get3A_627 : vector<16xi32>
        %swap3A_629 = arith.constant 80 : index
        %swap3A_630 = tpu.vector_load %arg8[%swap3A_629] {strides = array<i32>} : memref<128xi32, #tpu.memory_space<vmem>>, vector<16xi32>,
        %swap3A_631 = vector.shape_cast %swap3A_630 : vector<16xi32> to vector<16xi32>
        %swap3A_632 = vector.shape_cast %add3A_628 : vector<16xi32> to vector<16xi32>
        tpu.vector_store %arg8[%swap3A_629], %swap3A_632 {strides = array<i32>} : memref<128xi32, #tpu.memory_space<vmem>>, vector<16xi32>,
        %get3A_633 = arith.constant 2 : i32
        %get3A_634 = arith.index_cast %get3A_633 : i32 to index
        %get3A_635 = arith.constant 80 : index
        %get3A_636 = tpu.vector_load %arg6[%get3A_634, %get3A_635] {strides = array<i32>} : memref<3x128xi32, #tpu.memory_space<vmem>>, vector<1x16xi32>,
        %get3A_637 = vector.shape_cast %get3A_636 : vector<1x16xi32> to vector<16xi32>
        %add3A_638 = arith.constant 200 : i32
        %add3A_639 = vector.broadcast %add3A_638 : i32 to vector<16xi32>
        %add3A_640 = arith.addi %get3A_637, %add3A_639 : vector<16xi32>
        %swap3A_641 = arith.constant 80 : index
        %swap3A_642 = tpu.vector_load %arg10[%swap3A_641] {strides = array<i32>} : memref<128xi32, #tpu.memory_space<vmem>>, vector<16xi32>,
        %swap3A_643 = vector.shape_cast %swap3A_642 : vector<16xi32> to vector<16xi32>
        %swap3A_644 = vector.shape_cast %add3A_640 : vector<16xi32> to vector<16xi32>
        tpu.vector_store %arg10[%swap3A_641], %swap3A_644 {strides = array<i32>} : memref<128xi32, #tpu.memory_space<vmem>>, vector<16xi32>,
        %get3A_645 = arith.constant 0 : i32
        %get3A_646 = arith.index_cast %get3A_645 : i32 to index
        %get3A_647 = arith.constant 96 : index
        %get3A_648 = tpu.vector_load %arg6[%get3A_646, %get3A_647] {strides = array<i32>} : memref<3x128xi32, #tpu.memory_space<vmem>>, vector<1x16xi32>,
        %get3A_649 = vector.shape_cast %get3A_648 : vector<1x16xi32> to vector<16xi32>
        %mul3A_650 = arith.constant 8 : i32
        %mul3A_651 = vector.broadcast %mul3A_650 : i32 to vector<16xi32>
        %mul3A_652 = arith.muli %get3A_649, %mul3A_651 : vector<16xi32>
        %get3A_653 = arith.constant 1 : i32
        %get3A_654 = arith.index_cast %get3A_653 : i32 to index
        %get3A_655 = arith.constant 96 : index
        %get3A_656 = tpu.vector_load %arg6[%get3A_654, %get3A_655] {strides = array<i32>} : memref<3x128xi32, #tpu.memory_space<vmem>>, vector<1x16xi32>,
        %get3A_657 = vector.shape_cast %get3A_656 : vector<1x16xi32> to vector<16xi32>
        %add3A_658 = arith.addi %mul3A_652, %get3A_657 : vector<16xi32>
        %swap3A_659 = arith.constant 96 : index
        %swap3A_660 = tpu.vector_load %arg8[%swap3A_659] {strides = array<i32>} : memref<128xi32, #tpu.memory_space<vmem>>, vector<16xi32>,
        %swap3A_661 = vector.shape_cast %swap3A_660 : vector<16xi32> to vector<16xi32>
        %swap3A_662 = vector.shape_cast %add3A_658 : vector<16xi32> to vector<16xi32>
        tpu.vector_store %arg8[%swap3A_659], %swap3A_662 {strides = array<i32>} : memref<128xi32, #tpu.memory_space<vmem>>, vector<16xi32>,
        %get3A_663 = arith.constant 2 : i32
        %get3A_664 = arith.index_cast %get3A_663 : i32 to index
        %get3A_665 = arith.constant 96 : index
        %get3A_666 = tpu.vector_load %arg6[%get3A_664, %get3A_665] {strides = array<i32>} : memref<3x128xi32, #tpu.memory_space<vmem>>, vector<1x16xi32>,
        %get3A_667 = vector.shape_cast %get3A_666 : vector<1x16xi32> to vector<16xi32>
        %add3A_668 = arith.constant 200 : i32
        %add3A_669 = vector.broadcast %add3A_668 : i32 to vector<16xi32>
        %add3A_670 = arith.addi %get3A_667, %add3A_669 : vector<16xi32>
        %swap3A_671 = arith.constant 96 : index
        %swap3A_672 = tpu.vector_load %arg10[%swap3A_671] {strides = array<i32>} : memref<128xi32, #tpu.memory_space<vmem>>, vector<16xi32>,
        %swap3A_673 = vector.shape_cast %swap3A_672 : vector<16xi32> to vector<16xi32>
        %swap3A_674 = vector.shape_cast %add3A_670 : vector<16xi32> to vector<16xi32>
        tpu.vector_store %arg10[%swap3A_671], %swap3A_674 {strides = array<i32>} : memref<128xi32, #tpu.memory_space<vmem>>, vector<16xi32>,
        %get3A_675 = arith.constant 0 : i32
        %get3A_676 = arith.index_cast %get3A_675 : i32 to index
        %get3A_677 = arith.constant 112 : index
        %get3A_678 = tpu.vector_load %arg6[%get3A_676, %get3A_677] {strides = array<i32>} : memref<3x128xi32, #tpu.memory_space<vmem>>, vector<1x16xi32>,
        %get3A_679 = vector.shape_cast %get3A_678 : vector<1x16xi32> to vector<16xi32>
        %mul3A_680 = arith.constant 8 : i32
        %mul3A_681 = vector.broadcast %mul3A_680 : i32 to vector<16xi32>
        %mul3A_682 = arith.muli %get3A_679, %mul3A_681 : vector<16xi32>
        %get3A_683 = arith.constant 1 : i32
        %get3A_684 = arith.index_cast %get3A_683 : i32 to index
        %get3A_685 = arith.constant 112 : index
        %get3A_686 = tpu.vector_load %arg6[%get3A_684, %get3A_685] {strides = array<i32>} : memref<3x128xi32, #tpu.memory_space<vmem>>, vector<1x16xi32>,
        %get3A_687 = vector.shape_cast %get3A_686 : vector<1x16xi32> to vector<16xi32>
        %add3A_688 = arith.addi %mul3A_682, %get3A_687 : vector<16xi32>
        %swap3A_689 = arith.constant 112 : index
        %swap3A_690 = tpu.vector_load %arg8[%swap3A_689] {strides = array<i32>} : memref<128xi32, #tpu.memory_space<vmem>>, vector<16xi32>,
        %swap3A_691 = vector.shape_cast %swap3A_690 : vector<16xi32> to vector<16xi32>
        %swap3A_692 = vector.shape_cast %add3A_688 : vector<16xi32> to vector<16xi32>
        tpu.vector_store %arg8[%swap3A_689], %swap3A_692 {strides = array<i32>} : memref<128xi32, #tpu.memory_space<vmem>>, vector<16xi32>,
        %get3A_693 = arith.constant 2 : i32
        %get3A_694 = arith.index_cast %get3A_693 : i32 to index
        %get3A_695 = arith.constant 112 : index
        %get3A_696 = tpu.vector_load %arg6[%get3A_694, %get3A_695] {strides = array<i32>} : memref<3x128xi32, #tpu.memory_space<vmem>>, vector<1x16xi32>,
        %get3A_697 = vector.shape_cast %get3A_696 : vector<1x16xi32> to vector<16xi32>
        %add3A_698 = arith.constant 200 : i32
        %add3A_699 = vector.broadcast %add3A_698 : i32 to vector<16xi32>
        %add3A_700 = arith.addi %get3A_697, %add3A_699 : vector<16xi32>
        %swap3A_701 = arith.constant 112 : index
        %swap3A_702 = tpu.vector_load %arg10[%swap3A_701] {strides = array<i32>} : memref<128xi32, #tpu.memory_space<vmem>>, vector<16xi32>,
        %swap3A_703 = vector.shape_cast %swap3A_702 : vector<16xi32> to vector<16xi32>
        %swap3A_704 = vector.shape_cast %add3A_700 : vector<16xi32> to vector<16xi32>
        tpu.vector_store %arg10[%swap3A_701], %swap3A_704 {strides = array<i32>} : memref<128xi32, #tpu.memory_space<vmem>>, vector<16xi32>,
        %dma_start3A_705 = arith.constant 0 : i32
        %dma_start3A_706 = arith.constant 0 : i32
        %dma_start3A_707 = tpu.memref_slice %arg5[%dma_start3A_705, %dma_start3A_706] : memref<1792x64xi32, #tpu.memory_space<vmem_shared>> -> memref<1792x64xi32, #tpu.memory_space<vmem_shared>>
        tpu.enqueue_indirect_dma source(%dma_start3A_707 : memref<1792x64xi32, #tpu.memory_space<vmem_shared>>) target(%arg12 : memref<128x64xi32, #tpu.memory_space<vmem>>) offsets(%arg8 : memref<128xi32, #tpu.memory_space<vmem>>) semaphore(%arg20 : memref<!tpu.dma_semaphore, #tpu.memory_space<semaphore_mem>>)
        %dma_start3A_708 = arith.constant 0 : i32
        %dma_start3A_709 = arith.constant 0 : i32
        %dma_start3A_710 = tpu.memref_slice %arg5[%dma_start3A_708, %dma_start3A_709] : memref<1792x64xi32, #tpu.memory_space<vmem_shared>> -> memref<1792x64xi32, #tpu.memory_space<vmem_shared>>
        tpu.enqueue_indirect_dma source(%dma_start3A_710 : memref<1792x64xi32, #tpu.memory_space<vmem_shared>>) target(%arg14 : memref<128x64xi32, #tpu.memory_space<vmem>>) offsets(%arg10 : memref<128xi32, #tpu.memory_space<vmem>>) semaphore(%arg22 : memref<!tpu.dma_semaphore, #tpu.memory_space<semaphore_mem>>)
      } else {
      }
      %add3A_341 = arith.constant 2 : i32
      %add3A_342 = arith.addi %add3A_333, %add3A_341 : i32
      %lt3A_343 = arith.constant 200 : i32
      %lt3A_344 = arith.cmpi slt, %add3A_342, %lt3A_343 : i32
      %convert_element_type3A_345 = arith.extui %lt3A_344 : i1 to i32
      %cond3A_346 = arith.constant 0 : i32
      %cond3A_347 = arith.cmpi ne, %convert_element_type3A_345, %cond3A_346 : i32
      scf.if %cond3A_347 {
        %add3A_456 = arith.constant 2 : i32
        %add3A_457 = arith.addi %add3A_333, %add3A_456 : i32
        %add3A_458 = arith.addi %mul3A_4, %add3A_457 : i32
        %dma_start3A_459 = arith.constant 0 : i32
        %dma_start3A_460 = arith.constant 0 : i32
        %dma_start3A_461 = tpu.memref_slice %arg3[%add3A_458, %dma_start3A_459, %dma_start3A_460] : memref<6400x3x128xi32, #tpu.memory_space<hbm>> -> memref<1x3x128xi32, #tpu.memory_space<hbm>>
        %dma_start3A_462 = tpu.memref_squeeze %dma_start3A_461 : memref<1x3x128xi32, #tpu.memory_space<hbm>> -> memref<3x128xi32, #tpu.memory_space<hbm>>
        %dma_start3A_463 = arith.constant 0 : i32
        %dma_start3A_464 = arith.constant 0 : i32
        %dma_start3A_465 = tpu.memref_slice %arg3[%add3A_458, %dma_start3A_463, %dma_start3A_464] : memref<6400x3x128xi32, #tpu.memory_space<hbm>> -> memref<1x3x128xi32, #tpu.memory_space<hbm>>
        %dma_start3A_466 = tpu.memref_squeeze %dma_start3A_465 : memref<1x3x128xi32, #tpu.memory_space<hbm>> -> memref<3x128xi32, #tpu.memory_space<hbm>>
        tpu.enqueue_dma source(%dma_start3A_466 : memref<3x128xi32, #tpu.memory_space<hbm>>) target(%arg7 : memref<3x128xi32, #tpu.memory_space<vmem>>) target_semaphore(%arg19 : memref<!tpu.dma_semaphore, #tpu.memory_space<semaphore_mem>>)
      } else {
      }
      %ge3A_348 = arith.constant 2 : i32
      %ge3A_349 = arith.cmpi sge, %add3A_333, %ge3A_348 : i32
      %convert_element_type3A_350 = arith.extui %ge3A_349 : i1 to i32
      %cond3A_351 = arith.constant 0 : i32
      %cond3A_352 = arith.cmpi ne, %convert_element_type3A_350, %cond3A_351 : i32
      scf.if %cond3A_352 {
        %dma_wait3A_456 = arith.constant 0 : i32
        %dma_wait3A_457 = tpu.memref_slice %arg4[%mul3A_2, %dma_wait3A_456] : memref<819200x128xf32, #tpu.memory_space<hbm>> -> memref<128x128xf32, #tpu.memory_space<hbm>>
        %dma_wait3A_458 = arith.constant 0 : i32
        %dma_wait3A_459 = tpu.memref_slice %arg4[%mul3A_2, %dma_wait3A_458] : memref<819200x128xf32, #tpu.memory_space<hbm>> -> memref<128x128xf32, #tpu.memory_space<hbm>>
        tpu.wait_dma2 semaphore(%arg25 : memref<!tpu.dma_semaphore, #tpu.memory_space<semaphore_mem>>) src(%arg17 : memref<128x128xf32, #tpu.memory_space<vmem>>) dst(%dma_wait3A_459 : memref<128x128xf32, #tpu.memory_space<hbm>>)
      } else {
      }
      %dma_wait3A_353 = arith.constant 0 : i32
      %dma_wait3A_354 = arith.constant 0 : i32
      %dma_wait3A_355 = tpu.memref_slice %arg5[%dma_wait3A_353, %dma_wait3A_354] : memref<1792x64xi32, #tpu.memory_space<vmem_shared>> -> memref<1792x64xi32, #tpu.memory_space<vmem_shared>>
      tpu.wait_indirect_dma semaphore(%arg21 : memref<!tpu.dma_semaphore, #tpu.memory_space<semaphore_mem>>) src(%dma_wait3A_355 : memref<1792x64xi32, #tpu.memory_space<vmem_shared>>) dst(%arg13 : memref<128x64xi32, #tpu.memory_space<vmem>>)
      %dma_wait3A_356 = arith.constant 0 : i32
      %dma_wait3A_357 = arith.constant 0 : i32
      %dma_wait3A_358 = tpu.memref_slice %arg5[%dma_wait3A_356, %dma_wait3A_357] : memref<1792x64xi32, #tpu.memory_space<vmem_shared>> -> memref<1792x64xi32, #tpu.memory_space<vmem_shared>>
      tpu.wait_indirect_dma semaphore(%arg23 : memref<!tpu.dma_semaphore, #tpu.memory_space<semaphore_mem>>) src(%dma_wait3A_358 : memref<1792x64xi32, #tpu.memory_space<vmem_shared>>) dst(%arg15 : memref<128x64xi32, #tpu.memory_space<vmem>>)
      %scan3A_359 = arith.constant 0 : i32
      %scan3A_360 = arith.constant 0 : i32
      %scan3A_361 = arith.constant 32 : i32
      %scan3A_362 = arith.addi %scan3A_360, %scan3A_361 : i32
      %scan3A_363 = arith.constant 1 : i32
      scf.for %scan3A_456 = %scan3A_360 to %scan3A_362 step %scan3A_363  : i32 {
        %broadcast_in_dim3A = arith.constant -65536 : i32
        %broadcast_in_dim3A_457 = vector.broadcast %broadcast_in_dim3A : i32 to vector<16xi32>
        %mul3A_458 = arith.constant 4 : i32
        %mul3A_459 = arith.muli %scan3A_456, %mul3A_458 : i32
        %add3A_460 = arith.constant 0 : i32
        %add3A_461 = arith.addi %mul3A_459, %add3A_460 : i32
        %get3A_462 = arith.index_cast %add3A_461 : i32 to index
        %get3A_463 = arith.constant 0 : index
        %get3A_464 = tpu.vector_load %arg13[%get3A_462, %get3A_463] {strides = array<i32>} : memref<128x64xi32, #tpu.memory_space<vmem>>, vector<1x16xi32>,
        %get3A_465 = vector.shape_cast %get3A_464 : vector<1x16xi32> to vector<16xi32>
        %get3A_466 = arith.index_cast %add3A_461 : i32 to index
        %get3A_467 = arith.constant 0 : index
        %get3A_468 = tpu.vector_load %arg15[%get3A_466, %get3A_467] {strides = array<i32>} : memref<128x64xi32, #tpu.memory_space<vmem>>, vector<1x16xi32>,
        %get3A_469 = vector.shape_cast %get3A_468 : vector<1x16xi32> to vector<16xi32>
        %shift_left3A = arith.constant 16 : i32
        %shift_left3A_470 = vector.broadcast %shift_left3A : i32 to vector<16xi32>
        %shift_left3A_471 = arith.shli %get3A_465, %shift_left3A_470 : vector<16xi32>
        %bitcast_convert_type3A = tpu.bitcast %shift_left3A_471 : vector<16xi32> -> vector<16xf32>
        %shift_left3A_472 = arith.constant 16 : i32
        %shift_left3A_473 = vector.broadcast %shift_left3A_472 : i32 to vector<16xi32>
        %shift_left3A_474 = arith.shli %get3A_469, %shift_left3A_473 : vector<16xi32>
        %bitcast_convert_type3A_475 = tpu.bitcast %shift_left3A_474 : vector<16xi32> -> vector<16xf32>
        %and3A = arith.andi %get3A_465, %broadcast_in_dim3A_457 : vector<16xi32>
        %bitcast_convert_type3A_476 = tpu.bitcast %and3A : vector<16xi32> -> vector<16xf32>
        %and3A_477 = arith.andi %get3A_469, %broadcast_in_dim3A_457 : vector<16xi32>
        %bitcast_convert_type3A_478 = tpu.bitcast %and3A_477 : vector<16xi32> -> vector<16xf32>
        %add3A_479 = arith.addf %bitcast_convert_type3A_476, %bitcast_convert_type3A_478 : vector<16xf32>
        %swap3A_480 = arith.index_cast %add3A_461 : i32 to index
        %swap3A_481 = arith.constant 0 : index
        %swap3A_482 = tpu.vector_load %arg17[%swap3A_480, %swap3A_481] {strides = array<i32>} : memref<128x128xf32, #tpu.memory_space<vmem>>, vector<1x16xf32>,
        %swap3A_483 = vector.shape_cast %swap3A_482 : vector<1x16xf32> to vector<16xf32>
        %swap3A_484 = vector.shape_cast %add3A_479 : vector<16xf32> to vector<1x16xf32>
        tpu.vector_store %arg17[%swap3A_480, %swap3A_481], %swap3A_484 {strides = array<i32>} : memref<128x128xf32, #tpu.memory_space<vmem>>, vector<1x16xf32>,
        %add3A_485 = arith.addf %bitcast_convert_type3A, %bitcast_convert_type3A_475 : vector<16xf32>
        %swap3A_486 = arith.index_cast %add3A_461 : i32 to index
        %swap3A_487 = arith.constant 16 : index
        %swap3A_488 = tpu.vector_load %arg17[%swap3A_486, %swap3A_487] {strides = array<i32>} : memref<128x128xf32, #tpu.memory_space<vmem>>, vector<1x16xf32>,
        %swap3A_489 = vector.shape_cast %swap3A_488 : vector<1x16xf32> to vector<16xf32>
        %swap3A_490 = vector.shape_cast %add3A_485 : vector<16xf32> to vector<1x16xf32>
        tpu.vector_store %arg17[%swap3A_486, %swap3A_487], %swap3A_490 {strides = array<i32>} : memref<128x128xf32, #tpu.memory_space<vmem>>, vector<1x16xf32>,
        %get3A_491 = arith.index_cast %add3A_461 : i32 to index
        %get3A_492 = arith.constant 16 : index
        %get3A_493 = tpu.vector_load %arg13[%get3A_491, %get3A_492] {strides = array<i32>} : memref<128x64xi32, #tpu.memory_space<vmem>>, vector<1x16xi32>,
        %get3A_494 = vector.shape_cast %get3A_493 : vector<1x16xi32> to vector<16xi32>
        %get3A_495 = arith.index_cast %add3A_461 : i32 to index
        %get3A_496 = arith.constant 16 : index
        %get3A_497 = tpu.vector_load %arg15[%get3A_495, %get3A_496] {strides = array<i32>} : memref<128x64xi32, #tpu.memory_space<vmem>>, vector<1x16xi32>,
        %get3A_498 = vector.shape_cast %get3A_497 : vector<1x16xi32> to vector<16xi32>
        %shift_left3A_499 = arith.constant 16 : i32
        %shift_left3A_500 = vector.broadcast %shift_left3A_499 : i32 to vector<16xi32>
        %shift_left3A_501 = arith.shli %get3A_494, %shift_left3A_500 : vector<16xi32>
        %bitcast_convert_type3A_502 = tpu.bitcast %shift_left3A_501 : vector<16xi32> -> vector<16xf32>
        %shift_left3A_503 = arith.constant 16 : i32
        %shift_left3A_504 = vector.broadcast %shift_left3A_503 : i32 to vector<16xi32>
        %shift_left3A_505 = arith.shli %get3A_498, %shift_left3A_504 : vector<16xi32>
        %bitcast_convert_type3A_506 = tpu.bitcast %shift_left3A_505 : vector<16xi32> -> vector<16xf32>
        %and3A_507 = arith.andi %get3A_494, %broadcast_in_dim3A_457 : vector<16xi32>
        %bitcast_convert_type3A_508 = tpu.bitcast %and3A_507 : vector<16xi32> -> vector<16xf32>
        %and3A_509 = arith.andi %get3A_498, %broadcast_in_dim3A_457 : vector<16xi32>
        %bitcast_convert_type3A_510 = tpu.bitcast %and3A_509 : vector<16xi32> -> vector<16xf32>
        %add3A_511 = arith.addf %bitcast_convert_type3A_508, %bitcast_convert_type3A_510 : vector<16xf32>
        %swap3A_512 = arith.index_cast %add3A_461 : i32 to index
        %swap3A_513 = arith.constant 32 : index
        %swap3A_514 = tpu.vector_load %arg17[%swap3A_512, %swap3A_513] {strides = array<i32>} : memref<128x128xf32, #tpu.memory_space<vmem>>, vector<1x16xf32>,
        %swap3A_515 = vector.shape_cast %swap3A_514 : vector<1x16xf32> to vector<16xf32>
        %swap3A_516 = vector.shape_cast %add3A_511 : vector<16xf32> to vector<1x16xf32>
        tpu.vector_store %arg17[%swap3A_512, %swap3A_513], %swap3A_516 {strides = array<i32>} : memref<128x128xf32, #tpu.memory_space<vmem>>, vector<1x16xf32>,
        %add3A_517 = arith.addf %bitcast_convert_type3A_502, %bitcast_convert_type3A_506 : vector<16xf32>
        %swap3A_518 = arith.index_cast %add3A_461 : i32 to index
        %swap3A_519 = arith.constant 48 : index
        %swap3A_520 = tpu.vector_load %arg17[%swap3A_518, %swap3A_519] {strides = array<i32>} : memref<128x128xf32, #tpu.memory_space<vmem>>, vector<1x16xf32>,
        %swap3A_521 = vector.shape_cast %swap3A_520 : vector<1x16xf32> to vector<16xf32>
        %swap3A_522 = vector.shape_cast %add3A_517 : vector<16xf32> to vector<1x16xf32>
        tpu.vector_store %arg17[%swap3A_518, %swap3A_519], %swap3A_522 {strides = array<i32>} : memref<128x128xf32, #tpu.memory_space<vmem>>, vector<1x16xf32>,
        %get3A_523 = arith.index_cast %add3A_461 : i32 to index
        %get3A_524 = arith.constant 32 : index
        %get3A_525 = tpu.vector_load %arg13[%get3A_523, %get3A_524] {strides = array<i32>} : memref<128x64xi32, #tpu.memory_space<vmem>>, vector<1x16xi32>,
        %get3A_526 = vector.shape_cast %get3A_525 : vector<1x16xi32> to vector<16xi32>
        %get3A_527 = arith.index_cast %add3A_461 : i32 to index
        %get3A_528 = arith.constant 32 : index
        %get3A_529 = tpu.vector_load %arg15[%get3A_527, %get3A_528] {strides = array<i32>} : memref<128x64xi32, #tpu.memory_space<vmem>>, vector<1x16xi32>,
        %get3A_530 = vector.shape_cast %get3A_529 : vector<1x16xi32> to vector<16xi32>
        %shift_left3A_531 = arith.constant 16 : i32
        %shift_left3A_532 = vector.broadcast %shift_left3A_531 : i32 to vector<16xi32>
        %shift_left3A_533 = arith.shli %get3A_526, %shift_left3A_532 : vector<16xi32>
        %bitcast_convert_type3A_534 = tpu.bitcast %shift_left3A_533 : vector<16xi32> -> vector<16xf32>
        %shift_left3A_535 = arith.constant 16 : i32
        %shift_left3A_536 = vector.broadcast %shift_left3A_535 : i32 to vector<16xi32>
        %shift_left3A_537 = arith.shli %get3A_530, %shift_left3A_536 : vector<16xi32>
        %bitcast_convert_type3A_538 = tpu.bitcast %shift_left3A_537 : vector<16xi32> -> vector<16xf32>
        %and3A_539 = arith.andi %get3A_526, %broadcast_in_dim3A_457 : vector<16xi32>
        %bitcast_convert_type3A_540 = tpu.bitcast %and3A_539 : vector<16xi32> -> vector<16xf32>
        %and3A_541 = arith.andi %get3A_530, %broadcast_in_dim3A_457 : vector<16xi32>
        %bitcast_convert_type3A_542 = tpu.bitcast %and3A_541 : vector<16xi32> -> vector<16xf32>
        %add3A_543 = arith.addf %bitcast_convert_type3A_540, %bitcast_convert_type3A_542 : vector<16xf32>
        %swap3A_544 = arith.index_cast %add3A_461 : i32 to index
        %swap3A_545 = arith.constant 64 : index
        %swap3A_546 = tpu.vector_load %arg17[%swap3A_544, %swap3A_545] {strides = array<i32>} : memref<128x128xf32, #tpu.memory_space<vmem>>, vector<1x16xf32>,
        %swap3A_547 = vector.shape_cast %swap3A_546 : vector<1x16xf32> to vector<16xf32>
        %swap3A_548 = vector.shape_cast %add3A_543 : vector<16xf32> to vector<1x16xf32>
        tpu.vector_store %arg17[%swap3A_544, %swap3A_545], %swap3A_548 {strides = array<i32>} : memref<128x128xf32, #tpu.memory_space<vmem>>, vector<1x16xf32>,
        %add3A_549 = arith.addf %bitcast_convert_type3A_534, %bitcast_convert_type3A_538 : vector<16xf32>
        %swap3A_550 = arith.index_cast %add3A_461 : i32 to index
        %swap3A_551 = arith.constant 80 : index
        %swap3A_552 = tpu.vector_load %arg17[%swap3A_550, %swap3A_551] {strides = array<i32>} : memref<128x128xf32, #tpu.memory_space<vmem>>, vector<1x16xf32>,
        %swap3A_553 = vector.shape_cast %swap3A_552 : vector<1x16xf32> to vector<16xf32>
        %swap3A_554 = vector.shape_cast %add3A_549 : vector<16xf32> to vector<1x16xf32>
        tpu.vector_store %arg17[%swap3A_550, %swap3A_551], %swap3A_554 {strides = array<i32>} : memref<128x128xf32, #tpu.memory_space<vmem>>, vector<1x16xf32>,
        %get3A_555 = arith.index_cast %add3A_461 : i32 to index
        %get3A_556 = arith.constant 48 : index
        %get3A_557 = tpu.vector_load %arg13[%get3A_555, %get3A_556] {strides = array<i32>} : memref<128x64xi32, #tpu.memory_space<vmem>>, vector<1x16xi32>,
        %get3A_558 = vector.shape_cast %get3A_557 : vector<1x16xi32> to vector<16xi32>
        %get3A_559 = arith.index_cast %add3A_461 : i32 to index
        %get3A_560 = arith.constant 48 : index
        %get3A_561 = tpu.vector_load %arg15[%get3A_559, %get3A_560] {strides = array<i32>} : memref<128x64xi32, #tpu.memory_space<vmem>>, vector<1x16xi32>,
        %get3A_562 = vector.shape_cast %get3A_561 : vector<1x16xi32> to vector<16xi32>
        %shift_left3A_563 = arith.constant 16 : i32
        %shift_left3A_564 = vector.broadcast %shift_left3A_563 : i32 to vector<16xi32>
        %shift_left3A_565 = arith.shli %get3A_558, %shift_left3A_564 : vector<16xi32>
        %bitcast_convert_type3A_566 = tpu.bitcast %shift_left3A_565 : vector<16xi32> -> vector<16xf32>
        %shift_left3A_567 = arith.constant 16 : i32
        %shift_left3A_568 = vector.broadcast %shift_left3A_567 : i32 to vector<16xi32>
        %shift_left3A_569 = arith.shli %get3A_562, %shift_left3A_568 : vector<16xi32>
        %bitcast_convert_type3A_570 = tpu.bitcast %shift_left3A_569 : vector<16xi32> -> vector<16xf32>
        %and3A_571 = arith.andi %get3A_558, %broadcast_in_dim3A_457 : vector<16xi32>
        %bitcast_convert_type3A_572 = tpu.bitcast %and3A_571 : vector<16xi32> -> vector<16xf32>
        %and3A_573 = arith.andi %get3A_562, %broadcast_in_dim3A_457 : vector<16xi32>
        %bitcast_convert_type3A_574 = tpu.bitcast %and3A_573 : vector<16xi32> -> vector<16xf32>
        %add3A_575 = arith.addf %bitcast_convert_type3A_572, %bitcast_convert_type3A_574 : vector<16xf32>
        %swap3A_576 = arith.index_cast %add3A_461 : i32 to index
        %swap3A_577 = arith.constant 96 : index
        %swap3A_578 = tpu.vector_load %arg17[%swap3A_576, %swap3A_577] {strides = array<i32>} : memref<128x128xf32, #tpu.memory_space<vmem>>, vector<1x16xf32>,
        %swap3A_579 = vector.shape_cast %swap3A_578 : vector<1x16xf32> to vector<16xf32>
        %swap3A_580 = vector.shape_cast %add3A_575 : vector<16xf32> to vector<1x16xf32>
        tpu.vector_store %arg17[%swap3A_576, %swap3A_577], %swap3A_580 {strides = array<i32>} : memref<128x128xf32, #tpu.memory_space<vmem>>, vector<1x16xf32>,
        %add3A_581 = arith.addf %bitcast_convert_type3A_566, %bitcast_convert_type3A_570 : vector<16xf32>
        %swap3A_582 = arith.index_cast %add3A_461 : i32 to index
        %swap3A_583 = arith.constant 112 : index
        %swap3A_584 = tpu.vector_load %arg17[%swap3A_582, %swap3A_583] {strides = array<i32>} : memref<128x128xf32, #tpu.memory_space<vmem>>, vector<1x16xf32>,
        %swap3A_585 = vector.shape_cast %swap3A_584 : vector<1x16xf32> to vector<16xf32>
        %swap3A_586 = vector.shape_cast %add3A_581 : vector<16xf32> to vector<1x16xf32>
        tpu.vector_store %arg17[%swap3A_582, %swap3A_583], %swap3A_586 {strides = array<i32>} : memref<128x128xf32, #tpu.memory_space<vmem>>, vector<1x16xf32>,
        %mul3A_587 = arith.constant 4 : i32
        %mul3A_588 = arith.muli %scan3A_456, %mul3A_587 : i32
        %add3A_589 = arith.constant 1 : i32
        %add3A_590 = arith.addi %mul3A_588, %add3A_589 : i32
        %get3A_591 = arith.index_cast %add3A_590 : i32 to index
        %get3A_592 = arith.constant 0 : index
        %get3A_593 = tpu.vector_load %arg13[%get3A_591, %get3A_592] {strides = array<i32>} : memref<128x64xi32, #tpu.memory_space<vmem>>, vector<1x16xi32>,
        %get3A_594 = vector.shape_cast %get3A_593 : vector<1x16xi32> to vector<16xi32>
        %get3A_595 = arith.index_cast %add3A_590 : i32 to index
        %get3A_596 = arith.constant 0 : index
        %get3A_597 = tpu.vector_load %arg15[%get3A_595, %get3A_596] {strides = array<i32>} : memref<128x64xi32, #tpu.memory_space<vmem>>, vector<1x16xi32>,
        %get3A_598 = vector.shape_cast %get3A_597 : vector<1x16xi32> to vector<16xi32>
        %shift_left3A_599 = arith.constant 16 : i32
        %shift_left3A_600 = vector.broadcast %shift_left3A_599 : i32 to vector<16xi32>
        %shift_left3A_601 = arith.shli %get3A_594, %shift_left3A_600 : vector<16xi32>
        %bitcast_convert_type3A_602 = tpu.bitcast %shift_left3A_601 : vector<16xi32> -> vector<16xf32>
        %shift_left3A_603 = arith.constant 16 : i32
        %shift_left3A_604 = vector.broadcast %shift_left3A_603 : i32 to vector<16xi32>
        %shift_left3A_605 = arith.shli %get3A_598, %shift_left3A_604 : vector<16xi32>
        %bitcast_convert_type3A_606 = tpu.bitcast %shift_left3A_605 : vector<16xi32> -> vector<16xf32>
        %and3A_607 = arith.andi %get3A_594, %broadcast_in_dim3A_457 : vector<16xi32>
        %bitcast_convert_type3A_608 = tpu.bitcast %and3A_607 : vector<16xi32> -> vector<16xf32>
        %and3A_609 = arith.andi %get3A_598, %broadcast_in_dim3A_457 : vector<16xi32>
        %bitcast_convert_type3A_610 = tpu.bitcast %and3A_609 : vector<16xi32> -> vector<16xf32>
        %add3A_611 = arith.addf %bitcast_convert_type3A_608, %bitcast_convert_type3A_610 : vector<16xf32>
        %swap3A_612 = arith.index_cast %add3A_590 : i32 to index
        %swap3A_613 = arith.constant 0 : index
        %swap3A_614 = tpu.vector_load %arg17[%swap3A_612, %swap3A_613] {strides = array<i32>} : memref<128x128xf32, #tpu.memory_space<vmem>>, vector<1x16xf32>,
        %swap3A_615 = vector.shape_cast %swap3A_614 : vector<1x16xf32> to vector<16xf32>
        %swap3A_616 = vector.shape_cast %add3A_611 : vector<16xf32> to vector<1x16xf32>
        tpu.vector_store %arg17[%swap3A_612, %swap3A_613], %swap3A_616 {strides = array<i32>} : memref<128x128xf32, #tpu.memory_space<vmem>>, vector<1x16xf32>,
        %add3A_617 = arith.addf %bitcast_convert_type3A_602, %bitcast_convert_type3A_606 : vector<16xf32>
        %swap3A_618 = arith.index_cast %add3A_590 : i32 to index
        %swap3A_619 = arith.constant 16 : index
        %swap3A_620 = tpu.vector_load %arg17[%swap3A_618, %swap3A_619] {strides = array<i32>} : memref<128x128xf32, #tpu.memory_space<vmem>>, vector<1x16xf32>,
        %swap3A_621 = vector.shape_cast %swap3A_620 : vector<1x16xf32> to vector<16xf32>
        %swap3A_622 = vector.shape_cast %add3A_617 : vector<16xf32> to vector<1x16xf32>
        tpu.vector_store %arg17[%swap3A_618, %swap3A_619], %swap3A_622 {strides = array<i32>} : memref<128x128xf32, #tpu.memory_space<vmem>>, vector<1x16xf32>,
        %get3A_623 = arith.index_cast %add3A_590 : i32 to index
        %get3A_624 = arith.constant 16 : index
        %get3A_625 = tpu.vector_load %arg13[%get3A_623, %get3A_624] {strides = array<i32>} : memref<128x64xi32, #tpu.memory_space<vmem>>, vector<1x16xi32>,
        %get3A_626 = vector.shape_cast %get3A_625 : vector<1x16xi32> to vector<16xi32>
        %get3A_627 = arith.index_cast %add3A_590 : i32 to index
        %get3A_628 = arith.constant 16 : index
        %get3A_629 = tpu.vector_load %arg15[%get3A_627, %get3A_628] {strides = array<i32>} : memref<128x64xi32, #tpu.memory_space<vmem>>, vector<1x16xi32>,
        %get3A_630 = vector.shape_cast %get3A_629 : vector<1x16xi32> to vector<16xi32>
        %shift_left3A_631 = arith.constant 16 : i32
        %shift_left3A_632 = vector.broadcast %shift_left3A_631 : i32 to vector<16xi32>
        %shift_left3A_633 = arith.shli %get3A_626, %shift_left3A_632 : vector<16xi32>
        %bitcast_convert_type3A_634 = tpu.bitcast %shift_left3A_633 : vector<16xi32> -> vector<16xf32>
        %shift_left3A_635 = arith.constant 16 : i32
        %shift_left3A_636 = vector.broadcast %shift_left3A_635 : i32 to vector<16xi32>
        %shift_left3A_637 = arith.shli %get3A_630, %shift_left3A_636 : vector<16xi32>
        %bitcast_convert_type3A_638 = tpu.bitcast %shift_left3A_637 : vector<16xi32> -> vector<16xf32>
        %and3A_639 = arith.andi %get3A_626, %broadcast_in_dim3A_457 : vector<16xi32>
        %bitcast_convert_type3A_640 = tpu.bitcast %and3A_639 : vector<16xi32> -> vector<16xf32>
        %and3A_641 = arith.andi %get3A_630, %broadcast_in_dim3A_457 : vector<16xi32>
        %bitcast_convert_type3A_642 = tpu.bitcast %and3A_641 : vector<16xi32> -> vector<16xf32>
        %add3A_643 = arith.addf %bitcast_convert_type3A_640, %bitcast_convert_type3A_642 : vector<16xf32>
        %swap3A_644 = arith.index_cast %add3A_590 : i32 to index
        %swap3A_645 = arith.constant 32 : index
        %swap3A_646 = tpu.vector_load %arg17[%swap3A_644, %swap3A_645] {strides = array<i32>} : memref<128x128xf32, #tpu.memory_space<vmem>>, vector<1x16xf32>,
        %swap3A_647 = vector.shape_cast %swap3A_646 : vector<1x16xf32> to vector<16xf32>
        %swap3A_648 = vector.shape_cast %add3A_643 : vector<16xf32> to vector<1x16xf32>
        tpu.vector_store %arg17[%swap3A_644, %swap3A_645], %swap3A_648 {strides = array<i32>} : memref<128x128xf32, #tpu.memory_space<vmem>>, vector<1x16xf32>,
        %add3A_649 = arith.addf %bitcast_convert_type3A_634, %bitcast_convert_type3A_638 : vector<16xf32>
        %swap3A_650 = arith.index_cast %add3A_590 : i32 to index
        %swap3A_651 = arith.constant 48 : index
        %swap3A_652 = tpu.vector_load %arg17[%swap3A_650, %swap3A_651] {strides = array<i32>} : memref<128x128xf32, #tpu.memory_space<vmem>>, vector<1x16xf32>,
        %swap3A_653 = vector.shape_cast %swap3A_652 : vector<1x16xf32> to vector<16xf32>
        %swap3A_654 = vector.shape_cast %add3A_649 : vector<16xf32> to vector<1x16xf32>
        tpu.vector_store %arg17[%swap3A_650, %swap3A_651], %swap3A_654 {strides = array<i32>} : memref<128x128xf32, #tpu.memory_space<vmem>>, vector<1x16xf32>,
        %get3A_655 = arith.index_cast %add3A_590 : i32 to index
        %get3A_656 = arith.constant 32 : index
        %get3A_657 = tpu.vector_load %arg13[%get3A_655, %get3A_656] {strides = array<i32>} : memref<128x64xi32, #tpu.memory_space<vmem>>, vector<1x16xi32>,
        %get3A_658 = vector.shape_cast %get3A_657 : vector<1x16xi32> to vector<16xi32>
        %get3A_659 = arith.index_cast %add3A_590 : i32 to index
        %get3A_660 = arith.constant 32 : index
        %get3A_661 = tpu.vector_load %arg15[%get3A_659, %get3A_660] {strides = array<i32>} : memref<128x64xi32, #tpu.memory_space<vmem>>, vector<1x16xi32>,
        %get3A_662 = vector.shape_cast %get3A_661 : vector<1x16xi32> to vector<16xi32>
        %shift_left3A_663 = arith.constant 16 : i32
        %shift_left3A_664 = vector.broadcast %shift_left3A_663 : i32 to vector<16xi32>
        %shift_left3A_665 = arith.shli %get3A_658, %shift_left3A_664 : vector<16xi32>
        %bitcast_convert_type3A_666 = tpu.bitcast %shift_left3A_665 : vector<16xi32> -> vector<16xf32>
        %shift_left3A_667 = arith.constant 16 : i32
        %shift_left3A_668 = vector.broadcast %shift_left3A_667 : i32 to vector<16xi32>
        %shift_left3A_669 = arith.shli %get3A_662, %shift_left3A_668 : vector<16xi32>
        %bitcast_convert_type3A_670 = tpu.bitcast %shift_left3A_669 : vector<16xi32> -> vector<16xf32>
        %and3A_671 = arith.andi %get3A_658, %broadcast_in_dim3A_457 : vector<16xi32>
        %bitcast_convert_type3A_672 = tpu.bitcast %and3A_671 : vector<16xi32> -> vector<16xf32>
        %and3A_673 = arith.andi %get3A_662, %broadcast_in_dim3A_457 : vector<16xi32>
        %bitcast_convert_type3A_674 = tpu.bitcast %and3A_673 : vector<16xi32> -> vector<16xf32>
        %add3A_675 = arith.addf %bitcast_convert_type3A_672, %bitcast_convert_type3A_674 : vector<16xf32>
        %swap3A_676 = arith.index_cast %add3A_590 : i32 to index
        %swap3A_677 = arith.constant 64 : index
        %swap3A_678 = tpu.vector_load %arg17[%swap3A_676, %swap3A_677] {strides = array<i32>} : memref<128x128xf32, #tpu.memory_space<vmem>>, vector<1x16xf32>,
        %swap3A_679 = vector.shape_cast %swap3A_678 : vector<1x16xf32> to vector<16xf32>
        %swap3A_680 = vector.shape_cast %add3A_675 : vector<16xf32> to vector<1x16xf32>
        tpu.vector_store %arg17[%swap3A_676, %swap3A_677], %swap3A_680 {strides = array<i32>} : memref<128x128xf32, #tpu.memory_space<vmem>>, vector<1x16xf32>,
        %add3A_681 = arith.addf %bitcast_convert_type3A_666, %bitcast_convert_type3A_670 : vector<16xf32>
        %swap3A_682 = arith.index_cast %add3A_590 : i32 to index
        %swap3A_683 = arith.constant 80 : index
        %swap3A_684 = tpu.vector_load %arg17[%swap3A_682, %swap3A_683] {strides = array<i32>} : memref<128x128xf32, #tpu.memory_space<vmem>>, vector<1x16xf32>,
        %swap3A_685 = vector.shape_cast %swap3A_684 : vector<1x16xf32> to vector<16xf32>
        %swap3A_686 = vector.shape_cast %add3A_681 : vector<16xf32> to vector<1x16xf32>
        tpu.vector_store %arg17[%swap3A_682, %swap3A_683], %swap3A_686 {strides = array<i32>} : memref<128x128xf32, #tpu.memory_space<vmem>>, vector<1x16xf32>,
        %get3A_687 = arith.index_cast %add3A_590 : i32 to index
        %get3A_688 = arith.constant 48 : index
        %get3A_689 = tpu.vector_load %arg13[%get3A_687, %get3A_688] {strides = array<i32>} : memref<128x64xi32, #tpu.memory_space<vmem>>, vector<1x16xi32>,
        %get3A_690 = vector.shape_cast %get3A_689 : vector<1x16xi32> to vector<16xi32>
        %get3A_691 = arith.index_cast %add3A_590 : i32 to index
        %get3A_692 = arith.constant 48 : index
        %get3A_693 = tpu.vector_load %arg15[%get3A_691, %get3A_692] {strides = array<i32>} : memref<128x64xi32, #tpu.memory_space<vmem>>, vector<1x16xi32>,
        %get3A_694 = vector.shape_cast %get3A_693 : vector<1x16xi32> to vector<16xi32>
        %shift_left3A_695 = arith.constant 16 : i32
        %shift_left3A_696 = vector.broadcast %shift_left3A_695 : i32 to vector<16xi32>
        %shift_left3A_697 = arith.shli %get3A_690, %shift_left3A_696 : vector<16xi32>
        %bitcast_convert_type3A_698 = tpu.bitcast %shift_left3A_697 : vector<16xi32> -> vector<16xf32>
        %shift_left3A_699 = arith.constant 16 : i32
        %shift_left3A_700 = vector.broadcast %shift_left3A_699 : i32 to vector<16xi32>
        %shift_left3A_701 = arith.shli %get3A_694, %shift_left3A_700 : vector<16xi32>
        %bitcast_convert_type3A_702 = tpu.bitcast %shift_left3A_701 : vector<16xi32> -> vector<16xf32>
        %and3A_703 = arith.andi %get3A_690, %broadcast_in_dim3A_457 : vector<16xi32>
        %bitcast_convert_type3A_704 = tpu.bitcast %and3A_703 : vector<16xi32> -> vector<16xf32>
        %and3A_705 = arith.andi %get3A_694, %broadcast_in_dim3A_457 : vector<16xi32>
        %bitcast_convert_type3A_706 = tpu.bitcast %and3A_705 : vector<16xi32> -> vector<16xf32>
        %add3A_707 = arith.addf %bitcast_convert_type3A_704, %bitcast_convert_type3A_706 : vector<16xf32>
        %swap3A_708 = arith.index_cast %add3A_590 : i32 to index
        %swap3A_709 = arith.constant 96 : index
        %swap3A_710 = tpu.vector_load %arg17[%swap3A_708, %swap3A_709] {strides = array<i32>} : memref<128x128xf32, #tpu.memory_space<vmem>>, vector<1x16xf32>,
        %swap3A_711 = vector.shape_cast %swap3A_710 : vector<1x16xf32> to vector<16xf32>
        %swap3A_712 = vector.shape_cast %add3A_707 : vector<16xf32> to vector<1x16xf32>
        tpu.vector_store %arg17[%swap3A_708, %swap3A_709], %swap3A_712 {strides = array<i32>} : memref<128x128xf32, #tpu.memory_space<vmem>>, vector<1x16xf32>,
        %add3A_713 = arith.addf %bitcast_convert_type3A_698, %bitcast_convert_type3A_702 : vector<16xf32>
        %swap3A_714 = arith.index_cast %add3A_590 : i32 to index
        %swap3A_715 = arith.constant 112 : index
        %swap3A_716 = tpu.vector_load %arg17[%swap3A_714, %swap3A_715] {strides = array<i32>} : memref<128x128xf32, #tpu.memory_space<vmem>>, vector<1x16xf32>,
        %swap3A_717 = vector.shape_cast %swap3A_716 : vector<1x16xf32> to vector<16xf32>
        %swap3A_718 = vector.shape_cast %add3A_713 : vector<16xf32> to vector<1x16xf32>
        tpu.vector_store %arg17[%swap3A_714, %swap3A_715], %swap3A_718 {strides = array<i32>} : memref<128x128xf32, #tpu.memory_space<vmem>>, vector<1x16xf32>,
        %mul3A_719 = arith.constant 4 : i32
        %mul3A_720 = arith.muli %scan3A_456, %mul3A_719 : i32
        %add3A_721 = arith.constant 2 : i32
        %add3A_722 = arith.addi %mul3A_720, %add3A_721 : i32
        %get3A_723 = arith.index_cast %add3A_722 : i32 to index
        %get3A_724 = arith.constant 0 : index
        %get3A_725 = tpu.vector_load %arg13[%get3A_723, %get3A_724] {strides = array<i32>} : memref<128x64xi32, #tpu.memory_space<vmem>>, vector<1x16xi32>,
        %get3A_726 = vector.shape_cast %get3A_725 : vector<1x16xi32> to vector<16xi32>
        %get3A_727 = arith.index_cast %add3A_722 : i32 to index
        %get3A_728 = arith.constant 0 : index
        %get3A_729 = tpu.vector_load %arg15[%get3A_727, %get3A_728] {strides = array<i32>} : memref<128x64xi32, #tpu.memory_space<vmem>>, vector<1x16xi32>,
        %get3A_730 = vector.shape_cast %get3A_729 : vector<1x16xi32> to vector<16xi32>
        %shift_left3A_731 = arith.constant 16 : i32
        %shift_left3A_732 = vector.broadcast %shift_left3A_731 : i32 to vector<16xi32>
        %shift_left3A_733 = arith.shli %get3A_726, %shift_left3A_732 : vector<16xi32>
        %bitcast_convert_type3A_734 = tpu.bitcast %shift_left3A_733 : vector<16xi32> -> vector<16xf32>
        %shift_left3A_735 = arith.constant 16 : i32
        %shift_left3A_736 = vector.broadcast %shift_left3A_735 : i32 to vector<16xi32>
        %shift_left3A_737 = arith.shli %get3A_730, %shift_left3A_736 : vector<16xi32>
        %bitcast_convert_type3A_738 = tpu.bitcast %shift_left3A_737 : vector<16xi32> -> vector<16xf32>
        %and3A_739 = arith.andi %get3A_726, %broadcast_in_dim3A_457 : vector<16xi32>
        %bitcast_convert_type3A_740 = tpu.bitcast %and3A_739 : vector<16xi32> -> vector<16xf32>
        %and3A_741 = arith.andi %get3A_730, %broadcast_in_dim3A_457 : vector<16xi32>
        %bitcast_convert_type3A_742 = tpu.bitcast %and3A_741 : vector<16xi32> -> vector<16xf32>
        %add3A_743 = arith.addf %bitcast_convert_type3A_740, %bitcast_convert_type3A_742 : vector<16xf32>
        %swap3A_744 = arith.index_cast %add3A_722 : i32 to index
        %swap3A_745 = arith.constant 0 : index
        %swap3A_746 = tpu.vector_load %arg17[%swap3A_744, %swap3A_745] {strides = array<i32>} : memref<128x128xf32, #tpu.memory_space<vmem>>, vector<1x16xf32>,
        %swap3A_747 = vector.shape_cast %swap3A_746 : vector<1x16xf32> to vector<16xf32>
        %swap3A_748 = vector.shape_cast %add3A_743 : vector<16xf32> to vector<1x16xf32>
        tpu.vector_store %arg17[%swap3A_744, %swap3A_745], %swap3A_748 {strides = array<i32>} : memref<128x128xf32, #tpu.memory_space<vmem>>, vector<1x16xf32>,
        %add3A_749 = arith.addf %bitcast_convert_type3A_734, %bitcast_convert_type3A_738 : vector<16xf32>
        %swap3A_750 = arith.index_cast %add3A_722 : i32 to index
        %swap3A_751 = arith.constant 16 : index
        %swap3A_752 = tpu.vector_load %arg17[%swap3A_750, %swap3A_751] {strides = array<i32>} : memref<128x128xf32, #tpu.memory_space<vmem>>, vector<1x16xf32>,
        %swap3A_753 = vector.shape_cast %swap3A_752 : vector<1x16xf32> to vector<16xf32>
        %swap3A_754 = vector.shape_cast %add3A_749 : vector<16xf32> to vector<1x16xf32>
        tpu.vector_store %arg17[%swap3A_750, %swap3A_751], %swap3A_754 {strides = array<i32>} : memref<128x128xf32, #tpu.memory_space<vmem>>, vector<1x16xf32>,
        %get3A_755 = arith.index_cast %add3A_722 : i32 to index
        %get3A_756 = arith.constant 16 : index
        %get3A_757 = tpu.vector_load %arg13[%get3A_755, %get3A_756] {strides = array<i32>} : memref<128x64xi32, #tpu.memory_space<vmem>>, vector<1x16xi32>,
        %get3A_758 = vector.shape_cast %get3A_757 : vector<1x16xi32> to vector<16xi32>
        %get3A_759 = arith.index_cast %add3A_722 : i32 to index
        %get3A_760 = arith.constant 16 : index
        %get3A_761 = tpu.vector_load %arg15[%get3A_759, %get3A_760] {strides = array<i32>} : memref<128x64xi32, #tpu.memory_space<vmem>>, vector<1x16xi32>,
        %get3A_762 = vector.shape_cast %get3A_761 : vector<1x16xi32> to vector<16xi32>
        %shift_left3A_763 = arith.constant 16 : i32
        %shift_left3A_764 = vector.broadcast %shift_left3A_763 : i32 to vector<16xi32>
        %shift_left3A_765 = arith.shli %get3A_758, %shift_left3A_764 : vector<16xi32>
        %bitcast_convert_type3A_766 = tpu.bitcast %shift_left3A_765 : vector<16xi32> -> vector<16xf32>
        %shift_left3A_767 = arith.constant 16 : i32
        %shift_left3A_768 = vector.broadcast %shift_left3A_767 : i32 to vector<16xi32>
        %shift_left3A_769 = arith.shli %get3A_762, %shift_left3A_768 : vector<16xi32>
        %bitcast_convert_type3A_770 = tpu.bitcast %shift_left3A_769 : vector<16xi32> -> vector<16xf32>
        %and3A_771 = arith.andi %get3A_758, %broadcast_in_dim3A_457 : vector<16xi32>
        %bitcast_convert_type3A_772 = tpu.bitcast %and3A_771 : vector<16xi32> -> vector<16xf32>
        %and3A_773 = arith.andi %get3A_762, %broadcast_in_dim3A_457 : vector<16xi32>
        %bitcast_convert_type3A_774 = tpu.bitcast %and3A_773 : vector<16xi32> -> vector<16xf32>
        %add3A_775 = arith.addf %bitcast_convert_type3A_772, %bitcast_convert_type3A_774 : vector<16xf32>
        %swap3A_776 = arith.index_cast %add3A_722 : i32 to index
        %swap3A_777 = arith.constant 32 : index
        %swap3A_778 = tpu.vector_load %arg17[%swap3A_776, %swap3A_777] {strides = array<i32>} : memref<128x128xf32, #tpu.memory_space<vmem>>, vector<1x16xf32>,
        %swap3A_779 = vector.shape_cast %swap3A_778 : vector<1x16xf32> to vector<16xf32>
        %swap3A_780 = vector.shape_cast %add3A_775 : vector<16xf32> to vector<1x16xf32>
        tpu.vector_store %arg17[%swap3A_776, %swap3A_777], %swap3A_780 {strides = array<i32>} : memref<128x128xf32, #tpu.memory_space<vmem>>, vector<1x16xf32>,
        %add3A_781 = arith.addf %bitcast_convert_type3A_766, %bitcast_convert_type3A_770 : vector<16xf32>
        %swap3A_782 = arith.index_cast %add3A_722 : i32 to index
        %swap3A_783 = arith.constant 48 : index
        %swap3A_784 = tpu.vector_load %arg17[%swap3A_782, %swap3A_783] {strides = array<i32>} : memref<128x128xf32, #tpu.memory_space<vmem>>, vector<1x16xf32>,
        %swap3A_785 = vector.shape_cast %swap3A_784 : vector<1x16xf32> to vector<16xf32>
        %swap3A_786 = vector.shape_cast %add3A_781 : vector<16xf32> to vector<1x16xf32>
        tpu.vector_store %arg17[%swap3A_782, %swap3A_783], %swap3A_786 {strides = array<i32>} : memref<128x128xf32, #tpu.memory_space<vmem>>, vector<1x16xf32>,
        %get3A_787 = arith.index_cast %add3A_722 : i32 to index
        %get3A_788 = arith.constant 32 : index
        %get3A_789 = tpu.vector_load %arg13[%get3A_787, %get3A_788] {strides = array<i32>} : memref<128x64xi32, #tpu.memory_space<vmem>>, vector<1x16xi32>,
        %get3A_790 = vector.shape_cast %get3A_789 : vector<1x16xi32> to vector<16xi32>
        %get3A_791 = arith.index_cast %add3A_722 : i32 to index
        %get3A_792 = arith.constant 32 : index
        %get3A_793 = tpu.vector_load %arg15[%get3A_791, %get3A_792] {strides = array<i32>} : memref<128x64xi32, #tpu.memory_space<vmem>>, vector<1x16xi32>,
        %get3A_794 = vector.shape_cast %get3A_793 : vector<1x16xi32> to vector<16xi32>
        %shift_left3A_795 = arith.constant 16 : i32
        %shift_left3A_796 = vector.broadcast %shift_left3A_795 : i32 to vector<16xi32>
        %shift_left3A_797 = arith.shli %get3A_790, %shift_left3A_796 : vector<16xi32>
        %bitcast_convert_type3A_798 = tpu.bitcast %shift_left3A_797 : vector<16xi32> -> vector<16xf32>
        %shift_left3A_799 = arith.constant 16 : i32
        %shift_left3A_800 = vector.broadcast %shift_left3A_799 : i32 to vector<16xi32>
        %shift_left3A_801 = arith.shli %get3A_794, %shift_left3A_800 : vector<16xi32>
        %bitcast_convert_type3A_802 = tpu.bitcast %shift_left3A_801 : vector<16xi32> -> vector<16xf32>
        %and3A_803 = arith.andi %get3A_790, %broadcast_in_dim3A_457 : vector<16xi32>
        %bitcast_convert_type3A_804 = tpu.bitcast %and3A_803 : vector<16xi32> -> vector<16xf32>
        %and3A_805 = arith.andi %get3A_794, %broadcast_in_dim3A_457 : vector<16xi32>
        %bitcast_convert_type3A_806 = tpu.bitcast %and3A_805 : vector<16xi32> -> vector<16xf32>
        %add3A_807 = arith.addf %bitcast_convert_type3A_804, %bitcast_convert_type3A_806 : vector<16xf32>
        %swap3A_808 = arith.index_cast %add3A_722 : i32 to index
        %swap3A_809 = arith.constant 64 : index
        %swap3A_810 = tpu.vector_load %arg17[%swap3A_808, %swap3A_809] {strides = array<i32>} : memref<128x128xf32, #tpu.memory_space<vmem>>, vector<1x16xf32>,
        %swap3A_811 = vector.shape_cast %swap3A_810 : vector<1x16xf32> to vector<16xf32>
        %swap3A_812 = vector.shape_cast %add3A_807 : vector<16xf32> to vector<1x16xf32>
        tpu.vector_store %arg17[%swap3A_808, %swap3A_809], %swap3A_812 {strides = array<i32>} : memref<128x128xf32, #tpu.memory_space<vmem>>, vector<1x16xf32>,
        %add3A_813 = arith.addf %bitcast_convert_type3A_798, %bitcast_convert_type3A_802 : vector<16xf32>
        %swap3A_814 = arith.index_cast %add3A_722 : i32 to index
        %swap3A_815 = arith.constant 80 : index
        %swap3A_816 = tpu.vector_load %arg17[%swap3A_814, %swap3A_815] {strides = array<i32>} : memref<128x128xf32, #tpu.memory_space<vmem>>, vector<1x16xf32>,
        %swap3A_817 = vector.shape_cast %swap3A_816 : vector<1x16xf32> to vector<16xf32>
        %swap3A_818 = vector.shape_cast %add3A_813 : vector<16xf32> to vector<1x16xf32>
        tpu.vector_store %arg17[%swap3A_814, %swap3A_815], %swap3A_818 {strides = array<i32>} : memref<128x128xf32, #tpu.memory_space<vmem>>, vector<1x16xf32>,
        %get3A_819 = arith.index_cast %add3A_722 : i32 to index
        %get3A_820 = arith.constant 48 : index
        %get3A_821 = tpu.vector_load %arg13[%get3A_819, %get3A_820] {strides = array<i32>} : memref<128x64xi32, #tpu.memory_space<vmem>>, vector<1x16xi32>,
        %get3A_822 = vector.shape_cast %get3A_821 : vector<1x16xi32> to vector<16xi32>
        %get3A_823 = arith.index_cast %add3A_722 : i32 to index
        %get3A_824 = arith.constant 48 : index
        %get3A_825 = tpu.vector_load %arg15[%get3A_823, %get3A_824] {strides = array<i32>} : memref<128x64xi32, #tpu.memory_space<vmem>>, vector<1x16xi32>,
        %get3A_826 = vector.shape_cast %get3A_825 : vector<1x16xi32> to vector<16xi32>
        %shift_left3A_827 = arith.constant 16 : i32
        %shift_left3A_828 = vector.broadcast %shift_left3A_827 : i32 to vector<16xi32>
        %shift_left3A_829 = arith.shli %get3A_822, %shift_left3A_828 : vector<16xi32>
        %bitcast_convert_type3A_830 = tpu.bitcast %shift_left3A_829 : vector<16xi32> -> vector<16xf32>
        %shift_left3A_831 = arith.constant 16 : i32
        %shift_left3A_832 = vector.broadcast %shift_left3A_831 : i32 to vector<16xi32>
        %shift_left3A_833 = arith.shli %get3A_826, %shift_left3A_832 : vector<16xi32>
        %bitcast_convert_type3A_834 = tpu.bitcast %shift_left3A_833 : vector<16xi32> -> vector<16xf32>
        %and3A_835 = arith.andi %get3A_822, %broadcast_in_dim3A_457 : vector<16xi32>
        %bitcast_convert_type3A_836 = tpu.bitcast %and3A_835 : vector<16xi32> -> vector<16xf32>
        %and3A_837 = arith.andi %get3A_826, %broadcast_in_dim3A_457 : vector<16xi32>
        %bitcast_convert_type3A_838 = tpu.bitcast %and3A_837 : vector<16xi32> -> vector<16xf32>
        %add3A_839 = arith.addf %bitcast_convert_type3A_836, %bitcast_convert_type3A_838 : vector<16xf32>
        %swap3A_840 = arith.index_cast %add3A_722 : i32 to index
        %swap3A_841 = arith.constant 96 : index
        %swap3A_842 = tpu.vector_load %arg17[%swap3A_840, %swap3A_841] {strides = array<i32>} : memref<128x128xf32, #tpu.memory_space<vmem>>, vector<1x16xf32>,
        %swap3A_843 = vector.shape_cast %swap3A_842 : vector<1x16xf32> to vector<16xf32>
        %swap3A_844 = vector.shape_cast %add3A_839 : vector<16xf32> to vector<1x16xf32>
        tpu.vector_store %arg17[%swap3A_840, %swap3A_841], %swap3A_844 {strides = array<i32>} : memref<128x128xf32, #tpu.memory_space<vmem>>, vector<1x16xf32>,
        %add3A_845 = arith.addf %bitcast_convert_type3A_830, %bitcast_convert_type3A_834 : vector<16xf32>
        %swap3A_846 = arith.index_cast %add3A_722 : i32 to index
        %swap3A_847 = arith.constant 112 : index
        %swap3A_848 = tpu.vector_load %arg17[%swap3A_846, %swap3A_847] {strides = array<i32>} : memref<128x128xf32, #tpu.memory_space<vmem>>, vector<1x16xf32>,
        %swap3A_849 = vector.shape_cast %swap3A_848 : vector<1x16xf32> to vector<16xf32>
        %swap3A_850 = vector.shape_cast %add3A_845 : vector<16xf32> to vector<1x16xf32>
        tpu.vector_store %arg17[%swap3A_846, %swap3A_847], %swap3A_850 {strides = array<i32>} : memref<128x128xf32, #tpu.memory_space<vmem>>, vector<1x16xf32>,
        %mul3A_851 = arith.constant 4 : i32
        %mul3A_852 = arith.muli %scan3A_456, %mul3A_851 : i32
        %add3A_853 = arith.constant 3 : i32
        %add3A_854 = arith.addi %mul3A_852, %add3A_853 : i32
        %get3A_855 = arith.index_cast %add3A_854 : i32 to index
        %get3A_856 = arith.constant 0 : index
        %get3A_857 = tpu.vector_load %arg13[%get3A_855, %get3A_856] {strides = array<i32>} : memref<128x64xi32, #tpu.memory_space<vmem>>, vector<1x16xi32>,
        %get3A_858 = vector.shape_cast %get3A_857 : vector<1x16xi32> to vector<16xi32>
        %get3A_859 = arith.index_cast %add3A_854 : i32 to index
        %get3A_860 = arith.constant 0 : index
        %get3A_861 = tpu.vector_load %arg15[%get3A_859, %get3A_860] {strides = array<i32>} : memref<128x64xi32, #tpu.memory_space<vmem>>, vector<1x16xi32>,
        %get3A_862 = vector.shape_cast %get3A_861 : vector<1x16xi32> to vector<16xi32>
        %shift_left3A_863 = arith.constant 16 : i32
        %shift_left3A_864 = vector.broadcast %shift_left3A_863 : i32 to vector<16xi32>
        %shift_left3A_865 = arith.shli %get3A_858, %shift_left3A_864 : vector<16xi32>
        %bitcast_convert_type3A_866 = tpu.bitcast %shift_left3A_865 : vector<16xi32> -> vector<16xf32>
        %shift_left3A_867 = arith.constant 16 : i32
        %shift_left3A_868 = vector.broadcast %shift_left3A_867 : i32 to vector<16xi32>
        %shift_left3A_869 = arith.shli %get3A_862, %shift_left3A_868 : vector<16xi32>
        %bitcast_convert_type3A_870 = tpu.bitcast %shift_left3A_869 : vector<16xi32> -> vector<16xf32>
        %and3A_871 = arith.andi %get3A_858, %broadcast_in_dim3A_457 : vector<16xi32>
        %bitcast_convert_type3A_872 = tpu.bitcast %and3A_871 : vector<16xi32> -> vector<16xf32>
        %and3A_873 = arith.andi %get3A_862, %broadcast_in_dim3A_457 : vector<16xi32>
        %bitcast_convert_type3A_874 = tpu.bitcast %and3A_873 : vector<16xi32> -> vector<16xf32>
        %add3A_875 = arith.addf %bitcast_convert_type3A_872, %bitcast_convert_type3A_874 : vector<16xf32>
        %swap3A_876 = arith.index_cast %add3A_854 : i32 to index
        %swap3A_877 = arith.constant 0 : index
        %swap3A_878 = tpu.vector_load %arg17[%swap3A_876, %swap3A_877] {strides = array<i32>} : memref<128x128xf32, #tpu.memory_space<vmem>>, vector<1x16xf32>,
        %swap3A_879 = vector.shape_cast %swap3A_878 : vector<1x16xf32> to vector<16xf32>
        %swap3A_880 = vector.shape_cast %add3A_875 : vector<16xf32> to vector<1x16xf32>
        tpu.vector_store %arg17[%swap3A_876, %swap3A_877], %swap3A_880 {strides = array<i32>} : memref<128x128xf32, #tpu.memory_space<vmem>>, vector<1x16xf32>,
        %add3A_881 = arith.addf %bitcast_convert_type3A_866, %bitcast_convert_type3A_870 : vector<16xf32>
        %swap3A_882 = arith.index_cast %add3A_854 : i32 to index
        %swap3A_883 = arith.constant 16 : index
        %swap3A_884 = tpu.vector_load %arg17[%swap3A_882, %swap3A_883] {strides = array<i32>} : memref<128x128xf32, #tpu.memory_space<vmem>>, vector<1x16xf32>,
        %swap3A_885 = vector.shape_cast %swap3A_884 : vector<1x16xf32> to vector<16xf32>
        %swap3A_886 = vector.shape_cast %add3A_881 : vector<16xf32> to vector<1x16xf32>
        tpu.vector_store %arg17[%swap3A_882, %swap3A_883], %swap3A_886 {strides = array<i32>} : memref<128x128xf32, #tpu.memory_space<vmem>>, vector<1x16xf32>,
        %get3A_887 = arith.index_cast %add3A_854 : i32 to index
        %get3A_888 = arith.constant 16 : index
        %get3A_889 = tpu.vector_load %arg13[%get3A_887, %get3A_888] {strides = array<i32>} : memref<128x64xi32, #tpu.memory_space<vmem>>, vector<1x16xi32>,
        %get3A_890 = vector.shape_cast %get3A_889 : vector<1x16xi32> to vector<16xi32>
        %get3A_891 = arith.index_cast %add3A_854 : i32 to index
        %get3A_892 = arith.constant 16 : index
        %get3A_893 = tpu.vector_load %arg15[%get3A_891, %get3A_892] {strides = array<i32>} : memref<128x64xi32, #tpu.memory_space<vmem>>, vector<1x16xi32>,
        %get3A_894 = vector.shape_cast %get3A_893 : vector<1x16xi32> to vector<16xi32>
        %shift_left3A_895 = arith.constant 16 : i32
        %shift_left3A_896 = vector.broadcast %shift_left3A_895 : i32 to vector<16xi32>
        %shift_left3A_897 = arith.shli %get3A_890, %shift_left3A_896 : vector<16xi32>
        %bitcast_convert_type3A_898 = tpu.bitcast %shift_left3A_897 : vector<16xi32> -> vector<16xf32>
        %shift_left3A_899 = arith.constant 16 : i32
        %shift_left3A_900 = vector.broadcast %shift_left3A_899 : i32 to vector<16xi32>
        %shift_left3A_901 = arith.shli %get3A_894, %shift_left3A_900 : vector<16xi32>
        %bitcast_convert_type3A_902 = tpu.bitcast %shift_left3A_901 : vector<16xi32> -> vector<16xf32>
        %and3A_903 = arith.andi %get3A_890, %broadcast_in_dim3A_457 : vector<16xi32>
        %bitcast_convert_type3A_904 = tpu.bitcast %and3A_903 : vector<16xi32> -> vector<16xf32>
        %and3A_905 = arith.andi %get3A_894, %broadcast_in_dim3A_457 : vector<16xi32>
        %bitcast_convert_type3A_906 = tpu.bitcast %and3A_905 : vector<16xi32> -> vector<16xf32>
        %add3A_907 = arith.addf %bitcast_convert_type3A_904, %bitcast_convert_type3A_906 : vector<16xf32>
        %swap3A_908 = arith.index_cast %add3A_854 : i32 to index
        %swap3A_909 = arith.constant 32 : index
        %swap3A_910 = tpu.vector_load %arg17[%swap3A_908, %swap3A_909] {strides = array<i32>} : memref<128x128xf32, #tpu.memory_space<vmem>>, vector<1x16xf32>,
        %swap3A_911 = vector.shape_cast %swap3A_910 : vector<1x16xf32> to vector<16xf32>
        %swap3A_912 = vector.shape_cast %add3A_907 : vector<16xf32> to vector<1x16xf32>
        tpu.vector_store %arg17[%swap3A_908, %swap3A_909], %swap3A_912 {strides = array<i32>} : memref<128x128xf32, #tpu.memory_space<vmem>>, vector<1x16xf32>,
        %add3A_913 = arith.addf %bitcast_convert_type3A_898, %bitcast_convert_type3A_902 : vector<16xf32>
        %swap3A_914 = arith.index_cast %add3A_854 : i32 to index
        %swap3A_915 = arith.constant 48 : index
        %swap3A_916 = tpu.vector_load %arg17[%swap3A_914, %swap3A_915] {strides = array<i32>} : memref<128x128xf32, #tpu.memory_space<vmem>>, vector<1x16xf32>,
        %swap3A_917 = vector.shape_cast %swap3A_916 : vector<1x16xf32> to vector<16xf32>
        %swap3A_918 = vector.shape_cast %add3A_913 : vector<16xf32> to vector<1x16xf32>
        tpu.vector_store %arg17[%swap3A_914, %swap3A_915], %swap3A_918 {strides = array<i32>} : memref<128x128xf32, #tpu.memory_space<vmem>>, vector<1x16xf32>,
        %get3A_919 = arith.index_cast %add3A_854 : i32 to index
        %get3A_920 = arith.constant 32 : index
        %get3A_921 = tpu.vector_load %arg13[%get3A_919, %get3A_920] {strides = array<i32>} : memref<128x64xi32, #tpu.memory_space<vmem>>, vector<1x16xi32>,
        %get3A_922 = vector.shape_cast %get3A_921 : vector<1x16xi32> to vector<16xi32>
        %get3A_923 = arith.index_cast %add3A_854 : i32 to index
        %get3A_924 = arith.constant 32 : index
        %get3A_925 = tpu.vector_load %arg15[%get3A_923, %get3A_924] {strides = array<i32>} : memref<128x64xi32, #tpu.memory_space<vmem>>, vector<1x16xi32>,
        %get3A_926 = vector.shape_cast %get3A_925 : vector<1x16xi32> to vector<16xi32>
        %shift_left3A_927 = arith.constant 16 : i32
        %shift_left3A_928 = vector.broadcast %shift_left3A_927 : i32 to vector<16xi32>
        %shift_left3A_929 = arith.shli %get3A_922, %shift_left3A_928 : vector<16xi32>
        %bitcast_convert_type3A_930 = tpu.bitcast %shift_left3A_929 : vector<16xi32> -> vector<16xf32>
        %shift_left3A_931 = arith.constant 16 : i32
        %shift_left3A_932 = vector.broadcast %shift_left3A_931 : i32 to vector<16xi32>
        %shift_left3A_933 = arith.shli %get3A_926, %shift_left3A_932 : vector<16xi32>
        %bitcast_convert_type3A_934 = tpu.bitcast %shift_left3A_933 : vector<16xi32> -> vector<16xf32>
        %and3A_935 = arith.andi %get3A_922, %broadcast_in_dim3A_457 : vector<16xi32>
        %bitcast_convert_type3A_936 = tpu.bitcast %and3A_935 : vector<16xi32> -> vector<16xf32>
        %and3A_937 = arith.andi %get3A_926, %broadcast_in_dim3A_457 : vector<16xi32>
        %bitcast_convert_type3A_938 = tpu.bitcast %and3A_937 : vector<16xi32> -> vector<16xf32>
        %add3A_939 = arith.addf %bitcast_convert_type3A_936, %bitcast_convert_type3A_938 : vector<16xf32>
        %swap3A_940 = arith.index_cast %add3A_854 : i32 to index
        %swap3A_941 = arith.constant 64 : index
        %swap3A_942 = tpu.vector_load %arg17[%swap3A_940, %swap3A_941] {strides = array<i32>} : memref<128x128xf32, #tpu.memory_space<vmem>>, vector<1x16xf32>,
        %swap3A_943 = vector.shape_cast %swap3A_942 : vector<1x16xf32> to vector<16xf32>
        %swap3A_944 = vector.shape_cast %add3A_939 : vector<16xf32> to vector<1x16xf32>
        tpu.vector_store %arg17[%swap3A_940, %swap3A_941], %swap3A_944 {strides = array<i32>} : memref<128x128xf32, #tpu.memory_space<vmem>>, vector<1x16xf32>,
        %add3A_945 = arith.addf %bitcast_convert_type3A_930, %bitcast_convert_type3A_934 : vector<16xf32>
        %swap3A_946 = arith.index_cast %add3A_854 : i32 to index
        %swap3A_947 = arith.constant 80 : index
        %swap3A_948 = tpu.vector_load %arg17[%swap3A_946, %swap3A_947] {strides = array<i32>} : memref<128x128xf32, #tpu.memory_space<vmem>>, vector<1x16xf32>,
        %swap3A_949 = vector.shape_cast %swap3A_948 : vector<1x16xf32> to vector<16xf32>
        %swap3A_950 = vector.shape_cast %add3A_945 : vector<16xf32> to vector<1x16xf32>
        tpu.vector_store %arg17[%swap3A_946, %swap3A_947], %swap3A_950 {strides = array<i32>} : memref<128x128xf32, #tpu.memory_space<vmem>>, vector<1x16xf32>,
        %get3A_951 = arith.index_cast %add3A_854 : i32 to index
        %get3A_952 = arith.constant 48 : index
        %get3A_953 = tpu.vector_load %arg13[%get3A_951, %get3A_952] {strides = array<i32>} : memref<128x64xi32, #tpu.memory_space<vmem>>, vector<1x16xi32>,
        %get3A_954 = vector.shape_cast %get3A_953 : vector<1x16xi32> to vector<16xi32>
        %get3A_955 = arith.index_cast %add3A_854 : i32 to index
        %get3A_956 = arith.constant 48 : index
        %get3A_957 = tpu.vector_load %arg15[%get3A_955, %get3A_956] {strides = array<i32>} : memref<128x64xi32, #tpu.memory_space<vmem>>, vector<1x16xi32>,
        %get3A_958 = vector.shape_cast %get3A_957 : vector<1x16xi32> to vector<16xi32>
        %shift_left3A_959 = arith.constant 16 : i32
        %shift_left3A_960 = vector.broadcast %shift_left3A_959 : i32 to vector<16xi32>
        %shift_left3A_961 = arith.shli %get3A_954, %shift_left3A_960 : vector<16xi32>
        %bitcast_convert_type3A_962 = tpu.bitcast %shift_left3A_961 : vector<16xi32> -> vector<16xf32>
        %shift_left3A_963 = arith.constant 16 : i32
        %shift_left3A_964 = vector.broadcast %shift_left3A_963 : i32 to vector<16xi32>
        %shift_left3A_965 = arith.shli %get3A_958, %shift_left3A_964 : vector<16xi32>
        %bitcast_convert_type3A_966 = tpu.bitcast %shift_left3A_965 : vector<16xi32> -> vector<16xf32>
        %and3A_967 = arith.andi %get3A_954, %broadcast_in_dim3A_457 : vector<16xi32>
        %bitcast_convert_type3A_968 = tpu.bitcast %and3A_967 : vector<16xi32> -> vector<16xf32>
        %and3A_969 = arith.andi %get3A_958, %broadcast_in_dim3A_457 : vector<16xi32>
        %bitcast_convert_type3A_970 = tpu.bitcast %and3A_969 : vector<16xi32> -> vector<16xf32>
        %add3A_971 = arith.addf %bitcast_convert_type3A_968, %bitcast_convert_type3A_970 : vector<16xf32>
        %swap3A_972 = arith.index_cast %add3A_854 : i32 to index
        %swap3A_973 = arith.constant 96 : index
        %swap3A_974 = tpu.vector_load %arg17[%swap3A_972, %swap3A_973] {strides = array<i32>} : memref<128x128xf32, #tpu.memory_space<vmem>>, vector<1x16xf32>,
        %swap3A_975 = vector.shape_cast %swap3A_974 : vector<1x16xf32> to vector<16xf32>
        %swap3A_976 = vector.shape_cast %add3A_971 : vector<16xf32> to vector<1x16xf32>
        tpu.vector_store %arg17[%swap3A_972, %swap3A_973], %swap3A_976 {strides = array<i32>} : memref<128x128xf32, #tpu.memory_space<vmem>>, vector<1x16xf32>,
        %add3A_977 = arith.addf %bitcast_convert_type3A_962, %bitcast_convert_type3A_966 : vector<16xf32>
        %swap3A_978 = arith.index_cast %add3A_854 : i32 to index
        %swap3A_979 = arith.constant 112 : index
        %swap3A_980 = tpu.vector_load %arg17[%swap3A_978, %swap3A_979] {strides = array<i32>} : memref<128x128xf32, #tpu.memory_space<vmem>>, vector<1x16xf32>,
        %swap3A_981 = vector.shape_cast %swap3A_980 : vector<1x16xf32> to vector<16xf32>
        %swap3A_982 = vector.shape_cast %add3A_977 : vector<16xf32> to vector<1x16xf32>
        tpu.vector_store %arg17[%swap3A_978, %swap3A_979], %swap3A_982 {strides = array<i32>} : memref<128x128xf32, #tpu.memory_space<vmem>>, vector<1x16xf32>,
      }
      %scan3A_364 = arith.constant 32 : i32
      %mul3A_365 = arith.constant 128 : i32
      %mul3A_366 = arith.muli %add3A_333, %mul3A_365 : i32
      %add3A_367 = arith.addi %mul3A_2, %mul3A_366 : i32
      %dma_start3A_368 = arith.constant 0 : i32
      %dma_start3A_369 = tpu.memref_slice %arg4[%add3A_367, %dma_start3A_368] : memref<819200x128xf32, #tpu.memory_space<hbm>> -> memref<128x128xf32, #tpu.memory_space<hbm>>
      %dma_start3A_370 = arith.constant 0 : i32
      %dma_start3A_371 = tpu.memref_slice %arg4[%add3A_367, %dma_start3A_370] : memref<819200x128xf32, #tpu.memory_space<hbm>> -> memref<128x128xf32, #tpu.memory_space<hbm>>
      tpu.enqueue_dma source(%arg17 : memref<128x128xf32, #tpu.memory_space<vmem>>) target(%dma_start3A_371 : memref<128x128xf32, #tpu.memory_space<hbm>>) target_semaphore(%arg25 : memref<!tpu.dma_semaphore, #tpu.memory_space<semaphore_mem>>)
      %mul3A_372 = arith.constant 4 : i32
      %mul3A_373 = arith.muli %mul3A_372, %scan3A_291 : i32
      %add3A_374 = arith.constant 2 : i32
      %add3A_375 = arith.addi %mul3A_373, %add3A_374 : i32
      %add3A_376 = arith.constant 1 : i32
      %add3A_377 = arith.addi %add3A_375, %add3A_376 : i32
      %lt3A_378 = arith.constant 200 : i32
      %lt3A_379 = arith.cmpi slt, %add3A_377, %lt3A_378 : i32
      %convert_element_type3A_380 = arith.extui %lt3A_379 : i1 to i32
      %cond3A_381 = arith.constant 0 : i32
      %cond3A_382 = arith.cmpi ne, %convert_element_type3A_380, %cond3A_381 : i32
      scf.if %cond3A_382 {
        %dma_wait3A_456 = arith.constant 0 : i32
        %dma_wait3A_457 = arith.constant 0 : i32
        %dma_wait3A_458 = arith.constant 0 : i32
        %dma_wait3A_459 = tpu.memref_slice %arg3[%dma_wait3A_456, %dma_wait3A_457, %dma_wait3A_458] : memref<6400x3x128xi32, #tpu.memory_space<hbm>> -> memref<1x3x128xi32, #tpu.memory_space<hbm>>
        %dma_wait3A_460 = tpu.memref_squeeze %dma_wait3A_459 : memref<1x3x128xi32, #tpu.memory_space<hbm>> -> memref<3x128xi32, #tpu.memory_space<hbm>>
        %dma_wait3A_461 = arith.constant 0 : i32
        %dma_wait3A_462 = arith.constant 0 : i32
        %dma_wait3A_463 = tpu.memref_slice %arg3[%dma_wait3A_456, %dma_wait3A_461, %dma_wait3A_462] : memref<6400x3x128xi32, #tpu.memory_space<hbm>> -> memref<1x3x128xi32, #tpu.memory_space<hbm>>
        %dma_wait3A_464 = tpu.memref_squeeze %dma_wait3A_463 : memref<1x3x128xi32, #tpu.memory_space<hbm>> -> memref<3x128xi32, #tpu.memory_space<hbm>>
        tpu.wait_dma2 semaphore(%arg19 : memref<!tpu.dma_semaphore, #tpu.memory_space<semaphore_mem>>) src(%dma_wait3A_464 : memref<3x128xi32, #tpu.memory_space<hbm>>) dst(%arg7 : memref<3x128xi32, #tpu.memory_space<vmem>>)
        %get3A_465 = arith.constant 0 : i32
        %get3A_466 = arith.index_cast %get3A_465 : i32 to index
        %get3A_467 = arith.constant 0 : index
        %get3A_468 = tpu.vector_load %arg7[%get3A_466, %get3A_467] {strides = array<i32>} : memref<3x128xi32, #tpu.memory_space<vmem>>, vector<1x16xi32>,
        %get3A_469 = vector.shape_cast %get3A_468 : vector<1x16xi32> to vector<16xi32>
        %mul3A_470 = arith.constant 8 : i32
        %mul3A_471 = vector.broadcast %mul3A_470 : i32 to vector<16xi32>
        %mul3A_472 = arith.muli %get3A_469, %mul3A_471 : vector<16xi32>
        %get3A_473 = arith.constant 1 : i32
        %get3A_474 = arith.index_cast %get3A_473 : i32 to index
        %get3A_475 = arith.constant 0 : index
        %get3A_476 = tpu.vector_load %arg7[%get3A_474, %get3A_475] {strides = array<i32>} : memref<3x128xi32, #tpu.memory_space<vmem>>, vector<1x16xi32>,
        %get3A_477 = vector.shape_cast %get3A_476 : vector<1x16xi32> to vector<16xi32>
        %add3A_478 = arith.addi %mul3A_472, %get3A_477 : vector<16xi32>
        %swap3A_479 = arith.constant 0 : index
        %swap3A_480 = tpu.vector_load %arg9[%swap3A_479] {strides = array<i32>} : memref<128xi32, #tpu.memory_space<vmem>>, vector<16xi32>,
        %swap3A_481 = vector.shape_cast %swap3A_480 : vector<16xi32> to vector<16xi32>
        %swap3A_482 = vector.shape_cast %add3A_478 : vector<16xi32> to vector<16xi32>
        tpu.vector_store %arg9[%swap3A_479], %swap3A_482 {strides = array<i32>} : memref<128xi32, #tpu.memory_space<vmem>>, vector<16xi32>,
        %get3A_483 = arith.constant 2 : i32
        %get3A_484 = arith.index_cast %get3A_483 : i32 to index
        %get3A_485 = arith.constant 0 : index
        %get3A_486 = tpu.vector_load %arg7[%get3A_484, %get3A_485] {strides = array<i32>} : memref<3x128xi32, #tpu.memory_space<vmem>>, vector<1x16xi32>,
        %get3A_487 = vector.shape_cast %get3A_486 : vector<1x16xi32> to vector<16xi32>
        %add3A_488 = arith.constant 200 : i32
        %add3A_489 = vector.broadcast %add3A_488 : i32 to vector<16xi32>
        %add3A_490 = arith.addi %get3A_487, %add3A_489 : vector<16xi32>
        %swap3A_491 = arith.constant 0 : index
        %swap3A_492 = tpu.vector_load %arg11[%swap3A_491] {strides = array<i32>} : memref<128xi32, #tpu.memory_space<vmem>>, vector<16xi32>,
        %swap3A_493 = vector.shape_cast %swap3A_492 : vector<16xi32> to vector<16xi32>
        %swap3A_494 = vector.shape_cast %add3A_490 : vector<16xi32> to vector<16xi32>
        tpu.vector_store %arg11[%swap3A_491], %swap3A_494 {strides = array<i32>} : memref<128xi32, #tpu.memory_space<vmem>>, vector<16xi32>,
        %get3A_495 = arith.constant 0 : i32
        %get3A_496 = arith.index_cast %get3A_495 : i32 to index
        %get3A_497 = arith.constant 16 : index
        %get3A_498 = tpu.vector_load %arg7[%get3A_496, %get3A_497] {strides = array<i32>} : memref<3x128xi32, #tpu.memory_space<vmem>>, vector<1x16xi32>,
        %get3A_499 = vector.shape_cast %get3A_498 : vector<1x16xi32> to vector<16xi32>
        %mul3A_500 = arith.constant 8 : i32
        %mul3A_501 = vector.broadcast %mul3A_500 : i32 to vector<16xi32>
        %mul3A_502 = arith.muli %get3A_499, %mul3A_501 : vector<16xi32>
        %get3A_503 = arith.constant 1 : i32
        %get3A_504 = arith.index_cast %get3A_503 : i32 to index
        %get3A_505 = arith.constant 16 : index
        %get3A_506 = tpu.vector_load %arg7[%get3A_504, %get3A_505] {strides = array<i32>} : memref<3x128xi32, #tpu.memory_space<vmem>>, vector<1x16xi32>,
        %get3A_507 = vector.shape_cast %get3A_506 : vector<1x16xi32> to vector<16xi32>
        %add3A_508 = arith.addi %mul3A_502, %get3A_507 : vector<16xi32>
        %swap3A_509 = arith.constant 16 : index
        %swap3A_510 = tpu.vector_load %arg9[%swap3A_509] {strides = array<i32>} : memref<128xi32, #tpu.memory_space<vmem>>, vector<16xi32>,
        %swap3A_511 = vector.shape_cast %swap3A_510 : vector<16xi32> to vector<16xi32>
        %swap3A_512 = vector.shape_cast %add3A_508 : vector<16xi32> to vector<16xi32>
        tpu.vector_store %arg9[%swap3A_509], %swap3A_512 {strides = array<i32>} : memref<128xi32, #tpu.memory_space<vmem>>, vector<16xi32>,
        %get3A_513 = arith.constant 2 : i32
        %get3A_514 = arith.index_cast %get3A_513 : i32 to index
        %get3A_515 = arith.constant 16 : index
        %get3A_516 = tpu.vector_load %arg7[%get3A_514, %get3A_515] {strides = array<i32>} : memref<3x128xi32, #tpu.memory_space<vmem>>, vector<1x16xi32>,
        %get3A_517 = vector.shape_cast %get3A_516 : vector<1x16xi32> to vector<16xi32>
        %add3A_518 = arith.constant 200 : i32
        %add3A_519 = vector.broadcast %add3A_518 : i32 to vector<16xi32>
        %add3A_520 = arith.addi %get3A_517, %add3A_519 : vector<16xi32>
        %swap3A_521 = arith.constant 16 : index
        %swap3A_522 = tpu.vector_load %arg11[%swap3A_521] {strides = array<i32>} : memref<128xi32, #tpu.memory_space<vmem>>, vector<16xi32>,
        %swap3A_523 = vector.shape_cast %swap3A_522 : vector<16xi32> to vector<16xi32>
        %swap3A_524 = vector.shape_cast %add3A_520 : vector<16xi32> to vector<16xi32>
        tpu.vector_store %arg11[%swap3A_521], %swap3A_524 {strides = array<i32>} : memref<128xi32, #tpu.memory_space<vmem>>, vector<16xi32>,
        %get3A_525 = arith.constant 0 : i32
        %get3A_526 = arith.index_cast %get3A_525 : i32 to index
        %get3A_527 = arith.constant 32 : index
        %get3A_528 = tpu.vector_load %arg7[%get3A_526, %get3A_527] {strides = array<i32>} : memref<3x128xi32, #tpu.memory_space<vmem>>, vector<1x16xi32>,
        %get3A_529 = vector.shape_cast %get3A_528 : vector<1x16xi32> to vector<16xi32>
        %mul3A_530 = arith.constant 8 : i32
        %mul3A_531 = vector.broadcast %mul3A_530 : i32 to vector<16xi32>
        %mul3A_532 = arith.muli %get3A_529, %mul3A_531 : vector<16xi32>
        %get3A_533 = arith.constant 1 : i32
        %get3A_534 = arith.index_cast %get3A_533 : i32 to index
        %get3A_535 = arith.constant 32 : index
        %get3A_536 = tpu.vector_load %arg7[%get3A_534, %get3A_535] {strides = array<i32>} : memref<3x128xi32, #tpu.memory_space<vmem>>, vector<1x16xi32>,
        %get3A_537 = vector.shape_cast %get3A_536 : vector<1x16xi32> to vector<16xi32>
        %add3A_538 = arith.addi %mul3A_532, %get3A_537 : vector<16xi32>
        %swap3A_539 = arith.constant 32 : index
        %swap3A_540 = tpu.vector_load %arg9[%swap3A_539] {strides = array<i32>} : memref<128xi32, #tpu.memory_space<vmem>>, vector<16xi32>,
        %swap3A_541 = vector.shape_cast %swap3A_540 : vector<16xi32> to vector<16xi32>
        %swap3A_542 = vector.shape_cast %add3A_538 : vector<16xi32> to vector<16xi32>
        tpu.vector_store %arg9[%swap3A_539], %swap3A_542 {strides = array<i32>} : memref<128xi32, #tpu.memory_space<vmem>>, vector<16xi32>,
        %get3A_543 = arith.constant 2 : i32
        %get3A_544 = arith.index_cast %get3A_543 : i32 to index
        %get3A_545 = arith.constant 32 : index
        %get3A_546 = tpu.vector_load %arg7[%get3A_544, %get3A_545] {strides = array<i32>} : memref<3x128xi32, #tpu.memory_space<vmem>>, vector<1x16xi32>,
        %get3A_547 = vector.shape_cast %get3A_546 : vector<1x16xi32> to vector<16xi32>
        %add3A_548 = arith.constant 200 : i32
        %add3A_549 = vector.broadcast %add3A_548 : i32 to vector<16xi32>
        %add3A_550 = arith.addi %get3A_547, %add3A_549 : vector<16xi32>
        %swap3A_551 = arith.constant 32 : index
        %swap3A_552 = tpu.vector_load %arg11[%swap3A_551] {strides = array<i32>} : memref<128xi32, #tpu.memory_space<vmem>>, vector<16xi32>,
        %swap3A_553 = vector.shape_cast %swap3A_552 : vector<16xi32> to vector<16xi32>
        %swap3A_554 = vector.shape_cast %add3A_550 : vector<16xi32> to vector<16xi32>
        tpu.vector_store %arg11[%swap3A_551], %swap3A_554 {strides = array<i32>} : memref<128xi32, #tpu.memory_space<vmem>>, vector<16xi32>,
        %get3A_555 = arith.constant 0 : i32
        %get3A_556 = arith.index_cast %get3A_555 : i32 to index
        %get3A_557 = arith.constant 48 : index
        %get3A_558 = tpu.vector_load %arg7[%get3A_556, %get3A_557] {strides = array<i32>} : memref<3x128xi32, #tpu.memory_space<vmem>>, vector<1x16xi32>,
        %get3A_559 = vector.shape_cast %get3A_558 : vector<1x16xi32> to vector<16xi32>
        %mul3A_560 = arith.constant 8 : i32
        %mul3A_561 = vector.broadcast %mul3A_560 : i32 to vector<16xi32>
        %mul3A_562 = arith.muli %get3A_559, %mul3A_561 : vector<16xi32>
        %get3A_563 = arith.constant 1 : i32
        %get3A_564 = arith.index_cast %get3A_563 : i32 to index
        %get3A_565 = arith.constant 48 : index
        %get3A_566 = tpu.vector_load %arg7[%get3A_564, %get3A_565] {strides = array<i32>} : memref<3x128xi32, #tpu.memory_space<vmem>>, vector<1x16xi32>,
        %get3A_567 = vector.shape_cast %get3A_566 : vector<1x16xi32> to vector<16xi32>
        %add3A_568 = arith.addi %mul3A_562, %get3A_567 : vector<16xi32>
        %swap3A_569 = arith.constant 48 : index
        %swap3A_570 = tpu.vector_load %arg9[%swap3A_569] {strides = array<i32>} : memref<128xi32, #tpu.memory_space<vmem>>, vector<16xi32>,
        %swap3A_571 = vector.shape_cast %swap3A_570 : vector<16xi32> to vector<16xi32>
        %swap3A_572 = vector.shape_cast %add3A_568 : vector<16xi32> to vector<16xi32>
        tpu.vector_store %arg9[%swap3A_569], %swap3A_572 {strides = array<i32>} : memref<128xi32, #tpu.memory_space<vmem>>, vector<16xi32>,
        %get3A_573 = arith.constant 2 : i32
        %get3A_574 = arith.index_cast %get3A_573 : i32 to index
        %get3A_575 = arith.constant 48 : index
        %get3A_576 = tpu.vector_load %arg7[%get3A_574, %get3A_575] {strides = array<i32>} : memref<3x128xi32, #tpu.memory_space<vmem>>, vector<1x16xi32>,
        %get3A_577 = vector.shape_cast %get3A_576 : vector<1x16xi32> to vector<16xi32>
        %add3A_578 = arith.constant 200 : i32
        %add3A_579 = vector.broadcast %add3A_578 : i32 to vector<16xi32>
        %add3A_580 = arith.addi %get3A_577, %add3A_579 : vector<16xi32>
        %swap3A_581 = arith.constant 48 : index
        %swap3A_582 = tpu.vector_load %arg11[%swap3A_581] {strides = array<i32>} : memref<128xi32, #tpu.memory_space<vmem>>, vector<16xi32>,
        %swap3A_583 = vector.shape_cast %swap3A_582 : vector<16xi32> to vector<16xi32>
        %swap3A_584 = vector.shape_cast %add3A_580 : vector<16xi32> to vector<16xi32>
        tpu.vector_store %arg11[%swap3A_581], %swap3A_584 {strides = array<i32>} : memref<128xi32, #tpu.memory_space<vmem>>, vector<16xi32>,
        %get3A_585 = arith.constant 0 : i32
        %get3A_586 = arith.index_cast %get3A_585 : i32 to index
        %get3A_587 = arith.constant 64 : index
        %get3A_588 = tpu.vector_load %arg7[%get3A_586, %get3A_587] {strides = array<i32>} : memref<3x128xi32, #tpu.memory_space<vmem>>, vector<1x16xi32>,
        %get3A_589 = vector.shape_cast %get3A_588 : vector<1x16xi32> to vector<16xi32>
        %mul3A_590 = arith.constant 8 : i32
        %mul3A_591 = vector.broadcast %mul3A_590 : i32 to vector<16xi32>
        %mul3A_592 = arith.muli %get3A_589, %mul3A_591 : vector<16xi32>
        %get3A_593 = arith.constant 1 : i32
        %get3A_594 = arith.index_cast %get3A_593 : i32 to index
        %get3A_595 = arith.constant 64 : index
        %get3A_596 = tpu.vector_load %arg7[%get3A_594, %get3A_595] {strides = array<i32>} : memref<3x128xi32, #tpu.memory_space<vmem>>, vector<1x16xi32>,
        %get3A_597 = vector.shape_cast %get3A_596 : vector<1x16xi32> to vector<16xi32>
        %add3A_598 = arith.addi %mul3A_592, %get3A_597 : vector<16xi32>
        %swap3A_599 = arith.constant 64 : index
        %swap3A_600 = tpu.vector_load %arg9[%swap3A_599] {strides = array<i32>} : memref<128xi32, #tpu.memory_space<vmem>>, vector<16xi32>,
        %swap3A_601 = vector.shape_cast %swap3A_600 : vector<16xi32> to vector<16xi32>
        %swap3A_602 = vector.shape_cast %add3A_598 : vector<16xi32> to vector<16xi32>
        tpu.vector_store %arg9[%swap3A_599], %swap3A_602 {strides = array<i32>} : memref<128xi32, #tpu.memory_space<vmem>>, vector<16xi32>,
        %get3A_603 = arith.constant 2 : i32
        %get3A_604 = arith.index_cast %get3A_603 : i32 to index
        %get3A_605 = arith.constant 64 : index
        %get3A_606 = tpu.vector_load %arg7[%get3A_604, %get3A_605] {strides = array<i32>} : memref<3x128xi32, #tpu.memory_space<vmem>>, vector<1x16xi32>,
        %get3A_607 = vector.shape_cast %get3A_606 : vector<1x16xi32> to vector<16xi32>
        %add3A_608 = arith.constant 200 : i32
        %add3A_609 = vector.broadcast %add3A_608 : i32 to vector<16xi32>
        %add3A_610 = arith.addi %get3A_607, %add3A_609 : vector<16xi32>
        %swap3A_611 = arith.constant 64 : index
        %swap3A_612 = tpu.vector_load %arg11[%swap3A_611] {strides = array<i32>} : memref<128xi32, #tpu.memory_space<vmem>>, vector<16xi32>,
        %swap3A_613 = vector.shape_cast %swap3A_612 : vector<16xi32> to vector<16xi32>
        %swap3A_614 = vector.shape_cast %add3A_610 : vector<16xi32> to vector<16xi32>
        tpu.vector_store %arg11[%swap3A_611], %swap3A_614 {strides = array<i32>} : memref<128xi32, #tpu.memory_space<vmem>>, vector<16xi32>,
        %get3A_615 = arith.constant 0 : i32
        %get3A_616 = arith.index_cast %get3A_615 : i32 to index
        %get3A_617 = arith.constant 80 : index
        %get3A_618 = tpu.vector_load %arg7[%get3A_616, %get3A_617] {strides = array<i32>} : memref<3x128xi32, #tpu.memory_space<vmem>>, vector<1x16xi32>,
        %get3A_619 = vector.shape_cast %get3A_618 : vector<1x16xi32> to vector<16xi32>
        %mul3A_620 = arith.constant 8 : i32
        %mul3A_621 = vector.broadcast %mul3A_620 : i32 to vector<16xi32>
        %mul3A_622 = arith.muli %get3A_619, %mul3A_621 : vector<16xi32>
        %get3A_623 = arith.constant 1 : i32
        %get3A_624 = arith.index_cast %get3A_623 : i32 to index
        %get3A_625 = arith.constant 80 : index
        %get3A_626 = tpu.vector_load %arg7[%get3A_624, %get3A_625] {strides = array<i32>} : memref<3x128xi32, #tpu.memory_space<vmem>>, vector<1x16xi32>,
        %get3A_627 = vector.shape_cast %get3A_626 : vector<1x16xi32> to vector<16xi32>
        %add3A_628 = arith.addi %mul3A_622, %get3A_627 : vector<16xi32>
        %swap3A_629 = arith.constant 80 : index
        %swap3A_630 = tpu.vector_load %arg9[%swap3A_629] {strides = array<i32>} : memref<128xi32, #tpu.memory_space<vmem>>, vector<16xi32>,
        %swap3A_631 = vector.shape_cast %swap3A_630 : vector<16xi32> to vector<16xi32>
        %swap3A_632 = vector.shape_cast %add3A_628 : vector<16xi32> to vector<16xi32>
        tpu.vector_store %arg9[%swap3A_629], %swap3A_632 {strides = array<i32>} : memref<128xi32, #tpu.memory_space<vmem>>, vector<16xi32>,
        %get3A_633 = arith.constant 2 : i32
        %get3A_634 = arith.index_cast %get3A_633 : i32 to index
        %get3A_635 = arith.constant 80 : index
        %get3A_636 = tpu.vector_load %arg7[%get3A_634, %get3A_635] {strides = array<i32>} : memref<3x128xi32, #tpu.memory_space<vmem>>, vector<1x16xi32>,
        %get3A_637 = vector.shape_cast %get3A_636 : vector<1x16xi32> to vector<16xi32>
        %add3A_638 = arith.constant 200 : i32
        %add3A_639 = vector.broadcast %add3A_638 : i32 to vector<16xi32>
        %add3A_640 = arith.addi %get3A_637, %add3A_639 : vector<16xi32>
        %swap3A_641 = arith.constant 80 : index
        %swap3A_642 = tpu.vector_load %arg11[%swap3A_641] {strides = array<i32>} : memref<128xi32, #tpu.memory_space<vmem>>, vector<16xi32>,
        %swap3A_643 = vector.shape_cast %swap3A_642 : vector<16xi32> to vector<16xi32>
        %swap3A_644 = vector.shape_cast %add3A_640 : vector<16xi32> to vector<16xi32>
        tpu.vector_store %arg11[%swap3A_641], %swap3A_644 {strides = array<i32>} : memref<128xi32, #tpu.memory_space<vmem>>, vector<16xi32>,
        %get3A_645 = arith.constant 0 : i32
        %get3A_646 = arith.index_cast %get3A_645 : i32 to index
        %get3A_647 = arith.constant 96 : index
        %get3A_648 = tpu.vector_load %arg7[%get3A_646, %get3A_647] {strides = array<i32>} : memref<3x128xi32, #tpu.memory_space<vmem>>, vector<1x16xi32>,
        %get3A_649 = vector.shape_cast %get3A_648 : vector<1x16xi32> to vector<16xi32>
        %mul3A_650 = arith.constant 8 : i32
        %mul3A_651 = vector.broadcast %mul3A_650 : i32 to vector<16xi32>
        %mul3A_652 = arith.muli %get3A_649, %mul3A_651 : vector<16xi32>
        %get3A_653 = arith.constant 1 : i32
        %get3A_654 = arith.index_cast %get3A_653 : i32 to index
        %get3A_655 = arith.constant 96 : index
        %get3A_656 = tpu.vector_load %arg7[%get3A_654, %get3A_655] {strides = array<i32>} : memref<3x128xi32, #tpu.memory_space<vmem>>, vector<1x16xi32>,
        %get3A_657 = vector.shape_cast %get3A_656 : vector<1x16xi32> to vector<16xi32>
        %add3A_658 = arith.addi %mul3A_652, %get3A_657 : vector<16xi32>
        %swap3A_659 = arith.constant 96 : index
        %swap3A_660 = tpu.vector_load %arg9[%swap3A_659] {strides = array<i32>} : memref<128xi32, #tpu.memory_space<vmem>>, vector<16xi32>,
        %swap3A_661 = vector.shape_cast %swap3A_660 : vector<16xi32> to vector<16xi32>
        %swap3A_662 = vector.shape_cast %add3A_658 : vector<16xi32> to vector<16xi32>
        tpu.vector_store %arg9[%swap3A_659], %swap3A_662 {strides = array<i32>} : memref<128xi32, #tpu.memory_space<vmem>>, vector<16xi32>,
        %get3A_663 = arith.constant 2 : i32
        %get3A_664 = arith.index_cast %get3A_663 : i32 to index
        %get3A_665 = arith.constant 96 : index
        %get3A_666 = tpu.vector_load %arg7[%get3A_664, %get3A_665] {strides = array<i32>} : memref<3x128xi32, #tpu.memory_space<vmem>>, vector<1x16xi32>,
        %get3A_667 = vector.shape_cast %get3A_666 : vector<1x16xi32> to vector<16xi32>
        %add3A_668 = arith.constant 200 : i32
        %add3A_669 = vector.broadcast %add3A_668 : i32 to vector<16xi32>
        %add3A_670 = arith.addi %get3A_667, %add3A_669 : vector<16xi32>
        %swap3A_671 = arith.constant 96 : index
        %swap3A_672 = tpu.vector_load %arg11[%swap3A_671] {strides = array<i32>} : memref<128xi32, #tpu.memory_space<vmem>>, vector<16xi32>,
        %swap3A_673 = vector.shape_cast %swap3A_672 : vector<16xi32> to vector<16xi32>
        %swap3A_674 = vector.shape_cast %add3A_670 : vector<16xi32> to vector<16xi32>
        tpu.vector_store %arg11[%swap3A_671], %swap3A_674 {strides = array<i32>} : memref<128xi32, #tpu.memory_space<vmem>>, vector<16xi32>,
        %get3A_675 = arith.constant 0 : i32
        %get3A_676 = arith.index_cast %get3A_675 : i32 to index
        %get3A_677 = arith.constant 112 : index
        %get3A_678 = tpu.vector_load %arg7[%get3A_676, %get3A_677] {strides = array<i32>} : memref<3x128xi32, #tpu.memory_space<vmem>>, vector<1x16xi32>,
        %get3A_679 = vector.shape_cast %get3A_678 : vector<1x16xi32> to vector<16xi32>
        %mul3A_680 = arith.constant 8 : i32
        %mul3A_681 = vector.broadcast %mul3A_680 : i32 to vector<16xi32>
        %mul3A_682 = arith.muli %get3A_679, %mul3A_681 : vector<16xi32>
        %get3A_683 = arith.constant 1 : i32
        %get3A_684 = arith.index_cast %get3A_683 : i32 to index
        %get3A_685 = arith.constant 112 : index
        %get3A_686 = tpu.vector_load %arg7[%get3A_684, %get3A_685] {strides = array<i32>} : memref<3x128xi32, #tpu.memory_space<vmem>>, vector<1x16xi32>,
        %get3A_687 = vector.shape_cast %get3A_686 : vector<1x16xi32> to vector<16xi32>
        %add3A_688 = arith.addi %mul3A_682, %get3A_687 : vector<16xi32>
        %swap3A_689 = arith.constant 112 : index
        %swap3A_690 = tpu.vector_load %arg9[%swap3A_689] {strides = array<i32>} : memref<128xi32, #tpu.memory_space<vmem>>, vector<16xi32>,
        %swap3A_691 = vector.shape_cast %swap3A_690 : vector<16xi32> to vector<16xi32>
        %swap3A_692 = vector.shape_cast %add3A_688 : vector<16xi32> to vector<16xi32>
        tpu.vector_store %arg9[%swap3A_689], %swap3A_692 {strides = array<i32>} : memref<128xi32, #tpu.memory_space<vmem>>, vector<16xi32>,
        %get3A_693 = arith.constant 2 : i32
        %get3A_694 = arith.index_cast %get3A_693 : i32 to index
        %get3A_695 = arith.constant 112 : index
        %get3A_696 = tpu.vector_load %arg7[%get3A_694, %get3A_695] {strides = array<i32>} : memref<3x128xi32, #tpu.memory_space<vmem>>, vector<1x16xi32>,
        %get3A_697 = vector.shape_cast %get3A_696 : vector<1x16xi32> to vector<16xi32>
        %add3A_698 = arith.constant 200 : i32
        %add3A_699 = vector.broadcast %add3A_698 : i32 to vector<16xi32>
        %add3A_700 = arith.addi %get3A_697, %add3A_699 : vector<16xi32>
        %swap3A_701 = arith.constant 112 : index
        %swap3A_702 = tpu.vector_load %arg11[%swap3A_701] {strides = array<i32>} : memref<128xi32, #tpu.memory_space<vmem>>, vector<16xi32>,
        %swap3A_703 = vector.shape_cast %swap3A_702 : vector<16xi32> to vector<16xi32>
        %swap3A_704 = vector.shape_cast %add3A_700 : vector<16xi32> to vector<16xi32>
        tpu.vector_store %arg11[%swap3A_701], %swap3A_704 {strides = array<i32>} : memref<128xi32, #tpu.memory_space<vmem>>, vector<16xi32>,
        %dma_start3A_705 = arith.constant 0 : i32
        %dma_start3A_706 = arith.constant 0 : i32
        %dma_start3A_707 = tpu.memref_slice %arg5[%dma_start3A_705, %dma_start3A_706] : memref<1792x64xi32, #tpu.memory_space<vmem_shared>> -> memref<1792x64xi32, #tpu.memory_space<vmem_shared>>
        tpu.enqueue_indirect_dma source(%dma_start3A_707 : memref<1792x64xi32, #tpu.memory_space<vmem_shared>>) target(%arg13 : memref<128x64xi32, #tpu.memory_space<vmem>>) offsets(%arg9 : memref<128xi32, #tpu.memory_space<vmem>>) semaphore(%arg21 : memref<!tpu.dma_semaphore, #tpu.memory_space<semaphore_mem>>)
        %dma_start3A_708 = arith.constant 0 : i32
        %dma_start3A_709 = arith.constant 0 : i32
        %dma_start3A_710 = tpu.memref_slice %arg5[%dma_start3A_708, %dma_start3A_709] : memref<1792x64xi32, #tpu.memory_space<vmem_shared>> -> memref<1792x64xi32, #tpu.memory_space<vmem_shared>>
        tpu.enqueue_indirect_dma source(%dma_start3A_710 : memref<1792x64xi32, #tpu.memory_space<vmem_shared>>) target(%arg15 : memref<128x64xi32, #tpu.memory_space<vmem>>) offsets(%arg11 : memref<128xi32, #tpu.memory_space<vmem>>) semaphore(%arg23 : memref<!tpu.dma_semaphore, #tpu.memory_space<semaphore_mem>>)
      } else {
      }
      %add3A_383 = arith.constant 2 : i32
      %add3A_384 = arith.addi %add3A_375, %add3A_383 : i32
      %lt3A_385 = arith.constant 200 : i32
      %lt3A_386 = arith.cmpi slt, %add3A_384, %lt3A_385 : i32
      %convert_element_type3A_387 = arith.extui %lt3A_386 : i1 to i32
      %cond3A_388 = arith.constant 0 : i32
      %cond3A_389 = arith.cmpi ne, %convert_element_type3A_387, %cond3A_388 : i32
      scf.if %cond3A_389 {
        %add3A_456 = arith.constant 2 : i32
        %add3A_457 = arith.addi %add3A_375, %add3A_456 : i32
        %add3A_458 = arith.addi %mul3A_4, %add3A_457 : i32
        %dma_start3A_459 = arith.constant 0 : i32
        %dma_start3A_460 = arith.constant 0 : i32
        %dma_start3A_461 = tpu.memref_slice %arg3[%add3A_458, %dma_start3A_459, %dma_start3A_460] : memref<6400x3x128xi32, #tpu.memory_space<hbm>> -> memref<1x3x128xi32, #tpu.memory_space<hbm>>
        %dma_start3A_462 = tpu.memref_squeeze %dma_start3A_461 : memref<1x3x128xi32, #tpu.memory_space<hbm>> -> memref<3x128xi32, #tpu.memory_space<hbm>>
        %dma_start3A_463 = arith.constant 0 : i32
        %dma_start3A_464 = arith.constant 0 : i32
        %dma_start3A_465 = tpu.memref_slice %arg3[%add3A_458, %dma_start3A_463, %dma_start3A_464] : memref<6400x3x128xi32, #tpu.memory_space<hbm>> -> memref<1x3x128xi32, #tpu.memory_space<hbm>>
        %dma_start3A_466 = tpu.memref_squeeze %dma_start3A_465 : memref<1x3x128xi32, #tpu.memory_space<hbm>> -> memref<3x128xi32, #tpu.memory_space<hbm>>
        tpu.enqueue_dma source(%dma_start3A_466 : memref<3x128xi32, #tpu.memory_space<hbm>>) target(%arg6 : memref<3x128xi32, #tpu.memory_space<vmem>>) target_semaphore(%arg18 : memref<!tpu.dma_semaphore, #tpu.memory_space<semaphore_mem>>)
      } else {
      }
      %ge3A_390 = arith.constant 2 : i32
      %ge3A_391 = arith.cmpi sge, %add3A_375, %ge3A_390 : i32
      %convert_element_type3A_392 = arith.extui %ge3A_391 : i1 to i32
      %cond3A_393 = arith.constant 0 : i32
      %cond3A_394 = arith.cmpi ne, %convert_element_type3A_392, %cond3A_393 : i32
      scf.if %cond3A_394 {
        %dma_wait3A_456 = arith.constant 0 : i32
        %dma_wait3A_457 = tpu.memref_slice %arg4[%mul3A_2, %dma_wait3A_456] : memref<819200x128xf32, #tpu.memory_space<hbm>> -> memref<128x128xf32, #tpu.memory_space<hbm>>
        %dma_wait3A_458 = arith.constant 0 : i32
        %dma_wait3A_459 = tpu.memref_slice %arg4[%mul3A_2, %dma_wait3A_458] : memref<819200x128xf32, #tpu.memory_space<hbm>> -> memref<128x128xf32, #tpu.memory_space<hbm>>
        tpu.wait_dma2 semaphore(%arg24 : memref<!tpu.dma_semaphore, #tpu.memory_space<semaphore_mem>>) src(%arg16 : memref<128x128xf32, #tpu.memory_space<vmem>>) dst(%dma_wait3A_459 : memref<128x128xf32, #tpu.memory_space<hbm>>)
      } else {
      }
      %dma_wait3A_395 = arith.constant 0 : i32
      %dma_wait3A_396 = arith.constant 0 : i32
      %dma_wait3A_397 = tpu.memref_slice %arg5[%dma_wait3A_395, %dma_wait3A_396] : memref<1792x64xi32, #tpu.memory_space<vmem_shared>> -> memref<1792x64xi32, #tpu.memory_space<vmem_shared>>
      tpu.wait_indirect_dma semaphore(%arg20 : memref<!tpu.dma_semaphore, #tpu.memory_space<semaphore_mem>>) src(%dma_wait3A_397 : memref<1792x64xi32, #tpu.memory_space<vmem_shared>>) dst(%arg12 : memref<128x64xi32, #tpu.memory_space<vmem>>)
      %dma_wait3A_398 = arith.constant 0 : i32
      %dma_wait3A_399 = arith.constant 0 : i32
      %dma_wait3A_400 = tpu.memref_slice %arg5[%dma_wait3A_398, %dma_wait3A_399] : memref<1792x64xi32, #tpu.memory_space<vmem_shared>> -> memref<1792x64xi32, #tpu.memory_space<vmem_shared>>
      tpu.wait_indirect_dma semaphore(%arg22 : memref<!tpu.dma_semaphore, #tpu.memory_space<semaphore_mem>>) src(%dma_wait3A_400 : memref<1792x64xi32, #tpu.memory_space<vmem_shared>>) dst(%arg14 : memref<128x64xi32, #tpu.memory_space<vmem>>)
      %scan3A_401 = arith.constant 0 : i32
      %scan3A_402 = arith.constant 0 : i32
      %scan3A_403 = arith.constant 32 : i32
      %scan3A_404 = arith.addi %scan3A_402, %scan3A_403 : i32
      %scan3A_405 = arith.constant 1 : i32
      scf.for %scan3A_456 = %scan3A_402 to %scan3A_404 step %scan3A_405  : i32 {
        %broadcast_in_dim3A = arith.constant -65536 : i32
        %broadcast_in_dim3A_457 = vector.broadcast %broadcast_in_dim3A : i32 to vector<16xi32>
        %mul3A_458 = arith.constant 4 : i32
        %mul3A_459 = arith.muli %scan3A_456, %mul3A_458 : i32
        %add3A_460 = arith.constant 0 : i32
        %add3A_461 = arith.addi %mul3A_459, %add3A_460 : i32
        %get3A_462 = arith.index_cast %add3A_461 : i32 to index
        %get3A_463 = arith.constant 0 : index
        %get3A_464 = tpu.vector_load %arg12[%get3A_462, %get3A_463] {strides = array<i32>} : memref<128x64xi32, #tpu.memory_space<vmem>>, vector<1x16xi32>,
        %get3A_465 = vector.shape_cast %get3A_464 : vector<1x16xi32> to vector<16xi32>
        %get3A_466 = arith.index_cast %add3A_461 : i32 to index
        %get3A_467 = arith.constant 0 : index
        %get3A_468 = tpu.vector_load %arg14[%get3A_466, %get3A_467] {strides = array<i32>} : memref<128x64xi32, #tpu.memory_space<vmem>>, vector<1x16xi32>,
        %get3A_469 = vector.shape_cast %get3A_468 : vector<1x16xi32> to vector<16xi32>
        %shift_left3A = arith.constant 16 : i32
        %shift_left3A_470 = vector.broadcast %shift_left3A : i32 to vector<16xi32>
        %shift_left3A_471 = arith.shli %get3A_465, %shift_left3A_470 : vector<16xi32>
        %bitcast_convert_type3A = tpu.bitcast %shift_left3A_471 : vector<16xi32> -> vector<16xf32>
        %shift_left3A_472 = arith.constant 16 : i32
        %shift_left3A_473 = vector.broadcast %shift_left3A_472 : i32 to vector<16xi32>
        %shift_left3A_474 = arith.shli %get3A_469, %shift_left3A_473 : vector<16xi32>
        %bitcast_convert_type3A_475 = tpu.bitcast %shift_left3A_474 : vector<16xi32> -> vector<16xf32>
        %and3A = arith.andi %get3A_465, %broadcast_in_dim3A_457 : vector<16xi32>
        %bitcast_convert_type3A_476 = tpu.bitcast %and3A : vector<16xi32> -> vector<16xf32>
        %and3A_477 = arith.andi %get3A_469, %broadcast_in_dim3A_457 : vector<16xi32>
        %bitcast_convert_type3A_478 = tpu.bitcast %and3A_477 : vector<16xi32> -> vector<16xf32>
        %add3A_479 = arith.addf %bitcast_convert_type3A_476, %bitcast_convert_type3A_478 : vector<16xf32>
        %swap3A_480 = arith.index_cast %add3A_461 : i32 to index
        %swap3A_481 = arith.constant 0 : index
        %swap3A_482 = tpu.vector_load %arg16[%swap3A_480, %swap3A_481] {strides = array<i32>} : memref<128x128xf32, #tpu.memory_space<vmem>>, vector<1x16xf32>,
        %swap3A_483 = vector.shape_cast %swap3A_482 : vector<1x16xf32> to vector<16xf32>
        %swap3A_484 = vector.shape_cast %add3A_479 : vector<16xf32> to vector<1x16xf32>
        tpu.vector_store %arg16[%swap3A_480, %swap3A_481], %swap3A_484 {strides = array<i32>} : memref<128x128xf32, #tpu.memory_space<vmem>>, vector<1x16xf32>,
        %add3A_485 = arith.addf %bitcast_convert_type3A, %bitcast_convert_type3A_475 : vector<16xf32>
        %swap3A_486 = arith.index_cast %add3A_461 : i32 to index
        %swap3A_487 = arith.constant 16 : index
        %swap3A_488 = tpu.vector_load %arg16[%swap3A_486, %swap3A_487] {strides = array<i32>} : memref<128x128xf32, #tpu.memory_space<vmem>>, vector<1x16xf32>,
        %swap3A_489 = vector.shape_cast %swap3A_488 : vector<1x16xf32> to vector<16xf32>
        %swap3A_490 = vector.shape_cast %add3A_485 : vector<16xf32> to vector<1x16xf32>
        tpu.vector_store %arg16[%swap3A_486, %swap3A_487], %swap3A_490 {strides = array<i32>} : memref<128x128xf32, #tpu.memory_space<vmem>>, vector<1x16xf32>,
        %get3A_491 = arith.index_cast %add3A_461 : i32 to index
        %get3A_492 = arith.constant 16 : index
        %get3A_493 = tpu.vector_load %arg12[%get3A_491, %get3A_492] {strides = array<i32>} : memref<128x64xi32, #tpu.memory_space<vmem>>, vector<1x16xi32>,
        %get3A_494 = vector.shape_cast %get3A_493 : vector<1x16xi32> to vector<16xi32>
        %get3A_495 = arith.index_cast %add3A_461 : i32 to index
        %get3A_496 = arith.constant 16 : index
        %get3A_497 = tpu.vector_load %arg14[%get3A_495, %get3A_496] {strides = array<i32>} : memref<128x64xi32, #tpu.memory_space<vmem>>, vector<1x16xi32>,
        %get3A_498 = vector.shape_cast %get3A_497 : vector<1x16xi32> to vector<16xi32>
        %shift_left3A_499 = arith.constant 16 : i32
        %shift_left3A_500 = vector.broadcast %shift_left3A_499 : i32 to vector<16xi32>
        %shift_left3A_501 = arith.shli %get3A_494, %shift_left3A_500 : vector<16xi32>
        %bitcast_convert_type3A_502 = tpu.bitcast %shift_left3A_501 : vector<16xi32> -> vector<16xf32>
        %shift_left3A_503 = arith.constant 16 : i32
        %shift_left3A_504 = vector.broadcast %shift_left3A_503 : i32 to vector<16xi32>
        %shift_left3A_505 = arith.shli %get3A_498, %shift_left3A_504 : vector<16xi32>
        %bitcast_convert_type3A_506 = tpu.bitcast %shift_left3A_505 : vector<16xi32> -> vector<16xf32>
        %and3A_507 = arith.andi %get3A_494, %broadcast_in_dim3A_457 : vector<16xi32>
        %bitcast_convert_type3A_508 = tpu.bitcast %and3A_507 : vector<16xi32> -> vector<16xf32>
        %and3A_509 = arith.andi %get3A_498, %broadcast_in_dim3A_457 : vector<16xi32>
        %bitcast_convert_type3A_510 = tpu.bitcast %and3A_509 : vector<16xi32> -> vector<16xf32>
        %add3A_511 = arith.addf %bitcast_convert_type3A_508, %bitcast_convert_type3A_510 : vector<16xf32>
        %swap3A_512 = arith.index_cast %add3A_461 : i32 to index
        %swap3A_513 = arith.constant 32 : index
        %swap3A_514 = tpu.vector_load %arg16[%swap3A_512, %swap3A_513] {strides = array<i32>} : memref<128x128xf32, #tpu.memory_space<vmem>>, vector<1x16xf32>,
        %swap3A_515 = vector.shape_cast %swap3A_514 : vector<1x16xf32> to vector<16xf32>
        %swap3A_516 = vector.shape_cast %add3A_511 : vector<16xf32> to vector<1x16xf32>
        tpu.vector_store %arg16[%swap3A_512, %swap3A_513], %swap3A_516 {strides = array<i32>} : memref<128x128xf32, #tpu.memory_space<vmem>>, vector<1x16xf32>,
        %add3A_517 = arith.addf %bitcast_convert_type3A_502, %bitcast_convert_type3A_506 : vector<16xf32>
        %swap3A_518 = arith.index_cast %add3A_461 : i32 to index
        %swap3A_519 = arith.constant 48 : index
        %swap3A_520 = tpu.vector_load %arg16[%swap3A_518, %swap3A_519] {strides = array<i32>} : memref<128x128xf32, #tpu.memory_space<vmem>>, vector<1x16xf32>,
        %swap3A_521 = vector.shape_cast %swap3A_520 : vector<1x16xf32> to vector<16xf32>
        %swap3A_522 = vector.shape_cast %add3A_517 : vector<16xf32> to vector<1x16xf32>
        tpu.vector_store %arg16[%swap3A_518, %swap3A_519], %swap3A_522 {strides = array<i32>} : memref<128x128xf32, #tpu.memory_space<vmem>>, vector<1x16xf32>,
        %get3A_523 = arith.index_cast %add3A_461 : i32 to index
        %get3A_524 = arith.constant 32 : index
        %get3A_525 = tpu.vector_load %arg12[%get3A_523, %get3A_524] {strides = array<i32>} : memref<128x64xi32, #tpu.memory_space<vmem>>, vector<1x16xi32>,
        %get3A_526 = vector.shape_cast %get3A_525 : vector<1x16xi32> to vector<16xi32>
        %get3A_527 = arith.index_cast %add3A_461 : i32 to index
        %get3A_528 = arith.constant 32 : index
        %get3A_529 = tpu.vector_load %arg14[%get3A_527, %get3A_528] {strides = array<i32>} : memref<128x64xi32, #tpu.memory_space<vmem>>, vector<1x16xi32>,
        %get3A_530 = vector.shape_cast %get3A_529 : vector<1x16xi32> to vector<16xi32>
        %shift_left3A_531 = arith.constant 16 : i32
        %shift_left3A_532 = vector.broadcast %shift_left3A_531 : i32 to vector<16xi32>
        %shift_left3A_533 = arith.shli %get3A_526, %shift_left3A_532 : vector<16xi32>
        %bitcast_convert_type3A_534 = tpu.bitcast %shift_left3A_533 : vector<16xi32> -> vector<16xf32>
        %shift_left3A_535 = arith.constant 16 : i32
        %shift_left3A_536 = vector.broadcast %shift_left3A_535 : i32 to vector<16xi32>
        %shift_left3A_537 = arith.shli %get3A_530, %shift_left3A_536 : vector<16xi32>
        %bitcast_convert_type3A_538 = tpu.bitcast %shift_left3A_537 : vector<16xi32> -> vector<16xf32>
        %and3A_539 = arith.andi %get3A_526, %broadcast_in_dim3A_457 : vector<16xi32>
        %bitcast_convert_type3A_540 = tpu.bitcast %and3A_539 : vector<16xi32> -> vector<16xf32>
        %and3A_541 = arith.andi %get3A_530, %broadcast_in_dim3A_457 : vector<16xi32>
        %bitcast_convert_type3A_542 = tpu.bitcast %and3A_541 : vector<16xi32> -> vector<16xf32>
        %add3A_543 = arith.addf %bitcast_convert_type3A_540, %bitcast_convert_type3A_542 : vector<16xf32>
        %swap3A_544 = arith.index_cast %add3A_461 : i32 to index
        %swap3A_545 = arith.constant 64 : index
        %swap3A_546 = tpu.vector_load %arg16[%swap3A_544, %swap3A_545] {strides = array<i32>} : memref<128x128xf32, #tpu.memory_space<vmem>>, vector<1x16xf32>,
        %swap3A_547 = vector.shape_cast %swap3A_546 : vector<1x16xf32> to vector<16xf32>
        %swap3A_548 = vector.shape_cast %add3A_543 : vector<16xf32> to vector<1x16xf32>
        tpu.vector_store %arg16[%swap3A_544, %swap3A_545], %swap3A_548 {strides = array<i32>} : memref<128x128xf32, #tpu.memory_space<vmem>>, vector<1x16xf32>,
        %add3A_549 = arith.addf %bitcast_convert_type3A_534, %bitcast_convert_type3A_538 : vector<16xf32>
        %swap3A_550 = arith.index_cast %add3A_461 : i32 to index
        %swap3A_551 = arith.constant 80 : index
        %swap3A_552 = tpu.vector_load %arg16[%swap3A_550, %swap3A_551] {strides = array<i32>} : memref<128x128xf32, #tpu.memory_space<vmem>>, vector<1x16xf32>,
        %swap3A_553 = vector.shape_cast %swap3A_552 : vector<1x16xf32> to vector<16xf32>
        %swap3A_554 = vector.shape_cast %add3A_549 : vector<16xf32> to vector<1x16xf32>
        tpu.vector_store %arg16[%swap3A_550, %swap3A_551], %swap3A_554 {strides = array<i32>} : memref<128x128xf32, #tpu.memory_space<vmem>>, vector<1x16xf32>,
        %get3A_555 = arith.index_cast %add3A_461 : i32 to index
        %get3A_556 = arith.constant 48 : index
        %get3A_557 = tpu.vector_load %arg12[%get3A_555, %get3A_556] {strides = array<i32>} : memref<128x64xi32, #tpu.memory_space<vmem>>, vector<1x16xi32>,
        %get3A_558 = vector.shape_cast %get3A_557 : vector<1x16xi32> to vector<16xi32>
        %get3A_559 = arith.index_cast %add3A_461 : i32 to index
        %get3A_560 = arith.constant 48 : index
        %get3A_561 = tpu.vector_load %arg14[%get3A_559, %get3A_560] {strides = array<i32>} : memref<128x64xi32, #tpu.memory_space<vmem>>, vector<1x16xi32>,
        %get3A_562 = vector.shape_cast %get3A_561 : vector<1x16xi32> to vector<16xi32>
        %shift_left3A_563 = arith.constant 16 : i32
        %shift_left3A_564 = vector.broadcast %shift_left3A_563 : i32 to vector<16xi32>
        %shift_left3A_565 = arith.shli %get3A_558, %shift_left3A_564 : vector<16xi32>
        %bitcast_convert_type3A_566 = tpu.bitcast %shift_left3A_565 : vector<16xi32> -> vector<16xf32>
        %shift_left3A_567 = arith.constant 16 : i32
        %shift_left3A_568 = vector.broadcast %shift_left3A_567 : i32 to vector<16xi32>
        %shift_left3A_569 = arith.shli %get3A_562, %shift_left3A_568 : vector<16xi32>
        %bitcast_convert_type3A_570 = tpu.bitcast %shift_left3A_569 : vector<16xi32> -> vector<16xf32>
        %and3A_571 = arith.andi %get3A_558, %broadcast_in_dim3A_457 : vector<16xi32>
        %bitcast_convert_type3A_572 = tpu.bitcast %and3A_571 : vector<16xi32> -> vector<16xf32>
        %and3A_573 = arith.andi %get3A_562, %broadcast_in_dim3A_457 : vector<16xi32>
        %bitcast_convert_type3A_574 = tpu.bitcast %and3A_573 : vector<16xi32> -> vector<16xf32>
        %add3A_575 = arith.addf %bitcast_convert_type3A_572, %bitcast_convert_type3A_574 : vector<16xf32>
        %swap3A_576 = arith.index_cast %add3A_461 : i32 to index
        %swap3A_577 = arith.constant 96 : index
        %swap3A_578 = tpu.vector_load %arg16[%swap3A_576, %swap3A_577] {strides = array<i32>} : memref<128x128xf32, #tpu.memory_space<vmem>>, vector<1x16xf32>,
        %swap3A_579 = vector.shape_cast %swap3A_578 : vector<1x16xf32> to vector<16xf32>
        %swap3A_580 = vector.shape_cast %add3A_575 : vector<16xf32> to vector<1x16xf32>
        tpu.vector_store %arg16[%swap3A_576, %swap3A_577], %swap3A_580 {strides = array<i32>} : memref<128x128xf32, #tpu.memory_space<vmem>>, vector<1x16xf32>,
        %add3A_581 = arith.addf %bitcast_convert_type3A_566, %bitcast_convert_type3A_570 : vector<16xf32>
        %swap3A_582 = arith.index_cast %add3A_461 : i32 to index
        %swap3A_583 = arith.constant 112 : index
        %swap3A_584 = tpu.vector_load %arg16[%swap3A_582, %swap3A_583] {strides = array<i32>} : memref<128x128xf32, #tpu.memory_space<vmem>>, vector<1x16xf32>,
        %swap3A_585 = vector.shape_cast %swap3A_584 : vector<1x16xf32> to vector<16xf32>
        %swap3A_586 = vector.shape_cast %add3A_581 : vector<16xf32> to vector<1x16xf32>
        tpu.vector_store %arg16[%swap3A_582, %swap3A_583], %swap3A_586 {strides = array<i32>} : memref<128x128xf32, #tpu.memory_space<vmem>>, vector<1x16xf32>,
        %mul3A_587 = arith.constant 4 : i32
        %mul3A_588 = arith.muli %scan3A_456, %mul3A_587 : i32
        %add3A_589 = arith.constant 1 : i32
        %add3A_590 = arith.addi %mul3A_588, %add3A_589 : i32
        %get3A_591 = arith.index_cast %add3A_590 : i32 to index
        %get3A_592 = arith.constant 0 : index
        %get3A_593 = tpu.vector_load %arg12[%get3A_591, %get3A_592] {strides = array<i32>} : memref<128x64xi32, #tpu.memory_space<vmem>>, vector<1x16xi32>,
        %get3A_594 = vector.shape_cast %get3A_593 : vector<1x16xi32> to vector<16xi32>
        %get3A_595 = arith.index_cast %add3A_590 : i32 to index
        %get3A_596 = arith.constant 0 : index
        %get3A_597 = tpu.vector_load %arg14[%get3A_595, %get3A_596] {strides = array<i32>} : memref<128x64xi32, #tpu.memory_space<vmem>>, vector<1x16xi32>,
        %get3A_598 = vector.shape_cast %get3A_597 : vector<1x16xi32> to vector<16xi32>
        %shift_left3A_599 = arith.constant 16 : i32
        %shift_left3A_600 = vector.broadcast %shift_left3A_599 : i32 to vector<16xi32>
        %shift_left3A_601 = arith.shli %get3A_594, %shift_left3A_600 : vector<16xi32>
        %bitcast_convert_type3A_602 = tpu.bitcast %shift_left3A_601 : vector<16xi32> -> vector<16xf32>
        %shift_left3A_603 = arith.constant 16 : i32
        %shift_left3A_604 = vector.broadcast %shift_left3A_603 : i32 to vector<16xi32>
        %shift_left3A_605 = arith.shli %get3A_598, %shift_left3A_604 : vector<16xi32>
        %bitcast_convert_type3A_606 = tpu.bitcast %shift_left3A_605 : vector<16xi32> -> vector<16xf32>
        %and3A_607 = arith.andi %get3A_594, %broadcast_in_dim3A_457 : vector<16xi32>
        %bitcast_convert_type3A_608 = tpu.bitcast %and3A_607 : vector<16xi32> -> vector<16xf32>
        %and3A_609 = arith.andi %get3A_598, %broadcast_in_dim3A_457 : vector<16xi32>
        %bitcast_convert_type3A_610 = tpu.bitcast %and3A_609 : vector<16xi32> -> vector<16xf32>
        %add3A_611 = arith.addf %bitcast_convert_type3A_608, %bitcast_convert_type3A_610 : vector<16xf32>
        %swap3A_612 = arith.index_cast %add3A_590 : i32 to index
        %swap3A_613 = arith.constant 0 : index
        %swap3A_614 = tpu.vector_load %arg16[%swap3A_612, %swap3A_613] {strides = array<i32>} : memref<128x128xf32, #tpu.memory_space<vmem>>, vector<1x16xf32>,
        %swap3A_615 = vector.shape_cast %swap3A_614 : vector<1x16xf32> to vector<16xf32>
        %swap3A_616 = vector.shape_cast %add3A_611 : vector<16xf32> to vector<1x16xf32>
        tpu.vector_store %arg16[%swap3A_612, %swap3A_613], %swap3A_616 {strides = array<i32>} : memref<128x128xf32, #tpu.memory_space<vmem>>, vector<1x16xf32>,
        %add3A_617 = arith.addf %bitcast_convert_type3A_602, %bitcast_convert_type3A_606 : vector<16xf32>
        %swap3A_618 = arith.index_cast %add3A_590 : i32 to index
        %swap3A_619 = arith.constant 16 : index
        %swap3A_620 = tpu.vector_load %arg16[%swap3A_618, %swap3A_619] {strides = array<i32>} : memref<128x128xf32, #tpu.memory_space<vmem>>, vector<1x16xf32>,
        %swap3A_621 = vector.shape_cast %swap3A_620 : vector<1x16xf32> to vector<16xf32>
        %swap3A_622 = vector.shape_cast %add3A_617 : vector<16xf32> to vector<1x16xf32>
        tpu.vector_store %arg16[%swap3A_618, %swap3A_619], %swap3A_622 {strides = array<i32>} : memref<128x128xf32, #tpu.memory_space<vmem>>, vector<1x16xf32>,
        %get3A_623 = arith.index_cast %add3A_590 : i32 to index
        %get3A_624 = arith.constant 16 : index
        %get3A_625 = tpu.vector_load %arg12[%get3A_623, %get3A_624] {strides = array<i32>} : memref<128x64xi32, #tpu.memory_space<vmem>>, vector<1x16xi32>,
        %get3A_626 = vector.shape_cast %get3A_625 : vector<1x16xi32> to vector<16xi32>
        %get3A_627 = arith.index_cast %add3A_590 : i32 to index
        %get3A_628 = arith.constant 16 : index
        %get3A_629 = tpu.vector_load %arg14[%get3A_627, %get3A_628] {strides = array<i32>} : memref<128x64xi32, #tpu.memory_space<vmem>>, vector<1x16xi32>,
        %get3A_630 = vector.shape_cast %get3A_629 : vector<1x16xi32> to vector<16xi32>
        %shift_left3A_631 = arith.constant 16 : i32
        %shift_left3A_632 = vector.broadcast %shift_left3A_631 : i32 to vector<16xi32>
        %shift_left3A_633 = arith.shli %get3A_626, %shift_left3A_632 : vector<16xi32>
        %bitcast_convert_type3A_634 = tpu.bitcast %shift_left3A_633 : vector<16xi32> -> vector<16xf32>
        %shift_left3A_635 = arith.constant 16 : i32
        %shift_left3A_636 = vector.broadcast %shift_left3A_635 : i32 to vector<16xi32>
        %shift_left3A_637 = arith.shli %get3A_630, %shift_left3A_636 : vector<16xi32>
        %bitcast_convert_type3A_638 = tpu.bitcast %shift_left3A_637 : vector<16xi32> -> vector<16xf32>
        %and3A_639 = arith.andi %get3A_626, %broadcast_in_dim3A_457 : vector<16xi32>
        %bitcast_convert_type3A_640 = tpu.bitcast %and3A_639 : vector<16xi32> -> vector<16xf32>
        %and3A_641 = arith.andi %get3A_630, %broadcast_in_dim3A_457 : vector<16xi32>
        %bitcast_convert_type3A_642 = tpu.bitcast %and3A_641 : vector<16xi32> -> vector<16xf32>
        %add3A_643 = arith.addf %bitcast_convert_type3A_640, %bitcast_convert_type3A_642 : vector<16xf32>
        %swap3A_644 = arith.index_cast %add3A_590 : i32 to index
        %swap3A_645 = arith.constant 32 : index
        %swap3A_646 = tpu.vector_load %arg16[%swap3A_644, %swap3A_645] {strides = array<i32>} : memref<128x128xf32, #tpu.memory_space<vmem>>, vector<1x16xf32>,
        %swap3A_647 = vector.shape_cast %swap3A_646 : vector<1x16xf32> to vector<16xf32>
        %swap3A_648 = vector.shape_cast %add3A_643 : vector<16xf32> to vector<1x16xf32>
        tpu.vector_store %arg16[%swap3A_644, %swap3A_645], %swap3A_648 {strides = array<i32>} : memref<128x128xf32, #tpu.memory_space<vmem>>, vector<1x16xf32>,
        %add3A_649 = arith.addf %bitcast_convert_type3A_634, %bitcast_convert_type3A_638 : vector<16xf32>
        %swap3A_650 = arith.index_cast %add3A_590 : i32 to index
        %swap3A_651 = arith.constant 48 : index
        %swap3A_652 = tpu.vector_load %arg16[%swap3A_650, %swap3A_651] {strides = array<i32>} : memref<128x128xf32, #tpu.memory_space<vmem>>, vector<1x16xf32>,
        %swap3A_653 = vector.shape_cast %swap3A_652 : vector<1x16xf32> to vector<16xf32>
        %swap3A_654 = vector.shape_cast %add3A_649 : vector<16xf32> to vector<1x16xf32>
        tpu.vector_store %arg16[%swap3A_650, %swap3A_651], %swap3A_654 {strides = array<i32>} : memref<128x128xf32, #tpu.memory_space<vmem>>, vector<1x16xf32>,
        %get3A_655 = arith.index_cast %add3A_590 : i32 to index
        %get3A_656 = arith.constant 32 : index
        %get3A_657 = tpu.vector_load %arg12[%get3A_655, %get3A_656] {strides = array<i32>} : memref<128x64xi32, #tpu.memory_space<vmem>>, vector<1x16xi32>,
        %get3A_658 = vector.shape_cast %get3A_657 : vector<1x16xi32> to vector<16xi32>
        %get3A_659 = arith.index_cast %add3A_590 : i32 to index
        %get3A_660 = arith.constant 32 : index
        %get3A_661 = tpu.vector_load %arg14[%get3A_659, %get3A_660] {strides = array<i32>} : memref<128x64xi32, #tpu.memory_space<vmem>>, vector<1x16xi32>,
        %get3A_662 = vector.shape_cast %get3A_661 : vector<1x16xi32> to vector<16xi32>
        %shift_left3A_663 = arith.constant 16 : i32
        %shift_left3A_664 = vector.broadcast %shift_left3A_663 : i32 to vector<16xi32>
        %shift_left3A_665 = arith.shli %get3A_658, %shift_left3A_664 : vector<16xi32>
        %bitcast_convert_type3A_666 = tpu.bitcast %shift_left3A_665 : vector<16xi32> -> vector<16xf32>
        %shift_left3A_667 = arith.constant 16 : i32
        %shift_left3A_668 = vector.broadcast %shift_left3A_667 : i32 to vector<16xi32>
        %shift_left3A_669 = arith.shli %get3A_662, %shift_left3A_668 : vector<16xi32>
        %bitcast_convert_type3A_670 = tpu.bitcast %shift_left3A_669 : vector<16xi32> -> vector<16xf32>
        %and3A_671 = arith.andi %get3A_658, %broadcast_in_dim3A_457 : vector<16xi32>
        %bitcast_convert_type3A_672 = tpu.bitcast %and3A_671 : vector<16xi32> -> vector<16xf32>
        %and3A_673 = arith.andi %get3A_662, %broadcast_in_dim3A_457 : vector<16xi32>
        %bitcast_convert_type3A_674 = tpu.bitcast %and3A_673 : vector<16xi32> -> vector<16xf32>
        %add3A_675 = arith.addf %bitcast_convert_type3A_672, %bitcast_convert_type3A_674 : vector<16xf32>
        %swap3A_676 = arith.index_cast %add3A_590 : i32 to index
        %swap3A_677 = arith.constant 64 : index
        %swap3A_678 = tpu.vector_load %arg16[%swap3A_676, %swap3A_677] {strides = array<i32>} : memref<128x128xf32, #tpu.memory_space<vmem>>, vector<1x16xf32>,
        %swap3A_679 = vector.shape_cast %swap3A_678 : vector<1x16xf32> to vector<16xf32>
        %swap3A_680 = vector.shape_cast %add3A_675 : vector<16xf32> to vector<1x16xf32>
        tpu.vector_store %arg16[%swap3A_676, %swap3A_677], %swap3A_680 {strides = array<i32>} : memref<128x128xf32, #tpu.memory_space<vmem>>, vector<1x16xf32>,
        %add3A_681 = arith.addf %bitcast_convert_type3A_666, %bitcast_convert_type3A_670 : vector<16xf32>
        %swap3A_682 = arith.index_cast %add3A_590 : i32 to index
        %swap3A_683 = arith.constant 80 : index
        %swap3A_684 = tpu.vector_load %arg16[%swap3A_682, %swap3A_683] {strides = array<i32>} : memref<128x128xf32, #tpu.memory_space<vmem>>, vector<1x16xf32>,
        %swap3A_685 = vector.shape_cast %swap3A_684 : vector<1x16xf32> to vector<16xf32>
        %swap3A_686 = vector.shape_cast %add3A_681 : vector<16xf32> to vector<1x16xf32>
        tpu.vector_store %arg16[%swap3A_682, %swap3A_683], %swap3A_686 {strides = array<i32>} : memref<128x128xf32, #tpu.memory_space<vmem>>, vector<1x16xf32>,
        %get3A_687 = arith.index_cast %add3A_590 : i32 to index
        %get3A_688 = arith.constant 48 : index
        %get3A_689 = tpu.vector_load %arg12[%get3A_687, %get3A_688] {strides = array<i32>} : memref<128x64xi32, #tpu.memory_space<vmem>>, vector<1x16xi32>,
        %get3A_690 = vector.shape_cast %get3A_689 : vector<1x16xi32> to vector<16xi32>
        %get3A_691 = arith.index_cast %add3A_590 : i32 to index
        %get3A_692 = arith.constant 48 : index
        %get3A_693 = tpu.vector_load %arg14[%get3A_691, %get3A_692] {strides = array<i32>} : memref<128x64xi32, #tpu.memory_space<vmem>>, vector<1x16xi32>,
        %get3A_694 = vector.shape_cast %get3A_693 : vector<1x16xi32> to vector<16xi32>
        %shift_left3A_695 = arith.constant 16 : i32
        %shift_left3A_696 = vector.broadcast %shift_left3A_695 : i32 to vector<16xi32>
        %shift_left3A_697 = arith.shli %get3A_690, %shift_left3A_696 : vector<16xi32>
        %bitcast_convert_type3A_698 = tpu.bitcast %shift_left3A_697 : vector<16xi32> -> vector<16xf32>
        %shift_left3A_699 = arith.constant 16 : i32
        %shift_left3A_700 = vector.broadcast %shift_left3A_699 : i32 to vector<16xi32>
        %shift_left3A_701 = arith.shli %get3A_694, %shift_left3A_700 : vector<16xi32>
        %bitcast_convert_type3A_702 = tpu.bitcast %shift_left3A_701 : vector<16xi32> -> vector<16xf32>
        %and3A_703 = arith.andi %get3A_690, %broadcast_in_dim3A_457 : vector<16xi32>
        %bitcast_convert_type3A_704 = tpu.bitcast %and3A_703 : vector<16xi32> -> vector<16xf32>
        %and3A_705 = arith.andi %get3A_694, %broadcast_in_dim3A_457 : vector<16xi32>
        %bitcast_convert_type3A_706 = tpu.bitcast %and3A_705 : vector<16xi32> -> vector<16xf32>
        %add3A_707 = arith.addf %bitcast_convert_type3A_704, %bitcast_convert_type3A_706 : vector<16xf32>
        %swap3A_708 = arith.index_cast %add3A_590 : i32 to index
        %swap3A_709 = arith.constant 96 : index
        %swap3A_710 = tpu.vector_load %arg16[%swap3A_708, %swap3A_709] {strides = array<i32>} : memref<128x128xf32, #tpu.memory_space<vmem>>, vector<1x16xf32>,
        %swap3A_711 = vector.shape_cast %swap3A_710 : vector<1x16xf32> to vector<16xf32>
        %swap3A_712 = vector.shape_cast %add3A_707 : vector<16xf32> to vector<1x16xf32>
        tpu.vector_store %arg16[%swap3A_708, %swap3A_709], %swap3A_712 {strides = array<i32>} : memref<128x128xf32, #tpu.memory_space<vmem>>, vector<1x16xf32>,
        %add3A_713 = arith.addf %bitcast_convert_type3A_698, %bitcast_convert_type3A_702 : vector<16xf32>
        %swap3A_714 = arith.index_cast %add3A_590 : i32 to index
        %swap3A_715 = arith.constant 112 : index
        %swap3A_716 = tpu.vector_load %arg16[%swap3A_714, %swap3A_715] {strides = array<i32>} : memref<128x128xf32, #tpu.memory_space<vmem>>, vector<1x16xf32>,
        %swap3A_717 = vector.shape_cast %swap3A_716 : vector<1x16xf32> to vector<16xf32>
        %swap3A_718 = vector.shape_cast %add3A_713 : vector<16xf32> to vector<1x16xf32>
        tpu.vector_store %arg16[%swap3A_714, %swap3A_715], %swap3A_718 {strides = array<i32>} : memref<128x128xf32, #tpu.memory_space<vmem>>, vector<1x16xf32>,
        %mul3A_719 = arith.constant 4 : i32
        %mul3A_720 = arith.muli %scan3A_456, %mul3A_719 : i32
        %add3A_721 = arith.constant 2 : i32
        %add3A_722 = arith.addi %mul3A_720, %add3A_721 : i32
        %get3A_723 = arith.index_cast %add3A_722 : i32 to index
        %get3A_724 = arith.constant 0 : index
        %get3A_725 = tpu.vector_load %arg12[%get3A_723, %get3A_724] {strides = array<i32>} : memref<128x64xi32, #tpu.memory_space<vmem>>, vector<1x16xi32>,
        %get3A_726 = vector.shape_cast %get3A_725 : vector<1x16xi32> to vector<16xi32>
        %get3A_727 = arith.index_cast %add3A_722 : i32 to index
        %get3A_728 = arith.constant 0 : index
        %get3A_729 = tpu.vector_load %arg14[%get3A_727, %get3A_728] {strides = array<i32>} : memref<128x64xi32, #tpu.memory_space<vmem>>, vector<1x16xi32>,
        %get3A_730 = vector.shape_cast %get3A_729 : vector<1x16xi32> to vector<16xi32>
        %shift_left3A_731 = arith.constant 16 : i32
        %shift_left3A_732 = vector.broadcast %shift_left3A_731 : i32 to vector<16xi32>
        %shift_left3A_733 = arith.shli %get3A_726, %shift_left3A_732 : vector<16xi32>
        %bitcast_convert_type3A_734 = tpu.bitcast %shift_left3A_733 : vector<16xi32> -> vector<16xf32>
        %shift_left3A_735 = arith.constant 16 : i32
        %shift_left3A_736 = vector.broadcast %shift_left3A_735 : i32 to vector<16xi32>
        %shift_left3A_737 = arith.shli %get3A_730, %shift_left3A_736 : vector<16xi32>
        %bitcast_convert_type3A_738 = tpu.bitcast %shift_left3A_737 : vector<16xi32> -> vector<16xf32>
        %and3A_739 = arith.andi %get3A_726, %broadcast_in_dim3A_457 : vector<16xi32>
        %bitcast_convert_type3A_740 = tpu.bitcast %and3A_739 : vector<16xi32> -> vector<16xf32>
        %and3A_741 = arith.andi %get3A_730, %broadcast_in_dim3A_457 : vector<16xi32>
        %bitcast_convert_type3A_742 = tpu.bitcast %and3A_741 : vector<16xi32> -> vector<16xf32>
        %add3A_743 = arith.addf %bitcast_convert_type3A_740, %bitcast_convert_type3A_742 : vector<16xf32>
        %swap3A_744 = arith.index_cast %add3A_722 : i32 to index
        %swap3A_745 = arith.constant 0 : index
        %swap3A_746 = tpu.vector_load %arg16[%swap3A_744, %swap3A_745] {strides = array<i32>} : memref<128x128xf32, #tpu.memory_space<vmem>>, vector<1x16xf32>,
        %swap3A_747 = vector.shape_cast %swap3A_746 : vector<1x16xf32> to vector<16xf32>
        %swap3A_748 = vector.shape_cast %add3A_743 : vector<16xf32> to vector<1x16xf32>
        tpu.vector_store %arg16[%swap3A_744, %swap3A_745], %swap3A_748 {strides = array<i32>} : memref<128x128xf32, #tpu.memory_space<vmem>>, vector<1x16xf32>,
        %add3A_749 = arith.addf %bitcast_convert_type3A_734, %bitcast_convert_type3A_738 : vector<16xf32>
        %swap3A_750 = arith.index_cast %add3A_722 : i32 to index
        %swap3A_751 = arith.constant 16 : index
        %swap3A_752 = tpu.vector_load %arg16[%swap3A_750, %swap3A_751] {strides = array<i32>} : memref<128x128xf32, #tpu.memory_space<vmem>>, vector<1x16xf32>,
        %swap3A_753 = vector.shape_cast %swap3A_752 : vector<1x16xf32> to vector<16xf32>
        %swap3A_754 = vector.shape_cast %add3A_749 : vector<16xf32> to vector<1x16xf32>
        tpu.vector_store %arg16[%swap3A_750, %swap3A_751], %swap3A_754 {strides = array<i32>} : memref<128x128xf32, #tpu.memory_space<vmem>>, vector<1x16xf32>,
        %get3A_755 = arith.index_cast %add3A_722 : i32 to index
        %get3A_756 = arith.constant 16 : index
        %get3A_757 = tpu.vector_load %arg12[%get3A_755, %get3A_756] {strides = array<i32>} : memref<128x64xi32, #tpu.memory_space<vmem>>, vector<1x16xi32>,
        %get3A_758 = vector.shape_cast %get3A_757 : vector<1x16xi32> to vector<16xi32>
        %get3A_759 = arith.index_cast %add3A_722 : i32 to index
        %get3A_760 = arith.constant 16 : index
        %get3A_761 = tpu.vector_load %arg14[%get3A_759, %get3A_760] {strides = array<i32>} : memref<128x64xi32, #tpu.memory_space<vmem>>, vector<1x16xi32>,
        %get3A_762 = vector.shape_cast %get3A_761 : vector<1x16xi32> to vector<16xi32>
        %shift_left3A_763 = arith.constant 16 : i32
        %shift_left3A_764 = vector.broadcast %shift_left3A_763 : i32 to vector<16xi32>
        %shift_left3A_765 = arith.shli %get3A_758, %shift_left3A_764 : vector<16xi32>
        %bitcast_convert_type3A_766 = tpu.bitcast %shift_left3A_765 : vector<16xi32> -> vector<16xf32>
        %shift_left3A_767 = arith.constant 16 : i32
        %shift_left3A_768 = vector.broadcast %shift_left3A_767 : i32 to vector<16xi32>
        %shift_left3A_769 = arith.shli %get3A_762, %shift_left3A_768 : vector<16xi32>
        %bitcast_convert_type3A_770 = tpu.bitcast %shift_left3A_769 : vector<16xi32> -> vector<16xf32>
        %and3A_771 = arith.andi %get3A_758, %broadcast_in_dim3A_457 : vector<16xi32>
        %bitcast_convert_type3A_772 = tpu.bitcast %and3A_771 : vector<16xi32> -> vector<16xf32>
        %and3A_773 = arith.andi %get3A_762, %broadcast_in_dim3A_457 : vector<16xi32>
        %bitcast_convert_type3A_774 = tpu.bitcast %and3A_773 : vector<16xi32> -> vector<16xf32>
        %add3A_775 = arith.addf %bitcast_convert_type3A_772, %bitcast_convert_type3A_774 : vector<16xf32>
        %swap3A_776 = arith.index_cast %add3A_722 : i32 to index
        %swap3A_777 = arith.constant 32 : index
        %swap3A_778 = tpu.vector_load %arg16[%swap3A_776, %swap3A_777] {strides = array<i32>} : memref<128x128xf32, #tpu.memory_space<vmem>>, vector<1x16xf32>,
        %swap3A_779 = vector.shape_cast %swap3A_778 : vector<1x16xf32> to vector<16xf32>
        %swap3A_780 = vector.shape_cast %add3A_775 : vector<16xf32> to vector<1x16xf32>
        tpu.vector_store %arg16[%swap3A_776, %swap3A_777], %swap3A_780 {strides = array<i32>} : memref<128x128xf32, #tpu.memory_space<vmem>>, vector<1x16xf32>,
        %add3A_781 = arith.addf %bitcast_convert_type3A_766, %bitcast_convert_type3A_770 : vector<16xf32>
        %swap3A_782 = arith.index_cast %add3A_722 : i32 to index
        %swap3A_783 = arith.constant 48 : index
        %swap3A_784 = tpu.vector_load %arg16[%swap3A_782, %swap3A_783] {strides = array<i32>} : memref<128x128xf32, #tpu.memory_space<vmem>>, vector<1x16xf32>,
        %swap3A_785 = vector.shape_cast %swap3A_784 : vector<1x16xf32> to vector<16xf32>
        %swap3A_786 = vector.shape_cast %add3A_781 : vector<16xf32> to vector<1x16xf32>
        tpu.vector_store %arg16[%swap3A_782, %swap3A_783], %swap3A_786 {strides = array<i32>} : memref<128x128xf32, #tpu.memory_space<vmem>>, vector<1x16xf32>,
        %get3A_787 = arith.index_cast %add3A_722 : i32 to index
        %get3A_788 = arith.constant 32 : index
        %get3A_789 = tpu.vector_load %arg12[%get3A_787, %get3A_788] {strides = array<i32>} : memref<128x64xi32, #tpu.memory_space<vmem>>, vector<1x16xi32>,
        %get3A_790 = vector.shape_cast %get3A_789 : vector<1x16xi32> to vector<16xi32>
        %get3A_791 = arith.index_cast %add3A_722 : i32 to index
        %get3A_792 = arith.constant 32 : index
        %get3A_793 = tpu.vector_load %arg14[%get3A_791, %get3A_792] {strides = array<i32>} : memref<128x64xi32, #tpu.memory_space<vmem>>, vector<1x16xi32>,
        %get3A_794 = vector.shape_cast %get3A_793 : vector<1x16xi32> to vector<16xi32>
        %shift_left3A_795 = arith.constant 16 : i32
        %shift_left3A_796 = vector.broadcast %shift_left3A_795 : i32 to vector<16xi32>
        %shift_left3A_797 = arith.shli %get3A_790, %shift_left3A_796 : vector<16xi32>
        %bitcast_convert_type3A_798 = tpu.bitcast %shift_left3A_797 : vector<16xi32> -> vector<16xf32>
        %shift_left3A_799 = arith.constant 16 : i32
        %shift_left3A_800 = vector.broadcast %shift_left3A_799 : i32 to vector<16xi32>
        %shift_left3A_801 = arith.shli %get3A_794, %shift_left3A_800 : vector<16xi32>
        %bitcast_convert_type3A_802 = tpu.bitcast %shift_left3A_801 : vector<16xi32> -> vector<16xf32>
        %and3A_803 = arith.andi %get3A_790, %broadcast_in_dim3A_457 : vector<16xi32>
        %bitcast_convert_type3A_804 = tpu.bitcast %and3A_803 : vector<16xi32> -> vector<16xf32>
        %and3A_805 = arith.andi %get3A_794, %broadcast_in_dim3A_457 : vector<16xi32>
        %bitcast_convert_type3A_806 = tpu.bitcast %and3A_805 : vector<16xi32> -> vector<16xf32>
        %add3A_807 = arith.addf %bitcast_convert_type3A_804, %bitcast_convert_type3A_806 : vector<16xf32>
        %swap3A_808 = arith.index_cast %add3A_722 : i32 to index
        %swap3A_809 = arith.constant 64 : index
        %swap3A_810 = tpu.vector_load %arg16[%swap3A_808, %swap3A_809] {strides = array<i32>} : memref<128x128xf32, #tpu.memory_space<vmem>>, vector<1x16xf32>,
        %swap3A_811 = vector.shape_cast %swap3A_810 : vector<1x16xf32> to vector<16xf32>
        %swap3A_812 = vector.shape_cast %add3A_807 : vector<16xf32> to vector<1x16xf32>
        tpu.vector_store %arg16[%swap3A_808, %swap3A_809], %swap3A_812 {strides = array<i32>} : memref<128x128xf32, #tpu.memory_space<vmem>>, vector<1x16xf32>,
        %add3A_813 = arith.addf %bitcast_convert_type3A_798, %bitcast_convert_type3A_802 : vector<16xf32>
        %swap3A_814 = arith.index_cast %add3A_722 : i32 to index
        %swap3A_815 = arith.constant 80 : index
        %swap3A_816 = tpu.vector_load %arg16[%swap3A_814, %swap3A_815] {strides = array<i32>} : memref<128x128xf32, #tpu.memory_space<vmem>>, vector<1x16xf32>,
        %swap3A_817 = vector.shape_cast %swap3A_816 : vector<1x16xf32> to vector<16xf32>
        %swap3A_818 = vector.shape_cast %add3A_813 : vector<16xf32> to vector<1x16xf32>
        tpu.vector_store %arg16[%swap3A_814, %swap3A_815], %swap3A_818 {strides = array<i32>} : memref<128x128xf32, #tpu.memory_space<vmem>>, vector<1x16xf32>,
        %get3A_819 = arith.index_cast %add3A_722 : i32 to index
        %get3A_820 = arith.constant 48 : index
        %get3A_821 = tpu.vector_load %arg12[%get3A_819, %get3A_820] {strides = array<i32>} : memref<128x64xi32, #tpu.memory_space<vmem>>, vector<1x16xi32>,
        %get3A_822 = vector.shape_cast %get3A_821 : vector<1x16xi32> to vector<16xi32>
        %get3A_823 = arith.index_cast %add3A_722 : i32 to index
        %get3A_824 = arith.constant 48 : index
        %get3A_825 = tpu.vector_load %arg14[%get3A_823, %get3A_824] {strides = array<i32>} : memref<128x64xi32, #tpu.memory_space<vmem>>, vector<1x16xi32>,
        %get3A_826 = vector.shape_cast %get3A_825 : vector<1x16xi32> to vector<16xi32>
        %shift_left3A_827 = arith.constant 16 : i32
        %shift_left3A_828 = vector.broadcast %shift_left3A_827 : i32 to vector<16xi32>
        %shift_left3A_829 = arith.shli %get3A_822, %shift_left3A_828 : vector<16xi32>
        %bitcast_convert_type3A_830 = tpu.bitcast %shift_left3A_829 : vector<16xi32> -> vector<16xf32>
        %shift_left3A_831 = arith.constant 16 : i32
        %shift_left3A_832 = vector.broadcast %shift_left3A_831 : i32 to vector<16xi32>
        %shift_left3A_833 = arith.shli %get3A_826, %shift_left3A_832 : vector<16xi32>
        %bitcast_convert_type3A_834 = tpu.bitcast %shift_left3A_833 : vector<16xi32> -> vector<16xf32>
        %and3A_835 = arith.andi %get3A_822, %broadcast_in_dim3A_457 : vector<16xi32>
        %bitcast_convert_type3A_836 = tpu.bitcast %and3A_835 : vector<16xi32> -> vector<16xf32>
        %and3A_837 = arith.andi %get3A_826, %broadcast_in_dim3A_457 : vector<16xi32>
        %bitcast_convert_type3A_838 = tpu.bitcast %and3A_837 : vector<16xi32> -> vector<16xf32>
        %add3A_839 = arith.addf %bitcast_convert_type3A_836, %bitcast_convert_type3A_838 : vector<16xf32>
        %swap3A_840 = arith.index_cast %add3A_722 : i32 to index
        %swap3A_841 = arith.constant 96 : index
        %swap3A_842 = tpu.vector_load %arg16[%swap3A_840, %swap3A_841] {strides = array<i32>} : memref<128x128xf32, #tpu.memory_space<vmem>>, vector<1x16xf32>,
        %swap3A_843 = vector.shape_cast %swap3A_842 : vector<1x16xf32> to vector<16xf32>
        %swap3A_844 = vector.shape_cast %add3A_839 : vector<16xf32> to vector<1x16xf32>
        tpu.vector_store %arg16[%swap3A_840, %swap3A_841], %swap3A_844 {strides = array<i32>} : memref<128x128xf32, #tpu.memory_space<vmem>>, vector<1x16xf32>,
        %add3A_845 = arith.addf %bitcast_convert_type3A_830, %bitcast_convert_type3A_834 : vector<16xf32>
        %swap3A_846 = arith.index_cast %add3A_722 : i32 to index
        %swap3A_847 = arith.constant 112 : index
        %swap3A_848 = tpu.vector_load %arg16[%swap3A_846, %swap3A_847] {strides = array<i32>} : memref<128x128xf32, #tpu.memory_space<vmem>>, vector<1x16xf32>,
        %swap3A_849 = vector.shape_cast %swap3A_848 : vector<1x16xf32> to vector<16xf32>
        %swap3A_850 = vector.shape_cast %add3A_845 : vector<16xf32> to vector<1x16xf32>
        tpu.vector_store %arg16[%swap3A_846, %swap3A_847], %swap3A_850 {strides = array<i32>} : memref<128x128xf32, #tpu.memory_space<vmem>>, vector<1x16xf32>,
        %mul3A_851 = arith.constant 4 : i32
        %mul3A_852 = arith.muli %scan3A_456, %mul3A_851 : i32
        %add3A_853 = arith.constant 3 : i32
        %add3A_854 = arith.addi %mul3A_852, %add3A_853 : i32
        %get3A_855 = arith.index_cast %add3A_854 : i32 to index
        %get3A_856 = arith.constant 0 : index
        %get3A_857 = tpu.vector_load %arg12[%get3A_855, %get3A_856] {strides = array<i32>} : memref<128x64xi32, #tpu.memory_space<vmem>>, vector<1x16xi32>,
        %get3A_858 = vector.shape_cast %get3A_857 : vector<1x16xi32> to vector<16xi32>
        %get3A_859 = arith.index_cast %add3A_854 : i32 to index
        %get3A_860 = arith.constant 0 : index
        %get3A_861 = tpu.vector_load %arg14[%get3A_859, %get3A_860] {strides = array<i32>} : memref<128x64xi32, #tpu.memory_space<vmem>>, vector<1x16xi32>,
        %get3A_862 = vector.shape_cast %get3A_861 : vector<1x16xi32> to vector<16xi32>
        %shift_left3A_863 = arith.constant 16 : i32
        %shift_left3A_864 = vector.broadcast %shift_left3A_863 : i32 to vector<16xi32>
        %shift_left3A_865 = arith.shli %get3A_858, %shift_left3A_864 : vector<16xi32>
        %bitcast_convert_type3A_866 = tpu.bitcast %shift_left3A_865 : vector<16xi32> -> vector<16xf32>
        %shift_left3A_867 = arith.constant 16 : i32
        %shift_left3A_868 = vector.broadcast %shift_left3A_867 : i32 to vector<16xi32>
        %shift_left3A_869 = arith.shli %get3A_862, %shift_left3A_868 : vector<16xi32>
        %bitcast_convert_type3A_870 = tpu.bitcast %shift_left3A_869 : vector<16xi32> -> vector<16xf32>
        %and3A_871 = arith.andi %get3A_858, %broadcast_in_dim3A_457 : vector<16xi32>
        %bitcast_convert_type3A_872 = tpu.bitcast %and3A_871 : vector<16xi32> -> vector<16xf32>
        %and3A_873 = arith.andi %get3A_862, %broadcast_in_dim3A_457 : vector<16xi32>
        %bitcast_convert_type3A_874 = tpu.bitcast %and3A_873 : vector<16xi32> -> vector<16xf32>
        %add3A_875 = arith.addf %bitcast_convert_type3A_872, %bitcast_convert_type3A_874 : vector<16xf32>
        %swap3A_876 = arith.index_cast %add3A_854 : i32 to index
        %swap3A_877 = arith.constant 0 : index
        %swap3A_878 = tpu.vector_load %arg16[%swap3A_876, %swap3A_877] {strides = array<i32>} : memref<128x128xf32, #tpu.memory_space<vmem>>, vector<1x16xf32>,
        %swap3A_879 = vector.shape_cast %swap3A_878 : vector<1x16xf32> to vector<16xf32>
        %swap3A_880 = vector.shape_cast %add3A_875 : vector<16xf32> to vector<1x16xf32>
        tpu.vector_store %arg16[%swap3A_876, %swap3A_877], %swap3A_880 {strides = array<i32>} : memref<128x128xf32, #tpu.memory_space<vmem>>, vector<1x16xf32>,
        %add3A_881 = arith.addf %bitcast_convert_type3A_866, %bitcast_convert_type3A_870 : vector<16xf32>
        %swap3A_882 = arith.index_cast %add3A_854 : i32 to index
        %swap3A_883 = arith.constant 16 : index
        %swap3A_884 = tpu.vector_load %arg16[%swap3A_882, %swap3A_883] {strides = array<i32>} : memref<128x128xf32, #tpu.memory_space<vmem>>, vector<1x16xf32>,
        %swap3A_885 = vector.shape_cast %swap3A_884 : vector<1x16xf32> to vector<16xf32>
        %swap3A_886 = vector.shape_cast %add3A_881 : vector<16xf32> to vector<1x16xf32>
        tpu.vector_store %arg16[%swap3A_882, %swap3A_883], %swap3A_886 {strides = array<i32>} : memref<128x128xf32, #tpu.memory_space<vmem>>, vector<1x16xf32>,
        %get3A_887 = arith.index_cast %add3A_854 : i32 to index
        %get3A_888 = arith.constant 16 : index
        %get3A_889 = tpu.vector_load %arg12[%get3A_887, %get3A_888] {strides = array<i32>} : memref<128x64xi32, #tpu.memory_space<vmem>>, vector<1x16xi32>,
        %get3A_890 = vector.shape_cast %get3A_889 : vector<1x16xi32> to vector<16xi32>
        %get3A_891 = arith.index_cast %add3A_854 : i32 to index
        %get3A_892 = arith.constant 16 : index
        %get3A_893 = tpu.vector_load %arg14[%get3A_891, %get3A_892] {strides = array<i32>} : memref<128x64xi32, #tpu.memory_space<vmem>>, vector<1x16xi32>,
        %get3A_894 = vector.shape_cast %get3A_893 : vector<1x16xi32> to vector<16xi32>
        %shift_left3A_895 = arith.constant 16 : i32
        %shift_left3A_896 = vector.broadcast %shift_left3A_895 : i32 to vector<16xi32>
        %shift_left3A_897 = arith.shli %get3A_890, %shift_left3A_896 : vector<16xi32>
        %bitcast_convert_type3A_898 = tpu.bitcast %shift_left3A_897 : vector<16xi32> -> vector<16xf32>
        %shift_left3A_899 = arith.constant 16 : i32
        %shift_left3A_900 = vector.broadcast %shift_left3A_899 : i32 to vector<16xi32>
        %shift_left3A_901 = arith.shli %get3A_894, %shift_left3A_900 : vector<16xi32>
        %bitcast_convert_type3A_902 = tpu.bitcast %shift_left3A_901 : vector<16xi32> -> vector<16xf32>
        %and3A_903 = arith.andi %get3A_890, %broadcast_in_dim3A_457 : vector<16xi32>
        %bitcast_convert_type3A_904 = tpu.bitcast %and3A_903 : vector<16xi32> -> vector<16xf32>
        %and3A_905 = arith.andi %get3A_894, %broadcast_in_dim3A_457 : vector<16xi32>
        %bitcast_convert_type3A_906 = tpu.bitcast %and3A_905 : vector<16xi32> -> vector<16xf32>
        %add3A_907 = arith.addf %bitcast_convert_type3A_904, %bitcast_convert_type3A_906 : vector<16xf32>
        %swap3A_908 = arith.index_cast %add3A_854 : i32 to index
        %swap3A_909 = arith.constant 32 : index
        %swap3A_910 = tpu.vector_load %arg16[%swap3A_908, %swap3A_909] {strides = array<i32>} : memref<128x128xf32, #tpu.memory_space<vmem>>, vector<1x16xf32>,
        %swap3A_911 = vector.shape_cast %swap3A_910 : vector<1x16xf32> to vector<16xf32>
        %swap3A_912 = vector.shape_cast %add3A_907 : vector<16xf32> to vector<1x16xf32>
        tpu.vector_store %arg16[%swap3A_908, %swap3A_909], %swap3A_912 {strides = array<i32>} : memref<128x128xf32, #tpu.memory_space<vmem>>, vector<1x16xf32>,
        %add3A_913 = arith.addf %bitcast_convert_type3A_898, %bitcast_convert_type3A_902 : vector<16xf32>
        %swap3A_914 = arith.index_cast %add3A_854 : i32 to index
        %swap3A_915 = arith.constant 48 : index
        %swap3A_916 = tpu.vector_load %arg16[%swap3A_914, %swap3A_915] {strides = array<i32>} : memref<128x128xf32, #tpu.memory_space<vmem>>, vector<1x16xf32>,
        %swap3A_917 = vector.shape_cast %swap3A_916 : vector<1x16xf32> to vector<16xf32>
        %swap3A_918 = vector.shape_cast %add3A_913 : vector<16xf32> to vector<1x16xf32>
        tpu.vector_store %arg16[%swap3A_914, %swap3A_915], %swap3A_918 {strides = array<i32>} : memref<128x128xf32, #tpu.memory_space<vmem>>, vector<1x16xf32>,
        %get3A_919 = arith.index_cast %add3A_854 : i32 to index
        %get3A_920 = arith.constant 32 : index
        %get3A_921 = tpu.vector_load %arg12[%get3A_919, %get3A_920] {strides = array<i32>} : memref<128x64xi32, #tpu.memory_space<vmem>>, vector<1x16xi32>,
        %get3A_922 = vector.shape_cast %get3A_921 : vector<1x16xi32> to vector<16xi32>
        %get3A_923 = arith.index_cast %add3A_854 : i32 to index
        %get3A_924 = arith.constant 32 : index
        %get3A_925 = tpu.vector_load %arg14[%get3A_923, %get3A_924] {strides = array<i32>} : memref<128x64xi32, #tpu.memory_space<vmem>>, vector<1x16xi32>,
        %get3A_926 = vector.shape_cast %get3A_925 : vector<1x16xi32> to vector<16xi32>
        %shift_left3A_927 = arith.constant 16 : i32
        %shift_left3A_928 = vector.broadcast %shift_left3A_927 : i32 to vector<16xi32>
        %shift_left3A_929 = arith.shli %get3A_922, %shift_left3A_928 : vector<16xi32>
        %bitcast_convert_type3A_930 = tpu.bitcast %shift_left3A_929 : vector<16xi32> -> vector<16xf32>
        %shift_left3A_931 = arith.constant 16 : i32
        %shift_left3A_932 = vector.broadcast %shift_left3A_931 : i32 to vector<16xi32>
        %shift_left3A_933 = arith.shli %get3A_926, %shift_left3A_932 : vector<16xi32>
        %bitcast_convert_type3A_934 = tpu.bitcast %shift_left3A_933 : vector<16xi32> -> vector<16xf32>
        %and3A_935 = arith.andi %get3A_922, %broadcast_in_dim3A_457 : vector<16xi32>
        %bitcast_convert_type3A_936 = tpu.bitcast %and3A_935 : vector<16xi32> -> vector<16xf32>
        %and3A_937 = arith.andi %get3A_926, %broadcast_in_dim3A_457 : vector<16xi32>
        %bitcast_convert_type3A_938 = tpu.bitcast %and3A_937 : vector<16xi32> -> vector<16xf32>
        %add3A_939 = arith.addf %bitcast_convert_type3A_936, %bitcast_convert_type3A_938 : vector<16xf32>
        %swap3A_940 = arith.index_cast %add3A_854 : i32 to index
        %swap3A_941 = arith.constant 64 : index
        %swap3A_942 = tpu.vector_load %arg16[%swap3A_940, %swap3A_941] {strides = array<i32>} : memref<128x128xf32, #tpu.memory_space<vmem>>, vector<1x16xf32>,
        %swap3A_943 = vector.shape_cast %swap3A_942 : vector<1x16xf32> to vector<16xf32>
        %swap3A_944 = vector.shape_cast %add3A_939 : vector<16xf32> to vector<1x16xf32>
        tpu.vector_store %arg16[%swap3A_940, %swap3A_941], %swap3A_944 {strides = array<i32>} : memref<128x128xf32, #tpu.memory_space<vmem>>, vector<1x16xf32>,
        %add3A_945 = arith.addf %bitcast_convert_type3A_930, %bitcast_convert_type3A_934 : vector<16xf32>
        %swap3A_946 = arith.index_cast %add3A_854 : i32 to index
        %swap3A_947 = arith.constant 80 : index
        %swap3A_948 = tpu.vector_load %arg16[%swap3A_946, %swap3A_947] {strides = array<i32>} : memref<128x128xf32, #tpu.memory_space<vmem>>, vector<1x16xf32>,
        %swap3A_949 = vector.shape_cast %swap3A_948 : vector<1x16xf32> to vector<16xf32>
        %swap3A_950 = vector.shape_cast %add3A_945 : vector<16xf32> to vector<1x16xf32>
        tpu.vector_store %arg16[%swap3A_946, %swap3A_947], %swap3A_950 {strides = array<i32>} : memref<128x128xf32, #tpu.memory_space<vmem>>, vector<1x16xf32>,
        %get3A_951 = arith.index_cast %add3A_854 : i32 to index
        %get3A_952 = arith.constant 48 : index
        %get3A_953 = tpu.vector_load %arg12[%get3A_951, %get3A_952] {strides = array<i32>} : memref<128x64xi32, #tpu.memory_space<vmem>>, vector<1x16xi32>,
        %get3A_954 = vector.shape_cast %get3A_953 : vector<1x16xi32> to vector<16xi32>
        %get3A_955 = arith.index_cast %add3A_854 : i32 to index
        %get3A_956 = arith.constant 48 : index
        %get3A_957 = tpu.vector_load %arg14[%get3A_955, %get3A_956] {strides = array<i32>} : memref<128x64xi32, #tpu.memory_space<vmem>>, vector<1x16xi32>,
        %get3A_958 = vector.shape_cast %get3A_957 : vector<1x16xi32> to vector<16xi32>
        %shift_left3A_959 = arith.constant 16 : i32
        %shift_left3A_960 = vector.broadcast %shift_left3A_959 : i32 to vector<16xi32>
        %shift_left3A_961 = arith.shli %get3A_954, %shift_left3A_960 : vector<16xi32>
        %bitcast_convert_type3A_962 = tpu.bitcast %shift_left3A_961 : vector<16xi32> -> vector<16xf32>
        %shift_left3A_963 = arith.constant 16 : i32
        %shift_left3A_964 = vector.broadcast %shift_left3A_963 : i32 to vector<16xi32>
        %shift_left3A_965 = arith.shli %get3A_958, %shift_left3A_964 : vector<16xi32>
        %bitcast_convert_type3A_966 = tpu.bitcast %shift_left3A_965 : vector<16xi32> -> vector<16xf32>
        %and3A_967 = arith.andi %get3A_954, %broadcast_in_dim3A_457 : vector<16xi32>
        %bitcast_convert_type3A_968 = tpu.bitcast %and3A_967 : vector<16xi32> -> vector<16xf32>
        %and3A_969 = arith.andi %get3A_958, %broadcast_in_dim3A_457 : vector<16xi32>
        %bitcast_convert_type3A_970 = tpu.bitcast %and3A_969 : vector<16xi32> -> vector<16xf32>
        %add3A_971 = arith.addf %bitcast_convert_type3A_968, %bitcast_convert_type3A_970 : vector<16xf32>
        %swap3A_972 = arith.index_cast %add3A_854 : i32 to index
        %swap3A_973 = arith.constant 96 : index
        %swap3A_974 = tpu.vector_load %arg16[%swap3A_972, %swap3A_973] {strides = array<i32>} : memref<128x128xf32, #tpu.memory_space<vmem>>, vector<1x16xf32>,
        %swap3A_975 = vector.shape_cast %swap3A_974 : vector<1x16xf32> to vector<16xf32>
        %swap3A_976 = vector.shape_cast %add3A_971 : vector<16xf32> to vector<1x16xf32>
        tpu.vector_store %arg16[%swap3A_972, %swap3A_973], %swap3A_976 {strides = array<i32>} : memref<128x128xf32, #tpu.memory_space<vmem>>, vector<1x16xf32>,
        %add3A_977 = arith.addf %bitcast_convert_type3A_962, %bitcast_convert_type3A_966 : vector<16xf32>
        %swap3A_978 = arith.index_cast %add3A_854 : i32 to index
        %swap3A_979 = arith.constant 112 : index
        %swap3A_980 = tpu.vector_load %arg16[%swap3A_978, %swap3A_979] {strides = array<i32>} : memref<128x128xf32, #tpu.memory_space<vmem>>, vector<1x16xf32>,
        %swap3A_981 = vector.shape_cast %swap3A_980 : vector<1x16xf32> to vector<16xf32>
        %swap3A_982 = vector.shape_cast %add3A_977 : vector<16xf32> to vector<1x16xf32>
        tpu.vector_store %arg16[%swap3A_978, %swap3A_979], %swap3A_982 {strides = array<i32>} : memref<128x128xf32, #tpu.memory_space<vmem>>, vector<1x16xf32>,
      }
      %scan3A_406 = arith.constant 32 : i32
      %mul3A_407 = arith.constant 128 : i32
      %mul3A_408 = arith.muli %add3A_375, %mul3A_407 : i32
      %add3A_409 = arith.addi %mul3A_2, %mul3A_408 : i32
      %dma_start3A_410 = arith.constant 0 : i32
      %dma_start3A_411 = tpu.memref_slice %arg4[%add3A_409, %dma_start3A_410] : memref<819200x128xf32, #tpu.memory_space<hbm>> -> memref<128x128xf32, #tpu.memory_space<hbm>>
      %dma_start3A_412 = arith.constant 0 : i32
      %dma_start3A_413 = tpu.memref_slice %arg4[%add3A_409, %dma_start3A_412] : memref<819200x128xf32, #tpu.memory_space<hbm>> -> memref<128x128xf32, #tpu.memory_space<hbm>>
      tpu.enqueue_dma source(%arg16 : memref<128x128xf32, #tpu.memory_space<vmem>>) target(%dma_start3A_413 : memref<128x128xf32, #tpu.memory_space<hbm>>) target_semaphore(%arg24 : memref<!tpu.dma_semaphore, #tpu.memory_space<semaphore_mem>>)
      %mul3A_414 = arith.constant 4 : i32
      %mul3A_415 = arith.muli %mul3A_414, %scan3A_291 : i32
      %add3A_416 = arith.constant 3 : i32
      %add3A_417 = arith.addi %mul3A_415, %add3A_416 : i32
      %add3A_418 = arith.constant 1 : i32
      %add3A_419 = arith.addi %add3A_417, %add3A_418 : i32
      %lt3A_420 = arith.constant 200 : i32
      %lt3A_421 = arith.cmpi slt, %add3A_419, %lt3A_420 : i32
      %convert_element_type3A_422 = arith.extui %lt3A_421 : i1 to i32
      %cond3A_423 = arith.constant 0 : i32
      %cond3A_424 = arith.cmpi ne, %convert_element_type3A_422, %cond3A_423 : i32
      scf.if %cond3A_424 {
        %dma_wait3A_456 = arith.constant 0 : i32
        %dma_wait3A_457 = arith.constant 0 : i32
        %dma_wait3A_458 = arith.constant 0 : i32
        %dma_wait3A_459 = tpu.memref_slice %arg3[%dma_wait3A_456, %dma_wait3A_457, %dma_wait3A_458] : memref<6400x3x128xi32, #tpu.memory_space<hbm>> -> memref<1x3x128xi32, #tpu.memory_space<hbm>>
        %dma_wait3A_460 = tpu.memref_squeeze %dma_wait3A_459 : memref<1x3x128xi32, #tpu.memory_space<hbm>> -> memref<3x128xi32, #tpu.memory_space<hbm>>
        %dma_wait3A_461 = arith.constant 0 : i32
        %dma_wait3A_462 = arith.constant 0 : i32
        %dma_wait3A_463 = tpu.memref_slice %arg3[%dma_wait3A_456, %dma_wait3A_461, %dma_wait3A_462] : memref<6400x3x128xi32, #tpu.memory_space<hbm>> -> memref<1x3x128xi32, #tpu.memory_space<hbm>>
        %dma_wait3A_464 = tpu.memref_squeeze %dma_wait3A_463 : memref<1x3x128xi32, #tpu.memory_space<hbm>> -> memref<3x128xi32, #tpu.memory_space<hbm>>
        tpu.wait_dma2 semaphore(%arg18 : memref<!tpu.dma_semaphore, #tpu.memory_space<semaphore_mem>>) src(%dma_wait3A_464 : memref<3x128xi32, #tpu.memory_space<hbm>>) dst(%arg6 : memref<3x128xi32, #tpu.memory_space<vmem>>)
        %get3A_465 = arith.constant 0 : i32
        %get3A_466 = arith.index_cast %get3A_465 : i32 to index
        %get3A_467 = arith.constant 0 : index
        %get3A_468 = tpu.vector_load %arg6[%get3A_466, %get3A_467] {strides = array<i32>} : memref<3x128xi32, #tpu.memory_space<vmem>>, vector<1x16xi32>,
        %get3A_469 = vector.shape_cast %get3A_468 : vector<1x16xi32> to vector<16xi32>
        %mul3A_470 = arith.constant 8 : i32
        %mul3A_471 = vector.broadcast %mul3A_470 : i32 to vector<16xi32>
        %mul3A_472 = arith.muli %get3A_469, %mul3A_471 : vector<16xi32>
        %get3A_473 = arith.constant 1 : i32
        %get3A_474 = arith.index_cast %get3A_473 : i32 to index
        %get3A_475 = arith.constant 0 : index
        %get3A_476 = tpu.vector_load %arg6[%get3A_474, %get3A_475] {strides = array<i32>} : memref<3x128xi32, #tpu.memory_space<vmem>>, vector<1x16xi32>,
        %get3A_477 = vector.shape_cast %get3A_476 : vector<1x16xi32> to vector<16xi32>
        %add3A_478 = arith.addi %mul3A_472, %get3A_477 : vector<16xi32>
        %swap3A_479 = arith.constant 0 : index
        %swap3A_480 = tpu.vector_load %arg8[%swap3A_479] {strides = array<i32>} : memref<128xi32, #tpu.memory_space<vmem>>, vector<16xi32>,
        %swap3A_481 = vector.shape_cast %swap3A_480 : vector<16xi32> to vector<16xi32>
        %swap3A_482 = vector.shape_cast %add3A_478 : vector<16xi32> to vector<16xi32>
        tpu.vector_store %arg8[%swap3A_479], %swap3A_482 {strides = array<i32>} : memref<128xi32, #tpu.memory_space<vmem>>, vector<16xi32>,
        %get3A_483 = arith.constant 2 : i32
        %get3A_484 = arith.index_cast %get3A_483 : i32 to index
        %get3A_485 = arith.constant 0 : index
        %get3A_486 = tpu.vector_load %arg6[%get3A_484, %get3A_485] {strides = array<i32>} : memref<3x128xi32, #tpu.memory_space<vmem>>, vector<1x16xi32>,
        %get3A_487 = vector.shape_cast %get3A_486 : vector<1x16xi32> to vector<16xi32>
        %add3A_488 = arith.constant 200 : i32
        %add3A_489 = vector.broadcast %add3A_488 : i32 to vector<16xi32>
        %add3A_490 = arith.addi %get3A_487, %add3A_489 : vector<16xi32>
        %swap3A_491 = arith.constant 0 : index
        %swap3A_492 = tpu.vector_load %arg10[%swap3A_491] {strides = array<i32>} : memref<128xi32, #tpu.memory_space<vmem>>, vector<16xi32>,
        %swap3A_493 = vector.shape_cast %swap3A_492 : vector<16xi32> to vector<16xi32>
        %swap3A_494 = vector.shape_cast %add3A_490 : vector<16xi32> to vector<16xi32>
        tpu.vector_store %arg10[%swap3A_491], %swap3A_494 {strides = array<i32>} : memref<128xi32, #tpu.memory_space<vmem>>, vector<16xi32>,
        %get3A_495 = arith.constant 0 : i32
        %get3A_496 = arith.index_cast %get3A_495 : i32 to index
        %get3A_497 = arith.constant 16 : index
        %get3A_498 = tpu.vector_load %arg6[%get3A_496, %get3A_497] {strides = array<i32>} : memref<3x128xi32, #tpu.memory_space<vmem>>, vector<1x16xi32>,
        %get3A_499 = vector.shape_cast %get3A_498 : vector<1x16xi32> to vector<16xi32>
        %mul3A_500 = arith.constant 8 : i32
        %mul3A_501 = vector.broadcast %mul3A_500 : i32 to vector<16xi32>
        %mul3A_502 = arith.muli %get3A_499, %mul3A_501 : vector<16xi32>
        %get3A_503 = arith.constant 1 : i32
        %get3A_504 = arith.index_cast %get3A_503 : i32 to index
        %get3A_505 = arith.constant 16 : index
        %get3A_506 = tpu.vector_load %arg6[%get3A_504, %get3A_505] {strides = array<i32>} : memref<3x128xi32, #tpu.memory_space<vmem>>, vector<1x16xi32>,
        %get3A_507 = vector.shape_cast %get3A_506 : vector<1x16xi32> to vector<16xi32>
        %add3A_508 = arith.addi %mul3A_502, %get3A_507 : vector<16xi32>
        %swap3A_509 = arith.constant 16 : index
        %swap3A_510 = tpu.vector_load %arg8[%swap3A_509] {strides = array<i32>} : memref<128xi32, #tpu.memory_space<vmem>>, vector<16xi32>,
        %swap3A_511 = vector.shape_cast %swap3A_510 : vector<16xi32> to vector<16xi32>
        %swap3A_512 = vector.shape_cast %add3A_508 : vector<16xi32> to vector<16xi32>
        tpu.vector_store %arg8[%swap3A_509], %swap3A_512 {strides = array<i32>} : memref<128xi32, #tpu.memory_space<vmem>>, vector<16xi32>,
        %get3A_513 = arith.constant 2 : i32
        %get3A_514 = arith.index_cast %get3A_513 : i32 to index
        %get3A_515 = arith.constant 16 : index
        %get3A_516 = tpu.vector_load %arg6[%get3A_514, %get3A_515] {strides = array<i32>} : memref<3x128xi32, #tpu.memory_space<vmem>>, vector<1x16xi32>,
        %get3A_517 = vector.shape_cast %get3A_516 : vector<1x16xi32> to vector<16xi32>
        %add3A_518 = arith.constant 200 : i32
        %add3A_519 = vector.broadcast %add3A_518 : i32 to vector<16xi32>
        %add3A_520 = arith.addi %get3A_517, %add3A_519 : vector<16xi32>
        %swap3A_521 = arith.constant 16 : index
        %swap3A_522 = tpu.vector_load %arg10[%swap3A_521] {strides = array<i32>} : memref<128xi32, #tpu.memory_space<vmem>>, vector<16xi32>,
        %swap3A_523 = vector.shape_cast %swap3A_522 : vector<16xi32> to vector<16xi32>
        %swap3A_524 = vector.shape_cast %add3A_520 : vector<16xi32> to vector<16xi32>
        tpu.vector_store %arg10[%swap3A_521], %swap3A_524 {strides = array<i32>} : memref<128xi32, #tpu.memory_space<vmem>>, vector<16xi32>,
        %get3A_525 = arith.constant 0 : i32
        %get3A_526 = arith.index_cast %get3A_525 : i32 to index
        %get3A_527 = arith.constant 32 : index
        %get3A_528 = tpu.vector_load %arg6[%get3A_526, %get3A_527] {strides = array<i32>} : memref<3x128xi32, #tpu.memory_space<vmem>>, vector<1x16xi32>,
        %get3A_529 = vector.shape_cast %get3A_528 : vector<1x16xi32> to vector<16xi32>
        %mul3A_530 = arith.constant 8 : i32
        %mul3A_531 = vector.broadcast %mul3A_530 : i32 to vector<16xi32>
        %mul3A_532 = arith.muli %get3A_529, %mul3A_531 : vector<16xi32>
        %get3A_533 = arith.constant 1 : i32
        %get3A_534 = arith.index_cast %get3A_533 : i32 to index
        %get3A_535 = arith.constant 32 : index
        %get3A_536 = tpu.vector_load %arg6[%get3A_534, %get3A_535] {strides = array<i32>} : memref<3x128xi32, #tpu.memory_space<vmem>>, vector<1x16xi32>,
        %get3A_537 = vector.shape_cast %get3A_536 : vector<1x16xi32> to vector<16xi32>
        %add3A_538 = arith.addi %mul3A_532, %get3A_537 : vector<16xi32>
        %swap3A_539 = arith.constant 32 : index
        %swap3A_540 = tpu.vector_load %arg8[%swap3A_539] {strides = array<i32>} : memref<128xi32, #tpu.memory_space<vmem>>, vector<16xi32>,
        %swap3A_541 = vector.shape_cast %swap3A_540 : vector<16xi32> to vector<16xi32>
        %swap3A_542 = vector.shape_cast %add3A_538 : vector<16xi32> to vector<16xi32>
        tpu.vector_store %arg8[%swap3A_539], %swap3A_542 {strides = array<i32>} : memref<128xi32, #tpu.memory_space<vmem>>, vector<16xi32>,
        %get3A_543 = arith.constant 2 : i32
        %get3A_544 = arith.index_cast %get3A_543 : i32 to index
        %get3A_545 = arith.constant 32 : index
        %get3A_546 = tpu.vector_load %arg6[%get3A_544, %get3A_545] {strides = array<i32>} : memref<3x128xi32, #tpu.memory_space<vmem>>, vector<1x16xi32>,
        %get3A_547 = vector.shape_cast %get3A_546 : vector<1x16xi32> to vector<16xi32>
        %add3A_548 = arith.constant 200 : i32
        %add3A_549 = vector.broadcast %add3A_548 : i32 to vector<16xi32>
        %add3A_550 = arith.addi %get3A_547, %add3A_549 : vector<16xi32>
        %swap3A_551 = arith.constant 32 : index
        %swap3A_552 = tpu.vector_load %arg10[%swap3A_551] {strides = array<i32>} : memref<128xi32, #tpu.memory_space<vmem>>, vector<16xi32>,
        %swap3A_553 = vector.shape_cast %swap3A_552 : vector<16xi32> to vector<16xi32>
        %swap3A_554 = vector.shape_cast %add3A_550 : vector<16xi32> to vector<16xi32>
        tpu.vector_store %arg10[%swap3A_551], %swap3A_554 {strides = array<i32>} : memref<128xi32, #tpu.memory_space<vmem>>, vector<16xi32>,
        %get3A_555 = arith.constant 0 : i32
        %get3A_556 = arith.index_cast %get3A_555 : i32 to index
        %get3A_557 = arith.constant 48 : index
        %get3A_558 = tpu.vector_load %arg6[%get3A_556, %get3A_557] {strides = array<i32>} : memref<3x128xi32, #tpu.memory_space<vmem>>, vector<1x16xi32>,
        %get3A_559 = vector.shape_cast %get3A_558 : vector<1x16xi32> to vector<16xi32>
        %mul3A_560 = arith.constant 8 : i32
        %mul3A_561 = vector.broadcast %mul3A_560 : i32 to vector<16xi32>
        %mul3A_562 = arith.muli %get3A_559, %mul3A_561 : vector<16xi32>
        %get3A_563 = arith.constant 1 : i32
        %get3A_564 = arith.index_cast %get3A_563 : i32 to index
        %get3A_565 = arith.constant 48 : index
        %get3A_566 = tpu.vector_load %arg6[%get3A_564, %get3A_565] {strides = array<i32>} : memref<3x128xi32, #tpu.memory_space<vmem>>, vector<1x16xi32>,
        %get3A_567 = vector.shape_cast %get3A_566 : vector<1x16xi32> to vector<16xi32>
        %add3A_568 = arith.addi %mul3A_562, %get3A_567 : vector<16xi32>
        %swap3A_569 = arith.constant 48 : index
        %swap3A_570 = tpu.vector_load %arg8[%swap3A_569] {strides = array<i32>} : memref<128xi32, #tpu.memory_space<vmem>>, vector<16xi32>,
        %swap3A_571 = vector.shape_cast %swap3A_570 : vector<16xi32> to vector<16xi32>
        %swap3A_572 = vector.shape_cast %add3A_568 : vector<16xi32> to vector<16xi32>
        tpu.vector_store %arg8[%swap3A_569], %swap3A_572 {strides = array<i32>} : memref<128xi32, #tpu.memory_space<vmem>>, vector<16xi32>,
        %get3A_573 = arith.constant 2 : i32
        %get3A_574 = arith.index_cast %get3A_573 : i32 to index
        %get3A_575 = arith.constant 48 : index
        %get3A_576 = tpu.vector_load %arg6[%get3A_574, %get3A_575] {strides = array<i32>} : memref<3x128xi32, #tpu.memory_space<vmem>>, vector<1x16xi32>,
        %get3A_577 = vector.shape_cast %get3A_576 : vector<1x16xi32> to vector<16xi32>
        %add3A_578 = arith.constant 200 : i32
        %add3A_579 = vector.broadcast %add3A_578 : i32 to vector<16xi32>
        %add3A_580 = arith.addi %get3A_577, %add3A_579 : vector<16xi32>
        %swap3A_581 = arith.constant 48 : index
        %swap3A_582 = tpu.vector_load %arg10[%swap3A_581] {strides = array<i32>} : memref<128xi32, #tpu.memory_space<vmem>>, vector<16xi32>,
        %swap3A_583 = vector.shape_cast %swap3A_582 : vector<16xi32> to vector<16xi32>
        %swap3A_584 = vector.shape_cast %add3A_580 : vector<16xi32> to vector<16xi32>
        tpu.vector_store %arg10[%swap3A_581], %swap3A_584 {strides = array<i32>} : memref<128xi32, #tpu.memory_space<vmem>>, vector<16xi32>,
        %get3A_585 = arith.constant 0 : i32
        %get3A_586 = arith.index_cast %get3A_585 : i32 to index
        %get3A_587 = arith.constant 64 : index
        %get3A_588 = tpu.vector_load %arg6[%get3A_586, %get3A_587] {strides = array<i32>} : memref<3x128xi32, #tpu.memory_space<vmem>>, vector<1x16xi32>,
        %get3A_589 = vector.shape_cast %get3A_588 : vector<1x16xi32> to vector<16xi32>
        %mul3A_590 = arith.constant 8 : i32
        %mul3A_591 = vector.broadcast %mul3A_590 : i32 to vector<16xi32>
        %mul3A_592 = arith.muli %get3A_589, %mul3A_591 : vector<16xi32>
        %get3A_593 = arith.constant 1 : i32
        %get3A_594 = arith.index_cast %get3A_593 : i32 to index
        %get3A_595 = arith.constant 64 : index
        %get3A_596 = tpu.vector_load %arg6[%get3A_594, %get3A_595] {strides = array<i32>} : memref<3x128xi32, #tpu.memory_space<vmem>>, vector<1x16xi32>,
        %get3A_597 = vector.shape_cast %get3A_596 : vector<1x16xi32> to vector<16xi32>
        %add3A_598 = arith.addi %mul3A_592, %get3A_597 : vector<16xi32>
        %swap3A_599 = arith.constant 64 : index
        %swap3A_600 = tpu.vector_load %arg8[%swap3A_599] {strides = array<i32>} : memref<128xi32, #tpu.memory_space<vmem>>, vector<16xi32>,
        %swap3A_601 = vector.shape_cast %swap3A_600 : vector<16xi32> to vector<16xi32>
        %swap3A_602 = vector.shape_cast %add3A_598 : vector<16xi32> to vector<16xi32>
        tpu.vector_store %arg8[%swap3A_599], %swap3A_602 {strides = array<i32>} : memref<128xi32, #tpu.memory_space<vmem>>, vector<16xi32>,
        %get3A_603 = arith.constant 2 : i32
        %get3A_604 = arith.index_cast %get3A_603 : i32 to index
        %get3A_605 = arith.constant 64 : index
        %get3A_606 = tpu.vector_load %arg6[%get3A_604, %get3A_605] {strides = array<i32>} : memref<3x128xi32, #tpu.memory_space<vmem>>, vector<1x16xi32>,
        %get3A_607 = vector.shape_cast %get3A_606 : vector<1x16xi32> to vector<16xi32>
        %add3A_608 = arith.constant 200 : i32
        %add3A_609 = vector.broadcast %add3A_608 : i32 to vector<16xi32>
        %add3A_610 = arith.addi %get3A_607, %add3A_609 : vector<16xi32>
        %swap3A_611 = arith.constant 64 : index
        %swap3A_612 = tpu.vector_load %arg10[%swap3A_611] {strides = array<i32>} : memref<128xi32, #tpu.memory_space<vmem>>, vector<16xi32>,
        %swap3A_613 = vector.shape_cast %swap3A_612 : vector<16xi32> to vector<16xi32>
        %swap3A_614 = vector.shape_cast %add3A_610 : vector<16xi32> to vector<16xi32>
        tpu.vector_store %arg10[%swap3A_611], %swap3A_614 {strides = array<i32>} : memref<128xi32, #tpu.memory_space<vmem>>, vector<16xi32>,
        %get3A_615 = arith.constant 0 : i32
        %get3A_616 = arith.index_cast %get3A_615 : i32 to index
        %get3A_617 = arith.constant 80 : index
        %get3A_618 = tpu.vector_load %arg6[%get3A_616, %get3A_617] {strides = array<i32>} : memref<3x128xi32, #tpu.memory_space<vmem>>, vector<1x16xi32>,
        %get3A_619 = vector.shape_cast %get3A_618 : vector<1x16xi32> to vector<16xi32>
        %mul3A_620 = arith.constant 8 : i32
        %mul3A_621 = vector.broadcast %mul3A_620 : i32 to vector<16xi32>
        %mul3A_622 = arith.muli %get3A_619, %mul3A_621 : vector<16xi32>
        %get3A_623 = arith.constant 1 : i32
        %get3A_624 = arith.index_cast %get3A_623 : i32 to index
        %get3A_625 = arith.constant 80 : index
        %get3A_626 = tpu.vector_load %arg6[%get3A_624, %get3A_625] {strides = array<i32>} : memref<3x128xi32, #tpu.memory_space<vmem>>, vector<1x16xi32>,
        %get3A_627 = vector.shape_cast %get3A_626 : vector<1x16xi32> to vector<16xi32>
        %add3A_628 = arith.addi %mul3A_622, %get3A_627 : vector<16xi32>
        %swap3A_629 = arith.constant 80 : index
        %swap3A_630 = tpu.vector_load %arg8[%swap3A_629] {strides = array<i32>} : memref<128xi32, #tpu.memory_space<vmem>>, vector<16xi32>,
        %swap3A_631 = vector.shape_cast %swap3A_630 : vector<16xi32> to vector<16xi32>
        %swap3A_632 = vector.shape_cast %add3A_628 : vector<16xi32> to vector<16xi32>
        tpu.vector_store %arg8[%swap3A_629], %swap3A_632 {strides = array<i32>} : memref<128xi32, #tpu.memory_space<vmem>>, vector<16xi32>,
        %get3A_633 = arith.constant 2 : i32
        %get3A_634 = arith.index_cast %get3A_633 : i32 to index
        %get3A_635 = arith.constant 80 : index
        %get3A_636 = tpu.vector_load %arg6[%get3A_634, %get3A_635] {strides = array<i32>} : memref<3x128xi32, #tpu.memory_space<vmem>>, vector<1x16xi32>,
        %get3A_637 = vector.shape_cast %get3A_636 : vector<1x16xi32> to vector<16xi32>
        %add3A_638 = arith.constant 200 : i32
        %add3A_639 = vector.broadcast %add3A_638 : i32 to vector<16xi32>
        %add3A_640 = arith.addi %get3A_637, %add3A_639 : vector<16xi32>
        %swap3A_641 = arith.constant 80 : index
        %swap3A_642 = tpu.vector_load %arg10[%swap3A_641] {strides = array<i32>} : memref<128xi32, #tpu.memory_space<vmem>>, vector<16xi32>,
        %swap3A_643 = vector.shape_cast %swap3A_642 : vector<16xi32> to vector<16xi32>
        %swap3A_644 = vector.shape_cast %add3A_640 : vector<16xi32> to vector<16xi32>
        tpu.vector_store %arg10[%swap3A_641], %swap3A_644 {strides = array<i32>} : memref<128xi32, #tpu.memory_space<vmem>>, vector<16xi32>,
        %get3A_645 = arith.constant 0 : i32
        %get3A_646 = arith.index_cast %get3A_645 : i32 to index
        %get3A_647 = arith.constant 96 : index
        %get3A_648 = tpu.vector_load %arg6[%get3A_646, %get3A_647] {strides = array<i32>} : memref<3x128xi32, #tpu.memory_space<vmem>>, vector<1x16xi32>,
        %get3A_649 = vector.shape_cast %get3A_648 : vector<1x16xi32> to vector<16xi32>
        %mul3A_650 = arith.constant 8 : i32
        %mul3A_651 = vector.broadcast %mul3A_650 : i32 to vector<16xi32>
        %mul3A_652 = arith.muli %get3A_649, %mul3A_651 : vector<16xi32>
        %get3A_653 = arith.constant 1 : i32
        %get3A_654 = arith.index_cast %get3A_653 : i32 to index
        %get3A_655 = arith.constant 96 : index
        %get3A_656 = tpu.vector_load %arg6[%get3A_654, %get3A_655] {strides = array<i32>} : memref<3x128xi32, #tpu.memory_space<vmem>>, vector<1x16xi32>,
        %get3A_657 = vector.shape_cast %get3A_656 : vector<1x16xi32> to vector<16xi32>
        %add3A_658 = arith.addi %mul3A_652, %get3A_657 : vector<16xi32>
        %swap3A_659 = arith.constant 96 : index
        %swap3A_660 = tpu.vector_load %arg8[%swap3A_659] {strides = array<i32>} : memref<128xi32, #tpu.memory_space<vmem>>, vector<16xi32>,
        %swap3A_661 = vector.shape_cast %swap3A_660 : vector<16xi32> to vector<16xi32>
        %swap3A_662 = vector.shape_cast %add3A_658 : vector<16xi32> to vector<16xi32>
        tpu.vector_store %arg8[%swap3A_659], %swap3A_662 {strides = array<i32>} : memref<128xi32, #tpu.memory_space<vmem>>, vector<16xi32>,
        %get3A_663 = arith.constant 2 : i32
        %get3A_664 = arith.index_cast %get3A_663 : i32 to index
        %get3A_665 = arith.constant 96 : index
        %get3A_666 = tpu.vector_load %arg6[%get3A_664, %get3A_665] {strides = array<i32>} : memref<3x128xi32, #tpu.memory_space<vmem>>, vector<1x16xi32>,
        %get3A_667 = vector.shape_cast %get3A_666 : vector<1x16xi32> to vector<16xi32>
        %add3A_668 = arith.constant 200 : i32
        %add3A_669 = vector.broadcast %add3A_668 : i32 to vector<16xi32>
        %add3A_670 = arith.addi %get3A_667, %add3A_669 : vector<16xi32>
        %swap3A_671 = arith.constant 96 : index
        %swap3A_672 = tpu.vector_load %arg10[%swap3A_671] {strides = array<i32>} : memref<128xi32, #tpu.memory_space<vmem>>, vector<16xi32>,
        %swap3A_673 = vector.shape_cast %swap3A_672 : vector<16xi32> to vector<16xi32>
        %swap3A_674 = vector.shape_cast %add3A_670 : vector<16xi32> to vector<16xi32>
        tpu.vector_store %arg10[%swap3A_671], %swap3A_674 {strides = array<i32>} : memref<128xi32, #tpu.memory_space<vmem>>, vector<16xi32>,
        %get3A_675 = arith.constant 0 : i32
        %get3A_676 = arith.index_cast %get3A_675 : i32 to index
        %get3A_677 = arith.constant 112 : index
        %get3A_678 = tpu.vector_load %arg6[%get3A_676, %get3A_677] {strides = array<i32>} : memref<3x128xi32, #tpu.memory_space<vmem>>, vector<1x16xi32>,
        %get3A_679 = vector.shape_cast %get3A_678 : vector<1x16xi32> to vector<16xi32>
        %mul3A_680 = arith.constant 8 : i32
        %mul3A_681 = vector.broadcast %mul3A_680 : i32 to vector<16xi32>
        %mul3A_682 = arith.muli %get3A_679, %mul3A_681 : vector<16xi32>
        %get3A_683 = arith.constant 1 : i32
        %get3A_684 = arith.index_cast %get3A_683 : i32 to index
        %get3A_685 = arith.constant 112 : index
        %get3A_686 = tpu.vector_load %arg6[%get3A_684, %get3A_685] {strides = array<i32>} : memref<3x128xi32, #tpu.memory_space<vmem>>, vector<1x16xi32>,
        %get3A_687 = vector.shape_cast %get3A_686 : vector<1x16xi32> to vector<16xi32>
        %add3A_688 = arith.addi %mul3A_682, %get3A_687 : vector<16xi32>
        %swap3A_689 = arith.constant 112 : index
        %swap3A_690 = tpu.vector_load %arg8[%swap3A_689] {strides = array<i32>} : memref<128xi32, #tpu.memory_space<vmem>>, vector<16xi32>,
        %swap3A_691 = vector.shape_cast %swap3A_690 : vector<16xi32> to vector<16xi32>
        %swap3A_692 = vector.shape_cast %add3A_688 : vector<16xi32> to vector<16xi32>
        tpu.vector_store %arg8[%swap3A_689], %swap3A_692 {strides = array<i32>} : memref<128xi32, #tpu.memory_space<vmem>>, vector<16xi32>,
        %get3A_693 = arith.constant 2 : i32
        %get3A_694 = arith.index_cast %get3A_693 : i32 to index
        %get3A_695 = arith.constant 112 : index
        %get3A_696 = tpu.vector_load %arg6[%get3A_694, %get3A_695] {strides = array<i32>} : memref<3x128xi32, #tpu.memory_space<vmem>>, vector<1x16xi32>,
        %get3A_697 = vector.shape_cast %get3A_696 : vector<1x16xi32> to vector<16xi32>
        %add3A_698 = arith.constant 200 : i32
        %add3A_699 = vector.broadcast %add3A_698 : i32 to vector<16xi32>
        %add3A_700 = arith.addi %get3A_697, %add3A_699 : vector<16xi32>
        %swap3A_701 = arith.constant 112 : index
        %swap3A_702 = tpu.vector_load %arg10[%swap3A_701] {strides = array<i32>} : memref<128xi32, #tpu.memory_space<vmem>>, vector<16xi32>,
        %swap3A_703 = vector.shape_cast %swap3A_702 : vector<16xi32> to vector<16xi32>
        %swap3A_704 = vector.shape_cast %add3A_700 : vector<16xi32> to vector<16xi32>
        tpu.vector_store %arg10[%swap3A_701], %swap3A_704 {strides = array<i32>} : memref<128xi32, #tpu.memory_space<vmem>>, vector<16xi32>,
        %dma_start3A_705 = arith.constant 0 : i32
        %dma_start3A_706 = arith.constant 0 : i32
        %dma_start3A_707 = tpu.memref_slice %arg5[%dma_start3A_705, %dma_start3A_706] : memref<1792x64xi32, #tpu.memory_space<vmem_shared>> -> memref<1792x64xi32, #tpu.memory_space<vmem_shared>>
        tpu.enqueue_indirect_dma source(%dma_start3A_707 : memref<1792x64xi32, #tpu.memory_space<vmem_shared>>) target(%arg12 : memref<128x64xi32, #tpu.memory_space<vmem>>) offsets(%arg8 : memref<128xi32, #tpu.memory_space<vmem>>) semaphore(%arg20 : memref<!tpu.dma_semaphore, #tpu.memory_space<semaphore_mem>>)
        %dma_start3A_708 = arith.constant 0 : i32
        %dma_start3A_709 = arith.constant 0 : i32
        %dma_start3A_710 = tpu.memref_slice %arg5[%dma_start3A_708, %dma_start3A_709] : memref<1792x64xi32, #tpu.memory_space<vmem_shared>> -> memref<1792x64xi32, #tpu.memory_space<vmem_shared>>
        tpu.enqueue_indirect_dma source(%dma_start3A_710 : memref<1792x64xi32, #tpu.memory_space<vmem_shared>>) target(%arg14 : memref<128x64xi32, #tpu.memory_space<vmem>>) offsets(%arg10 : memref<128xi32, #tpu.memory_space<vmem>>) semaphore(%arg22 : memref<!tpu.dma_semaphore, #tpu.memory_space<semaphore_mem>>)
      } else {
      }
      %add3A_425 = arith.constant 2 : i32
      %add3A_426 = arith.addi %add3A_417, %add3A_425 : i32
      %lt3A_427 = arith.constant 200 : i32
      %lt3A_428 = arith.cmpi slt, %add3A_426, %lt3A_427 : i32
      %convert_element_type3A_429 = arith.extui %lt3A_428 : i1 to i32
      %cond3A_430 = arith.constant 0 : i32
      %cond3A_431 = arith.cmpi ne, %convert_element_type3A_429, %cond3A_430 : i32
      scf.if %cond3A_431 {
        %add3A_456 = arith.constant 2 : i32
        %add3A_457 = arith.addi %add3A_417, %add3A_456 : i32
        %add3A_458 = arith.addi %mul3A_4, %add3A_457 : i32
        %dma_start3A_459 = arith.constant 0 : i32
        %dma_start3A_460 = arith.constant 0 : i32
        %dma_start3A_461 = tpu.memref_slice %arg3[%add3A_458, %dma_start3A_459, %dma_start3A_460] : memref<6400x3x128xi32, #tpu.memory_space<hbm>> -> memref<1x3x128xi32, #tpu.memory_space<hbm>>
        %dma_start3A_462 = tpu.memref_squeeze %dma_start3A_461 : memref<1x3x128xi32, #tpu.memory_space<hbm>> -> memref<3x128xi32, #tpu.memory_space<hbm>>
        %dma_start3A_463 = arith.constant 0 : i32
        %dma_start3A_464 = arith.constant 0 : i32
        %dma_start3A_465 = tpu.memref_slice %arg3[%add3A_458, %dma_start3A_463, %dma_start3A_464] : memref<6400x3x128xi32, #tpu.memory_space<hbm>> -> memref<1x3x128xi32, #tpu.memory_space<hbm>>
        %dma_start3A_466 = tpu.memref_squeeze %dma_start3A_465 : memref<1x3x128xi32, #tpu.memory_space<hbm>> -> memref<3x128xi32, #tpu.memory_space<hbm>>
        tpu.enqueue_dma source(%dma_start3A_466 : memref<3x128xi32, #tpu.memory_space<hbm>>) target(%arg7 : memref<3x128xi32, #tpu.memory_space<vmem>>) target_semaphore(%arg19 : memref<!tpu.dma_semaphore, #tpu.memory_space<semaphore_mem>>)
      } else {
      }
      %ge3A_432 = arith.constant 2 : i32
      %ge3A_433 = arith.cmpi sge, %add3A_417, %ge3A_432 : i32
      %convert_element_type3A_434 = arith.extui %ge3A_433 : i1 to i32
      %cond3A_435 = arith.constant 0 : i32
      %cond3A_436 = arith.cmpi ne, %convert_element_type3A_434, %cond3A_435 : i32
      scf.if %cond3A_436 {
        %dma_wait3A_456 = arith.constant 0 : i32
        %dma_wait3A_457 = tpu.memref_slice %arg4[%mul3A_2, %dma_wait3A_456] : memref<819200x128xf32, #tpu.memory_space<hbm>> -> memref<128x128xf32, #tpu.memory_space<hbm>>
        %dma_wait3A_458 = arith.constant 0 : i32
        %dma_wait3A_459 = tpu.memref_slice %arg4[%mul3A_2, %dma_wait3A_458] : memref<819200x128xf32, #tpu.memory_space<hbm>> -> memref<128x128xf32, #tpu.memory_space<hbm>>
        tpu.wait_dma2 semaphore(%arg25 : memref<!tpu.dma_semaphore, #tpu.memory_space<semaphore_mem>>) src(%arg17 : memref<128x128xf32, #tpu.memory_space<vmem>>) dst(%dma_wait3A_459 : memref<128x128xf32, #tpu.memory_space<hbm>>)
      } else {
      }
      %dma_wait3A_437 = arith.constant 0 : i32
      %dma_wait3A_438 = arith.constant 0 : i32
      %dma_wait3A_439 = tpu.memref_slice %arg5[%dma_wait3A_437, %dma_wait3A_438] : memref<1792x64xi32, #tpu.memory_space<vmem_shared>> -> memref<1792x64xi32, #tpu.memory_space<vmem_shared>>
      tpu.wait_indirect_dma semaphore(%arg21 : memref<!tpu.dma_semaphore, #tpu.memory_space<semaphore_mem>>) src(%dma_wait3A_439 : memref<1792x64xi32, #tpu.memory_space<vmem_shared>>) dst(%arg13 : memref<128x64xi32, #tpu.memory_space<vmem>>)
      %dma_wait3A_440 = arith.constant 0 : i32
      %dma_wait3A_441 = arith.constant 0 : i32
      %dma_wait3A_442 = tpu.memref_slice %arg5[%dma_wait3A_440, %dma_wait3A_441] : memref<1792x64xi32, #tpu.memory_space<vmem_shared>> -> memref<1792x64xi32, #tpu.memory_space<vmem_shared>>
      tpu.wait_indirect_dma semaphore(%arg23 : memref<!tpu.dma_semaphore, #tpu.memory_space<semaphore_mem>>) src(%dma_wait3A_442 : memref<1792x64xi32, #tpu.memory_space<vmem_shared>>) dst(%arg15 : memref<128x64xi32, #tpu.memory_space<vmem>>)
      %scan3A_443 = arith.constant 0 : i32
      %scan3A_444 = arith.constant 0 : i32
      %scan3A_445 = arith.constant 32 : i32
      %scan3A_446 = arith.addi %scan3A_444, %scan3A_445 : i32
      %scan3A_447 = arith.constant 1 : i32
      scf.for %scan3A_456 = %scan3A_444 to %scan3A_446 step %scan3A_447  : i32 {
        %broadcast_in_dim3A = arith.constant -65536 : i32
        %broadcast_in_dim3A_457 = vector.broadcast %broadcast_in_dim3A : i32 to vector<16xi32>
        %mul3A_458 = arith.constant 4 : i32
        %mul3A_459 = arith.muli %scan3A_456, %mul3A_458 : i32
        %add3A_460 = arith.constant 0 : i32
        %add3A_461 = arith.addi %mul3A_459, %add3A_460 : i32
        %get3A_462 = arith.index_cast %add3A_461 : i32 to index
        %get3A_463 = arith.constant 0 : index
        %get3A_464 = tpu.vector_load %arg13[%get3A_462, %get3A_463] {strides = array<i32>} : memref<128x64xi32, #tpu.memory_space<vmem>>, vector<1x16xi32>,
        %get3A_465 = vector.shape_cast %get3A_464 : vector<1x16xi32> to vector<16xi32>
        %get3A_466 = arith.index_cast %add3A_461 : i32 to index
        %get3A_467 = arith.constant 0 : index
        %get3A_468 = tpu.vector_load %arg15[%get3A_466, %get3A_467] {strides = array<i32>} : memref<128x64xi32, #tpu.memory_space<vmem>>, vector<1x16xi32>,
        %get3A_469 = vector.shape_cast %get3A_468 : vector<1x16xi32> to vector<16xi32>
        %shift_left3A = arith.constant 16 : i32
        %shift_left3A_470 = vector.broadcast %shift_left3A : i32 to vector<16xi32>
        %shift_left3A_471 = arith.shli %get3A_465, %shift_left3A_470 : vector<16xi32>
        %bitcast_convert_type3A = tpu.bitcast %shift_left3A_471 : vector<16xi32> -> vector<16xf32>
        %shift_left3A_472 = arith.constant 16 : i32
        %shift_left3A_473 = vector.broadcast %shift_left3A_472 : i32 to vector<16xi32>
        %shift_left3A_474 = arith.shli %get3A_469, %shift_left3A_473 : vector<16xi32>
        %bitcast_convert_type3A_475 = tpu.bitcast %shift_left3A_474 : vector<16xi32> -> vector<16xf32>
        %and3A = arith.andi %get3A_465, %broadcast_in_dim3A_457 : vector<16xi32>
        %bitcast_convert_type3A_476 = tpu.bitcast %and3A : vector<16xi32> -> vector<16xf32>
        %and3A_477 = arith.andi %get3A_469, %broadcast_in_dim3A_457 : vector<16xi32>
        %bitcast_convert_type3A_478 = tpu.bitcast %and3A_477 : vector<16xi32> -> vector<16xf32>
        %add3A_479 = arith.addf %bitcast_convert_type3A_476, %bitcast_convert_type3A_478 : vector<16xf32>
        %swap3A_480 = arith.index_cast %add3A_461 : i32 to index
        %swap3A_481 = arith.constant 0 : index
        %swap3A_482 = tpu.vector_load %arg17[%swap3A_480, %swap3A_481] {strides = array<i32>} : memref<128x128xf32, #tpu.memory_space<vmem>>, vector<1x16xf32>,
        %swap3A_483 = vector.shape_cast %swap3A_482 : vector<1x16xf32> to vector<16xf32>
        %swap3A_484 = vector.shape_cast %add3A_479 : vector<16xf32> to vector<1x16xf32>
        tpu.vector_store %arg17[%swap3A_480, %swap3A_481], %swap3A_484 {strides = array<i32>} : memref<128x128xf32, #tpu.memory_space<vmem>>, vector<1x16xf32>,
        %add3A_485 = arith.addf %bitcast_convert_type3A, %bitcast_convert_type3A_475 : vector<16xf32>
        %swap3A_486 = arith.index_cast %add3A_461 : i32 to index
        %swap3A_487 = arith.constant 16 : index
        %swap3A_488 = tpu.vector_load %arg17[%swap3A_486, %swap3A_487] {strides = array<i32>} : memref<128x128xf32, #tpu.memory_space<vmem>>, vector<1x16xf32>,
        %swap3A_489 = vector.shape_cast %swap3A_488 : vector<1x16xf32> to vector<16xf32>
        %swap3A_490 = vector.shape_cast %add3A_485 : vector<16xf32> to vector<1x16xf32>
        tpu.vector_store %arg17[%swap3A_486, %swap3A_487], %swap3A_490 {strides = array<i32>} : memref<128x128xf32, #tpu.memory_space<vmem>>, vector<1x16xf32>,
        %get3A_491 = arith.index_cast %add3A_461 : i32 to index
        %get3A_492 = arith.constant 16 : index
        %get3A_493 = tpu.vector_load %arg13[%get3A_491, %get3A_492] {strides = array<i32>} : memref<128x64xi32, #tpu.memory_space<vmem>>, vector<1x16xi32>,
        %get3A_494 = vector.shape_cast %get3A_493 : vector<1x16xi32> to vector<16xi32>
        %get3A_495 = arith.index_cast %add3A_461 : i32 to index
        %get3A_496 = arith.constant 16 : index
        %get3A_497 = tpu.vector_load %arg15[%get3A_495, %get3A_496] {strides = array<i32>} : memref<128x64xi32, #tpu.memory_space<vmem>>, vector<1x16xi32>,
        %get3A_498 = vector.shape_cast %get3A_497 : vector<1x16xi32> to vector<16xi32>
        %shift_left3A_499 = arith.constant 16 : i32
        %shift_left3A_500 = vector.broadcast %shift_left3A_499 : i32 to vector<16xi32>
        %shift_left3A_501 = arith.shli %get3A_494, %shift_left3A_500 : vector<16xi32>
        %bitcast_convert_type3A_502 = tpu.bitcast %shift_left3A_501 : vector<16xi32> -> vector<16xf32>
        %shift_left3A_503 = arith.constant 16 : i32
        %shift_left3A_504 = vector.broadcast %shift_left3A_503 : i32 to vector<16xi32>
        %shift_left3A_505 = arith.shli %get3A_498, %shift_left3A_504 : vector<16xi32>
        %bitcast_convert_type3A_506 = tpu.bitcast %shift_left3A_505 : vector<16xi32> -> vector<16xf32>
        %and3A_507 = arith.andi %get3A_494, %broadcast_in_dim3A_457 : vector<16xi32>
        %bitcast_convert_type3A_508 = tpu.bitcast %and3A_507 : vector<16xi32> -> vector<16xf32>
        %and3A_509 = arith.andi %get3A_498, %broadcast_in_dim3A_457 : vector<16xi32>
        %bitcast_convert_type3A_510 = tpu.bitcast %and3A_509 : vector<16xi32> -> vector<16xf32>
        %add3A_511 = arith.addf %bitcast_convert_type3A_508, %bitcast_convert_type3A_510 : vector<16xf32>
        %swap3A_512 = arith.index_cast %add3A_461 : i32 to index
        %swap3A_513 = arith.constant 32 : index
        %swap3A_514 = tpu.vector_load %arg17[%swap3A_512, %swap3A_513] {strides = array<i32>} : memref<128x128xf32, #tpu.memory_space<vmem>>, vector<1x16xf32>,
        %swap3A_515 = vector.shape_cast %swap3A_514 : vector<1x16xf32> to vector<16xf32>
        %swap3A_516 = vector.shape_cast %add3A_511 : vector<16xf32> to vector<1x16xf32>
        tpu.vector_store %arg17[%swap3A_512, %swap3A_513], %swap3A_516 {strides = array<i32>} : memref<128x128xf32, #tpu.memory_space<vmem>>, vector<1x16xf32>,
        %add3A_517 = arith.addf %bitcast_convert_type3A_502, %bitcast_convert_type3A_506 : vector<16xf32>
        %swap3A_518 = arith.index_cast %add3A_461 : i32 to index
        %swap3A_519 = arith.constant 48 : index
        %swap3A_520 = tpu.vector_load %arg17[%swap3A_518, %swap3A_519] {strides = array<i32>} : memref<128x128xf32, #tpu.memory_space<vmem>>, vector<1x16xf32>,
        %swap3A_521 = vector.shape_cast %swap3A_520 : vector<1x16xf32> to vector<16xf32>
        %swap3A_522 = vector.shape_cast %add3A_517 : vector<16xf32> to vector<1x16xf32>
        tpu.vector_store %arg17[%swap3A_518, %swap3A_519], %swap3A_522 {strides = array<i32>} : memref<128x128xf32, #tpu.memory_space<vmem>>, vector<1x16xf32>,
        %get3A_523 = arith.index_cast %add3A_461 : i32 to index
        %get3A_524 = arith.constant 32 : index
        %get3A_525 = tpu.vector_load %arg13[%get3A_523, %get3A_524] {strides = array<i32>} : memref<128x64xi32, #tpu.memory_space<vmem>>, vector<1x16xi32>,
        %get3A_526 = vector.shape_cast %get3A_525 : vector<1x16xi32> to vector<16xi32>
        %get3A_527 = arith.index_cast %add3A_461 : i32 to index
        %get3A_528 = arith.constant 32 : index
        %get3A_529 = tpu.vector_load %arg15[%get3A_527, %get3A_528] {strides = array<i32>} : memref<128x64xi32, #tpu.memory_space<vmem>>, vector<1x16xi32>,
        %get3A_530 = vector.shape_cast %get3A_529 : vector<1x16xi32> to vector<16xi32>
        %shift_left3A_531 = arith.constant 16 : i32
        %shift_left3A_532 = vector.broadcast %shift_left3A_531 : i32 to vector<16xi32>
        %shift_left3A_533 = arith.shli %get3A_526, %shift_left3A_532 : vector<16xi32>
        %bitcast_convert_type3A_534 = tpu.bitcast %shift_left3A_533 : vector<16xi32> -> vector<16xf32>
        %shift_left3A_535 = arith.constant 16 : i32
        %shift_left3A_536 = vector.broadcast %shift_left3A_535 : i32 to vector<16xi32>
        %shift_left3A_537 = arith.shli %get3A_530, %shift_left3A_536 : vector<16xi32>
        %bitcast_convert_type3A_538 = tpu.bitcast %shift_left3A_537 : vector<16xi32> -> vector<16xf32>
        %and3A_539 = arith.andi %get3A_526, %broadcast_in_dim3A_457 : vector<16xi32>
        %bitcast_convert_type3A_540 = tpu.bitcast %and3A_539 : vector<16xi32> -> vector<16xf32>
        %and3A_541 = arith.andi %get3A_530, %broadcast_in_dim3A_457 : vector<16xi32>
        %bitcast_convert_type3A_542 = tpu.bitcast %and3A_541 : vector<16xi32> -> vector<16xf32>
        %add3A_543 = arith.addf %bitcast_convert_type3A_540, %bitcast_convert_type3A_542 : vector<16xf32>
        %swap3A_544 = arith.index_cast %add3A_461 : i32 to index
        %swap3A_545 = arith.constant 64 : index
        %swap3A_546 = tpu.vector_load %arg17[%swap3A_544, %swap3A_545] {strides = array<i32>} : memref<128x128xf32, #tpu.memory_space<vmem>>, vector<1x16xf32>,
        %swap3A_547 = vector.shape_cast %swap3A_546 : vector<1x16xf32> to vector<16xf32>
        %swap3A_548 = vector.shape_cast %add3A_543 : vector<16xf32> to vector<1x16xf32>
        tpu.vector_store %arg17[%swap3A_544, %swap3A_545], %swap3A_548 {strides = array<i32>} : memref<128x128xf32, #tpu.memory_space<vmem>>, vector<1x16xf32>,
        %add3A_549 = arith.addf %bitcast_convert_type3A_534, %bitcast_convert_type3A_538 : vector<16xf32>
        %swap3A_550 = arith.index_cast %add3A_461 : i32 to index
        %swap3A_551 = arith.constant 80 : index
        %swap3A_552 = tpu.vector_load %arg17[%swap3A_550, %swap3A_551] {strides = array<i32>} : memref<128x128xf32, #tpu.memory_space<vmem>>, vector<1x16xf32>,
        %swap3A_553 = vector.shape_cast %swap3A_552 : vector<1x16xf32> to vector<16xf32>
        %swap3A_554 = vector.shape_cast %add3A_549 : vector<16xf32> to vector<1x16xf32>
        tpu.vector_store %arg17[%swap3A_550, %swap3A_551], %swap3A_554 {strides = array<i32>} : memref<128x128xf32, #tpu.memory_space<vmem>>, vector<1x16xf32>,
        %get3A_555 = arith.index_cast %add3A_461 : i32 to index
        %get3A_556 = arith.constant 48 : index
        %get3A_557 = tpu.vector_load %arg13[%get3A_555, %get3A_556] {strides = array<i32>} : memref<128x64xi32, #tpu.memory_space<vmem>>, vector<1x16xi32>,
        %get3A_558 = vector.shape_cast %get3A_557 : vector<1x16xi32> to vector<16xi32>
        %get3A_559 = arith.index_cast %add3A_461 : i32 to index
        %get3A_560 = arith.constant 48 : index
        %get3A_561 = tpu.vector_load %arg15[%get3A_559, %get3A_560] {strides = array<i32>} : memref<128x64xi32, #tpu.memory_space<vmem>>, vector<1x16xi32>,
        %get3A_562 = vector.shape_cast %get3A_561 : vector<1x16xi32> to vector<16xi32>
        %shift_left3A_563 = arith.constant 16 : i32
        %shift_left3A_564 = vector.broadcast %shift_left3A_563 : i32 to vector<16xi32>
        %shift_left3A_565 = arith.shli %get3A_558, %shift_left3A_564 : vector<16xi32>
        %bitcast_convert_type3A_566 = tpu.bitcast %shift_left3A_565 : vector<16xi32> -> vector<16xf32>
        %shift_left3A_567 = arith.constant 16 : i32
        %shift_left3A_568 = vector.broadcast %shift_left3A_567 : i32 to vector<16xi32>
        %shift_left3A_569 = arith.shli %get3A_562, %shift_left3A_568 : vector<16xi32>
        %bitcast_convert_type3A_570 = tpu.bitcast %shift_left3A_569 : vector<16xi32> -> vector<16xf32>
        %and3A_571 = arith.andi %get3A_558, %broadcast_in_dim3A_457 : vector<16xi32>
        %bitcast_convert_type3A_572 = tpu.bitcast %and3A_571 : vector<16xi32> -> vector<16xf32>
        %and3A_573 = arith.andi %get3A_562, %broadcast_in_dim3A_457 : vector<16xi32>
        %bitcast_convert_type3A_574 = tpu.bitcast %and3A_573 : vector<16xi32> -> vector<16xf32>
        %add3A_575 = arith.addf %bitcast_convert_type3A_572, %bitcast_convert_type3A_574 : vector<16xf32>
        %swap3A_576 = arith.index_cast %add3A_461 : i32 to index
        %swap3A_577 = arith.constant 96 : index
        %swap3A_578 = tpu.vector_load %arg17[%swap3A_576, %swap3A_577] {strides = array<i32>} : memref<128x128xf32, #tpu.memory_space<vmem>>, vector<1x16xf32>,
        %swap3A_579 = vector.shape_cast %swap3A_578 : vector<1x16xf32> to vector<16xf32>
        %swap3A_580 = vector.shape_cast %add3A_575 : vector<16xf32> to vector<1x16xf32>
        tpu.vector_store %arg17[%swap3A_576, %swap3A_577], %swap3A_580 {strides = array<i32>} : memref<128x128xf32, #tpu.memory_space<vmem>>, vector<1x16xf32>,
        %add3A_581 = arith.addf %bitcast_convert_type3A_566, %bitcast_convert_type3A_570 : vector<16xf32>
        %swap3A_582 = arith.index_cast %add3A_461 : i32 to index
        %swap3A_583 = arith.constant 112 : index
        %swap3A_584 = tpu.vector_load %arg17[%swap3A_582, %swap3A_583] {strides = array<i32>} : memref<128x128xf32, #tpu.memory_space<vmem>>, vector<1x16xf32>,
        %swap3A_585 = vector.shape_cast %swap3A_584 : vector<1x16xf32> to vector<16xf32>
        %swap3A_586 = vector.shape_cast %add3A_581 : vector<16xf32> to vector<1x16xf32>
        tpu.vector_store %arg17[%swap3A_582, %swap3A_583], %swap3A_586 {strides = array<i32>} : memref<128x128xf32, #tpu.memory_space<vmem>>, vector<1x16xf32>,
        %mul3A_587 = arith.constant 4 : i32
        %mul3A_588 = arith.muli %scan3A_456, %mul3A_587 : i32
        %add3A_589 = arith.constant 1 : i32
        %add3A_590 = arith.addi %mul3A_588, %add3A_589 : i32
        %get3A_591 = arith.index_cast %add3A_590 : i32 to index
        %get3A_592 = arith.constant 0 : index
        %get3A_593 = tpu.vector_load %arg13[%get3A_591, %get3A_592] {strides = array<i32>} : memref<128x64xi32, #tpu.memory_space<vmem>>, vector<1x16xi32>,
        %get3A_594 = vector.shape_cast %get3A_593 : vector<1x16xi32> to vector<16xi32>
        %get3A_595 = arith.index_cast %add3A_590 : i32 to index
        %get3A_596 = arith.constant 0 : index
        %get3A_597 = tpu.vector_load %arg15[%get3A_595, %get3A_596] {strides = array<i32>} : memref<128x64xi32, #tpu.memory_space<vmem>>, vector<1x16xi32>,
        %get3A_598 = vector.shape_cast %get3A_597 : vector<1x16xi32> to vector<16xi32>
        %shift_left3A_599 = arith.constant 16 : i32
        %shift_left3A_600 = vector.broadcast %shift_left3A_599 : i32 to vector<16xi32>
        %shift_left3A_601 = arith.shli %get3A_594, %shift_left3A_600 : vector<16xi32>
        %bitcast_convert_type3A_602 = tpu.bitcast %shift_left3A_601 : vector<16xi32> -> vector<16xf32>
        %shift_left3A_603 = arith.constant 16 : i32
        %shift_left3A_604 = vector.broadcast %shift_left3A_603 : i32 to vector<16xi32>
        %shift_left3A_605 = arith.shli %get3A_598, %shift_left3A_604 : vector<16xi32>
        %bitcast_convert_type3A_606 = tpu.bitcast %shift_left3A_605 : vector<16xi32> -> vector<16xf32>
        %and3A_607 = arith.andi %get3A_594, %broadcast_in_dim3A_457 : vector<16xi32>
        %bitcast_convert_type3A_608 = tpu.bitcast %and3A_607 : vector<16xi32> -> vector<16xf32>
        %and3A_609 = arith.andi %get3A_598, %broadcast_in_dim3A_457 : vector<16xi32>
        %bitcast_convert_type3A_610 = tpu.bitcast %and3A_609 : vector<16xi32> -> vector<16xf32>
        %add3A_611 = arith.addf %bitcast_convert_type3A_608, %bitcast_convert_type3A_610 : vector<16xf32>
        %swap3A_612 = arith.index_cast %add3A_590 : i32 to index
        %swap3A_613 = arith.constant 0 : index
        %swap3A_614 = tpu.vector_load %arg17[%swap3A_612, %swap3A_613] {strides = array<i32>} : memref<128x128xf32, #tpu.memory_space<vmem>>, vector<1x16xf32>,
        %swap3A_615 = vector.shape_cast %swap3A_614 : vector<1x16xf32> to vector<16xf32>
        %swap3A_616 = vector.shape_cast %add3A_611 : vector<16xf32> to vector<1x16xf32>
        tpu.vector_store %arg17[%swap3A_612, %swap3A_613], %swap3A_616 {strides = array<i32>} : memref<128x128xf32, #tpu.memory_space<vmem>>, vector<1x16xf32>,
        %add3A_617 = arith.addf %bitcast_convert_type3A_602, %bitcast_convert_type3A_606 : vector<16xf32>
        %swap3A_618 = arith.index_cast %add3A_590 : i32 to index
        %swap3A_619 = arith.constant 16 : index
        %swap3A_620 = tpu.vector_load %arg17[%swap3A_618, %swap3A_619] {strides = array<i32>} : memref<128x128xf32, #tpu.memory_space<vmem>>, vector<1x16xf32>,
        %swap3A_621 = vector.shape_cast %swap3A_620 : vector<1x16xf32> to vector<16xf32>
        %swap3A_622 = vector.shape_cast %add3A_617 : vector<16xf32> to vector<1x16xf32>
        tpu.vector_store %arg17[%swap3A_618, %swap3A_619], %swap3A_622 {strides = array<i32>} : memref<128x128xf32, #tpu.memory_space<vmem>>, vector<1x16xf32>,
        %get3A_623 = arith.index_cast %add3A_590 : i32 to index
        %get3A_624 = arith.constant 16 : index
        %get3A_625 = tpu.vector_load %arg13[%get3A_623, %get3A_624] {strides = array<i32>} : memref<128x64xi32, #tpu.memory_space<vmem>>, vector<1x16xi32>,
        %get3A_626 = vector.shape_cast %get3A_625 : vector<1x16xi32> to vector<16xi32>
        %get3A_627 = arith.index_cast %add3A_590 : i32 to index
        %get3A_628 = arith.constant 16 : index
        %get3A_629 = tpu.vector_load %arg15[%get3A_627, %get3A_628] {strides = array<i32>} : memref<128x64xi32, #tpu.memory_space<vmem>>, vector<1x16xi32>,
        %get3A_630 = vector.shape_cast %get3A_629 : vector<1x16xi32> to vector<16xi32>
        %shift_left3A_631 = arith.constant 16 : i32
        %shift_left3A_632 = vector.broadcast %shift_left3A_631 : i32 to vector<16xi32>
        %shift_left3A_633 = arith.shli %get3A_626, %shift_left3A_632 : vector<16xi32>
        %bitcast_convert_type3A_634 = tpu.bitcast %shift_left3A_633 : vector<16xi32> -> vector<16xf32>
        %shift_left3A_635 = arith.constant 16 : i32
        %shift_left3A_636 = vector.broadcast %shift_left3A_635 : i32 to vector<16xi32>
        %shift_left3A_637 = arith.shli %get3A_630, %shift_left3A_636 : vector<16xi32>
        %bitcast_convert_type3A_638 = tpu.bitcast %shift_left3A_637 : vector<16xi32> -> vector<16xf32>
        %and3A_639 = arith.andi %get3A_626, %broadcast_in_dim3A_457 : vector<16xi32>
        %bitcast_convert_type3A_640 = tpu.bitcast %and3A_639 : vector<16xi32> -> vector<16xf32>
        %and3A_641 = arith.andi %get3A_630, %broadcast_in_dim3A_457 : vector<16xi32>
        %bitcast_convert_type3A_642 = tpu.bitcast %and3A_641 : vector<16xi32> -> vector<16xf32>
        %add3A_643 = arith.addf %bitcast_convert_type3A_640, %bitcast_convert_type3A_642 : vector<16xf32>
        %swap3A_644 = arith.index_cast %add3A_590 : i32 to index
        %swap3A_645 = arith.constant 32 : index
        %swap3A_646 = tpu.vector_load %arg17[%swap3A_644, %swap3A_645] {strides = array<i32>} : memref<128x128xf32, #tpu.memory_space<vmem>>, vector<1x16xf32>,
        %swap3A_647 = vector.shape_cast %swap3A_646 : vector<1x16xf32> to vector<16xf32>
        %swap3A_648 = vector.shape_cast %add3A_643 : vector<16xf32> to vector<1x16xf32>
        tpu.vector_store %arg17[%swap3A_644, %swap3A_645], %swap3A_648 {strides = array<i32>} : memref<128x128xf32, #tpu.memory_space<vmem>>, vector<1x16xf32>,
        %add3A_649 = arith.addf %bitcast_convert_type3A_634, %bitcast_convert_type3A_638 : vector<16xf32>
        %swap3A_650 = arith.index_cast %add3A_590 : i32 to index
        %swap3A_651 = arith.constant 48 : index
        %swap3A_652 = tpu.vector_load %arg17[%swap3A_650, %swap3A_651] {strides = array<i32>} : memref<128x128xf32, #tpu.memory_space<vmem>>, vector<1x16xf32>,
        %swap3A_653 = vector.shape_cast %swap3A_652 : vector<1x16xf32> to vector<16xf32>
        %swap3A_654 = vector.shape_cast %add3A_649 : vector<16xf32> to vector<1x16xf32>
        tpu.vector_store %arg17[%swap3A_650, %swap3A_651], %swap3A_654 {strides = array<i32>} : memref<128x128xf32, #tpu.memory_space<vmem>>, vector<1x16xf32>,
        %get3A_655 = arith.index_cast %add3A_590 : i32 to index
        %get3A_656 = arith.constant 32 : index
        %get3A_657 = tpu.vector_load %arg13[%get3A_655, %get3A_656] {strides = array<i32>} : memref<128x64xi32, #tpu.memory_space<vmem>>, vector<1x16xi32>,
        %get3A_658 = vector.shape_cast %get3A_657 : vector<1x16xi32> to vector<16xi32>
        %get3A_659 = arith.index_cast %add3A_590 : i32 to index
        %get3A_660 = arith.constant 32 : index
        %get3A_661 = tpu.vector_load %arg15[%get3A_659, %get3A_660] {strides = array<i32>} : memref<128x64xi32, #tpu.memory_space<vmem>>, vector<1x16xi32>,
        %get3A_662 = vector.shape_cast %get3A_661 : vector<1x16xi32> to vector<16xi32>
        %shift_left3A_663 = arith.constant 16 : i32
        %shift_left3A_664 = vector.broadcast %shift_left3A_663 : i32 to vector<16xi32>
        %shift_left3A_665 = arith.shli %get3A_658, %shift_left3A_664 : vector<16xi32>
        %bitcast_convert_type3A_666 = tpu.bitcast %shift_left3A_665 : vector<16xi32> -> vector<16xf32>
        %shift_left3A_667 = arith.constant 16 : i32
        %shift_left3A_668 = vector.broadcast %shift_left3A_667 : i32 to vector<16xi32>
        %shift_left3A_669 = arith.shli %get3A_662, %shift_left3A_668 : vector<16xi32>
        %bitcast_convert_type3A_670 = tpu.bitcast %shift_left3A_669 : vector<16xi32> -> vector<16xf32>
        %and3A_671 = arith.andi %get3A_658, %broadcast_in_dim3A_457 : vector<16xi32>
        %bitcast_convert_type3A_672 = tpu.bitcast %and3A_671 : vector<16xi32> -> vector<16xf32>
        %and3A_673 = arith.andi %get3A_662, %broadcast_in_dim3A_457 : vector<16xi32>
        %bitcast_convert_type3A_674 = tpu.bitcast %and3A_673 : vector<16xi32> -> vector<16xf32>
        %add3A_675 = arith.addf %bitcast_convert_type3A_672, %bitcast_convert_type3A_674 : vector<16xf32>
        %swap3A_676 = arith.index_cast %add3A_590 : i32 to index
        %swap3A_677 = arith.constant 64 : index
        %swap3A_678 = tpu.vector_load %arg17[%swap3A_676, %swap3A_677] {strides = array<i32>} : memref<128x128xf32, #tpu.memory_space<vmem>>, vector<1x16xf32>,
        %swap3A_679 = vector.shape_cast %swap3A_678 : vector<1x16xf32> to vector<16xf32>
        %swap3A_680 = vector.shape_cast %add3A_675 : vector<16xf32> to vector<1x16xf32>
        tpu.vector_store %arg17[%swap3A_676, %swap3A_677], %swap3A_680 {strides = array<i32>} : memref<128x128xf32, #tpu.memory_space<vmem>>, vector<1x16xf32>,
        %add3A_681 = arith.addf %bitcast_convert_type3A_666, %bitcast_convert_type3A_670 : vector<16xf32>
        %swap3A_682 = arith.index_cast %add3A_590 : i32 to index
        %swap3A_683 = arith.constant 80 : index
        %swap3A_684 = tpu.vector_load %arg17[%swap3A_682, %swap3A_683] {strides = array<i32>} : memref<128x128xf32, #tpu.memory_space<vmem>>, vector<1x16xf32>,
        %swap3A_685 = vector.shape_cast %swap3A_684 : vector<1x16xf32> to vector<16xf32>
        %swap3A_686 = vector.shape_cast %add3A_681 : vector<16xf32> to vector<1x16xf32>
        tpu.vector_store %arg17[%swap3A_682, %swap3A_683], %swap3A_686 {strides = array<i32>} : memref<128x128xf32, #tpu.memory_space<vmem>>, vector<1x16xf32>,
        %get3A_687 = arith.index_cast %add3A_590 : i32 to index
        %get3A_688 = arith.constant 48 : index
        %get3A_689 = tpu.vector_load %arg13[%get3A_687, %get3A_688] {strides = array<i32>} : memref<128x64xi32, #tpu.memory_space<vmem>>, vector<1x16xi32>,
        %get3A_690 = vector.shape_cast %get3A_689 : vector<1x16xi32> to vector<16xi32>
        %get3A_691 = arith.index_cast %add3A_590 : i32 to index
        %get3A_692 = arith.constant 48 : index
        %get3A_693 = tpu.vector_load %arg15[%get3A_691, %get3A_692] {strides = array<i32>} : memref<128x64xi32, #tpu.memory_space<vmem>>, vector<1x16xi32>,
        %get3A_694 = vector.shape_cast %get3A_693 : vector<1x16xi32> to vector<16xi32>
        %shift_left3A_695 = arith.constant 16 : i32
        %shift_left3A_696 = vector.broadcast %shift_left3A_695 : i32 to vector<16xi32>
        %shift_left3A_697 = arith.shli %get3A_690, %shift_left3A_696 : vector<16xi32>
        %bitcast_convert_type3A_698 = tpu.bitcast %shift_left3A_697 : vector<16xi32> -> vector<16xf32>
        %shift_left3A_699 = arith.constant 16 : i32
        %shift_left3A_700 = vector.broadcast %shift_left3A_699 : i32 to vector<16xi32>
        %shift_left3A_701 = arith.shli %get3A_694, %shift_left3A_700 : vector<16xi32>
        %bitcast_convert_type3A_702 = tpu.bitcast %shift_left3A_701 : vector<16xi32> -> vector<16xf32>
        %and3A_703 = arith.andi %get3A_690, %broadcast_in_dim3A_457 : vector<16xi32>
        %bitcast_convert_type3A_704 = tpu.bitcast %and3A_703 : vector<16xi32> -> vector<16xf32>
        %and3A_705 = arith.andi %get3A_694, %broadcast_in_dim3A_457 : vector<16xi32>
        %bitcast_convert_type3A_706 = tpu.bitcast %and3A_705 : vector<16xi32> -> vector<16xf32>
        %add3A_707 = arith.addf %bitcast_convert_type3A_704, %bitcast_convert_type3A_706 : vector<16xf32>
        %swap3A_708 = arith.index_cast %add3A_590 : i32 to index
        %swap3A_709 = arith.constant 96 : index
        %swap3A_710 = tpu.vector_load %arg17[%swap3A_708, %swap3A_709] {strides = array<i32>} : memref<128x128xf32, #tpu.memory_space<vmem>>, vector<1x16xf32>,
        %swap3A_711 = vector.shape_cast %swap3A_710 : vector<1x16xf32> to vector<16xf32>
        %swap3A_712 = vector.shape_cast %add3A_707 : vector<16xf32> to vector<1x16xf32>
        tpu.vector_store %arg17[%swap3A_708, %swap3A_709], %swap3A_712 {strides = array<i32>} : memref<128x128xf32, #tpu.memory_space<vmem>>, vector<1x16xf32>,
        %add3A_713 = arith.addf %bitcast_convert_type3A_698, %bitcast_convert_type3A_702 : vector<16xf32>
        %swap3A_714 = arith.index_cast %add3A_590 : i32 to index
        %swap3A_715 = arith.constant 112 : index
        %swap3A_716 = tpu.vector_load %arg17[%swap3A_714, %swap3A_715] {strides = array<i32>} : memref<128x128xf32, #tpu.memory_space<vmem>>, vector<1x16xf32>,
        %swap3A_717 = vector.shape_cast %swap3A_716 : vector<1x16xf32> to vector<16xf32>
        %swap3A_718 = vector.shape_cast %add3A_713 : vector<16xf32> to vector<1x16xf32>
        tpu.vector_store %arg17[%swap3A_714, %swap3A_715], %swap3A_718 {strides = array<i32>} : memref<128x128xf32, #tpu.memory_space<vmem>>, vector<1x16xf32>,
        %mul3A_719 = arith.constant 4 : i32
        %mul3A_720 = arith.muli %scan3A_456, %mul3A_719 : i32
        %add3A_721 = arith.constant 2 : i32
        %add3A_722 = arith.addi %mul3A_720, %add3A_721 : i32
        %get3A_723 = arith.index_cast %add3A_722 : i32 to index
        %get3A_724 = arith.constant 0 : index
        %get3A_725 = tpu.vector_load %arg13[%get3A_723, %get3A_724] {strides = array<i32>} : memref<128x64xi32, #tpu.memory_space<vmem>>, vector<1x16xi32>,
        %get3A_726 = vector.shape_cast %get3A_725 : vector<1x16xi32> to vector<16xi32>
        %get3A_727 = arith.index_cast %add3A_722 : i32 to index
        %get3A_728 = arith.constant 0 : index
        %get3A_729 = tpu.vector_load %arg15[%get3A_727, %get3A_728] {strides = array<i32>} : memref<128x64xi32, #tpu.memory_space<vmem>>, vector<1x16xi32>,
        %get3A_730 = vector.shape_cast %get3A_729 : vector<1x16xi32> to vector<16xi32>
        %shift_left3A_731 = arith.constant 16 : i32
        %shift_left3A_732 = vector.broadcast %shift_left3A_731 : i32 to vector<16xi32>
        %shift_left3A_733 = arith.shli %get3A_726, %shift_left3A_732 : vector<16xi32>
        %bitcast_convert_type3A_734 = tpu.bitcast %shift_left3A_733 : vector<16xi32> -> vector<16xf32>
        %shift_left3A_735 = arith.constant 16 : i32
        %shift_left3A_736 = vector.broadcast %shift_left3A_735 : i32 to vector<16xi32>
        %shift_left3A_737 = arith.shli %get3A_730, %shift_left3A_736 : vector<16xi32>
        %bitcast_convert_type3A_738 = tpu.bitcast %shift_left3A_737 : vector<16xi32> -> vector<16xf32>
        %and3A_739 = arith.andi %get3A_726, %broadcast_in_dim3A_457 : vector<16xi32>
        %bitcast_convert_type3A_740 = tpu.bitcast %and3A_739 : vector<16xi32> -> vector<16xf32>
        %and3A_741 = arith.andi %get3A_730, %broadcast_in_dim3A_457 : vector<16xi32>
        %bitcast_convert_type3A_742 = tpu.bitcast %and3A_741 : vector<16xi32> -> vector<16xf32>
        %add3A_743 = arith.addf %bitcast_convert_type3A_740, %bitcast_convert_type3A_742 : vector<16xf32>
        %swap3A_744 = arith.index_cast %add3A_722 : i32 to index
        %swap3A_745 = arith.constant 0 : index
        %swap3A_746 = tpu.vector_load %arg17[%swap3A_744, %swap3A_745] {strides = array<i32>} : memref<128x128xf32, #tpu.memory_space<vmem>>, vector<1x16xf32>,
        %swap3A_747 = vector.shape_cast %swap3A_746 : vector<1x16xf32> to vector<16xf32>
        %swap3A_748 = vector.shape_cast %add3A_743 : vector<16xf32> to vector<1x16xf32>
        tpu.vector_store %arg17[%swap3A_744, %swap3A_745], %swap3A_748 {strides = array<i32>} : memref<128x128xf32, #tpu.memory_space<vmem>>, vector<1x16xf32>,
        %add3A_749 = arith.addf %bitcast_convert_type3A_734, %bitcast_convert_type3A_738 : vector<16xf32>
        %swap3A_750 = arith.index_cast %add3A_722 : i32 to index
        %swap3A_751 = arith.constant 16 : index
        %swap3A_752 = tpu.vector_load %arg17[%swap3A_750, %swap3A_751] {strides = array<i32>} : memref<128x128xf32, #tpu.memory_space<vmem>>, vector<1x16xf32>,
        %swap3A_753 = vector.shape_cast %swap3A_752 : vector<1x16xf32> to vector<16xf32>
        %swap3A_754 = vector.shape_cast %add3A_749 : vector<16xf32> to vector<1x16xf32>
        tpu.vector_store %arg17[%swap3A_750, %swap3A_751], %swap3A_754 {strides = array<i32>} : memref<128x128xf32, #tpu.memory_space<vmem>>, vector<1x16xf32>,
        %get3A_755 = arith.index_cast %add3A_722 : i32 to index
        %get3A_756 = arith.constant 16 : index
        %get3A_757 = tpu.vector_load %arg13[%get3A_755, %get3A_756] {strides = array<i32>} : memref<128x64xi32, #tpu.memory_space<vmem>>, vector<1x16xi32>,
        %get3A_758 = vector.shape_cast %get3A_757 : vector<1x16xi32> to vector<16xi32>
        %get3A_759 = arith.index_cast %add3A_722 : i32 to index
        %get3A_760 = arith.constant 16 : index
        %get3A_761 = tpu.vector_load %arg15[%get3A_759, %get3A_760] {strides = array<i32>} : memref<128x64xi32, #tpu.memory_space<vmem>>, vector<1x16xi32>,
        %get3A_762 = vector.shape_cast %get3A_761 : vector<1x16xi32> to vector<16xi32>
        %shift_left3A_763 = arith.constant 16 : i32
        %shift_left3A_764 = vector.broadcast %shift_left3A_763 : i32 to vector<16xi32>
        %shift_left3A_765 = arith.shli %get3A_758, %shift_left3A_764 : vector<16xi32>
        %bitcast_convert_type3A_766 = tpu.bitcast %shift_left3A_765 : vector<16xi32> -> vector<16xf32>
        %shift_left3A_767 = arith.constant 16 : i32
        %shift_left3A_768 = vector.broadcast %shift_left3A_767 : i32 to vector<16xi32>
        %shift_left3A_769 = arith.shli %get3A_762, %shift_left3A_768 : vector<16xi32>
        %bitcast_convert_type3A_770 = tpu.bitcast %shift_left3A_769 : vector<16xi32> -> vector<16xf32>
        %and3A_771 = arith.andi %get3A_758, %broadcast_in_dim3A_457 : vector<16xi32>
        %bitcast_convert_type3A_772 = tpu.bitcast %and3A_771 : vector<16xi32> -> vector<16xf32>
        %and3A_773 = arith.andi %get3A_762, %broadcast_in_dim3A_457 : vector<16xi32>
        %bitcast_convert_type3A_774 = tpu.bitcast %and3A_773 : vector<16xi32> -> vector<16xf32>
        %add3A_775 = arith.addf %bitcast_convert_type3A_772, %bitcast_convert_type3A_774 : vector<16xf32>
        %swap3A_776 = arith.index_cast %add3A_722 : i32 to index
        %swap3A_777 = arith.constant 32 : index
        %swap3A_778 = tpu.vector_load %arg17[%swap3A_776, %swap3A_777] {strides = array<i32>} : memref<128x128xf32, #tpu.memory_space<vmem>>, vector<1x16xf32>,
        %swap3A_779 = vector.shape_cast %swap3A_778 : vector<1x16xf32> to vector<16xf32>
        %swap3A_780 = vector.shape_cast %add3A_775 : vector<16xf32> to vector<1x16xf32>
        tpu.vector_store %arg17[%swap3A_776, %swap3A_777], %swap3A_780 {strides = array<i32>} : memref<128x128xf32, #tpu.memory_space<vmem>>, vector<1x16xf32>,
        %add3A_781 = arith.addf %bitcast_convert_type3A_766, %bitcast_convert_type3A_770 : vector<16xf32>
        %swap3A_782 = arith.index_cast %add3A_722 : i32 to index
        %swap3A_783 = arith.constant 48 : index
        %swap3A_784 = tpu.vector_load %arg17[%swap3A_782, %swap3A_783] {strides = array<i32>} : memref<128x128xf32, #tpu.memory_space<vmem>>, vector<1x16xf32>,
        %swap3A_785 = vector.shape_cast %swap3A_784 : vector<1x16xf32> to vector<16xf32>
        %swap3A_786 = vector.shape_cast %add3A_781 : vector<16xf32> to vector<1x16xf32>
        tpu.vector_store %arg17[%swap3A_782, %swap3A_783], %swap3A_786 {strides = array<i32>} : memref<128x128xf32, #tpu.memory_space<vmem>>, vector<1x16xf32>,
        %get3A_787 = arith.index_cast %add3A_722 : i32 to index
        %get3A_788 = arith.constant 32 : index
        %get3A_789 = tpu.vector_load %arg13[%get3A_787, %get3A_788] {strides = array<i32>} : memref<128x64xi32, #tpu.memory_space<vmem>>, vector<1x16xi32>,
        %get3A_790 = vector.shape_cast %get3A_789 : vector<1x16xi32> to vector<16xi32>
        %get3A_791 = arith.index_cast %add3A_722 : i32 to index
        %get3A_792 = arith.constant 32 : index
        %get3A_793 = tpu.vector_load %arg15[%get3A_791, %get3A_792] {strides = array<i32>} : memref<128x64xi32, #tpu.memory_space<vmem>>, vector<1x16xi32>,
        %get3A_794 = vector.shape_cast %get3A_793 : vector<1x16xi32> to vector<16xi32>
        %shift_left3A_795 = arith.constant 16 : i32
        %shift_left3A_796 = vector.broadcast %shift_left3A_795 : i32 to vector<16xi32>
        %shift_left3A_797 = arith.shli %get3A_790, %shift_left3A_796 : vector<16xi32>
        %bitcast_convert_type3A_798 = tpu.bitcast %shift_left3A_797 : vector<16xi32> -> vector<16xf32>
        %shift_left3A_799 = arith.constant 16 : i32
        %shift_left3A_800 = vector.broadcast %shift_left3A_799 : i32 to vector<16xi32>
        %shift_left3A_801 = arith.shli %get3A_794, %shift_left3A_800 : vector<16xi32>
        %bitcast_convert_type3A_802 = tpu.bitcast %shift_left3A_801 : vector<16xi32> -> vector<16xf32>
        %and3A_803 = arith.andi %get3A_790, %broadcast_in_dim3A_457 : vector<16xi32>
        %bitcast_convert_type3A_804 = tpu.bitcast %and3A_803 : vector<16xi32> -> vector<16xf32>
        %and3A_805 = arith.andi %get3A_794, %broadcast_in_dim3A_457 : vector<16xi32>
        %bitcast_convert_type3A_806 = tpu.bitcast %and3A_805 : vector<16xi32> -> vector<16xf32>
        %add3A_807 = arith.addf %bitcast_convert_type3A_804, %bitcast_convert_type3A_806 : vector<16xf32>
        %swap3A_808 = arith.index_cast %add3A_722 : i32 to index
        %swap3A_809 = arith.constant 64 : index
        %swap3A_810 = tpu.vector_load %arg17[%swap3A_808, %swap3A_809] {strides = array<i32>} : memref<128x128xf32, #tpu.memory_space<vmem>>, vector<1x16xf32>,
        %swap3A_811 = vector.shape_cast %swap3A_810 : vector<1x16xf32> to vector<16xf32>
        %swap3A_812 = vector.shape_cast %add3A_807 : vector<16xf32> to vector<1x16xf32>
        tpu.vector_store %arg17[%swap3A_808, %swap3A_809], %swap3A_812 {strides = array<i32>} : memref<128x128xf32, #tpu.memory_space<vmem>>, vector<1x16xf32>,
        %add3A_813 = arith.addf %bitcast_convert_type3A_798, %bitcast_convert_type3A_802 : vector<16xf32>
        %swap3A_814 = arith.index_cast %add3A_722 : i32 to index
        %swap3A_815 = arith.constant 80 : index
        %swap3A_816 = tpu.vector_load %arg17[%swap3A_814, %swap3A_815] {strides = array<i32>} : memref<128x128xf32, #tpu.memory_space<vmem>>, vector<1x16xf32>,
        %swap3A_817 = vector.shape_cast %swap3A_816 : vector<1x16xf32> to vector<16xf32>
        %swap3A_818 = vector.shape_cast %add3A_813 : vector<16xf32> to vector<1x16xf32>
        tpu.vector_store %arg17[%swap3A_814, %swap3A_815], %swap3A_818 {strides = array<i32>} : memref<128x128xf32, #tpu.memory_space<vmem>>, vector<1x16xf32>,
        %get3A_819 = arith.index_cast %add3A_722 : i32 to index
        %get3A_820 = arith.constant 48 : index
        %get3A_821 = tpu.vector_load %arg13[%get3A_819, %get3A_820] {strides = array<i32>} : memref<128x64xi32, #tpu.memory_space<vmem>>, vector<1x16xi32>,
        %get3A_822 = vector.shape_cast %get3A_821 : vector<1x16xi32> to vector<16xi32>
        %get3A_823 = arith.index_cast %add3A_722 : i32 to index
        %get3A_824 = arith.constant 48 : index
        %get3A_825 = tpu.vector_load %arg15[%get3A_823, %get3A_824] {strides = array<i32>} : memref<128x64xi32, #tpu.memory_space<vmem>>, vector<1x16xi32>,
        %get3A_826 = vector.shape_cast %get3A_825 : vector<1x16xi32> to vector<16xi32>
        %shift_left3A_827 = arith.constant 16 : i32
        %shift_left3A_828 = vector.broadcast %shift_left3A_827 : i32 to vector<16xi32>
        %shift_left3A_829 = arith.shli %get3A_822, %shift_left3A_828 : vector<16xi32>
        %bitcast_convert_type3A_830 = tpu.bitcast %shift_left3A_829 : vector<16xi32> -> vector<16xf32>
        %shift_left3A_831 = arith.constant 16 : i32
        %shift_left3A_832 = vector.broadcast %shift_left3A_831 : i32 to vector<16xi32>
        %shift_left3A_833 = arith.shli %get3A_826, %shift_left3A_832 : vector<16xi32>
        %bitcast_convert_type3A_834 = tpu.bitcast %shift_left3A_833 : vector<16xi32> -> vector<16xf32>
        %and3A_835 = arith.andi %get3A_822, %broadcast_in_dim3A_457 : vector<16xi32>
        %bitcast_convert_type3A_836 = tpu.bitcast %and3A_835 : vector<16xi32> -> vector<16xf32>
        %and3A_837 = arith.andi %get3A_826, %broadcast_in_dim3A_457 : vector<16xi32>
        %bitcast_convert_type3A_838 = tpu.bitcast %and3A_837 : vector<16xi32> -> vector<16xf32>
        %add3A_839 = arith.addf %bitcast_convert_type3A_836, %bitcast_convert_type3A_838 : vector<16xf32>
        %swap3A_840 = arith.index_cast %add3A_722 : i32 to index
        %swap3A_841 = arith.constant 96 : index
        %swap3A_842 = tpu.vector_load %arg17[%swap3A_840, %swap3A_841] {strides = array<i32>} : memref<128x128xf32, #tpu.memory_space<vmem>>, vector<1x16xf32>,
        %swap3A_843 = vector.shape_cast %swap3A_842 : vector<1x16xf32> to vector<16xf32>
        %swap3A_844 = vector.shape_cast %add3A_839 : vector<16xf32> to vector<1x16xf32>
        tpu.vector_store %arg17[%swap3A_840, %swap3A_841], %swap3A_844 {strides = array<i32>} : memref<128x128xf32, #tpu.memory_space<vmem>>, vector<1x16xf32>,
        %add3A_845 = arith.addf %bitcast_convert_type3A_830, %bitcast_convert_type3A_834 : vector<16xf32>
        %swap3A_846 = arith.index_cast %add3A_722 : i32 to index
        %swap3A_847 = arith.constant 112 : index
        %swap3A_848 = tpu.vector_load %arg17[%swap3A_846, %swap3A_847] {strides = array<i32>} : memref<128x128xf32, #tpu.memory_space<vmem>>, vector<1x16xf32>,
        %swap3A_849 = vector.shape_cast %swap3A_848 : vector<1x16xf32> to vector<16xf32>
        %swap3A_850 = vector.shape_cast %add3A_845 : vector<16xf32> to vector<1x16xf32>
        tpu.vector_store %arg17[%swap3A_846, %swap3A_847], %swap3A_850 {strides = array<i32>} : memref<128x128xf32, #tpu.memory_space<vmem>>, vector<1x16xf32>,
        %mul3A_851 = arith.constant 4 : i32
        %mul3A_852 = arith.muli %scan3A_456, %mul3A_851 : i32
        %add3A_853 = arith.constant 3 : i32
        %add3A_854 = arith.addi %mul3A_852, %add3A_853 : i32
        %get3A_855 = arith.index_cast %add3A_854 : i32 to index
        %get3A_856 = arith.constant 0 : index
        %get3A_857 = tpu.vector_load %arg13[%get3A_855, %get3A_856] {strides = array<i32>} : memref<128x64xi32, #tpu.memory_space<vmem>>, vector<1x16xi32>,
        %get3A_858 = vector.shape_cast %get3A_857 : vector<1x16xi32> to vector<16xi32>
        %get3A_859 = arith.index_cast %add3A_854 : i32 to index
        %get3A_860 = arith.constant 0 : index
        %get3A_861 = tpu.vector_load %arg15[%get3A_859, %get3A_860] {strides = array<i32>} : memref<128x64xi32, #tpu.memory_space<vmem>>, vector<1x16xi32>,
        %get3A_862 = vector.shape_cast %get3A_861 : vector<1x16xi32> to vector<16xi32>
        %shift_left3A_863 = arith.constant 16 : i32
        %shift_left3A_864 = vector.broadcast %shift_left3A_863 : i32 to vector<16xi32>
        %shift_left3A_865 = arith.shli %get3A_858, %shift_left3A_864 : vector<16xi32>
        %bitcast_convert_type3A_866 = tpu.bitcast %shift_left3A_865 : vector<16xi32> -> vector<16xf32>
        %shift_left3A_867 = arith.constant 16 : i32
        %shift_left3A_868 = vector.broadcast %shift_left3A_867 : i32 to vector<16xi32>
        %shift_left3A_869 = arith.shli %get3A_862, %shift_left3A_868 : vector<16xi32>
        %bitcast_convert_type3A_870 = tpu.bitcast %shift_left3A_869 : vector<16xi32> -> vector<16xf32>
        %and3A_871 = arith.andi %get3A_858, %broadcast_in_dim3A_457 : vector<16xi32>
        %bitcast_convert_type3A_872 = tpu.bitcast %and3A_871 : vector<16xi32> -> vector<16xf32>
        %and3A_873 = arith.andi %get3A_862, %broadcast_in_dim3A_457 : vector<16xi32>
        %bitcast_convert_type3A_874 = tpu.bitcast %and3A_873 : vector<16xi32> -> vector<16xf32>
        %add3A_875 = arith.addf %bitcast_convert_type3A_872, %bitcast_convert_type3A_874 : vector<16xf32>
        %swap3A_876 = arith.index_cast %add3A_854 : i32 to index
        %swap3A_877 = arith.constant 0 : index
        %swap3A_878 = tpu.vector_load %arg17[%swap3A_876, %swap3A_877] {strides = array<i32>} : memref<128x128xf32, #tpu.memory_space<vmem>>, vector<1x16xf32>,
        %swap3A_879 = vector.shape_cast %swap3A_878 : vector<1x16xf32> to vector<16xf32>
        %swap3A_880 = vector.shape_cast %add3A_875 : vector<16xf32> to vector<1x16xf32>
        tpu.vector_store %arg17[%swap3A_876, %swap3A_877], %swap3A_880 {strides = array<i32>} : memref<128x128xf32, #tpu.memory_space<vmem>>, vector<1x16xf32>,
        %add3A_881 = arith.addf %bitcast_convert_type3A_866, %bitcast_convert_type3A_870 : vector<16xf32>
        %swap3A_882 = arith.index_cast %add3A_854 : i32 to index
        %swap3A_883 = arith.constant 16 : index
        %swap3A_884 = tpu.vector_load %arg17[%swap3A_882, %swap3A_883] {strides = array<i32>} : memref<128x128xf32, #tpu.memory_space<vmem>>, vector<1x16xf32>,
        %swap3A_885 = vector.shape_cast %swap3A_884 : vector<1x16xf32> to vector<16xf32>
        %swap3A_886 = vector.shape_cast %add3A_881 : vector<16xf32> to vector<1x16xf32>
        tpu.vector_store %arg17[%swap3A_882, %swap3A_883], %swap3A_886 {strides = array<i32>} : memref<128x128xf32, #tpu.memory_space<vmem>>, vector<1x16xf32>,
        %get3A_887 = arith.index_cast %add3A_854 : i32 to index
        %get3A_888 = arith.constant 16 : index
        %get3A_889 = tpu.vector_load %arg13[%get3A_887, %get3A_888] {strides = array<i32>} : memref<128x64xi32, #tpu.memory_space<vmem>>, vector<1x16xi32>,
        %get3A_890 = vector.shape_cast %get3A_889 : vector<1x16xi32> to vector<16xi32>
        %get3A_891 = arith.index_cast %add3A_854 : i32 to index
        %get3A_892 = arith.constant 16 : index
        %get3A_893 = tpu.vector_load %arg15[%get3A_891, %get3A_892] {strides = array<i32>} : memref<128x64xi32, #tpu.memory_space<vmem>>, vector<1x16xi32>,
        %get3A_894 = vector.shape_cast %get3A_893 : vector<1x16xi32> to vector<16xi32>
        %shift_left3A_895 = arith.constant 16 : i32
        %shift_left3A_896 = vector.broadcast %shift_left3A_895 : i32 to vector<16xi32>
        %shift_left3A_897 = arith.shli %get3A_890, %shift_left3A_896 : vector<16xi32>
        %bitcast_convert_type3A_898 = tpu.bitcast %shift_left3A_897 : vector<16xi32> -> vector<16xf32>
        %shift_left3A_899 = arith.constant 16 : i32
        %shift_left3A_900 = vector.broadcast %shift_left3A_899 : i32 to vector<16xi32>
        %shift_left3A_901 = arith.shli %get3A_894, %shift_left3A_900 : vector<16xi32>
        %bitcast_convert_type3A_902 = tpu.bitcast %shift_left3A_901 : vector<16xi32> -> vector<16xf32>
        %and3A_903 = arith.andi %get3A_890, %broadcast_in_dim3A_457 : vector<16xi32>
        %bitcast_convert_type3A_904 = tpu.bitcast %and3A_903 : vector<16xi32> -> vector<16xf32>
        %and3A_905 = arith.andi %get3A_894, %broadcast_in_dim3A_457 : vector<16xi32>
        %bitcast_convert_type3A_906 = tpu.bitcast %and3A_905 : vector<16xi32> -> vector<16xf32>
        %add3A_907 = arith.addf %bitcast_convert_type3A_904, %bitcast_convert_type3A_906 : vector<16xf32>
        %swap3A_908 = arith.index_cast %add3A_854 : i32 to index
        %swap3A_909 = arith.constant 32 : index
        %swap3A_910 = tpu.vector_load %arg17[%swap3A_908, %swap3A_909] {strides = array<i32>} : memref<128x128xf32, #tpu.memory_space<vmem>>, vector<1x16xf32>,
        %swap3A_911 = vector.shape_cast %swap3A_910 : vector<1x16xf32> to vector<16xf32>
        %swap3A_912 = vector.shape_cast %add3A_907 : vector<16xf32> to vector<1x16xf32>
        tpu.vector_store %arg17[%swap3A_908, %swap3A_909], %swap3A_912 {strides = array<i32>} : memref<128x128xf32, #tpu.memory_space<vmem>>, vector<1x16xf32>,
        %add3A_913 = arith.addf %bitcast_convert_type3A_898, %bitcast_convert_type3A_902 : vector<16xf32>
        %swap3A_914 = arith.index_cast %add3A_854 : i32 to index
        %swap3A_915 = arith.constant 48 : index
        %swap3A_916 = tpu.vector_load %arg17[%swap3A_914, %swap3A_915] {strides = array<i32>} : memref<128x128xf32, #tpu.memory_space<vmem>>, vector<1x16xf32>,
        %swap3A_917 = vector.shape_cast %swap3A_916 : vector<1x16xf32> to vector<16xf32>
        %swap3A_918 = vector.shape_cast %add3A_913 : vector<16xf32> to vector<1x16xf32>
        tpu.vector_store %arg17[%swap3A_914, %swap3A_915], %swap3A_918 {strides = array<i32>} : memref<128x128xf32, #tpu.memory_space<vmem>>, vector<1x16xf32>,
        %get3A_919 = arith.index_cast %add3A_854 : i32 to index
        %get3A_920 = arith.constant 32 : index
        %get3A_921 = tpu.vector_load %arg13[%get3A_919, %get3A_920] {strides = array<i32>} : memref<128x64xi32, #tpu.memory_space<vmem>>, vector<1x16xi32>,
        %get3A_922 = vector.shape_cast %get3A_921 : vector<1x16xi32> to vector<16xi32>
        %get3A_923 = arith.index_cast %add3A_854 : i32 to index
        %get3A_924 = arith.constant 32 : index
        %get3A_925 = tpu.vector_load %arg15[%get3A_923, %get3A_924] {strides = array<i32>} : memref<128x64xi32, #tpu.memory_space<vmem>>, vector<1x16xi32>,
        %get3A_926 = vector.shape_cast %get3A_925 : vector<1x16xi32> to vector<16xi32>
        %shift_left3A_927 = arith.constant 16 : i32
        %shift_left3A_928 = vector.broadcast %shift_left3A_927 : i32 to vector<16xi32>
        %shift_left3A_929 = arith.shli %get3A_922, %shift_left3A_928 : vector<16xi32>
        %bitcast_convert_type3A_930 = tpu.bitcast %shift_left3A_929 : vector<16xi32> -> vector<16xf32>
        %shift_left3A_931 = arith.constant 16 : i32
        %shift_left3A_932 = vector.broadcast %shift_left3A_931 : i32 to vector<16xi32>
        %shift_left3A_933 = arith.shli %get3A_926, %shift_left3A_932 : vector<16xi32>
        %bitcast_convert_type3A_934 = tpu.bitcast %shift_left3A_933 : vector<16xi32> -> vector<16xf32>
        %and3A_935 = arith.andi %get3A_922, %broadcast_in_dim3A_457 : vector<16xi32>
        %bitcast_convert_type3A_936 = tpu.bitcast %and3A_935 : vector<16xi32> -> vector<16xf32>
        %and3A_937 = arith.andi %get3A_926, %broadcast_in_dim3A_457 : vector<16xi32>
        %bitcast_convert_type3A_938 = tpu.bitcast %and3A_937 : vector<16xi32> -> vector<16xf32>
        %add3A_939 = arith.addf %bitcast_convert_type3A_936, %bitcast_convert_type3A_938 : vector<16xf32>
        %swap3A_940 = arith.index_cast %add3A_854 : i32 to index
        %swap3A_941 = arith.constant 64 : index
        %swap3A_942 = tpu.vector_load %arg17[%swap3A_940, %swap3A_941] {strides = array<i32>} : memref<128x128xf32, #tpu.memory_space<vmem>>, vector<1x16xf32>,
        %swap3A_943 = vector.shape_cast %swap3A_942 : vector<1x16xf32> to vector<16xf32>
        %swap3A_944 = vector.shape_cast %add3A_939 : vector<16xf32> to vector<1x16xf32>
        tpu.vector_store %arg17[%swap3A_940, %swap3A_941], %swap3A_944 {strides = array<i32>} : memref<128x128xf32, #tpu.memory_space<vmem>>, vector<1x16xf32>,
        %add3A_945 = arith.addf %bitcast_convert_type3A_930, %bitcast_convert_type3A_934 : vector<16xf32>
        %swap3A_946 = arith.index_cast %add3A_854 : i32 to index
        %swap3A_947 = arith.constant 80 : index
        %swap3A_948 = tpu.vector_load %arg17[%swap3A_946, %swap3A_947] {strides = array<i32>} : memref<128x128xf32, #tpu.memory_space<vmem>>, vector<1x16xf32>,
        %swap3A_949 = vector.shape_cast %swap3A_948 : vector<1x16xf32> to vector<16xf32>
        %swap3A_950 = vector.shape_cast %add3A_945 : vector<16xf32> to vector<1x16xf32>
        tpu.vector_store %arg17[%swap3A_946, %swap3A_947], %swap3A_950 {strides = array<i32>} : memref<128x128xf32, #tpu.memory_space<vmem>>, vector<1x16xf32>,
        %get3A_951 = arith.index_cast %add3A_854 : i32 to index
        %get3A_952 = arith.constant 48 : index
        %get3A_953 = tpu.vector_load %arg13[%get3A_951, %get3A_952] {strides = array<i32>} : memref<128x64xi32, #tpu.memory_space<vmem>>, vector<1x16xi32>,
        %get3A_954 = vector.shape_cast %get3A_953 : vector<1x16xi32> to vector<16xi32>
        %get3A_955 = arith.index_cast %add3A_854 : i32 to index
        %get3A_956 = arith.constant 48 : index
        %get3A_957 = tpu.vector_load %arg15[%get3A_955, %get3A_956] {strides = array<i32>} : memref<128x64xi32, #tpu.memory_space<vmem>>, vector<1x16xi32>,
        %get3A_958 = vector.shape_cast %get3A_957 : vector<1x16xi32> to vector<16xi32>
        %shift_left3A_959 = arith.constant 16 : i32
        %shift_left3A_960 = vector.broadcast %shift_left3A_959 : i32 to vector<16xi32>
        %shift_left3A_961 = arith.shli %get3A_954, %shift_left3A_960 : vector<16xi32>
        %bitcast_convert_type3A_962 = tpu.bitcast %shift_left3A_961 : vector<16xi32> -> vector<16xf32>
        %shift_left3A_963 = arith.constant 16 : i32
        %shift_left3A_964 = vector.broadcast %shift_left3A_963 : i32 to vector<16xi32>
        %shift_left3A_965 = arith.shli %get3A_958, %shift_left3A_964 : vector<16xi32>
        %bitcast_convert_type3A_966 = tpu.bitcast %shift_left3A_965 : vector<16xi32> -> vector<16xf32>
        %and3A_967 = arith.andi %get3A_954, %broadcast_in_dim3A_457 : vector<16xi32>
        %bitcast_convert_type3A_968 = tpu.bitcast %and3A_967 : vector<16xi32> -> vector<16xf32>
        %and3A_969 = arith.andi %get3A_958, %broadcast_in_dim3A_457 : vector<16xi32>
        %bitcast_convert_type3A_970 = tpu.bitcast %and3A_969 : vector<16xi32> -> vector<16xf32>
        %add3A_971 = arith.addf %bitcast_convert_type3A_968, %bitcast_convert_type3A_970 : vector<16xf32>
        %swap3A_972 = arith.index_cast %add3A_854 : i32 to index
        %swap3A_973 = arith.constant 96 : index
        %swap3A_974 = tpu.vector_load %arg17[%swap3A_972, %swap3A_973] {strides = array<i32>} : memref<128x128xf32, #tpu.memory_space<vmem>>, vector<1x16xf32>,
        %swap3A_975 = vector.shape_cast %swap3A_974 : vector<1x16xf32> to vector<16xf32>
        %swap3A_976 = vector.shape_cast %add3A_971 : vector<16xf32> to vector<1x16xf32>
        tpu.vector_store %arg17[%swap3A_972, %swap3A_973], %swap3A_976 {strides = array<i32>} : memref<128x128xf32, #tpu.memory_space<vmem>>, vector<1x16xf32>,
        %add3A_977 = arith.addf %bitcast_convert_type3A_962, %bitcast_convert_type3A_966 : vector<16xf32>
        %swap3A_978 = arith.index_cast %add3A_854 : i32 to index
        %swap3A_979 = arith.constant 112 : index
        %swap3A_980 = tpu.vector_load %arg17[%swap3A_978, %swap3A_979] {strides = array<i32>} : memref<128x128xf32, #tpu.memory_space<vmem>>, vector<1x16xf32>,
        %swap3A_981 = vector.shape_cast %swap3A_980 : vector<1x16xf32> to vector<16xf32>
        %swap3A_982 = vector.shape_cast %add3A_977 : vector<16xf32> to vector<1x16xf32>
        tpu.vector_store %arg17[%swap3A_978, %swap3A_979], %swap3A_982 {strides = array<i32>} : memref<128x128xf32, #tpu.memory_space<vmem>>, vector<1x16xf32>,
      }
      %scan3A_448 = arith.constant 32 : i32
      %mul3A_449 = arith.constant 128 : i32
      %mul3A_450 = arith.muli %add3A_417, %mul3A_449 : i32
      %add3A_451 = arith.addi %mul3A_2, %mul3A_450 : i32
      %dma_start3A_452 = arith.constant 0 : i32
      %dma_start3A_453 = tpu.memref_slice %arg4[%add3A_451, %dma_start3A_452] : memref<819200x128xf32, #tpu.memory_space<hbm>> -> memref<128x128xf32, #tpu.memory_space<hbm>>
      %dma_start3A_454 = arith.constant 0 : i32
      %dma_start3A_455 = tpu.memref_slice %arg4[%add3A_451, %dma_start3A_454] : memref<819200x128xf32, #tpu.memory_space<hbm>> -> memref<128x128xf32, #tpu.memory_space<hbm>>
      tpu.enqueue_dma source(%arg17 : memref<128x128xf32, #tpu.memory_space<vmem>>) target(%dma_start3A_455 : memref<128x128xf32, #tpu.memory_space<hbm>>) target_semaphore(%arg25 : memref<!tpu.dma_semaphore, #tpu.memory_space<semaphore_mem>>)
    }
    %scan3A_282 = arith.constant 50 : i32
    %dma_wait3A_283 = arith.constant 0 : i32
    %dma_wait3A_284 = tpu.memref_slice %arg4[%mul3A_2, %dma_wait3A_283] : memref<819200x128xf32, #tpu.memory_space<hbm>> -> memref<128x128xf32, #tpu.memory_space<hbm>>
    %dma_wait3A_285 = arith.constant 0 : i32
    %dma_wait3A_286 = tpu.memref_slice %arg4[%mul3A_2, %dma_wait3A_285] : memref<819200x128xf32, #tpu.memory_space<hbm>> -> memref<128x128xf32, #tpu.memory_space<hbm>>
    tpu.wait_dma2 semaphore(%arg24 : memref<!tpu.dma_semaphore, #tpu.memory_space<semaphore_mem>>) src(%arg16 : memref<128x128xf32, #tpu.memory_space<vmem>>) dst(%dma_wait3A_286 : memref<128x128xf32, #tpu.memory_space<hbm>>)
    %dma_wait3A_287 = arith.constant 0 : i32
    %dma_wait3A_288 = tpu.memref_slice %arg4[%mul3A_2, %dma_wait3A_287] : memref<819200x128xf32, #tpu.memory_space<hbm>> -> memref<128x128xf32, #tpu.memory_space<hbm>>
    %dma_wait3A_289 = arith.constant 0 : i32
    %dma_wait3A_290 = tpu.memref_slice %arg4[%mul3A_2, %dma_wait3A_289] : memref<819200x128xf32, #tpu.memory_space<hbm>> -> memref<128x128xf32, #tpu.memory_space<hbm>>
    tpu.wait_dma2 semaphore(%arg25 : memref<!tpu.dma_semaphore, #tpu.memory_space<semaphore_mem>>) src(%arg17 : memref<128x128xf32, #tpu.memory_space<vmem>>) dst(%dma_wait3A_290 : memref<128x128xf32, #tpu.memory_space<hbm>>)
    return
  }
}

module attributes {stable_mosaic.version = 14 : i64} {
  func.func @_lut_body(%arg0: memref<25x32xf32, #tpu.memory_space<vmem>>, %arg1: memref<8x32xf32, #tpu.memory_space<vmem>>, %arg2: memref<1x32xf32, #tpu.memory_space<vmem>>, %arg3: memref<1x32xf32, #tpu.memory_space<vmem>>, %arg4: memref<32x32xf32, #tpu.memory_space<vmem>>, %arg5: memref<1x32xf32, #tpu.memory_space<vmem>>, %arg6: memref<1x32xf32, #tpu.memory_space<vmem>>, %arg7: memref<1x32xf32, #tpu.memory_space<vmem>>, %arg8: memref<32x32xf32, #tpu.memory_space<vmem>>, %arg9: memref<1x32xf32, #tpu.memory_space<vmem>>, %arg10: memref<128x128xf32, #tpu.memory_space<vmem>>, %arg11: memref<1x128xf32, #tpu.memory_space<vmem>>, %arg12: memref<1792x128xf32, #tpu.memory_space<vmem>>, %arg13: memref<1792x128xbf16, #tpu.memory_space<vmem>>) attributes {dimension_semantics = [], scalar_prefetch = 0 : i64, scratch_operands = 0 : i64, tpu.core_type = #tpu.core_type<tc>} {
    %get3A = arith.constant 0 : index
    %get3A_0 = arith.constant 0 : index
    %get3A_1 = vector.load %arg10[%get3A, %get3A_0] : memref<128x128xf32, #tpu.memory_space<vmem>>, vector<32x128xf32>
    %get3A_2 = arith.constant 32 : index
    %get3A_3 = arith.constant 0 : index
    %get3A_4 = vector.load %arg10[%get3A_2, %get3A_3] : memref<128x128xf32, #tpu.memory_space<vmem>>, vector<32x128xf32>
    %get3A_5 = arith.constant 64 : index
    %get3A_6 = arith.constant 0 : index
    %get3A_7 = vector.load %arg10[%get3A_5, %get3A_6] : memref<128x128xf32, #tpu.memory_space<vmem>>, vector<32x128xf32>
    %get3A_8 = arith.constant 96 : index
    %get3A_9 = arith.constant 0 : index
    %get3A_10 = vector.load %arg10[%get3A_8, %get3A_9] : memref<128x128xf32, #tpu.memory_space<vmem>>, vector<32x128xf32>
    %iota3A = tpu.iota {dimensions = array<i32: 0>} : vector<200x1xi32>
    %div3A = arith.constant 8 : i32
    %div3A_11 = vector.broadcast %div3A : i32 to vector<200x1xi32>
    %div3A_12 = arith.divsi %iota3A, %div3A_11 : vector<200x1xi32>
    %rem3A = arith.constant 8 : i32
    %rem3A_13 = vector.broadcast %rem3A : i32 to vector<200x1xi32>
    %rem3A_14 = arith.remsi %iota3A, %rem3A_13 : vector<200x1xi32>
    %iota3A_15 = tpu.iota {dimensions = array<i32: 1>} : vector<200x25xi32>
    %eq3A = vector.broadcast %div3A_12 : vector<200x1xi32> to vector<200x25xi32>
    %eq3A_16 = arith.cmpi eq, %eq3A, %iota3A_15 : vector<200x25xi32>
    %convert_element_type3A = arith.extui %eq3A_16 : vector<200x25xi1> to vector<200x25xi32>
    %convert_element_type3A_17 = arith.sitofp %convert_element_type3A : vector<200x25xi32> to vector<200x25xf32>
    %iota3A_18 = tpu.iota {dimensions = array<i32: 1>} : vector<200x8xi32>
    %eq3A_19 = vector.broadcast %rem3A_14 : vector<200x1xi32> to vector<200x8xi32>
    %eq3A_20 = arith.cmpi eq, %eq3A_19, %iota3A_18 : vector<200x8xi32>
    %convert_element_type3A_21 = arith.extui %eq3A_20 : vector<200x8xi1> to vector<200x8xi32>
    %convert_element_type3A_22 = arith.sitofp %convert_element_type3A_21 : vector<200x8xi32> to vector<200x8xf32>
    %get3A_23 = arith.constant 0 : index
    %get3A_24 = arith.constant 0 : index
    %get3A_25 = vector.load %arg0[%get3A_23, %get3A_24] : memref<25x32xf32, #tpu.memory_space<vmem>>, vector<25x32xf32>
    %dot_general3A = arith.constant dense<0.000000e+00> : vector<200x32xf32>
    %dot_general3A_26 = tpu.matmul %convert_element_type3A_17, %get3A_25, %dot_general3A {dimension_numbers = #tpu.dot_dimension_numbers<[1], [0], [0], [1], [0, 0, 1, 1], [], []>, transpose_lhs_hint = false} : vector<200x25xf32>, vector<25x32xf32>, vector<200x32xf32> -> vector<200x32xf32>
    %get3A_27 = arith.constant 0 : index
    %get3A_28 = arith.constant 0 : index
    %get3A_29 = vector.load %arg1[%get3A_27, %get3A_28] : memref<8x32xf32, #tpu.memory_space<vmem>>, vector<8x32xf32>
    %dot_general3A_30 = arith.constant dense<0.000000e+00> : vector<200x32xf32>
    %dot_general3A_31 = tpu.matmul %convert_element_type3A_22, %get3A_29, %dot_general3A_30 {dimension_numbers = #tpu.dot_dimension_numbers<[1], [0], [0], [1], [0, 0, 1, 1], [], []>, transpose_lhs_hint = false} : vector<200x8xf32>, vector<8x32xf32>, vector<200x32xf32> -> vector<200x32xf32>
    %convert_element_type3A_32 = arith.sitofp %rem3A_14 : vector<200x1xi32> to vector<200x1xf32>
    %div3A_33 = arith.constant 7.000000e+00 : f32
    %div3A_34 = vector.broadcast %div3A_33 : f32 to vector<200x1xf32>
    %div3A_35 = arith.divf %convert_element_type3A_32, %div3A_34 : vector<200x1xf32>
    %get3A_36 = arith.constant 0 : index
    %get3A_37 = arith.constant 0 : index
    %get3A_38 = vector.load %arg6[%get3A_36, %get3A_37] : memref<1x32xf32, #tpu.memory_space<vmem>>, vector<1x32xf32>
    %mul3A = vector.broadcast %div3A_35 : vector<200x1xf32> to vector<200x32xf32>
    %mul3A_39 = vector.broadcast %get3A_38 : vector<1x32xf32> to vector<200x32xf32>
    %mul3A_40 = arith.mulf %mul3A, %mul3A_39 : vector<200x32xf32>
    %get3A_41 = arith.constant 0 : index
    %get3A_42 = arith.constant 0 : index
    %get3A_43 = vector.load %arg7[%get3A_41, %get3A_42] : memref<1x32xf32, #tpu.memory_space<vmem>>, vector<1x32xf32>
    %add3A = vector.broadcast %get3A_43 : vector<1x32xf32> to vector<200x32xf32>
    %add3A_44 = arith.addf %mul3A_40, %add3A : vector<200x32xf32>
    %logistic3A = arith.negf %add3A_44 : vector<200x32xf32>
    %logistic3A_45 = math.exp %logistic3A : vector<200x32xf32>
    %logistic3A_46 = arith.constant 1.000000e+00 : f32
    %logistic3A_47 = vector.broadcast %logistic3A_46 : f32 to vector<200x32xf32>
    %logistic3A_48 = arith.addf %logistic3A_47, %logistic3A_45 : vector<200x32xf32>
    %logistic3A_49 = arith.divf %logistic3A_47, %logistic3A_48 : vector<200x32xf32>
    %mul3A_50 = arith.mulf %add3A_44, %logistic3A_49 : vector<200x32xf32>
    %get3A_51 = arith.constant 0 : index
    %get3A_52 = arith.constant 0 : index
    %get3A_53 = vector.load %arg8[%get3A_51, %get3A_52] : memref<32x32xf32, #tpu.memory_space<vmem>>, vector<32x32xf32>
    %dot_general3A_54 = arith.constant dense<0.000000e+00> : vector<200x32xf32>
    %dot_general3A_55 = tpu.matmul %mul3A_50, %get3A_53, %dot_general3A_54 {dimension_numbers = #tpu.dot_dimension_numbers<[1], [0], [0], [1], [0, 0, 1, 1], [], []>, transpose_lhs_hint = false} : vector<200x32xf32>, vector<32x32xf32>, vector<200x32xf32> -> vector<200x32xf32>
    %get3A_56 = arith.constant 0 : index
    %get3A_57 = arith.constant 0 : index
    %get3A_58 = vector.load %arg9[%get3A_56, %get3A_57] : memref<1x32xf32, #tpu.memory_space<vmem>>, vector<1x32xf32>
    %add3A_59 = vector.broadcast %get3A_58 : vector<1x32xf32> to vector<200x32xf32>
    %add3A_60 = arith.addf %dot_general3A_55, %add3A_59 : vector<200x32xf32>
    %dot_general3A_61 = arith.constant dense<0.000000e+00> : vector<200x128xf32>
    %dot_general3A_62 = tpu.matmul %dot_general3A_26, %get3A_1, %dot_general3A_61 {dimension_numbers = #tpu.dot_dimension_numbers<[1], [0], [0], [1], [0, 0, 1, 1], [], []>, transpose_lhs_hint = false} : vector<200x32xf32>, vector<32x128xf32>, vector<200x128xf32> -> vector<200x128xf32>
    %dot_general3A_63 = arith.constant dense<0.000000e+00> : vector<200x128xf32>
    %dot_general3A_64 = tpu.matmul %dot_general3A_31, %get3A_4, %dot_general3A_63 {dimension_numbers = #tpu.dot_dimension_numbers<[1], [0], [0], [1], [0, 0, 1, 1], [], []>, transpose_lhs_hint = false} : vector<200x32xf32>, vector<32x128xf32>, vector<200x128xf32> -> vector<200x128xf32>
    %add3A_65 = arith.addf %dot_general3A_62, %dot_general3A_64 : vector<200x128xf32>
    %dot_general3A_66 = arith.constant dense<0.000000e+00> : vector<200x128xf32>
    %dot_general3A_67 = tpu.matmul %add3A_60, %get3A_10, %dot_general3A_66 {dimension_numbers = #tpu.dot_dimension_numbers<[1], [0], [0], [1], [0, 0, 1, 1], [], []>, transpose_lhs_hint = false} : vector<200x32xf32>, vector<32x128xf32>, vector<200x128xf32> -> vector<200x128xf32>
    %add3A_68 = arith.addf %add3A_65, %dot_general3A_67 : vector<200x128xf32>
    %swap3A = arith.constant 0 : index
    %swap3A_69 = arith.constant 0 : index
    %swap3A_70 = vector.load %arg12[%swap3A, %swap3A_69] : memref<1792x128xf32, #tpu.memory_space<vmem>>, vector<200x128xf32>
    tpu.vector_store %arg12[%swap3A, %swap3A_69], %add3A_68 {strides = array<i32>} : memref<1792x128xf32, #tpu.memory_space<vmem>>, vector<200x128xf32>,
    %iota3A_71 = tpu.iota {dimensions = array<i32: 0>} : vector<1440x1xi32>
    %convert_element_type3A_72 = arith.sitofp %iota3A_71 : vector<1440x1xi32> to vector<1440x1xf32>
    %div3A_73 = arith.constant 1.440000e+03 : f32
    %div3A_74 = vector.broadcast %div3A_73 : f32 to vector<1440x1xf32>
    %div3A_75 = arith.divf %convert_element_type3A_72, %div3A_74 : vector<1440x1xf32>
    %get3A_76 = arith.constant 0 : index
    %get3A_77 = arith.constant 0 : index
    %get3A_78 = vector.load %arg2[%get3A_76, %get3A_77] : memref<1x32xf32, #tpu.memory_space<vmem>>, vector<1x32xf32>
    %mul3A_79 = vector.broadcast %div3A_75 : vector<1440x1xf32> to vector<1440x32xf32>
    %mul3A_80 = vector.broadcast %get3A_78 : vector<1x32xf32> to vector<1440x32xf32>
    %mul3A_81 = arith.mulf %mul3A_79, %mul3A_80 : vector<1440x32xf32>
    %get3A_82 = arith.constant 0 : index
    %get3A_83 = arith.constant 0 : index
    %get3A_84 = vector.load %arg3[%get3A_82, %get3A_83] : memref<1x32xf32, #tpu.memory_space<vmem>>, vector<1x32xf32>
    %add3A_85 = vector.broadcast %get3A_84 : vector<1x32xf32> to vector<1440x32xf32>
    %add3A_86 = arith.addf %mul3A_81, %add3A_85 : vector<1440x32xf32>
    %logistic3A_87 = arith.negf %add3A_86 : vector<1440x32xf32>
    %logistic3A_88 = math.exp %logistic3A_87 : vector<1440x32xf32>
    %logistic3A_89 = arith.constant 1.000000e+00 : f32
    %logistic3A_90 = vector.broadcast %logistic3A_89 : f32 to vector<1440x32xf32>
    %logistic3A_91 = arith.addf %logistic3A_90, %logistic3A_88 : vector<1440x32xf32>
    %logistic3A_92 = arith.divf %logistic3A_90, %logistic3A_91 : vector<1440x32xf32>
    %mul3A_93 = arith.mulf %add3A_86, %logistic3A_92 : vector<1440x32xf32>
    %get3A_94 = arith.constant 0 : index
    %get3A_95 = arith.constant 0 : index
    %get3A_96 = vector.load %arg4[%get3A_94, %get3A_95] : memref<32x32xf32, #tpu.memory_space<vmem>>, vector<32x32xf32>
    %dot_general3A_97 = arith.constant dense<0.000000e+00> : vector<1440x32xf32>
    %dot_general3A_98 = tpu.matmul %mul3A_93, %get3A_96, %dot_general3A_97 {dimension_numbers = #tpu.dot_dimension_numbers<[1], [0], [0], [1], [0, 0, 1, 1], [], []>, transpose_lhs_hint = false} : vector<1440x32xf32>, vector<32x32xf32>, vector<1440x32xf32> -> vector<1440x32xf32>
    %get3A_99 = arith.constant 0 : index
    %get3A_100 = arith.constant 0 : index
    %get3A_101 = vector.load %arg5[%get3A_99, %get3A_100] : memref<1x32xf32, #tpu.memory_space<vmem>>, vector<1x32xf32>
    %add3A_102 = vector.broadcast %get3A_101 : vector<1x32xf32> to vector<1440x32xf32>
    %add3A_103 = arith.addf %dot_general3A_98, %add3A_102 : vector<1440x32xf32>
    %dot_general3A_104 = arith.constant dense<0.000000e+00> : vector<1440x128xf32>
    %dot_general3A_105 = tpu.matmul %add3A_103, %get3A_7, %dot_general3A_104 {dimension_numbers = #tpu.dot_dimension_numbers<[1], [0], [0], [1], [0, 0, 1, 1], [], []>, transpose_lhs_hint = false} : vector<1440x32xf32>, vector<32x128xf32>, vector<1440x128xf32> -> vector<1440x128xf32>
    %get3A_106 = arith.constant 0 : index
    %get3A_107 = arith.constant 0 : index
    %get3A_108 = vector.load %arg11[%get3A_106, %get3A_107] : memref<1x128xf32, #tpu.memory_space<vmem>>, vector<1x128xf32>
    %add3A_109 = vector.broadcast %get3A_108 : vector<1x128xf32> to vector<1440x128xf32>
    %add3A_110 = arith.addf %dot_general3A_105, %add3A_109 : vector<1440x128xf32>
    %swap3A_111 = arith.constant 200 : index
    %swap3A_112 = arith.constant 0 : index
    %swap3A_113 = vector.load %arg12[%swap3A_111, %swap3A_112] : memref<1792x128xf32, #tpu.memory_space<vmem>>, vector<1440x128xf32>
    tpu.vector_store %arg12[%swap3A_111, %swap3A_112], %add3A_110 {strides = array<i32>} : memref<1792x128xf32, #tpu.memory_space<vmem>>, vector<1440x128xf32>,
    %broadcast_in_dim3A = arith.constant 0.000000e+00 : f32
    %broadcast_in_dim3A_114 = vector.broadcast %broadcast_in_dim3A : f32 to vector<152x128xf32>
    %swap3A_115 = arith.constant 1640 : index
    %swap3A_116 = arith.constant 0 : index
    %swap3A_117 = vector.load %arg12[%swap3A_115, %swap3A_116] : memref<1792x128xf32, #tpu.memory_space<vmem>>, vector<152x128xf32>
    tpu.vector_store %arg12[%swap3A_115, %swap3A_116], %broadcast_in_dim3A_114 {strides = array<i32>} : memref<1792x128xf32, #tpu.memory_space<vmem>>, vector<152x128xf32>,
    %get3A_118 = arith.constant 0 : index
    %get3A_119 = arith.constant 0 : index
    %get3A_120 = vector.load %arg12[%get3A_118, %get3A_119] : memref<1792x128xf32, #tpu.memory_space<vmem>>, vector<1792x128xf32>
    %convert_element_type3A_121 = arith.truncf %get3A_120 : vector<1792x128xf32> to vector<1792x128xbf16>
    %swap3A_122 = arith.constant 0 : index
    %swap3A_123 = arith.constant 0 : index
    %swap3A_124 = vector.load %arg13[%swap3A_122, %swap3A_123] : memref<1792x128xbf16, #tpu.memory_space<vmem>>, vector<1792x128xbf16>
    tpu.vector_store %arg13[%swap3A_122, %swap3A_123], %convert_element_type3A_121 {strides = array<i32>} : memref<1792x128xbf16, #tpu.memory_space<vmem>>, vector<1792x128xbf16>,
    return
  }
}

</mosaic_0001>

<sc_bundles>
// kernel: kernel.4.cloned.1.call-start
scs
__scs_entry_jumppad:
0x0: {  	(pc) =	sbr.rel $0x88, $3  }
0x1: {  	(tag) =	ssettag $0x0;
	lr =	simm.s32 $0x1  }
0x2: {  	[smem:$0x3F92] =	sst lr;
	_ =	strace $0xD0000000  }
0x3: {  	_ = 	snop  }
0x4: {  	_ = 	snop  }
0x5: {  	_ = 	snop  }
0x6: {  	_ = 	snop  }
0x7: {  	_ = 	snop  }
__scs_overlays_trampoline_lowered:
0x8: {  	[smem:$0x3FA1] =	sst s0  }
0x9: {  	[smem:$0x3FA2] =	sst s1  }
0xa: {  	[smem:$0x3FA3] =	sst s2  }
0xb: {  	[smem:$0x3FA4] =	sst s3  }
0xc: {  	[smem:$0x3FA5] =	sst s4  }
0xd: {  	[smem:$0x3FA6] =	sst s5  }
0xe: {  	[smem:$0x3FA7] =	sst s6  }
0xf: {  	[smem:$0x3FA8] =	sst s7  }
0x10: {  	[smem:$0x3FA9] =	sst s8  }
0x11: {  	[smem:$0x3FAA] =	sst s9;
	s0 =	simm.s32 @!p0 $0x0  }
0x12: {  	s1 =	sld [smem:$0x3F90];
	s0 =	simm.s32 @p0 $0x1  }
0x13: {  	[smem:$0x3FAB] =	sst s0;
	s0 =	simm.s32 @!p1 $0x0  }
0x14: {  	s2 =	sld [smem:$0x3F8F];
	s0 =	simm.s32 @p1 $0x1  }
0x15: {  	[smem:$0x3FAC] =	sst s0;
	s0 =	simm.s32 @!p2 $0x0  }
0x16: {  	s3 =	sld [smem:$0x3FDB];
	s0 =	simm.s32 @p2 $0x1  }
0x17: {  	s4 =	simm.s32 $0x1BF5;
	[smem:$0x3FAE] =	sst s0  }
0x18: {  	s0 =	sld [smem:$0x3F91];
	_ =	swait.ge [sflag:s4], $0x0  }
0x19: {  	s7 =	sld [smem:$0x3F92]  }
0x1a: {  	s8 =	sadd.s32 $0xFFFFE003, lr  }
0x1b: {  	s9 =	sadd.s32 $0xFFFFFEF7, lr;
	s5 =	simm.s32 $0xFFFFFFFF;
	p2 =	slt.u32 s8, $0xFFFFF086  }
0x1c: {  	p1 =	slt.u32 s9, $0xF7A;
	s5 =	simm.s32 @!p2 $0x0  }
0x1d: {  	s5 =	simm.s32 @p1 $0x1;
	p0 =	seq.s32 s7, s2  }
0x1e: {  	s7 =	smul.u32 @!p0 $0xF7A, s2;
	p2 =	seq.s32 @!p0 s5, $0x0  }
0x1f: {  	s9 =	smul.u32 $0xF7A, s1;
	s8 =	simm.s32 @!p0 $0x1BF5;
	p2 =	por !p2, p0  }
0x20: {  	[sflag:s8] =	ssyncset.s32 @!p0 $0xFFFFF086;
	s6 =	sadd.s32 @!p0 s3, s7;
	s7 =	simm.s32 @!p0 $0x108  }
0x21: {  	s3 =	sadd.s32 s3, s9;
	s6 =	sadd.s32 @!p0 $0x88, s6;
	s7 =	simm.s32 @p2 $0x1082  }
0x22: {  	[simem:s7], [sflag:s8] =	dma.local @!p0 [hbm:s6], $0xF7A  }
0x23: {  	s9 =	sor.u32 $0xD0000000, s2;
	s6 =	simm.s32 $0x108;
	_ =	swait.ge @!p0 [sflag:s8], $0x0  }
0x24: {  	s3 =	sadd.s32 $0x88, s3;
	s6 =	simm.s32 @!p1 $0x1082;
	[sflag:s4] =	ssyncset.s32 $0xFFFFF086  }
0x25: {  	[simem:s6], [sflag:s4] =	dma.local [hbm:s3], $0xF7A  }
0x26: {  	[smem:$0x3F92] =	sst s1;
	(tag) =	ssettag s2;
	_ =	strace s9  }
0x27: {  	s1 =	sld [smem:$0x3FA2]  }
0x28: {  	s2 =	sld [smem:$0x3FA3]  }
0x29: {  	s4 =	sld [smem:$0x3FA5]  }
0x2a: {  	p0 =	seq.s32 s5, $0x0;
	s5 =	sld [smem:$0x3FA6]  }
0x2b: {  	s6 =	sld [smem:$0x3FA7]  }
0x2c: {  	s7 =	sld [smem:$0x3FA8]  }
0x2d: {  	s3 =	simm.s32 $0x108;
	s8 =	sld [smem:$0x3FA9]  }
0x2e: {  	s3 =	simm.s32 @!p0 $0x1082;
	s9 =	sld [smem:$0x3FAA]  }
0x2f: {  	lr =	sadd.s32 s0, s3;
	s0 =	sld [smem:$0x3FA1]  }
0x30: {  	s3 =	sld [smem:$0x3FA4]  }
0x31: {  	[smem:$0x3FAD] =	sst s10  }
0x32: {  	s10 =	sld [smem:$0x3FAB];
	_ =	sdelay $0x3  }
0x33: {  	p0 =	seq.s32 s10, $0x1;
	s10 =	sld [smem:$0x3FAD];
	_ =	sdelay $0x3  }
0x34: {  	[smem:$0x3FAD] =	sst s10  }
0x35: {  	s10 =	sld [smem:$0x3FAC];
	_ =	sdelay $0x3  }
0x36: {  	p1 =	seq.s32 s10, $0x1;
	s10 =	sld [smem:$0x3FAD];
	_ =	sdelay $0x3  }
0x37: {  	[smem:$0x3FAD] =	sst s10  }
0x38: {  	s10 =	sld [smem:$0x3FAE]  }
0x39: {  	_ = 	snop;
	(pc) =	sbr.ind lr, $3  }
0x3a: {  	_ = 	snop  }
0x3b: {  	_ = 	snop  }
0x3c: {  	p2 =	seq.s32 s10, $0x1;
	s10 =	sld [smem:$0x3FAD]  }
0x3d: {  	_ =	shalt  }
0x3e: {  	_ =	shalt  }
0x3f: {  	_ =	shalt  }
0x40: {  	_ =	shalt  }
0x41: {  	_ =	shalt  }
0x42: {  	_ =	shalt  }
0x43: {  	_ =	shalt  }
0x44: {  	_ =	shalt  }
0x45: {  	_ =	shalt  }
0x46: {  	_ =	shalt  }
0x47: {  	_ =	shalt  }
0x48: {  	_ =	shalt  }
0x49: {  	_ =	shalt  }
0x4a: {  	_ =	shalt  }
0x4b: {  	_ =	shalt  }
0x4c: {  	_ =	shalt  }
0x4d: {  	_ =	shalt  }
0x4e: {  	_ =	shalt  }
0x4f: {  	_ =	shalt  }
0x50: {  	_ =	shalt  }
0x51: {  	_ =	shalt  }
0x52: {  	_ =	shalt  }
0x53: {  	_ =	shalt  }
0x54: {  	_ =	shalt  }
0x55: {  	_ =	shalt  }
0x56: {  	_ =	shalt  }
0x57: {  	_ =	shalt  }
0x58: {  	_ =	shalt  }
0x59: {  	_ =	shalt  }
0x5a: {  	_ =	shalt  }
0x5b: {  	_ =	shalt  }
0x5c: {  	_ =	shalt  }
0x5d: {  	_ =	shalt  }
0x5e: {  	_ =	shalt  }
0x5f: {  	_ =	shalt  }
0x60: {  	_ =	shalt  }
0x61: {  	_ =	shalt  }
0x62: {  	_ =	shalt  }
0x63: {  	_ =	shalt  }
0x64: {  	_ =	shalt  }
0x65: {  	_ =	shalt  }
0x66: {  	_ =	shalt  }
0x67: {  	_ =	shalt  }
0x68: {  	_ =	shalt  }
0x69: {  	_ =	shalt  }
0x6a: {  	_ =	shalt  }
0x6b: {  	_ =	shalt  }
0x6c: {  	_ =	shalt  }
0x6d: {  	_ =	shalt  }
0x6e: {  	_ =	shalt  }
0x6f: {  	_ =	shalt  }
0x70: {  	_ =	shalt  }
0x71: {  	_ =	shalt  }
0x72: {  	_ =	shalt  }
0x73: {  	_ =	shalt  }
0x74: {  	_ =	shalt  }
0x75: {  	_ =	shalt  }
0x76: {  	_ =	shalt  }
0x77: {  	_ =	shalt  }
0x78: {  	_ =	shalt  }
0x79: {  	_ =	shalt  }
0x7a: {  	_ =	shalt  }
0x7b: {  	_ =	shalt  }
0x7c: {  	_ =	shalt  }
0x7d: {  	_ =	shalt  }
0x7e: {  	_ =	shalt  }
0x7f: {  	_ =	shalt  }
0x80: {  	_ =	shalt  }
0x81: {  	_ =	shalt  }
0x82: {  	_ =	shalt  }
0x83: {  	_ =	shalt  }
0x84: {  	_ =	shalt  }
0x85: {  	_ =	shalt  }
0x86: {  	_ =	shalt  }
0x87: {  	_ =	shalt  }
.Lfunc_end0:
.L_simem_size_0:
called_computation_lowered:
.L_overlay_start_0:
0x88: {  	s2 =	sld [smem:$0x3FD9]  }
0x89: {  	s3 =	sld [smem:$0x3FFE];
	_ =	sdelay $0x1  }
0x8a: {  	s1 =	srdreg.scid  }
0x8b: {  	s0 =	sand.u32 $0x1, s1  }
0x8c: {  	s17 =	sshll.u32 s0, $0xA;
	s2 =	sadd.s32 s3, s2  }
0x8d: {  	s2 =	sadd.s32 s2, s17  }
0x8e: {  	[smem:$0x3FB9] =	sst s2  }
0x8f: {  	_ = 	snop  }
0x90: {  	s2 =	sld [smem:$0x3FD0];
	(tm) =	ssettm $0x1  }
0x91: {  	s18 =	sld [smem:$0x3FFB];
	_ =	sdelay $0x3  }
0x92: {  	_ =	strace s18  }
0x93: {  	s3 =	sld [smem:$0x3FFC];
	_ =	sdelay $0x3  }
0x94: {  	_ =	strace s3  }
0x95: {  	s3 =	sld [smem:$0x3FFD];
	_ =	sdelay $0x3  }
0x96: {  	_ =	strace s3  }
0x97: {  	_ =	strace $0x8FFFFFFF  }
0x98: {  	s19 =	sld [smem:$0x3FDB];
	_ =	sdelay $0x1  }
0x99: {  	s4 =	simm.s32 $_scs_section_size  }
0x9a: {  	s5 =	simm.s32 $_size__tile_overlayer_lowered;
	s6 =	simm.s32 $_tile_overlayer_lowered  }
0x9b: {  	s22 =	simm.s32 $0x1BFF;
	s21 =	sshll.u32 s6, $0x1;
	s3 =	sadd.s32 s4, s19  }
0x9c: {  	s7 =	simm.s32 $0x0;
	s20 =	sshll.u32 s5, $0x1;
	s5 =	sadd.s32 s21, s3  }
0x9d: {  	[timem:s7], [sflag:s22] =	dma.local [hbm:s5], s20  }
0x9e: {  	_ =	swait.ge [sflag:s22], s20  }
0x9f: {  	s4 =	ssub.s32 $0x0, s20;
	[sflag:s22] =	ssyncset.done $0x0  }
0xa0: {  	[sflag:s22] =	ssyncadd.s32 s4;
	_ =	sdelay $0x1  }
0xa1: {  	s23 =	simm.s32 $0x1B8B  }
0xa2: {  	_ =	swait.ge [sflag:s23], $0x1  }
0xa3: {  	[sflag:s23] =	ssyncset.done $0x0  }
0xa4: {  	s25 =	simm.s32 $0x1B8E;
	s24 =	sld [smem:$0x3FFE];
	[sflag:s23] =	ssyncadd.s32 $0xFFFFFFFF  }
0xa5: {  	s26 =	simm.s32 $execute0_lowered;
	[smem:$0x3FD2] =	sst s25  }
0xa6: {  	s5 =	sshll.u32 s26, $0x1;
	_ =	strace $0x80000046;
	[dreg:$0x1] =	wrdreg $0xFFFFFFFF  }
0xa7: {  	s28 =	simm.s32 $_size_execute0_lowered;
	s3 =	sadd.s32 s3, s5;
	[dreg:$0x0] =	wrdreg $0x0  }
0xa8: {  	s5 =	sshll.u32 s28, $0x1;
	[dreg:$0x2] =	wrdreg s3  }
0xa9: {  	[dreg:$0x3] =	wrdreg s5  }
0xaa: {  	[dreg:$0x4] =	wrdreg $0xC0  }
0xab: {  	_ =	task [dreg:s7], $0x5FFFF  }
0xac: {  	[dreg:$0x1] =	wrdreg $0xFFFFFFFF  }
0xad: {  	[dreg:$0x0] =	wrdreg $0x60  }
0xae: {  	[dreg:$0x2] =	wrdreg s24  }
0xaf: {  	[dreg:$0x3] =	wrdreg s2  }
0xb0: {  	[dreg:$0x4] =	wrdreg $0x0  }
0xb1: {  	[dreg:$0x5] =	wrdreg $0x9  }
0xb2: {  	_ =	task.clear_ibuf [dreg:s7], $0x6FFFF;
	_ =	strace $0x90000046  }
0xb3: {  	s29 =	simm.s32 $0x9;
	_ =	strace $0x80000048  }
0xb4: {  	_ =	swait.ge [sflag:s29], $0x1  }
0xb5: {  	[sflag:s29] =	ssyncadd.s32 $0xFFFFFFFF  }
0xb6: {  	_ =	strace $0x90000048  }
0xb7: {  	_ =	sfence  }
0xb8: {  	s30 =	sld [smem:$0x0];
	_ =	sdelay $0x2  }
0xb9: {  	s31 =	sshll.u32 s1, $0xD;
	s1 =	sshrl.u32 s1, $0x2  }
0xba: {  	s3 =	sand.u32 $0x4000, s31;
	s1 =	sadd.s32 s1, s30  }
0xbb: {  	s0 =	sor.u32 s3, s0;
	s1 =	sshll.u32 s1, $0x11  }
0xbc: {  	s0 =	sor.u32 s1, s0  }
0xbd: {  	s0 =	sadd.s32 $0x8F2B, s0  }
0xbe: {  	[sflag:s0] =	ssyncadd.remote.s32 $0x1  }
0xbf: {  	_ =	sfence.sel $0xFFFF  }
0xc0: {  	[dreg:$0x0] =	wrdreg $0xFFFFFFFF;
	(pc) =	sbr.abs _section_cstart, $3  }
0xc1: {  	[dreg:$0x1] =	wrdreg $0xFFFFFFFF  }
0xc2: {  	_ =	task.clear_ibuf [dreg:s7], $0x2FFFF;
	_ =	strace $0x9FFFFFFF  }
0xc3: {  	(tm) =	ssettm $0x7FFFFFFF  }
tec
execute0_lowered:
.L_overlay_start_1:
0x0: {  	(tag) =	ssettag $0x1  }
0x1: {  	s0 =	rddreg [dreg:$0x0]  }
0x2: {  	s1 =	rddreg [dreg:$0x1]  }
0x3: {  	s3 =	rddreg [dreg:$0x2];
	s4 =	simm.s32 $0x0;
	s11 =	stileid.u32  }
0x4: {  	s5 =	srdreg.scid;
	s19 =	simm.s32 $0x1;
	s28 =	simm.s32 $0x2080  }
0x5: {  	s29 =	simm.s32 $0x6200;
	s30 =	simm.s32 $0x2180;
	s31 =	simm.s32 $0xE200  }
0x6: {  	s15 =	simm.s32 $0x16200;
	s16 =	simm.s32 $0x7;
	s17 =	simm.s32 $0x0  }
0x7: {  	[smem:$0x7FF] =	sst s4;
	s2 =	smul.u32 $0x700, s11;
	s6 =	sand.u32 $0x1, s5  }
0x8: {  	s20 =	sshll.u32 s11, $0x1;
	s8 =	smul.u32 $0xE000, s11;
	s5 =	sadd.s32 $0x8A00, s0  }
0x9: {  	s22 =	sshll.u32 s11, $0x6;
	s11 =	simm.s32 $0x6;
	s7 =	sor.u32 s6, s20  }
0xa: {  	_ =	strace $0x80000047;
	s21 =	ssub.s32 $0x2, s6;
	s6 =	smul.u32 $0xC8, s7  }
0xb: {  	s20 =	simm.s32 $0x80;
	s2 =	sadd.s32 s2, s0;
	s10 =	smul.u32 $0x3200, s7  }
0xc: {  	s9 =	sshrl.u32 s21, $0x1;
	s8 =	sshrl.u32 s8, $0x2;
	s7 =	smul.u32 $0x320000, s7  }
0xd: {  	s0 =	ssub.s32 s21, s9;
	s8 =	sadd.s32 s8, s3;
	s2 =	sadd.s32 $0x1A00, s2  }
0xe: {  	s9 =	simm.s32 $0x8;
	[dreg:$0x4] =	wrdreg s2;
	s2 =	sor.u32 $0x1C09, s22  }
0xf: {  	s23 =	sadd.s32 s5, s10;
	s12 =	sor.u32 $0x4000, s7;
	[dreg:$0x6] =	wrdreg s2  }
0x10: {  	s13 =	sor.u32 $0x4, s6;
	s25 =	sor.u32 $0x5, s6;
	[dreg:$0x5] =	wrdreg s23  }
0x11: {  	s0 =	smax.u32 s0, $0x1;
	s26 =	sshrl.u32 s8, $0x3;
	[dreg:$0x8] =	wrdreg s25  }
0x12: {  	s8 =	simm.s32 $0x12200;
	s10 =	simm.s32 $0x4;
	[dreg:$0x9] =	wrdreg s0  }
0x13: {  	s24 =	sadd.s32 $0x40, s23;
	[dreg:$0xa] =	wrdreg s26;
	s26 =	simm.s32 $0x2  }
0x14: {  	s0 =	simm.s32 $0x3;
	s2 =	simm.s32 $0x5;
	[dreg:$0x7] =	wrdreg s24  }
.LBB2_1:
0x15: {  	[dreg:$0xb] =	wrdreg s17  }
0x16: {  	s14 =	rddreg [dreg:$0x4]  }
0x17: {  	s22 =	rddreg [dreg:$0x6]  }
0x18: {  	s18 =	rddreg [dreg:$0xa];
	s23 =	simm.s32 $0x9  }
0x19: {  	[spmem:s18], [sflag:s22] =	dma.local [hbm:s14], $0x700  }
0x1a: {  	_ =	swait.ge [sflag:s23], $0x700  }
0x1b: {  	[sflag:s23] =	ssyncset.done $0x0  }
0x1c: {  	[sflag:s23] =	ssyncadd.s32 $0xFFFFF900  }
0x1d: {  	[bflag:$0x0] =	sbarrier.arrive $0xFFFF  }
0x1e: {  	s25 =	simm.s32 $0x1C00;
	s24 =	rddreg [dreg:$0x5]  }
0x1f: {  	[tilespmem:s25], [sflag:$0x1] =	stream.linear.gather [hbm4b:s24+s4], $0x180, $0x38;
	[tilespmem:$0x1A200] =	vst v63  }
0x20: {  	_ =	swait.ge [sflag:s19], $0x180  }
0x21: {  	[sflag:s19] =	ssyncset.done $0x0  }
0x22: {  	[sflag:s19] =	ssyncadd.s32 $0xFFFFFE80  }
0x23: {  	v0 =	vld [tilespmem:$0x1C00]  }
0x24: {  	v1 =	vld [tilespmem:$0x1C80]  }
0x25: {  	v2 =	vld [tilespmem:$0x1D00]  }
0x26: {  	v3 =	vld [tilespmem:$0x1C10]  }
0x27: {  	v4 =	vld [tilespmem:$0x1C90]  }
0x28: {  	v5 =	vld [tilespmem:$0x1D10]  }
0x29: {  	v6 =	vld [tilespmem:$0x1C20]  }
0x2a: {  	v7 =	vld [tilespmem:$0x1CA0]  }
0x2b: {  	v8 =	vld [tilespmem:$0x1D20]  }
0x2c: {  	v9 =	vld [tilespmem:$0x1C30]  }
0x2d: {  	v10 =	vld [tilespmem:$0x1CB0]  }
0x2e: {  	v11 =	vld [tilespmem:$0x1D30]  }
0x2f: {  	v36 =	vld [tilespmem:$0x1D40]  }
0x30: {  	v43 =	vld [tilespmem:$0x1D50];
	v34 =	vadd.s32 $0xC8, v2  }
0x31: {  	v51 =	vld [tilespmem:$0x1D60];
	v39 =	vadd.s32 $0xC8, v5;
	[tilespmem:$0x2100] =	vst v34  }
0x32: {  	v57 =	vld [tilespmem:$0x1D70];
	v44 =	vadd.s32 $0xC8, v8;
	[tilespmem:$0x2110] =	vst v39  }
0x33: {  	v12 =	vld [tilespmem:$0x1C40];
	v49 =	vadd.s32 $0xC8, v11;
	[tilespmem:$0x2120] =	vst v44  }
0x34: {  	v33 =	vld [tilespmem:$0x1CC0];
	v54 =	vadd.s32 $0xC8, v36;
	[tilespmem:$0x2130] =	vst v49  }
0x35: {  	v38 =	vld [tilespmem:$0x1C50];
	v58 =	vadd.s32 $0xC8, v43;
	[tilespmem:$0x2140] =	vst v54  }
0x36: {  	v41 =	vld [tilespmem:$0x1CD0];
	v61 =	vadd.s32 $0xC8, v51;
	[tilespmem:$0x2150] =	vst v58  }
0x37: {  	v46 =	vld [tilespmem:$0x1C60];
	v0 =	vshll.u32 v0, $0x3;
	v63 =	vadd.s32 $0xC8, v57;
	[tilespmem:$0x2160] =	vst v61  }
0x38: {  	v48 =	vld [tilespmem:$0x1CE0];
	v35 =	vshll.u32 v3, $0x3;
	v0 =	vadd.s32 v1, v0;
	[tilespmem:$0x2170] =	vst v63  }
0x39: {  	v53 =	vld [tilespmem:$0x1C70];
	v40 =	vshll.u32 v6, $0x3;
	v37 =	vadd.s32 v4, v35;
	[tilespmem:$0x2000] =	vst v0  }
0x3a: {  	v55 =	vld [tilespmem:$0x1CF0];
	v45 =	vshll.u32 v9, $0x3;
	v42 =	vadd.s32 v7, v40;
	[tilespmem:$0x2010] =	vst v37  }
0x3b: {  	v50 =	vshll.u32 v12, $0x3;
	v47 =	vadd.s32 v10, v45;
	[tilespmem:$0x2020] =	vst v42  }
0x3c: {  	v2 =	vshll.u32 v38, $0x3;
	v52 =	vadd.s32 v33, v50;
	[tilespmem:$0x2030] =	vst v47  }
0x3d: {  	v59 =	vshll.u32 v46, $0x3;
	v56 =	vadd.s32 v41, v2;
	[tilespmem:$0x2040] =	vst v52  }
0x3e: {  	v60 =	vadd.s32 v48, v59;
	v1 =	vshll.u32 v53, $0x3;
	[tilespmem:$0x2050] =	vst v56  }
0x3f: {  	[tilespmem:$0x2060] =	vst v60;
	v62 =	vadd.s32 v55, v1  }
0x40: {  	s21 =	simm.s32 $0x2200;
	s18 =	simm.s32 $0x2000;
	[tilespmem:$0x2070] =	vst v62  }
0x41: {  	[tilespmem:s21], [sflag:$0x3] =	stream.indirect.gather [spmem:s3], $0x40, s18, s20, $0xb8;
	[tilespmem:$0x1A200] =	vst v63  }
0x42: {  	s22 =	simm.s32 $0x2100;
	s23 =	simm.s32 $0xA200  }
0x43: {  	[tilespmem:s23], [sflag:$0x5] =	stream.indirect.gather [spmem:s3], $0x40, s22, s20, $0xb8;
	[tilespmem:$0x1A200] =	vst v63  }
0x44: {  	s17 =	simm.s32 $0x0;
	s25 =	simm.s32 $0x1E00;
	s24 =	rddreg [dreg:$0x7]  }
0x45: {  	[tilespmem:s25], [sflag:$0x2] =	stream.linear.gather [hbm4b:s24+s4], $0x180, $0x38;
	[tilespmem:$0x1A200] =	vst v63  }
.LBB2_2:
0x46: {  	_ =	swait.ge [sflag:s26], $0x180  }
0x47: {  	[sflag:s26] =	ssyncset.done $0x0  }
0x48: {  	[sflag:s26] =	ssyncadd.s32 $0xFFFFFE80  }
0x49: {  	v0 =	vld [tilespmem:$0x1E00]  }
0x4a: {  	v1 =	vld [tilespmem:$0x1E80]  }
0x4b: {  	v2 =	vld [tilespmem:$0x1F00]  }
0x4c: {  	v3 =	vld [tilespmem:$0x1E10]  }
0x4d: {  	v4 =	vld [tilespmem:$0x1E90]  }
0x4e: {  	v5 =	vld [tilespmem:$0x1F10]  }
0x4f: {  	v6 =	vld [tilespmem:$0x1E20]  }
0x50: {  	v7 =	vld [tilespmem:$0x1EA0]  }
0x51: {  	v8 =	vld [tilespmem:$0x1F20]  }
0x52: {  	v9 =	vld [tilespmem:$0x1E30]  }
0x53: {  	v10 =	vld [tilespmem:$0x1EB0]  }
0x54: {  	v11 =	vld [tilespmem:$0x1F30]  }
0x55: {  	v12 =	vld [tilespmem:$0x1E40];
	v0 =	vshll.u32 v0, $0x3  }
0x56: {  	v0 =	vadd.s32 v1, v0;
	v1 =	vld [tilespmem:$0x1EC0]  }
0x57: {  	[tilespmem:$0x2080] =	vst v0;
	v0 =	vadd.s32 $0xC8, v2;
	v2 =	vshll.u32 v3, $0x3;
	v3 =	vld [tilespmem:$0x1F40]  }
0x58: {  	[tilespmem:$0x2180] =	vst v0;
	v0 =	vadd.s32 v4, v2;
	v2 =	vld [tilespmem:$0x1E50]  }
0x59: {  	v4 =	vshll.u32 v6, $0x3;
	v6 =	vshll.u32 v9, $0x3;
	v9 =	vld [tilespmem:$0x1F60];
	[tilespmem:$0x2090] =	vst v0;
	v0 =	vadd.s32 $0xC8, v5  }
0x5a: {  	v5 =	vld [tilespmem:$0x1ED0];
	[tilespmem:$0x2190] =	vst v0;
	v0 =	vadd.s32 v7, v4  }
0x5b: {  	v4 =	vld [tilespmem:$0x1F50];
	[tilespmem:$0x20A0] =	vst v0;
	v0 =	vadd.s32 $0xC8, v8  }
0x5c: {  	v7 =	vld [tilespmem:$0x1E60];
	[tilespmem:$0x21A0] =	vst v0;
	v0 =	vadd.s32 v10, v6  }
0x5d: {  	v8 =	vshll.u32 v12, $0x3;
	v6 =	vld [tilespmem:$0x1EE0];
	[tilespmem:$0x20B0] =	vst v0;
	v0 =	vadd.s32 $0xC8, v11  }
0x5e: {  	[tilespmem:$0x21B0] =	vst v0;
	v0 =	vadd.s32 v1, v8;
	v1 =	vld [tilespmem:$0x1E70]  }
0x5f: {  	v2 =	vshll.u32 v2, $0x3;
	[tilespmem:$0x20C0] =	vst v0;
	v0 =	vadd.s32 $0xC8, v3;
	v3 =	vld [tilespmem:$0x1EF0]  }
0x60: {  	[tilespmem:$0x21C0] =	vst v0;
	v0 =	vadd.s32 v5, v2;
	v2 =	vld [tilespmem:$0x1F70]  }
0x61: {  	[tilespmem:$0x20D0] =	vst v0;
	v0 =	vadd.s32 $0xC8, v4;
	v4 =	vshll.u32 v7, $0x3  }
0x62: {  	[tilespmem:$0x21D0] =	vst v0;
	v0 =	vadd.s32 v6, v4  }
0x63: {  	s14 =	sshll.u32 s17, $0x2;
	[tilespmem:$0x20E0] =	vst v0;
	v0 =	vadd.s32 $0xC8, v9;
	v1 =	vshll.u32 v1, $0x3  }
0x64: {  	s21 =	sor.u32 $0x2, s14;
	[tilespmem:$0x21E0] =	vst v0;
	v0 =	vadd.s32 v3, v1  }
0x65: {  	s18 =	sadd.s32 s6, s21;
	[tilespmem:$0x20F0] =	vst v0;
	v0 =	vadd.s32 $0xC8, v2  }
0x66: {  	s18 =	sshll.u32 s18, $0x6;
	[tilespmem:$0x21F0] =	vst v0  }
0x67: {  	[tilespmem:s29], [sflag:$0x4] =	stream.indirect.gather [spmem:s3], $0x40, s28, s20, $0xb8;
	[tilespmem:$0x1A200] =	vst v63  }
0x68: {  	s18 =	sand.u32 $0x1FFFFF80, s18  }
0x69: {  	[tilespmem:s31], [sflag:$0x6] =	stream.indirect.gather [spmem:s3], $0x40, s30, s20, $0xb8;
	[tilespmem:$0x1A200] =	vst v63  }
0x6a: {  	s22 =	simm.s32 $0x1C00;
	p0 =	seq.s32 s17, $0x0;
	s18 =	sadd.s32 s5, s18  }
0x6b: {  	[tilespmem:s22], [sflag:$0x1] =	stream.linear.gather [hbm4b:s18+s4], $0x180, $0x38;
	[tilespmem:$0x1A200] =	vst v63  }
0x6c: {  	s18 =	simm.s32 @!p0 $0x7  }
0x6d: {  	_ =	swait.ge @!p0 [sflag:s18], $0x4000  }
0x6e: {  	[sflag:s18] =	ssyncset.done @!p0 $0x0  }
0x6f: {  	[sflag:s18] =	ssyncadd.s32 @!p0 $0xFFFFC000  }
0x70: {  	_ =	swait.ge [sflag:s0], $0x2000  }
0x71: {  	[sflag:s0] =	ssyncset.done $0x0  }
0x72: {  	[sflag:s0] =	ssyncadd.s32 $0xFFFFE000  }
0x73: {  	_ =	swait.ge [sflag:s2], $0x2000  }
0x74: {  	[sflag:s2] =	ssyncset.done $0x0  }
0x75: {  	s18 =	simm.s32 $0x0;
	[sflag:s2] =	ssyncadd.s32 $0xFFFFE000  }
0x76: {  	v0 =	vld [tilespmem:s18+$0x23B0]  }
0x77: {  	v1 =	vld [tilespmem:s18+$0xA3B0]  }
0x78: {  	v2 =	vld [tilespmem:s18+$0x2200]  }
0x79: {  	v3 =	vld [tilespmem:s18+$0xA200];
	_ =	sdelay $0x1  }
0x7a: {  	v4 =	vld [tilespmem:s18+$0x2210]  }
0x7b: {  	v5 =	vld [tilespmem:s18+$0xA210];
	v7 =	vshll.u32 v0, $0x10  }
0x7c: {  	v8 =	vshll.u32 v1, $0x10;
	v0 =	vand.u32 $0xFFFF0000, v0;
	v1 =	vand.u32 $0xFFFF0000, v1  }
0x7d: {  	v6 =	vld [tilespmem:s18+$0x2220];
	v11 =	vand.u32 $0xFFFF0000, v2;
	v0 =	vadd.f32 v1, v0;
	v1 =	vand.u32 $0xFFFF0000, v3  }
0x7e: {  	v9 =	vld [tilespmem:s18+$0xA220];
	v2 =	vshll.u32 v2, $0x10;
	v3 =	vshll.u32 v3, $0x10;
	v1 =	vadd.f32 v1, v11  }
0x7f: {  	[tilespmem:s18+$0x123E0] =	vst v0;
	v0 =	vadd.f32 v3, v2  }
0x80: {  	v10 =	vld [tilespmem:s18+$0xA230];
	v7 =	vadd.f32 v8, v7;
	v2 =	vand.u32 $0xFFFF0000, v5;
	[tilespmem:s18+$0x12200] =	vst v1;
	v1 =	vand.u32 $0xFFFF0000, v4  }
0x81: {  	v8 =	vld [tilespmem:s18+$0x2230];
	v1 =	vadd.f32 v2, v1;
	[tilespmem:s18+$0x12210] =	vst v0;
	v0 =	vshll.u32 v4, $0x10;
	v2 =	vshll.u32 v5, $0x10  }
0x82: {  	[tilespmem:s18+$0x123F0] =	vst v7;
	v0 =	vadd.f32 v2, v0  }
0x83: {  	v7 =	vld [tilespmem:s18+$0x2280];
	v2 =	vand.u32 $0xFFFF0000, v9;
	[tilespmem:s18+$0x12220] =	vst v1;
	v1 =	vand.u32 $0xFFFF0000, v6  }
0x84: {  	v3 =	vld [tilespmem:s18+$0xA280];
	v1 =	vadd.f32 v2, v1;
	[tilespmem:s18+$0x12230] =	vst v0;
	v0 =	vshll.u32 v6, $0x10;
	v2 =	vshll.u32 v9, $0x10  }
0x85: {  	v0 =	vadd.f32 v2, v0  }
0x86: {  	v4 =	vld [tilespmem:s18+$0x2290];
	v2 =	vand.u32 $0xFFFF0000, v10;
	[tilespmem:s18+$0x12240] =	vst v1;
	v1 =	vand.u32 $0xFFFF0000, v8  }
0x87: {  	v5 =	vld [tilespmem:s18+$0xA290];
	v1 =	vadd.f32 v2, v1;
	[tilespmem:s18+$0x12250] =	vst v0;
	v0 =	vshll.u32 v8, $0x10;
	v2 =	vshll.u32 v10, $0x10  }
0x88: {  	v0 =	vadd.f32 v2, v0  }
0x89: {  	v6 =	vld [tilespmem:s18+$0x22A0];
	v2 =	vand.u32 $0xFFFF0000, v3;
	[tilespmem:s18+$0x12260] =	vst v1;
	v1 =	vand.u32 $0xFFFF0000, v7  }
0x8a: {  	v9 =	vld [tilespmem:s18+$0xA2A0];
	v1 =	vadd.f32 v2, v1;
	[tilespmem:s18+$0x12270] =	vst v0;
	v0 =	vshll.u32 v7, $0x10;
	v2 =	vshll.u32 v3, $0x10  }
0x8b: {  	v0 =	vadd.f32 v2, v0  }
0x8c: {  	v8 =	vld [tilespmem:s18+$0x22B0];
	v2 =	vand.u32 $0xFFFF0000, v5;
	[tilespmem:s18+$0x12280] =	vst v1;
	v1 =	vand.u32 $0xFFFF0000, v4  }
0x8d: {  	v10 =	vld [tilespmem:s18+$0xA2B0];
	v1 =	vadd.f32 v2, v1;
	[tilespmem:s18+$0x12290] =	vst v0;
	v0 =	vshll.u32 v4, $0x10;
	v2 =	vshll.u32 v5, $0x10  }
0x8e: {  	v0 =	vadd.f32 v2, v0  }
0x8f: {  	v3 =	vld [tilespmem:s18+$0x2300];
	v2 =	vand.u32 $0xFFFF0000, v9;
	[tilespmem:s18+$0x122A0] =	vst v1;
	v1 =	vand.u32 $0xFFFF0000, v6  }
0x90: {  	v7 =	vld [tilespmem:s18+$0xA300];
	v1 =	vadd.f32 v2, v1;
	[tilespmem:s18+$0x122B0] =	vst v0;
	v0 =	vshll.u32 v6, $0x10;
	v2 =	vshll.u32 v9, $0x10  }
0x91: {  	v0 =	vadd.f32 v2, v0  }
0x92: {  	v4 =	vld [tilespmem:s18+$0x2310];
	v2 =	vand.u32 $0xFFFF0000, v10;
	[tilespmem:s18+$0x122C0] =	vst v1;
	v1 =	vand.u32 $0xFFFF0000, v8  }
0x93: {  	v5 =	vld [tilespmem:s18+$0xA310];
	v1 =	vadd.f32 v2, v1;
	[tilespmem:s18+$0x122D0] =	vst v0;
	v0 =	vshll.u32 v8, $0x10;
	v2 =	vshll.u32 v10, $0x10  }
0x94: {  	v6 =	vld [tilespmem:s18+$0x2320];
	v0 =	vadd.f32 v2, v0  }
0x95: {  	v9 =	vld [tilespmem:s18+$0xA320];
	v2 =	vand.u32 $0xFFFF0000, v7;
	[tilespmem:s18+$0x122E0] =	vst v1;
	v1 =	vand.u32 $0xFFFF0000, v3  }
0x96: {  	v10 =	vld [tilespmem:s18+$0xA330];
	v1 =	vadd.f32 v2, v1;
	[tilespmem:s18+$0x122F0] =	vst v0;
	v0 =	vshll.u32 v3, $0x10;
	v2 =	vshll.u32 v7, $0x10  }
0x97: {  	v8 =	vld [tilespmem:s18+$0x2330];
	v0 =	vadd.f32 v2, v0  }
0x98: {  	v2 =	vand.u32 $0xFFFF0000, v5;
	[tilespmem:s18+$0x12300] =	vst v1;
	v1 =	vand.u32 $0xFFFF0000, v4  }
0x99: {  	v7 =	vld [tilespmem:s18+$0x2380];
	v3 =	vshll.u32 v5, $0x10;
	v1 =	vadd.f32 v2, v1;
	[tilespmem:s18+$0x12310] =	vst v0;
	v0 =	vshll.u32 v4, $0x10  }
0x9a: {  	v11 =	vld [tilespmem:s18+$0xA380];
	v5 =	vshll.u32 v9, $0x10;
	v0 =	vadd.f32 v3, v0  }
0x9b: {  	v63 =	vshll.u32 v10, $0x10;
	v2 =	vld [tilespmem:s18+$0x2390];
	v4 =	vand.u32 $0xFFFF0000, v9;
	[tilespmem:s18+$0x12320] =	vst v1;
	v1 =	vand.u32 $0xFFFF0000, v6  }
0x9c: {  	v9 =	vshll.u32 v8, $0x10;
	v3 =	vld [tilespmem:s18+$0xA390];
	v4 =	vadd.f32 v4, v1;
	[tilespmem:s18+$0x12330] =	vst v0;
	v0 =	vshll.u32 v6, $0x10  }
0x9d: {  	v1 =	vld [tilespmem:s18+$0x23A0];
	v6 =	vand.u32 $0xFFFF0000, v8;
	v8 =	vadd.f32 v5, v0;
	v0 =	vand.u32 $0xFFFF0000, v10  }
0x9e: {  	s23 =	simm.s32 $0x200;
	v9 =	vadd.f32 v63, v9;
	v5 =	vshll.u32 v7, $0x10;
	[tilespmem:s18+$0x12340] =	vst v4;
	v4 =	vld [tilespmem:s18+$0xA3A0];
	v6 =	vadd.f32 v0, v6  }
0x9f: {  	s22 =	simm.s32 $0x1000;
	v7 =	vand.u32 $0xFFFF0000, v7;
	v10 =	vand.u32 $0xFFFF0000, v11;
	v0 =	vld [tilespmem:s23+$0x23B0];
	[tilespmem:s18+$0x12350] =	vst v8;
	v8 =	vshll.u32 v11, $0x10  }
.LBB2_3:
0xa0: {  	p1 =	sne.s32 s22, $0xF800;
	v11 =	vld [tilespmem:s23+$0xA3B0];
	[tilespmem:s18+$0x12360] =	vst v6;
	v6 =	vadd.f32 v10, v7;
	v7 =	vshll.u32 v2, $0x10;
	v2 =	vand.u32 $0xFFFF0000, v2  }
0xa1: {  	v5 =	vadd.f32 v8, v5;
	v10 =	vld [tilespmem:s23+$0x2200];
	[tilespmem:s18+$0x12370] =	vst v9;
	v8 =	vshll.u32 v3, $0x10;
	v3 =	vand.u32 $0xFFFF0000, v3  }
0xa2: {  	v9 =	vld [tilespmem:s23+$0xA200];
	[tilespmem:s18+$0x12380] =	vst v6;
	v2 =	vadd.f32 v3, v2;
	v3 =	vshll.u32 v1, $0x10;
	v1 =	vand.u32 $0xFFFF0000, v1  }
0xa3: {  	v6 =	vld [tilespmem:s23+$0x2210];
	[tilespmem:s18+$0x12390] =	vst v5;
	v5 =	vadd.f32 v8, v7;
	v7 =	vshll.u32 v4, $0x10;
	v4 =	vand.u32 $0xFFFF0000, v4  }
0xa4: {  	v8 =	vld [tilespmem:s23+$0xA210];
	v12 =	vand.u32 $0xFFFF0000, v0;
	[tilespmem:s18+$0x123A0] =	vst v2;
	v1 =	vadd.f32 v4, v1;
	v2 =	vadd.f32 v7, v3  }
0xa5: {  	v0 =	vshll.u32 v0, $0x10;
	v3 =	vld [tilespmem:s23+$0x2220];
	v4 =	vshll.u32 v11, $0x10;
	v7 =	vand.u32 $0xFFFF0000, v11;
	[tilespmem:s18+$0x123B0] =	vst v5  }
0xa6: {  	v5 =	vshll.u32 v10, $0x10;
	v10 =	vand.u32 $0xFFFF0000, v10;
	v11 =	vld [tilespmem:s23+$0xA220];
	v0 =	vadd.f32 v4, v0;
	[tilespmem:s18+$0x123C0] =	vst v1  }
0xa7: {  	v7 =	vadd.f32 v7, v12;
	v1 =	vshll.u32 v9, $0x10;
	v4 =	vand.u32 $0xFFFF0000, v9;
	v9 =	vld [tilespmem:s23+$0x2230];
	[tilespmem:s18+$0x123D0] =	vst v2;
	s18 =	smov.u32 s23  }
0xa8: {  	v2 =	vadd.f32 v4, v10;
	v4 =	vshll.u32 v6, $0x10;
	v6 =	vand.u32 $0xFFFF0000, v6;
	v10 =	vld [tilespmem:s18+$0xA230];
	[tilespmem:s18+$0x123F0] =	vst v0  }
0xa9: {  	v0 =	vadd.f32 v1, v5;
	v1 =	vshll.u32 v8, $0x10;
	v5 =	vand.u32 $0xFFFF0000, v8;
	v8 =	vld [tilespmem:s18+$0x2280];
	[tilespmem:s18+$0x123E0] =	vst v7  }
0xaa: {  	[tilespmem:s18+$0x12200] =	vst v2;
	v2 =	vadd.f32 v5, v6;
	v5 =	vshll.u32 v3, $0x10;
	v3 =	vand.u32 $0xFFFF0000, v3;
	v6 =	vld [tilespmem:s18+$0xA280]  }
0xab: {  	[tilespmem:s18+$0x12210] =	vst v0;
	v0 =	vadd.f32 v1, v4;
	v1 =	vshll.u32 v11, $0x10;
	v4 =	vand.u32 $0xFFFF0000, v11;
	v7 =	vld [tilespmem:s18+$0x2290]  }
0xac: {  	[tilespmem:s18+$0x12220] =	vst v2;
	v2 =	vadd.f32 v4, v3;
	v3 =	vshll.u32 v9, $0x10;
	v4 =	vand.u32 $0xFFFF0000, v9;
	v9 =	vld [tilespmem:s18+$0xA290]  }
0xad: {  	[tilespmem:s18+$0x12230] =	vst v0;
	v0 =	vadd.f32 v1, v5;
	v1 =	vshll.u32 v10, $0x10;
	v5 =	vand.u32 $0xFFFF0000, v10;
	v10 =	vld [tilespmem:s18+$0x22A0]  }
0xae: {  	[tilespmem:s18+$0x12240] =	vst v2;
	v2 =	vadd.f32 v5, v4;
	v4 =	vshll.u32 v8, $0x10;
	v5 =	vand.u32 $0xFFFF0000, v8;
	v8 =	vld [tilespmem:s18+$0xA2A0]  }
0xaf: {  	[tilespmem:s18+$0x12250] =	vst v0;
	v0 =	vadd.f32 v1, v3;
	v1 =	vshll.u32 v6, $0x10;
	v3 =	vand.u32 $0xFFFF0000, v6;
	v6 =	vld [tilespmem:s18+$0x22B0]  }
0xb0: {  	[tilespmem:s18+$0x12260] =	vst v2;
	v2 =	vadd.f32 v3, v5;
	v3 =	vshll.u32 v7, $0x10;
	v5 =	vand.u32 $0xFFFF0000, v7;
	v7 =	vld [tilespmem:s18+$0xA2B0]  }
0xb1: {  	[tilespmem:s18+$0x12270] =	vst v0;
	v0 =	vadd.f32 v1, v4;
	v1 =	vshll.u32 v9, $0x10;
	v4 =	vand.u32 $0xFFFF0000, v9;
	v9 =	vld [tilespmem:s18+$0x2300]  }
0xb2: {  	[tilespmem:s18+$0x12280] =	vst v2;
	v2 =	vadd.f32 v4, v5;
	v4 =	vshll.u32 v10, $0x10;
	v5 =	vand.u32 $0xFFFF0000, v10;
	v10 =	vld [tilespmem:s18+$0xA300]  }
0xb3: {  	[tilespmem:s18+$0x12290] =	vst v0;
	v0 =	vadd.f32 v1, v3;
	v1 =	vshll.u32 v8, $0x10;
	v3 =	vand.u32 $0xFFFF0000, v8;
	v8 =	vld [tilespmem:s18+$0x2310]  }
0xb4: {  	[tilespmem:s18+$0x122A0] =	vst v2;
	v2 =	vadd.f32 v3, v5;
	v3 =	vshll.u32 v6, $0x10;
	v5 =	vand.u32 $0xFFFF0000, v6;
	v6 =	vld [tilespmem:s18+$0xA310]  }
0xb5: {  	[tilespmem:s18+$0x122B0] =	vst v0;
	v0 =	vadd.f32 v1, v4;
	v1 =	vshll.u32 v7, $0x10;
	v4 =	vand.u32 $0xFFFF0000, v7;
	v7 =	vld [tilespmem:s18+$0x2320]  }
0xb6: {  	[tilespmem:s18+$0x122C0] =	vst v2;
	v2 =	vadd.f32 v4, v5;
	v4 =	vshll.u32 v9, $0x10;
	v5 =	vand.u32 $0xFFFF0000, v9;
	v9 =	vld [tilespmem:s18+$0xA320]  }
0xb7: {  	[tilespmem:s18+$0x122D0] =	vst v0;
	v0 =	vadd.f32 v1, v3;
	v1 =	vshll.u32 v10, $0x10;
	v3 =	vand.u32 $0xFFFF0000, v10;
	v10 =	vld [tilespmem:s18+$0x2330]  }
0xb8: {  	[tilespmem:s18+$0x122E0] =	vst v2;
	v2 =	vadd.f32 v3, v5;
	v3 =	vshll.u32 v8, $0x10;
	v5 =	vand.u32 $0xFFFF0000, v8;
	v8 =	vld [tilespmem:s18+$0xA330]  }
0xb9: {  	[tilespmem:s18+$0x122F0] =	vst v0;
	v0 =	vadd.f32 v1, v4;
	v1 =	vshll.u32 v6, $0x10;
	v4 =	vand.u32 $0xFFFF0000, v6;
	v11 =	vld [tilespmem:s18+$0x2380]  }
0xba: {  	[tilespmem:s18+$0x12300] =	vst v2;
	v4 =	vadd.f32 v4, v5;
	v5 =	vshll.u32 v7, $0x10;
	v6 =	vand.u32 $0xFFFF0000, v7;
	v12 =	vld [tilespmem:s18+$0xA380]  }
.Ltmp0:
0xbb: {  	[tilespmem:s18+$0x12310] =	vst v0;
	v0 =	vadd.f32 v1, v3;
	v1 =	vshll.u32 v9, $0x10;
	v3 =	vand.u32 $0xFFFF0000, v9;
	v2 =	vld [tilespmem:s18+$0x2390];
	(pc) =	sbr.rel @p1 .LBB2_3-.Ltmp0, $4  }
0xbc: {  	[tilespmem:s18+$0x12320] =	vst v4;
	v4 =	vadd.f32 v3, v6;
	v9 =	vshll.u32 v10, $0x10;
	v6 =	vand.u32 $0xFFFF0000, v10;
	v3 =	vld [tilespmem:s18+$0xA390]  }
0xbd: {  	v10 =	vadd.f32 v1, v5;
	[tilespmem:s18+$0x12330] =	vst v0;
	v13 =	vshll.u32 v8, $0x10;
	v0 =	vand.u32 $0xFFFF0000, v8;
	v1 =	vld [tilespmem:s18+$0x23A0]  }
0xbe: {  	s23 =	sshra.s32 s22, $0x2;
	[tilespmem:s18+$0x12340] =	vst v4;
	v6 =	vadd.f32 v0, v6;
	v5 =	vshll.u32 v11, $0x10;
	v7 =	vand.u32 $0xFFFF0000, v11;
	v4 =	vld [tilespmem:s18+$0xA3A0]  }
0xbf: {  	s22 =	sadd.s32 $0x800, s22;
	v9 =	vadd.f32 v13, v9;
	v0 =	vld [tilespmem:s23+$0x23B0];
	[tilespmem:s18+$0x12350] =	vst v10;
	v8 =	vshll.u32 v12, $0x10;
	v10 =	vand.u32 $0xFFFF0000, v12  }
0xc0: {  	v11 =	vld [tilespmem:s23+$0xA3B0];
	[tilespmem:s18+$0x12360] =	vst v6;
	v7 =	vadd.f32 v10, v7  }
0xc1: {  	v6 =	vld [tilespmem:s23+$0x2200];
	[tilespmem:s18+$0x12370] =	vst v9  }
0xc2: {  	v5 =	vadd.f32 v8, v5;
	v8 =	vand.u32 $0xFFFF0000, v3;
	v9 =	vld [tilespmem:s23+$0xA200];
	[tilespmem:s18+$0x12380] =	vst v7;
	v7 =	vand.u32 $0xFFFF0000, v2  }
0xc3: {  	v3 =	vshll.u32 v3, $0x10;
	v2 =	vshll.u32 v2, $0x10;
	v7 =	vadd.f32 v8, v7  }
0xc4: {  	v10 =	vld [tilespmem:s23+$0x2210];
	[tilespmem:s18+$0x12390] =	vst v5;
	v2 =	vadd.f32 v3, v2  }
0xc5: {  	v3 =	vand.u32 $0xFFFF0000, v1;
	v5 =	vld [tilespmem:s23+$0xA210];
	[tilespmem:s18+$0x123A0] =	vst v7;
	v7 =	vand.u32 $0xFFFF0000, v4  }
0xc6: {  	v1 =	vshll.u32 v1, $0x10;
	v8 =	vld [tilespmem:s23+$0x2220];
	v3 =	vadd.f32 v7, v3;
	[tilespmem:s18+$0x123B0] =	vst v2;
	v2 =	vshll.u32 v4, $0x10  }
0xc7: {  	v1 =	vadd.f32 v2, v1  }
0xc8: {  	v4 =	vld [tilespmem:s23+$0xA220];
	v2 =	vshll.u32 v0, $0x10;
	[tilespmem:s18+$0x123C0] =	vst v3  }
0xc9: {  	v0 =	vand.u32 $0xFFFF0000, v0;
	v12 =	vand.u32 $0xFFFF0000, v9;
	v7 =	vld [tilespmem:s23+$0x2230];
	[tilespmem:s18+$0x123D0] =	vst v1;
	v1 =	vand.u32 $0xFFFF0000, v11  }
0xca: {  	v3 =	vshll.u32 v11, $0x10;
	v11 =	vand.u32 $0xFFFF0000, v6;
	v0 =	vadd.f32 v1, v0  }
0xcb: {  	v9 =	vshll.u32 v9, $0x10;
	v6 =	vshll.u32 v6, $0x10;
	v1 =	vadd.f32 v12, v11  }
0xcc: {  	[tilespmem:s23+$0x123E0] =	vst v0;
	v0 =	vadd.f32 v9, v6  }
0xcd: {  	v2 =	vadd.f32 v3, v2;
	[tilespmem:s23+$0x12200] =	vst v1;
	v1 =	vand.u32 $0xFFFF0000, v10;
	v6 =	vand.u32 $0xFFFF0000, v5  }
0xce: {  	v3 =	vld [tilespmem:s23+$0xA230];
	v5 =	vshll.u32 v5, $0x10;
	v1 =	vadd.f32 v6, v1;
	[tilespmem:s23+$0x12210] =	vst v0;
	v0 =	vshll.u32 v10, $0x10  }
0xcf: {  	[tilespmem:s23+$0x123F0] =	vst v2;
	v0 =	vadd.f32 v5, v0  }
0xd0: {  	v2 =	vld [tilespmem:s23+$0x2280];
	[tilespmem:s23+$0x12220] =	vst v1;
	v1 =	vand.u32 $0xFFFF0000, v8;
	v5 =	vand.u32 $0xFFFF0000, v4  }
0xd1: {  	v9 =	vld [tilespmem:s23+$0xA280];
	v4 =	vshll.u32 v4, $0x10;
	v1 =	vadd.f32 v5, v1;
	[tilespmem:s23+$0x12230] =	vst v0;
	v0 =	vshll.u32 v8, $0x10  }
0xd2: {  	v0 =	vadd.f32 v4, v0  }
0xd3: {  	v6 =	vld [tilespmem:s23+$0x2290];
	[tilespmem:s23+$0x12240] =	vst v1;
	v1 =	vand.u32 $0xFFFF0000, v7;
	v4 =	vand.u32 $0xFFFF0000, v3  }
0xd4: {  	v10 =	vld [tilespmem:s23+$0xA290];
	v3 =	vshll.u32 v3, $0x10;
	v1 =	vadd.f32 v4, v1;
	[tilespmem:s23+$0x12250] =	vst v0;
	v0 =	vshll.u32 v7, $0x10  }
0xd5: {  	v0 =	vadd.f32 v3, v0  }
0xd6: {  	v5 =	vld [tilespmem:s23+$0x22A0];
	[tilespmem:s23+$0x12260] =	vst v1;
	v1 =	vand.u32 $0xFFFF0000, v2;
	v3 =	vand.u32 $0xFFFF0000, v9  }
0xd7: {  	v8 =	vld [tilespmem:s23+$0xA2A0];
	v1 =	vadd.f32 v3, v1;
	[tilespmem:s23+$0x12270] =	vst v0;
	v0 =	vshll.u32 v2, $0x10;
	v2 =	vshll.u32 v9, $0x10  }
0xd8: {  	v0 =	vadd.f32 v2, v0  }
0xd9: {  	v4 =	vld [tilespmem:s23+$0x22B0];
	[tilespmem:s23+$0x12280] =	vst v1;
	v1 =	vand.u32 $0xFFFF0000, v6;
	v2 =	vand.u32 $0xFFFF0000, v10  }
0xda: {  	v7 =	vld [tilespmem:s23+$0xA2B0];
	v1 =	vadd.f32 v2, v1;
	v2 =	vshll.u32 v10, $0x10;
	[tilespmem:s23+$0x12290] =	vst v0;
	v0 =	vshll.u32 v6, $0x10  }
0xdb: {  	v0 =	vadd.f32 v2, v0  }
0xdc: {  	v3 =	vld [tilespmem:s23+$0x2300];
	[tilespmem:s23+$0x122A0] =	vst v1;
	v1 =	vand.u32 $0xFFFF0000, v5;
	v2 =	vand.u32 $0xFFFF0000, v8  }
0xdd: {  	v9 =	vld [tilespmem:s23+$0xA300];
	v1 =	vadd.f32 v2, v1;
	v2 =	vshll.u32 v8, $0x10;
	[tilespmem:s23+$0x122B0] =	vst v0;
	v0 =	vshll.u32 v5, $0x10  }
0xde: {  	v0 =	vadd.f32 v2, v0  }
0xdf: {  	v10 =	vld [tilespmem:s23+$0xA310];
	[tilespmem:s23+$0x122C0] =	vst v1;
	v1 =	vand.u32 $0xFFFF0000, v4;
	v2 =	vand.u32 $0xFFFF0000, v7  }
0xe0: {  	v6 =	vld [tilespmem:s23+$0x2310];
	v1 =	vadd.f32 v2, v1;
	v2 =	vshll.u32 v7, $0x10;
	[tilespmem:s23+$0x122D0] =	vst v0;
	v0 =	vshll.u32 v4, $0x10  }
0xe1: {  	v0 =	vadd.f32 v2, v0  }
0xe2: {  	v8 =	vld [tilespmem:s23+$0xA320];
	[tilespmem:s23+$0x122E0] =	vst v1;
	v1 =	vand.u32 $0xFFFF0000, v3;
	v2 =	vand.u32 $0xFFFF0000, v9  }
0xe3: {  	v5 =	vld [tilespmem:s23+$0x2320];
	v1 =	vadd.f32 v2, v1;
	v2 =	vshll.u32 v9, $0x10;
	[tilespmem:s23+$0x122F0] =	vst v0;
	v0 =	vshll.u32 v3, $0x10  }
0xe4: {  	v7 =	vld [tilespmem:s23+$0xA330];
	v0 =	vadd.f32 v2, v0  }
0xe5: {  	v4 =	vld [tilespmem:s23+$0x2330];
	[tilespmem:s23+$0x12300] =	vst v1;
	v1 =	vand.u32 $0xFFFF0000, v6;
	v2 =	vand.u32 $0xFFFF0000, v10  }
0xe6: {  	v9 =	vld [tilespmem:s23+$0xA380];
	v1 =	vadd.f32 v2, v1;
	v2 =	vshll.u32 v10, $0x10;
	[tilespmem:s23+$0x12310] =	vst v0;
	v0 =	vshll.u32 v6, $0x10  }
0xe7: {  	v3 =	vld [tilespmem:s23+$0x2380];
	v0 =	vadd.f32 v2, v0  }
0xe8: {  	v10 =	vld [tilespmem:s23+$0xA390];
	[tilespmem:s23+$0x12320] =	vst v1;
	v1 =	vand.u32 $0xFFFF0000, v5;
	v2 =	vand.u32 $0xFFFF0000, v8  }
0xe9: {  	v6 =	vld [tilespmem:s23+$0x2390];
	v1 =	vadd.f32 v2, v1;
	v2 =	vshll.u32 v8, $0x10;
	[tilespmem:s23+$0x12330] =	vst v0;
	v0 =	vshll.u32 v5, $0x10  }
0xea: {  	v8 =	vand.u32 $0xFFFF0000, v4;
	v5 =	vld [tilespmem:s23+$0x23A0];
	v0 =	vadd.f32 v2, v0;
	v2 =	vand.u32 $0xFFFF0000, v7  }
0xeb: {  	[tilespmem:s23+$0x12340] =	vst v1;
	v1 =	vshll.u32 v4, $0x10;
	v4 =	vshll.u32 v7, $0x10;
	v7 =	vld [tilespmem:s23+$0xA3A0];
	v2 =	vadd.f32 v2, v8  }
0xec: {  	v8 =	vand.u32 $0xFFFF0000, v3;
	[tilespmem:s23+$0x12350] =	vst v0;
	v0 =	vadd.f32 v4, v1;
	v1 =	vand.u32 $0xFFFF0000, v9  }
0xed: {  	v3 =	vshll.u32 v3, $0x10;
	v4 =	vshll.u32 v9, $0x10;
	[tilespmem:s23+$0x12360] =	vst v2;
	v1 =	vadd.f32 v1, v8  }
0xee: {  	v2 =	vand.u32 $0xFFFF0000, v6;
	[tilespmem:s23+$0x12370] =	vst v0;
	v0 =	vadd.f32 v4, v3;
	v3 =	vand.u32 $0xFFFF0000, v10  }
0xef: {  	v4 =	vshll.u32 v6, $0x10;
	v6 =	vshll.u32 v10, $0x10;
	[tilespmem:s23+$0x12380] =	vst v1;
	v1 =	vadd.f32 v3, v2  }
0xf0: {  	v2 =	vand.u32 $0xFFFF0000, v5;
	v3 =	vand.u32 $0xFFFF0000, v7;
	[tilespmem:s23+$0x12390] =	vst v0;
	v0 =	vadd.f32 v6, v4  }
0xf1: {  	s22 =	sshll.u32 s17, $0x10;
	v4 =	vshll.u32 v5, $0x10;
	v5 =	vshll.u32 v7, $0x10;
	[tilespmem:s23+$0x123A0] =	vst v1;
	v1 =	vadd.f32 v3, v2  }
0xf2: {  	s25 =	sadd.s32 s7, s22;
	v2 =	vadd.f32 v5, v4;
	[tilespmem:s23+$0x123B0] =	vst v0  }
0xf3: {  	s18 =	sshrl.u32 s25, $0x3;
	[tilespmem:s23+$0x123C0] =	vst v1  }
0xf4: {  	s18 =	sadd.s32 s1, s18;
	[tilespmem:s23+$0x123D0] =	vst v2  }
0xf5: {  	[hbm4b:s18+s4] =	stream.linear.scatter [tilespmem:s8], [sflag:$0x7], $0x4000, $0x38;
	[tilespmem:$0x1A200] =	vst v63  }
0xf6: {  	_ =	swait.ge [sflag:s19], $0x180  }
0xf7: {  	[sflag:s19] =	ssyncset.done $0x0  }
0xf8: {  	[sflag:s19] =	ssyncadd.s32 $0xFFFFFE80  }
0xf9: {  	v0 =	vld [tilespmem:$0x1C00]  }
0xfa: {  	v1 =	vld [tilespmem:$0x1C80]  }
0xfb: {  	v2 =	vld [tilespmem:$0x1D00]  }
0xfc: {  	v3 =	vld [tilespmem:$0x1C10]  }
0xfd: {  	v4 =	vld [tilespmem:$0x1C90]  }
0xfe: {  	v5 =	vld [tilespmem:$0x1D10]  }
0xff: {  	v6 =	vld [tilespmem:$0x1C20]  }
0x100: {  	v7 =	vld [tilespmem:$0x1CA0]  }
0x101: {  	v8 =	vld [tilespmem:$0x1D20]  }
0x102: {  	v9 =	vld [tilespmem:$0x1C30]  }
0x103: {  	v10 =	vld [tilespmem:$0x1CB0]  }
0x104: {  	v11 =	vld [tilespmem:$0x1D30]  }
0x105: {  	v61 =	vld [tilespmem:$0x1C40];
	v0 =	vshll.u32 v0, $0x3  }
0x106: {  	v0 =	vadd.s32 v1, v0;
	v1 =	vld [tilespmem:$0x1CC0]  }
0x107: {  	[tilespmem:$0x2000] =	vst v0;
	v0 =	vadd.s32 $0xC8, v2;
	v2 =	vshll.u32 v3, $0x3;
	v3 =	vld [tilespmem:$0x1D40]  }
0x108: {  	[tilespmem:$0x2100] =	vst v0;
	v0 =	vadd.s32 v4, v2;
	v2 =	vld [tilespmem:$0x1C50]  }
0x109: {  	v4 =	vshll.u32 v6, $0x3;
	v6 =	vshll.u32 v9, $0x3;
	v9 =	vld [tilespmem:$0x1D60];
	[tilespmem:$0x2010] =	vst v0;
	v0 =	vadd.s32 $0xC8, v5  }
0x10a: {  	v5 =	vld [tilespmem:$0x1CD0];
	[tilespmem:$0x2110] =	vst v0;
	v0 =	vadd.s32 v7, v4  }
0x10b: {  	v4 =	vld [tilespmem:$0x1D50];
	[tilespmem:$0x2020] =	vst v0;
	v0 =	vadd.s32 $0xC8, v8  }
0x10c: {  	v7 =	vld [tilespmem:$0x1C60];
	[tilespmem:$0x2120] =	vst v0;
	v0 =	vadd.s32 v10, v6  }
0x10d: {  	v8 =	vshll.u32 v61, $0x3;
	v6 =	vld [tilespmem:$0x1CE0];
	[tilespmem:$0x2030] =	vst v0;
	v0 =	vadd.s32 $0xC8, v11  }
0x10e: {  	[tilespmem:$0x2130] =	vst v0;
	v0 =	vadd.s32 v1, v8;
	v1 =	vld [tilespmem:$0x1C70]  }
0x10f: {  	v2 =	vshll.u32 v2, $0x3;
	[tilespmem:$0x2040] =	vst v0;
	v0 =	vadd.s32 $0xC8, v3;
	v3 =	vld [tilespmem:$0x1CF0]  }
0x110: {  	[tilespmem:$0x2140] =	vst v0;
	v0 =	vadd.s32 v5, v2;
	v2 =	vld [tilespmem:$0x1D70]  }
0x111: {  	[tilespmem:$0x2050] =	vst v0;
	v0 =	vadd.s32 $0xC8, v4;
	v4 =	vshll.u32 v7, $0x3  }
0x112: {  	[tilespmem:$0x2150] =	vst v0;
	v0 =	vadd.s32 v6, v4  }
0x113: {  	[tilespmem:$0x2060] =	vst v0;
	v0 =	vadd.s32 $0xC8, v9;
	v1 =	vshll.u32 v1, $0x3  }
0x114: {  	[tilespmem:$0x2160] =	vst v0;
	v0 =	vadd.s32 v3, v1  }
0x115: {  	[tilespmem:$0x2070] =	vst v0;
	v0 =	vadd.s32 $0xC8, v2  }
0x116: {  	s24 =	simm.s32 $0x2000;
	s25 =	simm.s32 $0x2200;
	s18 =	sor.u32 $0x3, s14;
	[tilespmem:$0x2170] =	vst v0  }
0x117: {  	[tilespmem:s25], [sflag:$0x3] =	stream.indirect.gather [spmem:s3], $0x40, s24, s20, $0xb8;
	[tilespmem:$0x1A200] =	vst v63  }
0x118: {  	s23 =	simm.s32 $0x2100;
	s24 =	simm.s32 $0xA200;
	s25 =	sadd.s32 s6, s18  }
0x119: {  	[tilespmem:s24], [sflag:$0x5] =	stream.indirect.gather [spmem:s3], $0x40, s23, s20, $0xb8;
	[tilespmem:$0x1A200] =	vst v63  }
0x11a: {  	s23 =	sshll.u32 s25, $0x6  }
0x11b: {  	s23 =	sand.u32 $0x1FFFFFC0, s23  }
0x11c: {  	s24 =	simm.s32 $0x1E00;
	s23 =	sadd.s32 s5, s23  }
0x11d: {  	[tilespmem:s24], [sflag:$0x2] =	stream.linear.gather [hbm4b:s23+s4], $0x180, $0x38;
	[tilespmem:$0x1A200] =	vst v63  }
0x11e: {  	s23 =	simm.s32 @!p0 $0x8  }
0x11f: {  	_ =	swait.ge @!p0 [sflag:s23], $0x4000  }
0x120: {  	[sflag:s23] =	ssyncset.done @!p0 $0x0  }
0x121: {  	[sflag:s23] =	ssyncadd.s32 @!p0 $0xFFFFC000  }
0x122: {  	_ =	swait.ge [sflag:s10], $0x2000  }
0x123: {  	[sflag:s10] =	ssyncset.done $0x0  }
0x124: {  	[sflag:s10] =	ssyncadd.s32 $0xFFFFE000  }
0x125: {  	_ =	swait.ge [sflag:s11], $0x2000  }
0x126: {  	[sflag:s11] =	ssyncset.done $0x0  }
0x127: {  	s23 =	simm.s32 $0x0;
	[sflag:s11] =	ssyncadd.s32 $0xFFFFE000  }
0x128: {  	v0 =	vld [tilespmem:s23+$0x63B0]  }
0x129: {  	v1 =	vld [tilespmem:s23+$0xE3B0]  }
0x12a: {  	v2 =	vld [tilespmem:s23+$0x6200]  }
0x12b: {  	v3 =	vld [tilespmem:s23+$0xE200];
	_ =	sdelay $0x1  }
0x12c: {  	v4 =	vld [tilespmem:s23+$0x6210]  }
0x12d: {  	v5 =	vld [tilespmem:s23+$0xE210];
	v7 =	vshll.u32 v0, $0x10  }
0x12e: {  	v8 =	vshll.u32 v1, $0x10;
	v0 =	vand.u32 $0xFFFF0000, v0;
	v1 =	vand.u32 $0xFFFF0000, v1  }
0x12f: {  	v6 =	vld [tilespmem:s23+$0x6220];
	v11 =	vand.u32 $0xFFFF0000, v2;
	v62 =	vand.u32 $0xFFFF0000, v3;
	v0 =	vadd.f32 v1, v0  }
0x130: {  	v9 =	vld [tilespmem:s23+$0xE220];
	v2 =	vshll.u32 v2, $0x10;
	v3 =	vshll.u32 v3, $0x10;
	v1 =	vadd.f32 v62, v11  }
0x131: {  	[tilespmem:s23+$0x163E0] =	vst v0;
	v0 =	vadd.f32 v3, v2  }
0x132: {  	v10 =	vld [tilespmem:s23+$0xE230];
	v7 =	vadd.f32 v8, v7;
	[tilespmem:s23+$0x16200] =	vst v1;
	v1 =	vand.u32 $0xFFFF0000, v4;
	v2 =	vand.u32 $0xFFFF0000, v5  }
0x133: {  	v8 =	vld [tilespmem:s23+$0x6230];
	v1 =	vadd.f32 v2, v1;
	v2 =	vshll.u32 v5, $0x10;
	[tilespmem:s23+$0x16210] =	vst v0;
	v0 =	vshll.u32 v4, $0x10  }
0x134: {  	[tilespmem:s23+$0x163F0] =	vst v7;
	v0 =	vadd.f32 v2, v0  }
0x135: {  	v7 =	vld [tilespmem:s23+$0x6280];
	[tilespmem:s23+$0x16220] =	vst v1;
	v1 =	vand.u32 $0xFFFF0000, v6;
	v2 =	vand.u32 $0xFFFF0000, v9  }
0x136: {  	v3 =	vld [tilespmem:s23+$0xE280];
	v1 =	vadd.f32 v2, v1;
	v2 =	vshll.u32 v9, $0x10;
	[tilespmem:s23+$0x16230] =	vst v0;
	v0 =	vshll.u32 v6, $0x10  }
0x137: {  	v0 =	vadd.f32 v2, v0  }
0x138: {  	v5 =	vld [tilespmem:s23+$0xE290];
	[tilespmem:s23+$0x16240] =	vst v1;
	v1 =	vand.u32 $0xFFFF0000, v8;
	v2 =	vand.u32 $0xFFFF0000, v10  }
0x139: {  	v4 =	vld [tilespmem:s23+$0x6290];
	v1 =	vadd.f32 v2, v1;
	v2 =	vshll.u32 v10, $0x10;
	[tilespmem:s23+$0x16250] =	vst v0;
	v0 =	vshll.u32 v8, $0x10  }
0x13a: {  	v0 =	vadd.f32 v2, v0  }
0x13b: {  	v9 =	vld [tilespmem:s23+$0xE2A0];
	[tilespmem:s23+$0x16260] =	vst v1;
	v1 =	vand.u32 $0xFFFF0000, v7;
	v2 =	vand.u32 $0xFFFF0000, v3  }
0x13c: {  	v6 =	vld [tilespmem:s23+$0x62A0];
	v1 =	vadd.f32 v2, v1;
	v2 =	vshll.u32 v3, $0x10;
	[tilespmem:s23+$0x16270] =	vst v0;
	v0 =	vshll.u32 v7, $0x10  }
0x13d: {  	v0 =	vadd.f32 v2, v0  }
0x13e: {  	v10 =	vld [tilespmem:s23+$0xE2B0];
	[tilespmem:s23+$0x16280] =	vst v1;
	v1 =	vand.u32 $0xFFFF0000, v4;
	v2 =	vand.u32 $0xFFFF0000, v5  }
0x13f: {  	v8 =	vld [tilespmem:s23+$0x62B0];
	v1 =	vadd.f32 v2, v1;
	v2 =	vshll.u32 v5, $0x10;
	[tilespmem:s23+$0x16290] =	vst v0;
	v0 =	vshll.u32 v4, $0x10  }
0x140: {  	v0 =	vadd.f32 v2, v0  }
0x141: {  	v3 =	vld [tilespmem:s23+$0x6300];
	[tilespmem:s23+$0x162A0] =	vst v1;
	v1 =	vand.u32 $0xFFFF0000, v6;
	v2 =	vand.u32 $0xFFFF0000, v9  }
0x142: {  	v7 =	vld [tilespmem:s23+$0xE300];
	v1 =	vadd.f32 v2, v1;
	v2 =	vshll.u32 v9, $0x10;
	[tilespmem:s23+$0x162B0] =	vst v0;
	v0 =	vshll.u32 v6, $0x10  }
0x143: {  	v0 =	vadd.f32 v2, v0  }
0x144: {  	v5 =	vld [tilespmem:s23+$0xE310];
	[tilespmem:s23+$0x162C0] =	vst v1;
	v1 =	vand.u32 $0xFFFF0000, v8;
	v2 =	vand.u32 $0xFFFF0000, v10  }
0x145: {  	v4 =	vld [tilespmem:s23+$0x6310];
	v1 =	vadd.f32 v2, v1;
	v2 =	vshll.u32 v10, $0x10;
	[tilespmem:s23+$0x162D0] =	vst v0;
	v0 =	vshll.u32 v8, $0x10  }
0x146: {  	v9 =	vld [tilespmem:s23+$0xE320];
	v0 =	vadd.f32 v2, v0  }
0x147: {  	v6 =	vld [tilespmem:s23+$0x6320];
	[tilespmem:s23+$0x162E0] =	vst v1;
	v1 =	vand.u32 $0xFFFF0000, v3;
	v2 =	vand.u32 $0xFFFF0000, v7  }
0x148: {  	v10 =	vld [tilespmem:s23+$0xE330];
	v1 =	vadd.f32 v2, v1;
	v2 =	vshll.u32 v7, $0x10;
	[tilespmem:s23+$0x162F0] =	vst v0;
	v0 =	vshll.u32 v3, $0x10  }
0x149: {  	v8 =	vld [tilespmem:s23+$0x6330];
	v0 =	vadd.f32 v2, v0  }
0x14a: {  	[tilespmem:s23+$0x16300] =	vst v1;
	v1 =	vand.u32 $0xFFFF0000, v4;
	v2 =	vand.u32 $0xFFFF0000, v5  }
0x14b: {  	v7 =	vld [tilespmem:s23+$0x6380];
	v3 =	vshll.u32 v5, $0x10;
	v1 =	vadd.f32 v2, v1;
	[tilespmem:s23+$0x16310] =	vst v0;
	v0 =	vshll.u32 v4, $0x10  }
0x14c: {  	v11 =	vld [tilespmem:s23+$0xE380];
	v5 =	vshll.u32 v9, $0x10;
	v0 =	vadd.f32 v3, v0  }
0x14d: {  	v63 =	vshll.u32 v10, $0x10;
	v2 =	vld [tilespmem:s23+$0x6390];
	v4 =	vand.u32 $0xFFFF0000, v9;
	[tilespmem:s23+$0x16320] =	vst v1;
	v1 =	vand.u32 $0xFFFF0000, v6  }
0x14e: {  	v9 =	vshll.u32 v8, $0x10;
	v3 =	vld [tilespmem:s23+$0xE390];
	v4 =	vadd.f32 v4, v1;
	[tilespmem:s23+$0x16330] =	vst v0;
	v0 =	vshll.u32 v6, $0x10  }
0x14f: {  	v1 =	vld [tilespmem:s23+$0x63A0];
	v6 =	vand.u32 $0xFFFF0000, v8;
	v8 =	vadd.f32 v5, v0;
	v0 =	vand.u32 $0xFFFF0000, v10  }
0x150: {  	s24 =	simm.s32 $0x200;
	v9 =	vadd.f32 v63, v9;
	[tilespmem:s23+$0x16340] =	vst v4;
	v4 =	vld [tilespmem:s23+$0xE3A0];
	v5 =	vshll.u32 v7, $0x10;
	v6 =	vadd.f32 v0, v6  }
0x151: {  	s25 =	simm.s32 $0x1000;
	v7 =	vand.u32 $0xFFFF0000, v7;
	v10 =	vand.u32 $0xFFFF0000, v11;
	v0 =	vld [tilespmem:s24+$0x63B0];
	[tilespmem:s23+$0x16350] =	vst v8;
	v8 =	vshll.u32 v11, $0x10  }
.LBB2_5:
0x152: {  	p0 =	sne.s32 s25, $0xF800;
	v11 =	vld [tilespmem:s24+$0xE3B0];
	[tilespmem:s23+$0x16360] =	vst v6;
	v6 =	vadd.f32 v10, v7;
	v7 =	vshll.u32 v2, $0x10;
	v2 =	vand.u32 $0xFFFF0000, v2  }
0x153: {  	v5 =	vadd.f32 v8, v5;
	v10 =	vld [tilespmem:s24+$0x6200];
	[tilespmem:s23+$0x16370] =	vst v9;
	v8 =	vshll.u32 v3, $0x10;
	v3 =	vand.u32 $0xFFFF0000, v3  }
0x154: {  	v9 =	vld [tilespmem:s24+$0xE200];
	[tilespmem:s23+$0x16380] =	vst v6;
	v2 =	vadd.f32 v3, v2;
	v3 =	vshll.u32 v1, $0x10;
	v1 =	vand.u32 $0xFFFF0000, v1  }
0x155: {  	v6 =	vld [tilespmem:s24+$0x6210];
	[tilespmem:s23+$0x16390] =	vst v5;
	v5 =	vadd.f32 v8, v7;
	v7 =	vshll.u32 v4, $0x10;
	v4 =	vand.u32 $0xFFFF0000, v4  }
0x156: {  	v8 =	vld [tilespmem:s24+$0xE210];
	v12 =	vand.u32 $0xFFFF0000, v0;
	[tilespmem:s23+$0x163A0] =	vst v2;
	v1 =	vadd.f32 v4, v1;
	v2 =	vadd.f32 v7, v3  }
0x157: {  	v0 =	vshll.u32 v0, $0x10;
	v3 =	vld [tilespmem:s24+$0x6220];
	v4 =	vshll.u32 v11, $0x10;
	v7 =	vand.u32 $0xFFFF0000, v11;
	[tilespmem:s23+$0x163B0] =	vst v5  }
0x158: {  	v5 =	vshll.u32 v10, $0x10;
	v10 =	vand.u32 $0xFFFF0000, v10;
	v11 =	vld [tilespmem:s24+$0xE220];
	v0 =	vadd.f32 v4, v0;
	[tilespmem:s23+$0x163C0] =	vst v1  }
0x159: {  	v7 =	vadd.f32 v7, v12;
	v1 =	vshll.u32 v9, $0x10;
	v4 =	vand.u32 $0xFFFF0000, v9;
	v9 =	vld [tilespmem:s24+$0x6230];
	[tilespmem:s23+$0x163D0] =	vst v2;
	s23 =	smov.u32 s24  }
0x15a: {  	v2 =	vadd.f32 v4, v10;
	v4 =	vshll.u32 v6, $0x10;
	v6 =	vand.u32 $0xFFFF0000, v6;
	v10 =	vld [tilespmem:s23+$0xE230];
	[tilespmem:s23+$0x163F0] =	vst v0  }
0x15b: {  	v0 =	vadd.f32 v1, v5;
	v1 =	vshll.u32 v8, $0x10;
	v5 =	vand.u32 $0xFFFF0000, v8;
	v8 =	vld [tilespmem:s23+$0x6280];
	[tilespmem:s23+$0x163E0] =	vst v7  }
0x15c: {  	[tilespmem:s23+$0x16200] =	vst v2;
	v2 =	vadd.f32 v5, v6;
	v5 =	vshll.u32 v3, $0x10;
	v3 =	vand.u32 $0xFFFF0000, v3;
	v6 =	vld [tilespmem:s23+$0xE280]  }
0x15d: {  	[tilespmem:s23+$0x16210] =	vst v0;
	v0 =	vadd.f32 v1, v4;
	v1 =	vshll.u32 v11, $0x10;
	v4 =	vand.u32 $0xFFFF0000, v11;
	v7 =	vld [tilespmem:s23+$0x6290]  }
0x15e: {  	[tilespmem:s23+$0x16220] =	vst v2;
	v2 =	vadd.f32 v4, v3;
	v3 =	vshll.u32 v9, $0x10;
	v4 =	vand.u32 $0xFFFF0000, v9;
	v9 =	vld [tilespmem:s23+$0xE290]  }
0x15f: {  	[tilespmem:s23+$0x16230] =	vst v0;
	v0 =	vadd.f32 v1, v5;
	v1 =	vshll.u32 v10, $0x10;
	v5 =	vand.u32 $0xFFFF0000, v10;
	v10 =	vld [tilespmem:s23+$0x62A0]  }
0x160: {  	[tilespmem:s23+$0x16240] =	vst v2;
	v2 =	vadd.f32 v5, v4;
	v4 =	vshll.u32 v8, $0x10;
	v5 =	vand.u32 $0xFFFF0000, v8;
	v8 =	vld [tilespmem:s23+$0xE2A0]  }
0x161: {  	[tilespmem:s23+$0x16250] =	vst v0;
	v0 =	vadd.f32 v1, v3;
	v1 =	vshll.u32 v6, $0x10;
	v3 =	vand.u32 $0xFFFF0000, v6;
	v6 =	vld [tilespmem:s23+$0x62B0]  }
0x162: {  	[tilespmem:s23+$0x16260] =	vst v2;
	v2 =	vadd.f32 v3, v5;
	v3 =	vshll.u32 v7, $0x10;
	v5 =	vand.u32 $0xFFFF0000, v7;
	v7 =	vld [tilespmem:s23+$0xE2B0]  }
0x163: {  	[tilespmem:s23+$0x16270] =	vst v0;
	v0 =	vadd.f32 v1, v4;
	v1 =	vshll.u32 v9, $0x10;
	v4 =	vand.u32 $0xFFFF0000, v9;
	v9 =	vld [tilespmem:s23+$0x6300]  }
0x164: {  	[tilespmem:s23+$0x16280] =	vst v2;
	v2 =	vadd.f32 v4, v5;
	v4 =	vshll.u32 v10, $0x10;
	v5 =	vand.u32 $0xFFFF0000, v10;
	v10 =	vld [tilespmem:s23+$0xE300]  }
0x165: {  	[tilespmem:s23+$0x16290] =	vst v0;
	v0 =	vadd.f32 v1, v3;
	v1 =	vshll.u32 v8, $0x10;
	v3 =	vand.u32 $0xFFFF0000, v8;
	v8 =	vld [tilespmem:s23+$0x6310]  }
0x166: {  	[tilespmem:s23+$0x162A0] =	vst v2;
	v2 =	vadd.f32 v3, v5;
	v3 =	vshll.u32 v6, $0x10;
	v5 =	vand.u32 $0xFFFF0000, v6;
	v6 =	vld [tilespmem:s23+$0xE310]  }
0x167: {  	[tilespmem:s23+$0x162B0] =	vst v0;
	v0 =	vadd.f32 v1, v4;
	v1 =	vshll.u32 v7, $0x10;
	v4 =	vand.u32 $0xFFFF0000, v7;
	v7 =	vld [tilespmem:s23+$0x6320]  }
0x168: {  	[tilespmem:s23+$0x162C0] =	vst v2;
	v2 =	vadd.f32 v4, v5;
	v4 =	vshll.u32 v9, $0x10;
	v5 =	vand.u32 $0xFFFF0000, v9;
	v9 =	vld [tilespmem:s23+$0xE320]  }
0x169: {  	[tilespmem:s23+$0x162D0] =	vst v0;
	v0 =	vadd.f32 v1, v3;
	v1 =	vshll.u32 v10, $0x10;
	v3 =	vand.u32 $0xFFFF0000, v10;
	v10 =	vld [tilespmem:s23+$0x6330]  }
0x16a: {  	[tilespmem:s23+$0x162E0] =	vst v2;
	v2 =	vadd.f32 v3, v5;
	v3 =	vshll.u32 v8, $0x10;
	v5 =	vand.u32 $0xFFFF0000, v8;
	v8 =	vld [tilespmem:s23+$0xE330]  }
0x16b: {  	[tilespmem:s23+$0x162F0] =	vst v0;
	v0 =	vadd.f32 v1, v4;
	v1 =	vshll.u32 v6, $0x10;
	v4 =	vand.u32 $0xFFFF0000, v6;
	v11 =	vld [tilespmem:s23+$0x6380]  }
0x16c: {  	[tilespmem:s23+$0x16300] =	vst v2;
	v4 =	vadd.f32 v4, v5;
	v5 =	vshll.u32 v7, $0x10;
	v6 =	vand.u32 $0xFFFF0000, v7;
	v12 =	vld [tilespmem:s23+$0xE380]  }
.Ltmp1:
0x16d: {  	[tilespmem:s23+$0x16310] =	vst v0;
	v0 =	vadd.f32 v1, v3;
	v1 =	vshll.u32 v9, $0x10;
	v3 =	vand.u32 $0xFFFF0000, v9;
	v2 =	vld [tilespmem:s23+$0x6390];
	(pc) =	sbr.rel @p0 .LBB2_5-.Ltmp1, $4  }
0x16e: {  	[tilespmem:s23+$0x16320] =	vst v4;
	v4 =	vadd.f32 v3, v6;
	v9 =	vshll.u32 v10, $0x10;
	v6 =	vand.u32 $0xFFFF0000, v10;
	v3 =	vld [tilespmem:s23+$0xE390]  }
0x16f: {  	v10 =	vadd.f32 v1, v5;
	[tilespmem:s23+$0x16330] =	vst v0;
	v13 =	vshll.u32 v8, $0x10;
	v0 =	vand.u32 $0xFFFF0000, v8;
	v1 =	vld [tilespmem:s23+$0x63A0]  }
0x170: {  	s24 =	sshra.s32 s25, $0x2;
	[tilespmem:s23+$0x16340] =	vst v4;
	v6 =	vadd.f32 v0, v6;
	v5 =	vshll.u32 v11, $0x10;
	v7 =	vand.u32 $0xFFFF0000, v11;
	v4 =	vld [tilespmem:s23+$0xE3A0]  }
0x171: {  	s25 =	sadd.s32 $0x800, s25;
	v9 =	vadd.f32 v13, v9;
	v0 =	vld [tilespmem:s24+$0x63B0];
	[tilespmem:s23+$0x16350] =	vst v10;
	v8 =	vshll.u32 v12, $0x10;
	v10 =	vand.u32 $0xFFFF0000, v12  }
0x172: {  	v11 =	vld [tilespmem:s24+$0xE3B0];
	[tilespmem:s23+$0x16360] =	vst v6;
	v7 =	vadd.f32 v10, v7  }
0x173: {  	v6 =	vld [tilespmem:s24+$0x6200];
	[tilespmem:s23+$0x16370] =	vst v9  }
0x174: {  	v5 =	vadd.f32 v8, v5;
	v8 =	vand.u32 $0xFFFF0000, v3;
	v9 =	vld [tilespmem:s24+$0xE200];
	[tilespmem:s23+$0x16380] =	vst v7;
	v7 =	vand.u32 $0xFFFF0000, v2  }
0x175: {  	v3 =	vshll.u32 v3, $0x10;
	v2 =	vshll.u32 v2, $0x10;
	v7 =	vadd.f32 v8, v7  }
0x176: {  	v10 =	vld [tilespmem:s24+$0x6210];
	[tilespmem:s23+$0x16390] =	vst v5;
	v2 =	vadd.f32 v3, v2  }
0x177: {  	v3 =	vand.u32 $0xFFFF0000, v1;
	v5 =	vld [tilespmem:s24+$0xE210];
	[tilespmem:s23+$0x163A0] =	vst v7;
	v7 =	vand.u32 $0xFFFF0000, v4  }
0x178: {  	v1 =	vshll.u32 v1, $0x10;
	v8 =	vld [tilespmem:s24+$0x6220];
	v3 =	vadd.f32 v7, v3;
	[tilespmem:s23+$0x163B0] =	vst v2;
	v2 =	vshll.u32 v4, $0x10  }
0x179: {  	v1 =	vadd.f32 v2, v1  }
0x17a: {  	v4 =	vld [tilespmem:s24+$0xE220];
	v2 =	vshll.u32 v0, $0x10;
	[tilespmem:s23+$0x163C0] =	vst v3  }
0x17b: {  	v0 =	vand.u32 $0xFFFF0000, v0;
	v12 =	vand.u32 $0xFFFF0000, v9;
	v7 =	vld [tilespmem:s24+$0x6230];
	[tilespmem:s23+$0x163D0] =	vst v1;
	v1 =	vand.u32 $0xFFFF0000, v11  }
0x17c: {  	v3 =	vshll.u32 v11, $0x10;
	v11 =	vand.u32 $0xFFFF0000, v6;
	v0 =	vadd.f32 v1, v0  }
0x17d: {  	v9 =	vshll.u32 v9, $0x10;
	v6 =	vshll.u32 v6, $0x10;
	v1 =	vadd.f32 v12, v11  }
0x17e: {  	[tilespmem:s24+$0x163E0] =	vst v0;
	v0 =	vadd.f32 v9, v6  }
0x17f: {  	v2 =	vadd.f32 v3, v2;
	[tilespmem:s24+$0x16200] =	vst v1;
	v1 =	vand.u32 $0xFFFF0000, v10;
	v6 =	vand.u32 $0xFFFF0000, v5  }
0x180: {  	v3 =	vld [tilespmem:s24+$0xE230];
	v5 =	vshll.u32 v5, $0x10;
	v1 =	vadd.f32 v6, v1;
	[tilespmem:s24+$0x16210] =	vst v0;
	v0 =	vshll.u32 v10, $0x10  }
0x181: {  	[tilespmem:s24+$0x163F0] =	vst v2;
	v0 =	vadd.f32 v5, v0  }
0x182: {  	v2 =	vld [tilespmem:s24+$0x6280];
	[tilespmem:s24+$0x16220] =	vst v1;
	v1 =	vand.u32 $0xFFFF0000, v8;
	v5 =	vand.u32 $0xFFFF0000, v4  }
0x183: {  	v9 =	vld [tilespmem:s24+$0xE280];
	v4 =	vshll.u32 v4, $0x10;
	v1 =	vadd.f32 v5, v1;
	[tilespmem:s24+$0x16230] =	vst v0;
	v0 =	vshll.u32 v8, $0x10  }
0x184: {  	v0 =	vadd.f32 v4, v0  }
0x185: {  	v6 =	vld [tilespmem:s24+$0x6290];
	[tilespmem:s24+$0x16240] =	vst v1;
	v1 =	vand.u32 $0xFFFF0000, v7;
	v4 =	vand.u32 $0xFFFF0000, v3  }
0x186: {  	v10 =	vld [tilespmem:s24+$0xE290];
	v3 =	vshll.u32 v3, $0x10;
	v1 =	vadd.f32 v4, v1;
	[tilespmem:s24+$0x16250] =	vst v0;
	v0 =	vshll.u32 v7, $0x10  }
0x187: {  	v0 =	vadd.f32 v3, v0  }
0x188: {  	v5 =	vld [tilespmem:s24+$0x62A0];
	[tilespmem:s24+$0x16260] =	vst v1;
	v1 =	vand.u32 $0xFFFF0000, v2;
	v3 =	vand.u32 $0xFFFF0000, v9  }
0x189: {  	v8 =	vld [tilespmem:s24+$0xE2A0];
	v1 =	vadd.f32 v3, v1;
	[tilespmem:s24+$0x16270] =	vst v0;
	v0 =	vshll.u32 v2, $0x10;
	v2 =	vshll.u32 v9, $0x10  }
0x18a: {  	v0 =	vadd.f32 v2, v0  }
0x18b: {  	v4 =	vld [tilespmem:s24+$0x62B0];
	[tilespmem:s24+$0x16280] =	vst v1;
	v1 =	vand.u32 $0xFFFF0000, v6;
	v2 =	vand.u32 $0xFFFF0000, v10  }
0x18c: {  	v7 =	vld [tilespmem:s24+$0xE2B0];
	v1 =	vadd.f32 v2, v1;
	v2 =	vshll.u32 v10, $0x10;
	[tilespmem:s24+$0x16290] =	vst v0;
	v0 =	vshll.u32 v6, $0x10  }
0x18d: {  	v0 =	vadd.f32 v2, v0  }
0x18e: {  	v3 =	vld [tilespmem:s24+$0x6300];
	[tilespmem:s24+$0x162A0] =	vst v1;
	v1 =	vand.u32 $0xFFFF0000, v5;
	v2 =	vand.u32 $0xFFFF0000, v8  }
0x18f: {  	v9 =	vld [tilespmem:s24+$0xE300];
	v1 =	vadd.f32 v2, v1;
	v2 =	vshll.u32 v8, $0x10;
	[tilespmem:s24+$0x162B0] =	vst v0;
	v0 =	vshll.u32 v5, $0x10  }
0x190: {  	v0 =	vadd.f32 v2, v0  }
0x191: {  	v10 =	vld [tilespmem:s24+$0xE310];
	[tilespmem:s24+$0x162C0] =	vst v1;
	v1 =	vand.u32 $0xFFFF0000, v4;
	v2 =	vand.u32 $0xFFFF0000, v7  }
0x192: {  	v6 =	vld [tilespmem:s24+$0x6310];
	v1 =	vadd.f32 v2, v1;
	v2 =	vshll.u32 v7, $0x10;
	[tilespmem:s24+$0x162D0] =	vst v0;
	v0 =	vshll.u32 v4, $0x10  }
0x193: {  	v0 =	vadd.f32 v2, v0  }
0x194: {  	v8 =	vld [tilespmem:s24+$0xE320];
	[tilespmem:s24+$0x162E0] =	vst v1;
	v1 =	vand.u32 $0xFFFF0000, v3;
	v2 =	vand.u32 $0xFFFF0000, v9  }
0x195: {  	v5 =	vld [tilespmem:s24+$0x6320];
	v1 =	vadd.f32 v2, v1;
	v2 =	vshll.u32 v9, $0x10;
	[tilespmem:s24+$0x162F0] =	vst v0;
	v0 =	vshll.u32 v3, $0x10  }
0x196: {  	v7 =	vld [tilespmem:s24+$0xE330];
	v0 =	vadd.f32 v2, v0  }
0x197: {  	v4 =	vld [tilespmem:s24+$0x6330];
	[tilespmem:s24+$0x16300] =	vst v1;
	v1 =	vand.u32 $0xFFFF0000, v6;
	v2 =	vand.u32 $0xFFFF0000, v10  }
0x198: {  	v9 =	vld [tilespmem:s24+$0xE380];
	v1 =	vadd.f32 v2, v1;
	v2 =	vshll.u32 v10, $0x10;
	[tilespmem:s24+$0x16310] =	vst v0;
	v0 =	vshll.u32 v6, $0x10  }
0x199: {  	v3 =	vld [tilespmem:s24+$0x6380];
	v0 =	vadd.f32 v2, v0  }
0x19a: {  	v10 =	vld [tilespmem:s24+$0xE390];
	[tilespmem:s24+$0x16320] =	vst v1;
	v1 =	vand.u32 $0xFFFF0000, v5;
	v2 =	vand.u32 $0xFFFF0000, v8  }
0x19b: {  	v6 =	vld [tilespmem:s24+$0x6390];
	v1 =	vadd.f32 v2, v1;
	v2 =	vshll.u32 v8, $0x10;
	[tilespmem:s24+$0x16330] =	vst v0;
	v0 =	vshll.u32 v5, $0x10  }
0x19c: {  	v8 =	vand.u32 $0xFFFF0000, v4;
	v5 =	vld [tilespmem:s24+$0x63A0];
	v0 =	vadd.f32 v2, v0;
	v2 =	vand.u32 $0xFFFF0000, v7  }
0x19d: {  	[tilespmem:s24+$0x16340] =	vst v1;
	v1 =	vshll.u32 v4, $0x10;
	v4 =	vshll.u32 v7, $0x10;
	v7 =	vld [tilespmem:s24+$0xE3A0];
	v2 =	vadd.f32 v2, v8  }
0x19e: {  	v8 =	vand.u32 $0xFFFF0000, v3;
	[tilespmem:s24+$0x16350] =	vst v0;
	v0 =	vadd.f32 v4, v1;
	v1 =	vand.u32 $0xFFFF0000, v9  }
0x19f: {  	v3 =	vshll.u32 v3, $0x10;
	v4 =	vshll.u32 v9, $0x10;
	[tilespmem:s24+$0x16360] =	vst v2;
	v1 =	vadd.f32 v1, v8  }
0x1a0: {  	v2 =	vand.u32 $0xFFFF0000, v6;
	[tilespmem:s24+$0x16370] =	vst v0;
	v0 =	vadd.f32 v4, v3;
	v3 =	vand.u32 $0xFFFF0000, v10  }
0x1a1: {  	v4 =	vshll.u32 v6, $0x10;
	v6 =	vshll.u32 v10, $0x10;
	[tilespmem:s24+$0x16380] =	vst v1;
	v1 =	vadd.f32 v3, v2  }
0x1a2: {  	v2 =	vand.u32 $0xFFFF0000, v5;
	v3 =	vand.u32 $0xFFFF0000, v7;
	[tilespmem:s24+$0x16390] =	vst v0;
	v0 =	vadd.f32 v6, v4  }
0x1a3: {  	v4 =	vshll.u32 v5, $0x10;
	v5 =	vshll.u32 v7, $0x10;
	[tilespmem:s24+$0x163A0] =	vst v1;
	v1 =	vadd.f32 v3, v2  }
0x1a4: {  	s22 =	sadd.s32 s22, s12;
	v2 =	vadd.f32 v5, v4;
	[tilespmem:s24+$0x163B0] =	vst v0  }
0x1a5: {  	s22 =	sshrl.u32 s22, $0x3;
	[tilespmem:s24+$0x163C0] =	vst v1  }
0x1a6: {  	s22 =	sadd.s32 s1, s22;
	[tilespmem:s24+$0x163D0] =	vst v2  }
0x1a7: {  	[hbm4b:s22+s4] =	stream.linear.scatter [tilespmem:s15], [sflag:$0x8], $0x4000, $0x38;
	[tilespmem:$0x1A200] =	vst v63  }
0x1a8: {  	_ =	swait.ge [sflag:s26], $0x180  }
0x1a9: {  	[sflag:s26] =	ssyncset.done $0x0  }
0x1aa: {  	[sflag:s26] =	ssyncadd.s32 $0xFFFFFE80  }
0x1ab: {  	v0 =	vld [tilespmem:$0x1E00]  }
0x1ac: {  	v1 =	vld [tilespmem:$0x1E80]  }
0x1ad: {  	v2 =	vld [tilespmem:$0x1F00]  }
0x1ae: {  	v3 =	vld [tilespmem:$0x1E10]  }
0x1af: {  	v4 =	vld [tilespmem:$0x1E90]  }
0x1b0: {  	v5 =	vld [tilespmem:$0x1F10]  }
0x1b1: {  	v6 =	vld [tilespmem:$0x1E20]  }
0x1b2: {  	v7 =	vld [tilespmem:$0x1EA0]  }
0x1b3: {  	v8 =	vld [tilespmem:$0x1F20]  }
0x1b4: {  	v9 =	vld [tilespmem:$0x1E30]  }
0x1b5: {  	v10 =	vld [tilespmem:$0x1EB0]  }
0x1b6: {  	v11 =	vld [tilespmem:$0x1F30]  }
0x1b7: {  	v61 =	vld [tilespmem:$0x1E40];
	v0 =	vshll.u32 v0, $0x3  }
0x1b8: {  	v0 =	vadd.s32 v1, v0;
	v1 =	vld [tilespmem:$0x1EC0]  }
0x1b9: {  	[tilespmem:$0x2080] =	vst v0;
	v0 =	vadd.s32 $0xC8, v2;
	v2 =	vshll.u32 v3, $0x3;
	v3 =	vld [tilespmem:$0x1F40]  }
0x1ba: {  	[tilespmem:$0x2180] =	vst v0;
	v0 =	vadd.s32 v4, v2;
	v2 =	vld [tilespmem:$0x1E50]  }
0x1bb: {  	v4 =	vshll.u32 v6, $0x3;
	v6 =	vshll.u32 v9, $0x3;
	v9 =	vld [tilespmem:$0x1F60];
	[tilespmem:$0x2090] =	vst v0;
	v0 =	vadd.s32 $0xC8, v5  }
0x1bc: {  	v5 =	vld [tilespmem:$0x1ED0];
	[tilespmem:$0x2190] =	vst v0;
	v0 =	vadd.s32 v7, v4  }
0x1bd: {  	v4 =	vld [tilespmem:$0x1F50];
	[tilespmem:$0x20A0] =	vst v0;
	v0 =	vadd.s32 $0xC8, v8  }
0x1be: {  	v7 =	vld [tilespmem:$0x1E60];
	[tilespmem:$0x21A0] =	vst v0;
	v0 =	vadd.s32 v10, v6  }
0x1bf: {  	v8 =	vshll.u32 v61, $0x3;
	v6 =	vld [tilespmem:$0x1EE0];
	[tilespmem:$0x20B0] =	vst v0;
	v0 =	vadd.s32 $0xC8, v11  }
0x1c0: {  	[tilespmem:$0x21B0] =	vst v0;
	v0 =	vadd.s32 v1, v8;
	v1 =	vld [tilespmem:$0x1E70]  }
0x1c1: {  	v2 =	vshll.u32 v2, $0x3;
	[tilespmem:$0x20C0] =	vst v0;
	v0 =	vadd.s32 $0xC8, v3;
	v3 =	vld [tilespmem:$0x1EF0]  }
0x1c2: {  	[tilespmem:$0x21C0] =	vst v0;
	v0 =	vadd.s32 v5, v2;
	v2 =	vld [tilespmem:$0x1F70]  }
0x1c3: {  	[tilespmem:$0x20D0] =	vst v0;
	v0 =	vadd.s32 $0xC8, v4;
	v4 =	vshll.u32 v7, $0x3  }
0x1c4: {  	[tilespmem:$0x21D0] =	vst v0;
	v0 =	vadd.s32 v6, v4  }
0x1c5: {  	[tilespmem:$0x20E0] =	vst v0;
	v0 =	vadd.s32 $0xC8, v9;
	v1 =	vshll.u32 v1, $0x3  }
0x1c6: {  	p0 =	seq.s32 s17, $0x31;
	[tilespmem:$0x21E0] =	vst v0;
	v0 =	vadd.s32 v3, v1  }
0x1c7: {  	s22 =	sadd.s32 @!p0 s14, s13;
	[tilespmem:$0x20F0] =	vst v0;
	v0 =	vadd.s32 $0xC8, v2  }
0x1c8: {  	s22 =	sshll.u32 @!p0 s22, $0x6;
	[tilespmem:$0x21F0] =	vst v0  }
0x1c9: {  	[tilespmem:s29], [sflag:$0x4] =	stream.indirect.gather [spmem:s3], $0x40, s28, s20, $0xb8;
	[tilespmem:$0x1A200] =	vst v63  }
0x1ca: {  	s22 =	sand.u32 @!p0 $0x1FFFFF00, s22  }
0x1cb: {  	[tilespmem:s31], [sflag:$0x6] =	stream.indirect.gather [spmem:s3], $0x40, s30, s20, $0xb8;
	[tilespmem:$0x1A200] =	vst v63  }
0x1cc: {  	s23 =	simm.s32 @!p0 $0x0;
	s24 =	simm.s32 @!p0 $0x1C00;
	s22 =	sadd.s32 @!p0 s5, s22  }
0x1cd: {  	[tilespmem:s24], [sflag:$0x1] =	stream.linear.gather @!p0 [hbm4b:s22+s23], $0x180, $0x38;
	[tilespmem:$0x1A200] =	vst v63  }
0x1ce: {  	_ =	swait.ge [sflag:s16], $0x4000  }
0x1cf: {  	[sflag:s16] =	ssyncset.done $0x0  }
0x1d0: {  	[sflag:s16] =	ssyncadd.s32 $0xFFFFC000  }
0x1d1: {  	_ =	swait.ge [sflag:s0], $0x2000  }
0x1d2: {  	[sflag:s0] =	ssyncset.done $0x0  }
0x1d3: {  	[sflag:s0] =	ssyncadd.s32 $0xFFFFE000  }
0x1d4: {  	_ =	swait.ge [sflag:s2], $0x2000  }
0x1d5: {  	[sflag:s2] =	ssyncset.done $0x0  }
0x1d6: {  	s22 =	simm.s32 $0x0;
	[sflag:s2] =	ssyncadd.s32 $0xFFFFE000  }
0x1d7: {  	v0 =	vld [tilespmem:s22+$0x23B0]  }
0x1d8: {  	v1 =	vld [tilespmem:s22+$0xA3B0]  }
0x1d9: {  	v2 =	vld [tilespmem:s22+$0x2200]  }
0x1da: {  	v3 =	vld [tilespmem:s22+$0xA200];
	_ =	sdelay $0x1  }
0x1db: {  	v4 =	vld [tilespmem:s22+$0x2210]  }
0x1dc: {  	v5 =	vld [tilespmem:s22+$0xA210];
	v7 =	vshll.u32 v0, $0x10  }
0x1dd: {  	v8 =	vshll.u32 v1, $0x10;
	v0 =	vand.u32 $0xFFFF0000, v0;
	v1 =	vand.u32 $0xFFFF0000, v1  }
0x1de: {  	v6 =	vld [tilespmem:s22+$0x2220];
	v11 =	vand.u32 $0xFFFF0000, v2;
	v62 =	vand.u32 $0xFFFF0000, v3;
	v0 =	vadd.f32 v1, v0  }
0x1df: {  	v9 =	vld [tilespmem:s22+$0xA220];
	v2 =	vshll.u32 v2, $0x10;
	v3 =	vshll.u32 v3, $0x10;
	v1 =	vadd.f32 v62, v11  }
0x1e0: {  	[tilespmem:s22+$0x123E0] =	vst v0;
	v0 =	vadd.f32 v3, v2  }
0x1e1: {  	v10 =	vld [tilespmem:s22+$0xA230];
	v7 =	vadd.f32 v8, v7;
	[tilespmem:s22+$0x12200] =	vst v1;
	v1 =	vand.u32 $0xFFFF0000, v4;
	v2 =	vand.u32 $0xFFFF0000, v5  }
0x1e2: {  	v8 =	vld [tilespmem:s22+$0x2230];
	v1 =	vadd.f32 v2, v1;
	v2 =	vshll.u32 v5, $0x10;
	[tilespmem:s22+$0x12210] =	vst v0;
	v0 =	vshll.u32 v4, $0x10  }
0x1e3: {  	[tilespmem:s22+$0x123F0] =	vst v7;
	v0 =	vadd.f32 v2, v0  }
0x1e4: {  	v7 =	vld [tilespmem:s22+$0x2280];
	[tilespmem:s22+$0x12220] =	vst v1;
	v1 =	vand.u32 $0xFFFF0000, v6;
	v2 =	vand.u32 $0xFFFF0000, v9  }
0x1e5: {  	v3 =	vld [tilespmem:s22+$0xA280];
	v1 =	vadd.f32 v2, v1;
	v2 =	vshll.u32 v9, $0x10;
	[tilespmem:s22+$0x12230] =	vst v0;
	v0 =	vshll.u32 v6, $0x10  }
0x1e6: {  	v0 =	vadd.f32 v2, v0  }
0x1e7: {  	v5 =	vld [tilespmem:s22+$0xA290];
	[tilespmem:s22+$0x12240] =	vst v1;
	v1 =	vand.u32 $0xFFFF0000, v8;
	v2 =	vand.u32 $0xFFFF0000, v10  }
0x1e8: {  	v4 =	vld [tilespmem:s22+$0x2290];
	v1 =	vadd.f32 v2, v1;
	v2 =	vshll.u32 v10, $0x10;
	[tilespmem:s22+$0x12250] =	vst v0;
	v0 =	vshll.u32 v8, $0x10  }
0x1e9: {  	v0 =	vadd.f32 v2, v0  }
0x1ea: {  	v9 =	vld [tilespmem:s22+$0xA2A0];
	[tilespmem:s22+$0x12260] =	vst v1;
	v1 =	vand.u32 $0xFFFF0000, v7;
	v2 =	vand.u32 $0xFFFF0000, v3  }
0x1eb: {  	v6 =	vld [tilespmem:s22+$0x22A0];
	v1 =	vadd.f32 v2, v1;
	v2 =	vshll.u32 v3, $0x10;
	[tilespmem:s22+$0x12270] =	vst v0;
	v0 =	vshll.u32 v7, $0x10  }
0x1ec: {  	v0 =	vadd.f32 v2, v0  }
0x1ed: {  	v10 =	vld [tilespmem:s22+$0xA2B0];
	[tilespmem:s22+$0x12280] =	vst v1;
	v1 =	vand.u32 $0xFFFF0000, v4;
	v2 =	vand.u32 $0xFFFF0000, v5  }
0x1ee: {  	v8 =	vld [tilespmem:s22+$0x22B0];
	v1 =	vadd.f32 v2, v1;
	v2 =	vshll.u32 v5, $0x10;
	[tilespmem:s22+$0x12290] =	vst v0;
	v0 =	vshll.u32 v4, $0x10  }
0x1ef: {  	v0 =	vadd.f32 v2, v0  }
0x1f0: {  	v3 =	vld [tilespmem:s22+$0x2300];
	[tilespmem:s22+$0x122A0] =	vst v1;
	v1 =	vand.u32 $0xFFFF0000, v6;
	v2 =	vand.u32 $0xFFFF0000, v9  }
0x1f1: {  	v7 =	vld [tilespmem:s22+$0xA300];
	v1 =	vadd.f32 v2, v1;
	v2 =	vshll.u32 v9, $0x10;
	[tilespmem:s22+$0x122B0] =	vst v0;
	v0 =	vshll.u32 v6, $0x10  }
0x1f2: {  	v0 =	vadd.f32 v2, v0  }
0x1f3: {  	v5 =	vld [tilespmem:s22+$0xA310];
	[tilespmem:s22+$0x122C0] =	vst v1;
	v1 =	vand.u32 $0xFFFF0000, v8;
	v2 =	vand.u32 $0xFFFF0000, v10  }
0x1f4: {  	v4 =	vld [tilespmem:s22+$0x2310];
	v1 =	vadd.f32 v2, v1;
	v2 =	vshll.u32 v10, $0x10;
	[tilespmem:s22+$0x122D0] =	vst v0;
	v0 =	vshll.u32 v8, $0x10  }
0x1f5: {  	v9 =	vld [tilespmem:s22+$0xA320];
	v0 =	vadd.f32 v2, v0  }
0x1f6: {  	v6 =	vld [tilespmem:s22+$0x2320];
	[tilespmem:s22+$0x122E0] =	vst v1;
	v1 =	vand.u32 $0xFFFF0000, v3;
	v2 =	vand.u32 $0xFFFF0000, v7  }
0x1f7: {  	v10 =	vld [tilespmem:s22+$0xA330];
	v1 =	vadd.f32 v2, v1;
	v2 =	vshll.u32 v7, $0x10;
	[tilespmem:s22+$0x122F0] =	vst v0;
	v0 =	vshll.u32 v3, $0x10  }
0x1f8: {  	v8 =	vld [tilespmem:s22+$0x2330];
	v0 =	vadd.f32 v2, v0  }
0x1f9: {  	[tilespmem:s22+$0x12300] =	vst v1;
	v1 =	vand.u32 $0xFFFF0000, v4;
	v2 =	vand.u32 $0xFFFF0000, v5  }
0x1fa: {  	v7 =	vld [tilespmem:s22+$0x2380];
	v3 =	vshll.u32 v5, $0x10;
	v1 =	vadd.f32 v2, v1;
	[tilespmem:s22+$0x12310] =	vst v0;
	v0 =	vshll.u32 v4, $0x10  }
0x1fb: {  	v11 =	vld [tilespmem:s22+$0xA380];
	v5 =	vshll.u32 v9, $0x10;
	v0 =	vadd.f32 v3, v0  }
0x1fc: {  	v63 =	vshll.u32 v10, $0x10;
	v2 =	vld [tilespmem:s22+$0x2390];
	v4 =	vand.u32 $0xFFFF0000, v9;
	[tilespmem:s22+$0x12320] =	vst v1;
	v1 =	vand.u32 $0xFFFF0000, v6  }
0x1fd: {  	v9 =	vshll.u32 v8, $0x10;
	v3 =	vld [tilespmem:s22+$0xA390];
	v4 =	vadd.f32 v4, v1;
	[tilespmem:s22+$0x12330] =	vst v0;
	v0 =	vshll.u32 v6, $0x10  }
0x1fe: {  	v1 =	vld [tilespmem:s22+$0x23A0];
	v6 =	vand.u32 $0xFFFF0000, v8;
	v8 =	vadd.f32 v5, v0;
	v0 =	vand.u32 $0xFFFF0000, v10  }
0x1ff: {  	s23 =	simm.s32 $0x200;
	v9 =	vadd.f32 v63, v9;
	[tilespmem:s22+$0x12340] =	vst v4;
	v4 =	vld [tilespmem:s22+$0xA3A0];
	v5 =	vshll.u32 v7, $0x10;
	v6 =	vadd.f32 v0, v6  }
0x200: {  	s24 =	simm.s32 $0x1000;
	v7 =	vand.u32 $0xFFFF0000, v7;
	v10 =	vand.u32 $0xFFFF0000, v11;
	v0 =	vld [tilespmem:s23+$0x23B0];
	[tilespmem:s22+$0x12350] =	vst v8;
	v8 =	vshll.u32 v11, $0x10  }
.LBB2_7:
0x201: {  	p1 =	sne.s32 s24, $0xF800;
	v11 =	vld [tilespmem:s23+$0xA3B0];
	[tilespmem:s22+$0x12360] =	vst v6;
	v6 =	vadd.f32 v10, v7;
	v7 =	vshll.u32 v2, $0x10;
	v2 =	vand.u32 $0xFFFF0000, v2  }
0x202: {  	v5 =	vadd.f32 v8, v5;
	v10 =	vld [tilespmem:s23+$0x2200];
	[tilespmem:s22+$0x12370] =	vst v9;
	v8 =	vshll.u32 v3, $0x10;
	v3 =	vand.u32 $0xFFFF0000, v3  }
0x203: {  	v9 =	vld [tilespmem:s23+$0xA200];
	[tilespmem:s22+$0x12380] =	vst v6;
	v2 =	vadd.f32 v3, v2;
	v3 =	vshll.u32 v1, $0x10;
	v1 =	vand.u32 $0xFFFF0000, v1  }
0x204: {  	v6 =	vld [tilespmem:s23+$0x2210];
	[tilespmem:s22+$0x12390] =	vst v5;
	v5 =	vadd.f32 v8, v7;
	v7 =	vshll.u32 v4, $0x10;
	v4 =	vand.u32 $0xFFFF0000, v4  }
0x205: {  	v8 =	vld [tilespmem:s23+$0xA210];
	v12 =	vand.u32 $0xFFFF0000, v0;
	[tilespmem:s22+$0x123A0] =	vst v2;
	v1 =	vadd.f32 v4, v1;
	v2 =	vadd.f32 v7, v3  }
0x206: {  	v0 =	vshll.u32 v0, $0x10;
	v3 =	vld [tilespmem:s23+$0x2220];
	v4 =	vshll.u32 v11, $0x10;
	v7 =	vand.u32 $0xFFFF0000, v11;
	[tilespmem:s22+$0x123B0] =	vst v5  }
0x207: {  	v5 =	vshll.u32 v10, $0x10;
	v10 =	vand.u32 $0xFFFF0000, v10;
	v11 =	vld [tilespmem:s23+$0xA220];
	v0 =	vadd.f32 v4, v0;
	[tilespmem:s22+$0x123C0] =	vst v1  }
0x208: {  	v7 =	vadd.f32 v7, v12;
	v1 =	vshll.u32 v9, $0x10;
	v4 =	vand.u32 $0xFFFF0000, v9;
	v9 =	vld [tilespmem:s23+$0x2230];
	[tilespmem:s22+$0x123D0] =	vst v2;
	s22 =	smov.u32 s23  }
0x209: {  	v2 =	vadd.f32 v4, v10;
	v4 =	vshll.u32 v6, $0x10;
	v6 =	vand.u32 $0xFFFF0000, v6;
	v10 =	vld [tilespmem:s22+$0xA230];
	[tilespmem:s22+$0x123F0] =	vst v0  }
0x20a: {  	v0 =	vadd.f32 v1, v5;
	v1 =	vshll.u32 v8, $0x10;
	v5 =	vand.u32 $0xFFFF0000, v8;
	v8 =	vld [tilespmem:s22+$0x2280];
	[tilespmem:s22+$0x123E0] =	vst v7  }
0x20b: {  	[tilespmem:s22+$0x12200] =	vst v2;
	v2 =	vadd.f32 v5, v6;
	v5 =	vshll.u32 v3, $0x10;
	v3 =	vand.u32 $0xFFFF0000, v3;
	v6 =	vld [tilespmem:s22+$0xA280]  }
0x20c: {  	[tilespmem:s22+$0x12210] =	vst v0;
	v0 =	vadd.f32 v1, v4;
	v1 =	vshll.u32 v11, $0x10;
	v4 =	vand.u32 $0xFFFF0000, v11;
	v7 =	vld [tilespmem:s22+$0x2290]  }
0x20d: {  	[tilespmem:s22+$0x12220] =	vst v2;
	v2 =	vadd.f32 v4, v3;
	v3 =	vshll.u32 v9, $0x10;
	v4 =	vand.u32 $0xFFFF0000, v9;
	v9 =	vld [tilespmem:s22+$0xA290]  }
0x20e: {  	[tilespmem:s22+$0x12230] =	vst v0;
	v0 =	vadd.f32 v1, v5;
	v1 =	vshll.u32 v10, $0x10;
	v5 =	vand.u32 $0xFFFF0000, v10;
	v10 =	vld [tilespmem:s22+$0x22A0]  }
0x20f: {  	[tilespmem:s22+$0x12240] =	vst v2;
	v2 =	vadd.f32 v5, v4;
	v4 =	vshll.u32 v8, $0x10;
	v5 =	vand.u32 $0xFFFF0000, v8;
	v8 =	vld [tilespmem:s22+$0xA2A0]  }
0x210: {  	[tilespmem:s22+$0x12250] =	vst v0;
	v0 =	vadd.f32 v1, v3;
	v1 =	vshll.u32 v6, $0x10;
	v3 =	vand.u32 $0xFFFF0000, v6;
	v6 =	vld [tilespmem:s22+$0x22B0]  }
0x211: {  	[tilespmem:s22+$0x12260] =	vst v2;
	v2 =	vadd.f32 v3, v5;
	v3 =	vshll.u32 v7, $0x10;
	v5 =	vand.u32 $0xFFFF0000, v7;
	v7 =	vld [tilespmem:s22+$0xA2B0]  }
0x212: {  	[tilespmem:s22+$0x12270] =	vst v0;
	v0 =	vadd.f32 v1, v4;
	v1 =	vshll.u32 v9, $0x10;
	v4 =	vand.u32 $0xFFFF0000, v9;
	v9 =	vld [tilespmem:s22+$0x2300]  }
0x213: {  	[tilespmem:s22+$0x12280] =	vst v2;
	v2 =	vadd.f32 v4, v5;
	v4 =	vshll.u32 v10, $0x10;
	v5 =	vand.u32 $0xFFFF0000, v10;
	v10 =	vld [tilespmem:s22+$0xA300]  }
0x214: {  	[tilespmem:s22+$0x12290] =	vst v0;
	v0 =	vadd.f32 v1, v3;
	v1 =	vshll.u32 v8, $0x10;
	v3 =	vand.u32 $0xFFFF0000, v8;
	v8 =	vld [tilespmem:s22+$0x2310]  }
0x215: {  	[tilespmem:s22+$0x122A0] =	vst v2;
	v2 =	vadd.f32 v3, v5;
	v3 =	vshll.u32 v6, $0x10;
	v5 =	vand.u32 $0xFFFF0000, v6;
	v6 =	vld [tilespmem:s22+$0xA310]  }
0x216: {  	[tilespmem:s22+$0x122B0] =	vst v0;
	v0 =	vadd.f32 v1, v4;
	v1 =	vshll.u32 v7, $0x10;
	v4 =	vand.u32 $0xFFFF0000, v7;
	v7 =	vld [tilespmem:s22+$0x2320]  }
0x217: {  	[tilespmem:s22+$0x122C0] =	vst v2;
	v2 =	vadd.f32 v4, v5;
	v4 =	vshll.u32 v9, $0x10;
	v5 =	vand.u32 $0xFFFF0000, v9;
	v9 =	vld [tilespmem:s22+$0xA320]  }
0x218: {  	[tilespmem:s22+$0x122D0] =	vst v0;
	v0 =	vadd.f32 v1, v3;
	v1 =	vshll.u32 v10, $0x10;
	v3 =	vand.u32 $0xFFFF0000, v10;
	v10 =	vld [tilespmem:s22+$0x2330]  }
0x219: {  	[tilespmem:s22+$0x122E0] =	vst v2;
	v2 =	vadd.f32 v3, v5;
	v3 =	vshll.u32 v8, $0x10;
	v5 =	vand.u32 $0xFFFF0000, v8;
	v8 =	vld [tilespmem:s22+$0xA330]  }
0x21a: {  	[tilespmem:s22+$0x122F0] =	vst v0;
	v0 =	vadd.f32 v1, v4;
	v1 =	vshll.u32 v6, $0x10;
	v4 =	vand.u32 $0xFFFF0000, v6;
	v11 =	vld [tilespmem:s22+$0x2380]  }
0x21b: {  	[tilespmem:s22+$0x12300] =	vst v2;
	v4 =	vadd.f32 v4, v5;
	v5 =	vshll.u32 v7, $0x10;
	v6 =	vand.u32 $0xFFFF0000, v7;
	v12 =	vld [tilespmem:s22+$0xA380]  }
.Ltmp2:
0x21c: {  	[tilespmem:s22+$0x12310] =	vst v0;
	v0 =	vadd.f32 v1, v3;
	v1 =	vshll.u32 v9, $0x10;
	v3 =	vand.u32 $0xFFFF0000, v9;
	v2 =	vld [tilespmem:s22+$0x2390];
	(pc) =	sbr.rel @p1 .LBB2_7-.Ltmp2, $4  }
0x21d: {  	[tilespmem:s22+$0x12320] =	vst v4;
	v4 =	vadd.f32 v3, v6;
	v9 =	vshll.u32 v10, $0x10;
	v6 =	vand.u32 $0xFFFF0000, v10;
	v3 =	vld [tilespmem:s22+$0xA390]  }
0x21e: {  	v10 =	vadd.f32 v1, v5;
	[tilespmem:s22+$0x12330] =	vst v0;
	v13 =	vshll.u32 v8, $0x10;
	v0 =	vand.u32 $0xFFFF0000, v8;
	v1 =	vld [tilespmem:s22+$0x23A0]  }
0x21f: {  	s23 =	sshra.s32 s24, $0x2;
	[tilespmem:s22+$0x12340] =	vst v4;
	v6 =	vadd.f32 v0, v6;
	v5 =	vshll.u32 v11, $0x10;
	v7 =	vand.u32 $0xFFFF0000, v11;
	v4 =	vld [tilespmem:s22+$0xA3A0]  }
0x220: {  	s24 =	sadd.s32 $0x800, s24;
	v9 =	vadd.f32 v13, v9;
	v0 =	vld [tilespmem:s23+$0x23B0];
	[tilespmem:s22+$0x12350] =	vst v10;
	v8 =	vshll.u32 v12, $0x10;
	v10 =	vand.u32 $0xFFFF0000, v12  }
0x221: {  	v11 =	vld [tilespmem:s23+$0xA3B0];
	[tilespmem:s22+$0x12360] =	vst v6;
	v7 =	vadd.f32 v10, v7  }
0x222: {  	v5 =	vadd.f32 v8, v5;
	v16 =	vand.u32 $0xFFFF0000, v2;
	v6 =	vld [tilespmem:s23+$0x2200];
	[tilespmem:s22+$0x12370] =	vst v9;
	v17 =	vand.u32 $0xFFFF0000, v3  }
0x223: {  	v19 =	vshll.u32 v2, $0x10;
	v20 =	vshll.u32 v3, $0x10;
	v9 =	vld [tilespmem:s23+$0xA200];
	[tilespmem:s22+$0x12380] =	vst v7;
	v7 =	vadd.f32 v17, v16  }
0x224: {  	v2 =	vadd.f32 v20, v19;
	v21 =	vand.u32 $0xFFFF0000, v1;
	v18 =	vld [tilespmem:s23+$0x2210];
	[tilespmem:s22+$0x12390] =	vst v5;
	v22 =	vand.u32 $0xFFFF0000, v4  }
0x225: {  	v24 =	vshll.u32 v1, $0x10;
	v25 =	vshll.u32 v4, $0x10;
	v5 =	vld [tilespmem:s23+$0xA210];
	[tilespmem:s22+$0x123A0] =	vst v7;
	v3 =	vadd.f32 v22, v21  }
0x226: {  	v1 =	vadd.f32 v25, v24;
	v23 =	vld [tilespmem:s23+$0x2220];
	[tilespmem:s22+$0x123B0] =	vst v2  }
0x227: {  	v26 =	vld [tilespmem:s23+$0xA220];
	[tilespmem:s22+$0x123C0] =	vst v3  }
0x228: {  	v29 =	vld [tilespmem:s23+$0x2230];
	[tilespmem:s22+$0x123D0] =	vst v1  }
0x229: {  	v27 =	vshll.u32 v0, $0x10;
	v32 =	vld [tilespmem:s23+$0xA230]  }
0x22a: {  	v30 =	vand.u32 $0xFFFF0000, v0;
	v28 =	vshll.u32 v11, $0x10;
	v31 =	vand.u32 $0xFFFF0000, v11;
	v35 =	vld [tilespmem:s23+$0x2280]  }
0x22b: {  	v2 =	vadd.f32 v28, v27;
	v33 =	vand.u32 $0xFFFF0000, v6;
	v0 =	vadd.f32 v31, v30;
	v39 =	vld [tilespmem:s23+$0xA280]  }
0x22c: {  	v6 =	vshll.u32 v6, $0x10;
	v12 =	vand.u32 $0xFFFF0000, v9;
	v9 =	vshll.u32 v9, $0x10;
	v41 =	vld [tilespmem:s23+$0x2290]  }
0x22d: {  	v34 =	vadd.f32 v12, v33;
	v37 =	vand.u32 $0xFFFF0000, v18;
	v44 =	vld [tilespmem:s23+$0xA290];
	v38 =	vand.u32 $0xFFFF0000, v5  }
0x22e: {  	v40 =	vshll.u32 v18, $0x10;
	v46 =	vld [tilespmem:s23+$0x22A0];
	v5 =	vshll.u32 v5, $0x10;
	v1 =	vadd.f32 v38, v37  }
0x22f: {  	[tilespmem:s23+$0x123E0] =	vst v0;
	v36 =	vadd.f32 v9, v6;
	v49 =	vld [tilespmem:s23+$0xA2A0];
	v0 =	vadd.f32 v5, v40;
	v42 =	vand.u32 $0xFFFF0000, v23  }
0x230: {  	v51 =	vld [tilespmem:s23+$0x22B0];
	v45 =	vshll.u32 v23, $0x10;
	v43 =	vand.u32 $0xFFFF0000, v26;
	v4 =	vshll.u32 v26, $0x10;
	[tilespmem:s23+$0x12220] =	vst v1  }
0x231: {  	v54 =	vld [tilespmem:s23+$0xA2B0];
	v1 =	vadd.f32 v43, v42;
	[tilespmem:s23+$0x12230] =	vst v0;
	v0 =	vadd.f32 v4, v45;
	v47 =	vand.u32 $0xFFFF0000, v29  }
0x232: {  	v57 =	vld [tilespmem:s23+$0x2300];
	v50 =	vshll.u32 v29, $0x10;
	v48 =	vand.u32 $0xFFFF0000, v32;
	v3 =	vshll.u32 v32, $0x10  }
0x233: {  	[tilespmem:s23+$0x123F0] =	vst v2;
	v23 =	vld [tilespmem:s23+$0x2330];
	v52 =	vand.u32 $0xFFFF0000, v35;
	v53 =	vand.u32 $0xFFFF0000, v39;
	v55 =	vshll.u32 v35, $0x10  }
0x234: {  	[tilespmem:s23+$0x12200] =	vst v34;
	v26 =	vld [tilespmem:s23+$0xA330];
	v56 =	vshll.u32 v39, $0x10;
	v58 =	vand.u32 $0xFFFF0000, v41;
	v59 =	vand.u32 $0xFFFF0000, v44  }
0x235: {  	v60 =	vld [tilespmem:s23+$0xA300];
	[tilespmem:s23+$0x12210] =	vst v36;
	v61 =	vshll.u32 v41, $0x10;
	v62 =	vshll.u32 v44, $0x10;
	v12 =	vand.u32 $0xFFFF0000, v46  }
0x236: {  	v38 =	vld [tilespmem:s23+$0xA390];
	v13 =	vand.u32 $0xFFFF0000, v49;
	v15 =	vshll.u32 v46, $0x10;
	[tilespmem:s23+$0x12240] =	vst v1;
	v1 =	vadd.f32 v48, v47  }
0x237: {  	v29 =	vld [tilespmem:s23+$0x2380];
	v18 =	vand.u32 $0xFFFF0000, v51;
	v19 =	vand.u32 $0xFFFF0000, v54;
	[tilespmem:s23+$0x12250] =	vst v0;
	v0 =	vadd.f32 v3, v50  }
0x238: {  	v21 =	vshll.u32 v51, $0x10;
	v22 =	vshll.u32 v54, $0x10;
	v32 =	vld [tilespmem:s23+$0xA380];
	[tilespmem:s23+$0x12260] =	vst v1;
	v1 =	vadd.f32 v53, v52  }
0x239: {  	v35 =	vld [tilespmem:s23+$0x2390];
	v42 =	vand.u32 $0xFFFF0000, v23;
	[tilespmem:s23+$0x12270] =	vst v0;
	v0 =	vadd.f32 v56, v55;
	v43 =	vand.u32 $0xFFFF0000, v26  }
0x23a: {  	v41 =	vld [tilespmem:s23+$0x23A0];
	v44 =	vshll.u32 v23, $0x10;
	v45 =	vshll.u32 v26, $0x10;
	v2 =	vadd.f32 v43, v42;
	[tilespmem:s23+$0x12280] =	vst v1  }
0x23b: {  	v24 =	vand.u32 $0xFFFF0000, v57;
	v25 =	vand.u32 $0xFFFF0000, v60;
	v46 =	vld [tilespmem:s23+$0xA3A0];
	v48 =	vadd.f32 v45, v44;
	[tilespmem:s23+$0x12290] =	vst v0  }
0x23c: {  	v27 =	vshll.u32 v57, $0x10;
	v28 =	vshll.u32 v60, $0x10;
	v1 =	vadd.f32 v59, v58;
	[tilespmem:s23+$0x12360] =	vst v2  }
0x23d: {  	v63 =	vld [tilespmem:s23+$0x2310];
	v3 =	vshll.u32 v29, $0x10;
	v0 =	vadd.f32 v62, v61;
	v50 =	vshll.u32 v32, $0x10;
	[tilespmem:s23+$0x12370] =	vst v48  }
0x23e: {  	v53 =	vand.u32 $0xFFFF0000, v38;
	v51 =	vand.u32 $0xFFFF0000, v35;
	v52 =	vadd.f32 v50, v3;
	[tilespmem:s23+$0x122A0] =	vst v1  }
0x23f: {  	v55 =	vshll.u32 v38, $0x10;
	v54 =	vshll.u32 v35, $0x10;
	v56 =	vadd.f32 v53, v51;
	[tilespmem:s23+$0x122B0] =	vst v0  }
0x240: {  	v57 =	vand.u32 $0xFFFF0000, v41;
	v59 =	vand.u32 $0xFFFF0000, v46;
	v58 =	vadd.f32 v55, v54;
	[tilespmem:s23+$0x12390] =	vst v52  }
0x241: {  	v60 =	vshll.u32 v41, $0x10;
	v61 =	vshll.u32 v46, $0x10;
	v62 =	vadd.f32 v59, v57;
	[tilespmem:s23+$0x123A0] =	vst v56  }
0x242: {  	v30 =	vand.u32 $0xFFFF0000, v63;
	v33 =	vshll.u32 v63, $0x10;
	v63 =	vadd.f32 v61, v60;
	[tilespmem:s23+$0x123B0] =	vst v58  }
0x243: {  	v14 =	vld [tilespmem:s23+$0xA310];
	v16 =	vshll.u32 v49, $0x10;
	v1 =	vadd.f32 v13, v12;
	[tilespmem:s23+$0x123C0] =	vst v62  }
0x244: {  	v17 =	vld [tilespmem:s23+$0x2320];
	v0 =	vadd.f32 v16, v15;
	[tilespmem:s23+$0x123D0] =	vst v63  }
0x245: {  	v20 =	vld [tilespmem:s23+$0xA320];
	[tilespmem:s23+$0x122C0] =	vst v1;
	v1 =	vadd.f32 v19, v18  }
0x246: {  	[tilespmem:s23+$0x122D0] =	vst v0;
	v0 =	vadd.f32 v22, v21  }
0x247: {  	[tilespmem:s23+$0x122E0] =	vst v1;
	v1 =	vadd.f32 v25, v24  }
0x248: {  	v31 =	vand.u32 $0xFFFF0000, v14;
	[tilespmem:s23+$0x122F0] =	vst v0;
	v0 =	vadd.f32 v28, v27  }
0x249: {  	v34 =	vshll.u32 v14, $0x10;
	[tilespmem:s23+$0x12300] =	vst v1;
	v1 =	vadd.f32 v31, v30  }
0x24a: {  	v36 =	vand.u32 $0xFFFF0000, v17;
	v37 =	vand.u32 $0xFFFF0000, v20;
	[tilespmem:s23+$0x12310] =	vst v0;
	v0 =	vadd.f32 v34, v33  }
0x24b: {  	v39 =	vshll.u32 v17, $0x10;
	v40 =	vshll.u32 v20, $0x10;
	[tilespmem:s23+$0x12320] =	vst v1;
	v1 =	vadd.f32 v37, v36  }
.Ltmp3:
0x24c: {  	s21 =	sshll.u32 s21, $0xE;
	v47 =	vand.u32 $0xFFFF0000, v29;
	v49 =	vand.u32 $0xFFFF0000, v32;
	[tilespmem:s23+$0x12330] =	vst v0;
	v0 =	vadd.f32 v40, v39;
	(pc) =	sbr.rel @p0 .LBB2_10-.Ltmp3, $4  }
0x24d: {  	s21 =	sadd.s32 s7, s21;
	[tilespmem:s23+$0x12340] =	vst v1;
	v1 =	vadd.f32 v49, v47  }
0x24e: {  	s21 =	sshrl.u32 s21, $0x3;
	[tilespmem:s23+$0x12350] =	vst v0  }
0x24f: {  	s21 =	sadd.s32 s1, s21;
	[tilespmem:s23+$0x12380] =	vst v1  }
0x250: {  	[hbm4b:s21+s4] =	stream.linear.scatter [tilespmem:s8], [sflag:$0x7], $0x4000, $0x38;
	[tilespmem:$0x1A200] =	vst v63  }
0x251: {  	_ =	swait.ge [sflag:s19], $0x180  }
0x252: {  	[sflag:s19] =	ssyncset.done $0x0  }
0x253: {  	[sflag:s19] =	ssyncadd.s32 $0xFFFFFE80  }
0x254: {  	v0 =	vld [tilespmem:$0x1C00]  }
0x255: {  	v1 =	vld [tilespmem:$0x1C80]  }
0x256: {  	v2 =	vld [tilespmem:$0x1D00]  }
0x257: {  	v3 =	vld [tilespmem:$0x1C10]  }
0x258: {  	v4 =	vld [tilespmem:$0x1C90]  }
0x259: {  	v5 =	vld [tilespmem:$0x1D10]  }
0x25a: {  	v6 =	vld [tilespmem:$0x1C20]  }
0x25b: {  	v7 =	vld [tilespmem:$0x1CA0]  }
0x25c: {  	v8 =	vld [tilespmem:$0x1D20]  }
0x25d: {  	v9 =	vld [tilespmem:$0x1C30]  }
0x25e: {  	v10 =	vld [tilespmem:$0x1CB0]  }
0x25f: {  	v11 =	vld [tilespmem:$0x1D30]  }
0x260: {  	v36 =	vld [tilespmem:$0x1D40]  }
0x261: {  	v43 =	vld [tilespmem:$0x1D50];
	v34 =	vadd.s32 $0xC8, v2  }
0x262: {  	v51 =	vld [tilespmem:$0x1D60];
	v39 =	vadd.s32 $0xC8, v5;
	[tilespmem:$0x2100] =	vst v34  }
0x263: {  	v57 =	vld [tilespmem:$0x1D70];
	v44 =	vadd.s32 $0xC8, v8;
	[tilespmem:$0x2110] =	vst v39  }
0x264: {  	v12 =	vld [tilespmem:$0x1C40];
	v49 =	vadd.s32 $0xC8, v11;
	[tilespmem:$0x2120] =	vst v44  }
0x265: {  	v33 =	vld [tilespmem:$0x1CC0];
	v54 =	vadd.s32 $0xC8, v36;
	[tilespmem:$0x2130] =	vst v49  }
0x266: {  	v38 =	vld [tilespmem:$0x1C50];
	v58 =	vadd.s32 $0xC8, v43;
	[tilespmem:$0x2140] =	vst v54  }
0x267: {  	v41 =	vld [tilespmem:$0x1CD0];
	v61 =	vadd.s32 $0xC8, v51;
	[tilespmem:$0x2150] =	vst v58  }
0x268: {  	v46 =	vld [tilespmem:$0x1C60];
	v0 =	vshll.u32 v0, $0x3;
	v63 =	vadd.s32 $0xC8, v57;
	[tilespmem:$0x2160] =	vst v61  }
0x269: {  	v48 =	vld [tilespmem:$0x1CE0];
	v35 =	vshll.u32 v3, $0x3;
	v0 =	vadd.s32 v1, v0;
	[tilespmem:$0x2170] =	vst v63  }
0x26a: {  	v53 =	vld [tilespmem:$0x1C70];
	v40 =	vshll.u32 v6, $0x3;
	v37 =	vadd.s32 v4, v35;
	[tilespmem:$0x2000] =	vst v0  }
0x26b: {  	v55 =	vld [tilespmem:$0x1CF0];
	v45 =	vshll.u32 v9, $0x3;
	v42 =	vadd.s32 v7, v40;
	[tilespmem:$0x2010] =	vst v37  }
0x26c: {  	v50 =	vshll.u32 v12, $0x3;
	v47 =	vadd.s32 v10, v45;
	[tilespmem:$0x2020] =	vst v42  }
0x26d: {  	v2 =	vshll.u32 v38, $0x3;
	v52 =	vadd.s32 v33, v50;
	[tilespmem:$0x2030] =	vst v47  }
0x26e: {  	v59 =	vshll.u32 v46, $0x3;
	v56 =	vadd.s32 v41, v2;
	[tilespmem:$0x2040] =	vst v52  }
0x26f: {  	s24 =	rddreg [dreg:$0x8];
	v60 =	vadd.s32 v48, v59;
	v1 =	vshll.u32 v53, $0x3;
	[tilespmem:$0x2050] =	vst v56  }
0x270: {  	s14 =	sadd.s32 s14, s24;
	[tilespmem:$0x2060] =	vst v60;
	v62 =	vadd.s32 v55, v1  }
0x271: {  	s21 =	simm.s32 $0x2000;
	s22 =	simm.s32 $0x2200;
	s14 =	sshll.u32 s14, $0x6;
	[tilespmem:$0x2070] =	vst v62  }
0x272: {  	[tilespmem:s22], [sflag:$0x3] =	stream.indirect.gather [spmem:s3], $0x40, s21, s20, $0xb8;
	[tilespmem:$0x1A200] =	vst v63  }
0x273: {  	s23 =	simm.s32 $0xA200;
	s14 =	sand.u32 $0x1FFFFF40, s14;
	s22 =	simm.s32 $0x2100  }
0x274: {  	[tilespmem:s23], [sflag:$0x5] =	stream.indirect.gather [spmem:s3], $0x40, s22, s20, $0xb8;
	[tilespmem:$0x1A200] =	vst v63  }
0x275: {  	s25 =	simm.s32 $0x1E00;
	s14 =	sadd.s32 s5, s14  }
0x276: {  	[tilespmem:s25], [sflag:$0x2] =	stream.linear.gather [hbm4b:s14+s4], $0x180, $0x38;
	[tilespmem:$0x1A200] =	vst v63  }
.LBB2_10:
0x277: {  	_ =	swait.ge [sflag:s9], $0x4000  }
0x278: {  	[sflag:s9] =	ssyncset.done $0x0  }
0x279: {  	[sflag:s9] =	ssyncadd.s32 $0xFFFFC000  }
0x27a: {  	_ =	swait.ge [sflag:s10], $0x2000  }
0x27b: {  	[sflag:s10] =	ssyncset.done $0x0  }
0x27c: {  	[sflag:s10] =	ssyncadd.s32 $0xFFFFE000  }
0x27d: {  	_ =	swait.ge [sflag:s11], $0x2000  }
0x27e: {  	[sflag:s11] =	ssyncset.done $0x0  }
0x27f: {  	s14 =	simm.s32 $0x0;
	[sflag:s11] =	ssyncadd.s32 $0xFFFFE000  }
0x280: {  	v0 =	vld [tilespmem:s14+$0x63B0]  }
0x281: {  	v1 =	vld [tilespmem:s14+$0xE3B0]  }
0x282: {  	v2 =	vld [tilespmem:s14+$0x6200]  }
0x283: {  	v3 =	vld [tilespmem:s14+$0xE200];
	_ =	sdelay $0x1  }
0x284: {  	v4 =	vld [tilespmem:s14+$0x6210]  }
0x285: {  	v5 =	vld [tilespmem:s14+$0xE210];
	v7 =	vshll.u32 v0, $0x10  }
0x286: {  	v8 =	vshll.u32 v1, $0x10;
	v0 =	vand.u32 $0xFFFF0000, v0;
	v1 =	vand.u32 $0xFFFF0000, v1  }
0x287: {  	v6 =	vld [tilespmem:s14+$0x6220];
	v11 =	vand.u32 $0xFFFF0000, v2;
	v0 =	vadd.f32 v1, v0;
	v1 =	vand.u32 $0xFFFF0000, v3  }
0x288: {  	v9 =	vld [tilespmem:s14+$0xE220];
	v2 =	vshll.u32 v2, $0x10;
	v3 =	vshll.u32 v3, $0x10;
	v1 =	vadd.f32 v1, v11  }
0x289: {  	[tilespmem:s14+$0x163E0] =	vst v0;
	v0 =	vadd.f32 v3, v2  }
0x28a: {  	v10 =	vld [tilespmem:s14+$0xE230];
	v7 =	vadd.f32 v8, v7;
	v2 =	vand.u32 $0xFFFF0000, v5;
	[tilespmem:s14+$0x16200] =	vst v1;
	v1 =	vand.u32 $0xFFFF0000, v4  }
0x28b: {  	v8 =	vld [tilespmem:s14+$0x6230];
	v1 =	vadd.f32 v2, v1;
	[tilespmem:s14+$0x16210] =	vst v0;
	v0 =	vshll.u32 v4, $0x10;
	v2 =	vshll.u32 v5, $0x10  }
0x28c: {  	[tilespmem:s14+$0x163F0] =	vst v7;
	v0 =	vadd.f32 v2, v0  }
0x28d: {  	v7 =	vld [tilespmem:s14+$0x6280];
	v2 =	vand.u32 $0xFFFF0000, v9;
	[tilespmem:s14+$0x16220] =	vst v1;
	v1 =	vand.u32 $0xFFFF0000, v6  }
0x28e: {  	v3 =	vld [tilespmem:s14+$0xE280];
	v1 =	vadd.f32 v2, v1;
	[tilespmem:s14+$0x16230] =	vst v0;
	v0 =	vshll.u32 v6, $0x10;
	v2 =	vshll.u32 v9, $0x10  }
0x28f: {  	v0 =	vadd.f32 v2, v0  }
0x290: {  	v4 =	vld [tilespmem:s14+$0x6290];
	v2 =	vand.u32 $0xFFFF0000, v10;
	[tilespmem:s14+$0x16240] =	vst v1;
	v1 =	vand.u32 $0xFFFF0000, v8  }
0x291: {  	v5 =	vld [tilespmem:s14+$0xE290];
	v1 =	vadd.f32 v2, v1;
	[tilespmem:s14+$0x16250] =	vst v0;
	v0 =	vshll.u32 v8, $0x10;
	v2 =	vshll.u32 v10, $0x10  }
0x292: {  	v0 =	vadd.f32 v2, v0  }
0x293: {  	v6 =	vld [tilespmem:s14+$0x62A0];
	v2 =	vand.u32 $0xFFFF0000, v3;
	[tilespmem:s14+$0x16260] =	vst v1;
	v1 =	vand.u32 $0xFFFF0000, v7  }
0x294: {  	v9 =	vld [tilespmem:s14+$0xE2A0];
	v1 =	vadd.f32 v2, v1;
	[tilespmem:s14+$0x16270] =	vst v0;
	v0 =	vshll.u32 v7, $0x10;
	v2 =	vshll.u32 v3, $0x10  }
0x295: {  	v0 =	vadd.f32 v2, v0  }
0x296: {  	v8 =	vld [tilespmem:s14+$0x62B0];
	v2 =	vand.u32 $0xFFFF0000, v5;
	[tilespmem:s14+$0x16280] =	vst v1;
	v1 =	vand.u32 $0xFFFF0000, v4  }
0x297: {  	v10 =	vld [tilespmem:s14+$0xE2B0];
	v1 =	vadd.f32 v2, v1;
	[tilespmem:s14+$0x16290] =	vst v0;
	v0 =	vshll.u32 v4, $0x10;
	v2 =	vshll.u32 v5, $0x10  }
0x298: {  	v0 =	vadd.f32 v2, v0  }
0x299: {  	v3 =	vld [tilespmem:s14+$0x6300];
	v2 =	vand.u32 $0xFFFF0000, v9;
	[tilespmem:s14+$0x162A0] =	vst v1;
	v1 =	vand.u32 $0xFFFF0000, v6  }
0x29a: {  	v7 =	vld [tilespmem:s14+$0xE300];
	v1 =	vadd.f32 v2, v1;
	[tilespmem:s14+$0x162B0] =	vst v0;
	v0 =	vshll.u32 v6, $0x10;
	v2 =	vshll.u32 v9, $0x10  }
0x29b: {  	v0 =	vadd.f32 v2, v0  }
0x29c: {  	v4 =	vld [tilespmem:s14+$0x6310];
	v2 =	vand.u32 $0xFFFF0000, v10;
	[tilespmem:s14+$0x162C0] =	vst v1;
	v1 =	vand.u32 $0xFFFF0000, v8  }
0x29d: {  	v5 =	vld [tilespmem:s14+$0xE310];
	v1 =	vadd.f32 v2, v1;
	[tilespmem:s14+$0x162D0] =	vst v0;
	v0 =	vshll.u32 v8, $0x10;
	v2 =	vshll.u32 v10, $0x10  }
0x29e: {  	v6 =	vld [tilespmem:s14+$0x6320];
	v0 =	vadd.f32 v2, v0  }
0x29f: {  	v9 =	vld [tilespmem:s14+$0xE320];
	v2 =	vand.u32 $0xFFFF0000, v7;
	[tilespmem:s14+$0x162E0] =	vst v1;
	v1 =	vand.u32 $0xFFFF0000, v3  }
0x2a0: {  	v10 =	vld [tilespmem:s14+$0xE330];
	v1 =	vadd.f32 v2, v1;
	[tilespmem:s14+$0x162F0] =	vst v0;
	v0 =	vshll.u32 v3, $0x10;
	v2 =	vshll.u32 v7, $0x10  }
0x2a1: {  	v8 =	vld [tilespmem:s14+$0x6330];
	v0 =	vadd.f32 v2, v0  }
0x2a2: {  	v2 =	vand.u32 $0xFFFF0000, v5;
	[tilespmem:s14+$0x16300] =	vst v1;
	v1 =	vand.u32 $0xFFFF0000, v4  }
0x2a3: {  	v7 =	vld [tilespmem:s14+$0x6380];
	v3 =	vshll.u32 v5, $0x10;
	v1 =	vadd.f32 v2, v1;
	[tilespmem:s14+$0x16310] =	vst v0;
	v0 =	vshll.u32 v4, $0x10  }
0x2a4: {  	v11 =	vld [tilespmem:s14+$0xE380];
	v5 =	vshll.u32 v9, $0x10;
	v0 =	vadd.f32 v3, v0  }
0x2a5: {  	v12 =	vshll.u32 v10, $0x10;
	v2 =	vld [tilespmem:s14+$0x6390];
	v4 =	vand.u32 $0xFFFF0000, v9;
	[tilespmem:s14+$0x16320] =	vst v1;
	v1 =	vand.u32 $0xFFFF0000, v6  }
0x2a6: {  	v9 =	vshll.u32 v8, $0x10;
	v3 =	vld [tilespmem:s14+$0xE390];
	v4 =	vadd.f32 v4, v1;
	[tilespmem:s14+$0x16330] =	vst v0;
	v0 =	vshll.u32 v6, $0x10  }
0x2a7: {  	v1 =	vld [tilespmem:s14+$0x63A0];
	v6 =	vand.u32 $0xFFFF0000, v8;
	v8 =	vadd.f32 v5, v0;
	v0 =	vand.u32 $0xFFFF0000, v10  }
0x2a8: {  	s21 =	simm.s32 $0x200;
	v9 =	vadd.f32 v12, v9;
	v5 =	vshll.u32 v7, $0x10;
	[tilespmem:s14+$0x16340] =	vst v4;
	v4 =	vld [tilespmem:s14+$0xE3A0];
	v6 =	vadd.f32 v0, v6  }
0x2a9: {  	s22 =	simm.s32 $0x1000;
	v7 =	vand.u32 $0xFFFF0000, v7;
	v10 =	vand.u32 $0xFFFF0000, v11;
	v0 =	vld [tilespmem:s21+$0x63B0];
	[tilespmem:s14+$0x16350] =	vst v8;
	v8 =	vshll.u32 v11, $0x10  }
.LBB2_11:
0x2aa: {  	p0 =	sne.s32 s22, $0xF800;
	v11 =	vld [tilespmem:s21+$0xE3B0];
	[tilespmem:s14+$0x16360] =	vst v6;
	v6 =	vadd.f32 v10, v7;
	v7 =	vshll.u32 v2, $0x10;
	v2 =	vand.u32 $0xFFFF0000, v2  }
0x2ab: {  	v5 =	vadd.f32 v8, v5;
	v10 =	vld [tilespmem:s21+$0x6200];
	[tilespmem:s14+$0x16370] =	vst v9;
	v8 =	vshll.u32 v3, $0x10;
	v3 =	vand.u32 $0xFFFF0000, v3  }
0x2ac: {  	v9 =	vld [tilespmem:s21+$0xE200];
	[tilespmem:s14+$0x16380] =	vst v6;
	v2 =	vadd.f32 v3, v2;
	v3 =	vshll.u32 v1, $0x10;
	v1 =	vand.u32 $0xFFFF0000, v1  }
0x2ad: {  	v6 =	vld [tilespmem:s21+$0x6210];
	[tilespmem:s14+$0x16390] =	vst v5;
	v5 =	vadd.f32 v8, v7;
	v7 =	vshll.u32 v4, $0x10;
	v4 =	vand.u32 $0xFFFF0000, v4  }
0x2ae: {  	v8 =	vld [tilespmem:s21+$0xE210];
	v12 =	vand.u32 $0xFFFF0000, v0;
	[tilespmem:s14+$0x163A0] =	vst v2;
	v1 =	vadd.f32 v4, v1;
	v2 =	vadd.f32 v7, v3  }
0x2af: {  	v0 =	vshll.u32 v0, $0x10;
	v3 =	vld [tilespmem:s21+$0x6220];
	v4 =	vshll.u32 v11, $0x10;
	v7 =	vand.u32 $0xFFFF0000, v11;
	[tilespmem:s14+$0x163B0] =	vst v5  }
0x2b0: {  	v5 =	vshll.u32 v10, $0x10;
	v10 =	vand.u32 $0xFFFF0000, v10;
	v11 =	vld [tilespmem:s21+$0xE220];
	v0 =	vadd.f32 v4, v0;
	[tilespmem:s14+$0x163C0] =	vst v1  }
0x2b1: {  	v7 =	vadd.f32 v7, v12;
	v1 =	vshll.u32 v9, $0x10;
	v4 =	vand.u32 $0xFFFF0000, v9;
	v9 =	vld [tilespmem:s21+$0x6230];
	[tilespmem:s14+$0x163D0] =	vst v2;
	s14 =	smov.u32 s21  }
0x2b2: {  	v2 =	vadd.f32 v4, v10;
	v4 =	vshll.u32 v6, $0x10;
	v6 =	vand.u32 $0xFFFF0000, v6;
	v10 =	vld [tilespmem:s14+$0xE230];
	[tilespmem:s14+$0x163F0] =	vst v0  }
0x2b3: {  	v0 =	vadd.f32 v1, v5;
	v1 =	vshll.u32 v8, $0x10;
	v5 =	vand.u32 $0xFFFF0000, v8;
	v8 =	vld [tilespmem:s14+$0x6280];
	[tilespmem:s14+$0x163E0] =	vst v7  }
0x2b4: {  	[tilespmem:s14+$0x16200] =	vst v2;
	v2 =	vadd.f32 v5, v6;
	v5 =	vshll.u32 v3, $0x10;
	v3 =	vand.u32 $0xFFFF0000, v3;
	v6 =	vld [tilespmem:s14+$0xE280]  }
0x2b5: {  	[tilespmem:s14+$0x16210] =	vst v0;
	v0 =	vadd.f32 v1, v4;
	v1 =	vshll.u32 v11, $0x10;
	v4 =	vand.u32 $0xFFFF0000, v11;
	v7 =	vld [tilespmem:s14+$0x6290]  }
0x2b6: {  	[tilespmem:s14+$0x16220] =	vst v2;
	v2 =	vadd.f32 v4, v3;
	v3 =	vshll.u32 v9, $0x10;
	v4 =	vand.u32 $0xFFFF0000, v9;
	v9 =	vld [tilespmem:s14+$0xE290]  }
0x2b7: {  	[tilespmem:s14+$0x16230] =	vst v0;
	v0 =	vadd.f32 v1, v5;
	v1 =	vshll.u32 v10, $0x10;
	v5 =	vand.u32 $0xFFFF0000, v10;
	v10 =	vld [tilespmem:s14+$0x62A0]  }
0x2b8: {  	[tilespmem:s14+$0x16240] =	vst v2;
	v2 =	vadd.f32 v5, v4;
	v4 =	vshll.u32 v8, $0x10;
	v5 =	vand.u32 $0xFFFF0000, v8;
	v8 =	vld [tilespmem:s14+$0xE2A0]  }
0x2b9: {  	[tilespmem:s14+$0x16250] =	vst v0;
	v0 =	vadd.f32 v1, v3;
	v1 =	vshll.u32 v6, $0x10;
	v3 =	vand.u32 $0xFFFF0000, v6;
	v6 =	vld [tilespmem:s14+$0x62B0]  }
0x2ba: {  	[tilespmem:s14+$0x16260] =	vst v2;
	v2 =	vadd.f32 v3, v5;
	v3 =	vshll.u32 v7, $0x10;
	v5 =	vand.u32 $0xFFFF0000, v7;
	v7 =	vld [tilespmem:s14+$0xE2B0]  }
0x2bb: {  	[tilespmem:s14+$0x16270] =	vst v0;
	v0 =	vadd.f32 v1, v4;
	v1 =	vshll.u32 v9, $0x10;
	v4 =	vand.u32 $0xFFFF0000, v9;
	v9 =	vld [tilespmem:s14+$0x6300]  }
0x2bc: {  	[tilespmem:s14+$0x16280] =	vst v2;
	v2 =	vadd.f32 v4, v5;
	v4 =	vshll.u32 v10, $0x10;
	v5 =	vand.u32 $0xFFFF0000, v10;
	v10 =	vld [tilespmem:s14+$0xE300]  }
0x2bd: {  	[tilespmem:s14+$0x16290] =	vst v0;
	v0 =	vadd.f32 v1, v3;
	v1 =	vshll.u32 v8, $0x10;
	v3 =	vand.u32 $0xFFFF0000, v8;
	v8 =	vld [tilespmem:s14+$0x6310]  }
0x2be: {  	[tilespmem:s14+$0x162A0] =	vst v2;
	v2 =	vadd.f32 v3, v5;
	v3 =	vshll.u32 v6, $0x10;
	v5 =	vand.u32 $0xFFFF0000, v6;
	v6 =	vld [tilespmem:s14+$0xE310]  }
0x2bf: {  	[tilespmem:s14+$0x162B0] =	vst v0;
	v0 =	vadd.f32 v1, v4;
	v1 =	vshll.u32 v7, $0x10;
	v4 =	vand.u32 $0xFFFF0000, v7;
	v7 =	vld [tilespmem:s14+$0x6320]  }
0x2c0: {  	[tilespmem:s14+$0x162C0] =	vst v2;
	v2 =	vadd.f32 v4, v5;
	v4 =	vshll.u32 v9, $0x10;
	v5 =	vand.u32 $0xFFFF0000, v9;
	v9 =	vld [tilespmem:s14+$0xE320]  }
0x2c1: {  	[tilespmem:s14+$0x162D0] =	vst v0;
	v0 =	vadd.f32 v1, v3;
	v1 =	vshll.u32 v10, $0x10;
	v3 =	vand.u32 $0xFFFF0000, v10;
	v10 =	vld [tilespmem:s14+$0x6330]  }
0x2c2: {  	[tilespmem:s14+$0x162E0] =	vst v2;
	v2 =	vadd.f32 v3, v5;
	v3 =	vshll.u32 v8, $0x10;
	v5 =	vand.u32 $0xFFFF0000, v8;
	v8 =	vld [tilespmem:s14+$0xE330]  }
0x2c3: {  	[tilespmem:s14+$0x162F0] =	vst v0;
	v0 =	vadd.f32 v1, v4;
	v1 =	vshll.u32 v6, $0x10;
	v4 =	vand.u32 $0xFFFF0000, v6;
	v11 =	vld [tilespmem:s14+$0x6380]  }
0x2c4: {  	[tilespmem:s14+$0x16300] =	vst v2;
	v4 =	vadd.f32 v4, v5;
	v5 =	vshll.u32 v7, $0x10;
	v6 =	vand.u32 $0xFFFF0000, v7;
	v12 =	vld [tilespmem:s14+$0xE380]  }
.Ltmp4:
0x2c5: {  	[tilespmem:s14+$0x16310] =	vst v0;
	v0 =	vadd.f32 v1, v3;
	v1 =	vshll.u32 v9, $0x10;
	v3 =	vand.u32 $0xFFFF0000, v9;
	v2 =	vld [tilespmem:s14+$0x6390];
	(pc) =	sbr.rel @p0 .LBB2_11-.Ltmp4, $4  }
0x2c6: {  	[tilespmem:s14+$0x16320] =	vst v4;
	v4 =	vadd.f32 v3, v6;
	v9 =	vshll.u32 v10, $0x10;
	v6 =	vand.u32 $0xFFFF0000, v10;
	v3 =	vld [tilespmem:s14+$0xE390]  }
0x2c7: {  	v10 =	vadd.f32 v1, v5;
	[tilespmem:s14+$0x16330] =	vst v0;
	v13 =	vshll.u32 v8, $0x10;
	v0 =	vand.u32 $0xFFFF0000, v8;
	v1 =	vld [tilespmem:s14+$0x63A0]  }
0x2c8: {  	s21 =	sshra.s32 s22, $0x2;
	[tilespmem:s14+$0x16340] =	vst v4;
	v6 =	vadd.f32 v0, v6;
	v5 =	vshll.u32 v11, $0x10;
	v7 =	vand.u32 $0xFFFF0000, v11;
	v4 =	vld [tilespmem:s14+$0xE3A0]  }
0x2c9: {  	s22 =	sadd.s32 $0x800, s22;
	v9 =	vadd.f32 v13, v9;
	v0 =	vld [tilespmem:s21+$0x63B0];
	[tilespmem:s14+$0x16350] =	vst v10;
	v8 =	vshll.u32 v12, $0x10;
	v10 =	vand.u32 $0xFFFF0000, v12  }
0x2ca: {  	v11 =	vld [tilespmem:s21+$0xE3B0];
	[tilespmem:s14+$0x16360] =	vst v6;
	v7 =	vadd.f32 v10, v7  }
0x2cb: {  	v5 =	vadd.f32 v8, v5;
	v16 =	vand.u32 $0xFFFF0000, v2;
	v6 =	vld [tilespmem:s21+$0x6200];
	[tilespmem:s14+$0x16370] =	vst v9;
	v17 =	vand.u32 $0xFFFF0000, v3  }
0x2cc: {  	v19 =	vshll.u32 v2, $0x10;
	v20 =	vshll.u32 v3, $0x10;
	v9 =	vld [tilespmem:s21+$0xE200];
	[tilespmem:s14+$0x16380] =	vst v7;
	v7 =	vadd.f32 v17, v16  }
0x2cd: {  	v2 =	vadd.f32 v20, v19;
	v21 =	vand.u32 $0xFFFF0000, v1;
	v18 =	vld [tilespmem:s21+$0x6210];
	[tilespmem:s14+$0x16390] =	vst v5;
	v22 =	vand.u32 $0xFFFF0000, v4  }
0x2ce: {  	v24 =	vshll.u32 v1, $0x10;
	v25 =	vshll.u32 v4, $0x10;
	v5 =	vld [tilespmem:s21+$0xE210];
	[tilespmem:s14+$0x163A0] =	vst v7;
	v3 =	vadd.f32 v22, v21  }
0x2cf: {  	v1 =	vadd.f32 v25, v24;
	v23 =	vld [tilespmem:s21+$0x6220];
	[tilespmem:s14+$0x163B0] =	vst v2  }
0x2d0: {  	v26 =	vld [tilespmem:s21+$0xE220];
	[tilespmem:s14+$0x163C0] =	vst v3  }
0x2d1: {  	v29 =	vld [tilespmem:s21+$0x6230];
	[tilespmem:s14+$0x163D0] =	vst v1  }
0x2d2: {  	v27 =	vshll.u32 v0, $0x10;
	v32 =	vld [tilespmem:s21+$0xE230]  }
0x2d3: {  	v30 =	vand.u32 $0xFFFF0000, v0;
	v28 =	vshll.u32 v11, $0x10;
	v31 =	vand.u32 $0xFFFF0000, v11;
	v35 =	vld [tilespmem:s21+$0x6280]  }
0x2d4: {  	v2 =	vadd.f32 v28, v27;
	v33 =	vand.u32 $0xFFFF0000, v6;
	v0 =	vadd.f32 v31, v30;
	v39 =	vld [tilespmem:s21+$0xE280]  }
0x2d5: {  	v6 =	vshll.u32 v6, $0x10;
	v12 =	vand.u32 $0xFFFF0000, v9;
	v9 =	vshll.u32 v9, $0x10;
	v41 =	vld [tilespmem:s21+$0x6290]  }
0x2d6: {  	v34 =	vadd.f32 v12, v33;
	v37 =	vand.u32 $0xFFFF0000, v18;
	v44 =	vld [tilespmem:s21+$0xE290];
	v38 =	vand.u32 $0xFFFF0000, v5  }
0x2d7: {  	v40 =	vshll.u32 v18, $0x10;
	v46 =	vld [tilespmem:s21+$0x62A0];
	v5 =	vshll.u32 v5, $0x10;
	v1 =	vadd.f32 v38, v37  }
0x2d8: {  	[tilespmem:s21+$0x163E0] =	vst v0;
	v36 =	vadd.f32 v9, v6;
	v49 =	vld [tilespmem:s21+$0xE2A0];
	v0 =	vadd.f32 v5, v40;
	v42 =	vand.u32 $0xFFFF0000, v23  }
0x2d9: {  	v51 =	vld [tilespmem:s21+$0x62B0];
	v45 =	vshll.u32 v23, $0x10;
	v43 =	vand.u32 $0xFFFF0000, v26;
	v4 =	vshll.u32 v26, $0x10;
	[tilespmem:s21+$0x16220] =	vst v1  }
0x2da: {  	v54 =	vld [tilespmem:s21+$0xE2B0];
	v1 =	vadd.f32 v43, v42;
	[tilespmem:s21+$0x16230] =	vst v0;
	v0 =	vadd.f32 v4, v45;
	v47 =	vand.u32 $0xFFFF0000, v29  }
0x2db: {  	v57 =	vld [tilespmem:s21+$0x6300];
	v50 =	vshll.u32 v29, $0x10;
	v48 =	vand.u32 $0xFFFF0000, v32;
	v3 =	vshll.u32 v32, $0x10  }
0x2dc: {  	[tilespmem:s21+$0x163F0] =	vst v2;
	v23 =	vld [tilespmem:s21+$0x6330];
	v52 =	vand.u32 $0xFFFF0000, v35;
	v53 =	vand.u32 $0xFFFF0000, v39;
	v55 =	vshll.u32 v35, $0x10  }
0x2dd: {  	[tilespmem:s21+$0x16200] =	vst v34;
	v26 =	vld [tilespmem:s21+$0xE330];
	v56 =	vshll.u32 v39, $0x10;
	v58 =	vand.u32 $0xFFFF0000, v41;
	v59 =	vand.u32 $0xFFFF0000, v44  }
0x2de: {  	v60 =	vld [tilespmem:s21+$0xE300];
	[tilespmem:s21+$0x16210] =	vst v36;
	v61 =	vshll.u32 v41, $0x10;
	v62 =	vshll.u32 v44, $0x10;
	v12 =	vand.u32 $0xFFFF0000, v46  }
0x2df: {  	v38 =	vld [tilespmem:s21+$0xE390];
	v13 =	vand.u32 $0xFFFF0000, v49;
	v15 =	vshll.u32 v46, $0x10;
	[tilespmem:s21+$0x16240] =	vst v1;
	v1 =	vadd.f32 v48, v47  }
0x2e0: {  	v29 =	vld [tilespmem:s21+$0x6380];
	v18 =	vand.u32 $0xFFFF0000, v51;
	v19 =	vand.u32 $0xFFFF0000, v54;
	[tilespmem:s21+$0x16250] =	vst v0;
	v0 =	vadd.f32 v3, v50  }
0x2e1: {  	v21 =	vshll.u32 v51, $0x10;
	v22 =	vshll.u32 v54, $0x10;
	v32 =	vld [tilespmem:s21+$0xE380];
	[tilespmem:s21+$0x16260] =	vst v1;
	v1 =	vadd.f32 v53, v52  }
0x2e2: {  	v35 =	vld [tilespmem:s21+$0x6390];
	v42 =	vand.u32 $0xFFFF0000, v23;
	[tilespmem:s21+$0x16270] =	vst v0;
	v0 =	vadd.f32 v56, v55;
	v43 =	vand.u32 $0xFFFF0000, v26  }
0x2e3: {  	v41 =	vld [tilespmem:s21+$0x63A0];
	v44 =	vshll.u32 v23, $0x10;
	v45 =	vshll.u32 v26, $0x10;
	v2 =	vadd.f32 v43, v42;
	[tilespmem:s21+$0x16280] =	vst v1  }
0x2e4: {  	v24 =	vand.u32 $0xFFFF0000, v57;
	v25 =	vand.u32 $0xFFFF0000, v60;
	v46 =	vld [tilespmem:s21+$0xE3A0];
	v48 =	vadd.f32 v45, v44;
	[tilespmem:s21+$0x16290] =	vst v0  }
0x2e5: {  	v27 =	vshll.u32 v57, $0x10;
	v28 =	vshll.u32 v60, $0x10;
	v1 =	vadd.f32 v59, v58;
	[tilespmem:s21+$0x16360] =	vst v2  }
0x2e6: {  	v63 =	vld [tilespmem:s21+$0x6310];
	v3 =	vshll.u32 v29, $0x10;
	v0 =	vadd.f32 v62, v61;
	v50 =	vshll.u32 v32, $0x10;
	[tilespmem:s21+$0x16370] =	vst v48  }
0x2e7: {  	v53 =	vand.u32 $0xFFFF0000, v38;
	v51 =	vand.u32 $0xFFFF0000, v35;
	v52 =	vadd.f32 v50, v3;
	[tilespmem:s21+$0x162A0] =	vst v1  }
0x2e8: {  	v55 =	vshll.u32 v38, $0x10;
	v54 =	vshll.u32 v35, $0x10;
	v56 =	vadd.f32 v53, v51;
	[tilespmem:s21+$0x162B0] =	vst v0  }
0x2e9: {  	v57 =	vand.u32 $0xFFFF0000, v41;
	v59 =	vand.u32 $0xFFFF0000, v46;
	v58 =	vadd.f32 v55, v54;
	[tilespmem:s21+$0x16390] =	vst v52  }
0x2ea: {  	v60 =	vshll.u32 v41, $0x10;
	v61 =	vshll.u32 v46, $0x10;
	v62 =	vadd.f32 v59, v57;
	[tilespmem:s21+$0x163A0] =	vst v56  }
0x2eb: {  	v30 =	vand.u32 $0xFFFF0000, v63;
	v33 =	vshll.u32 v63, $0x10;
	v63 =	vadd.f32 v61, v60;
	[tilespmem:s21+$0x163B0] =	vst v58  }
0x2ec: {  	v14 =	vld [tilespmem:s21+$0xE310];
	v16 =	vshll.u32 v49, $0x10;
	v1 =	vadd.f32 v13, v12;
	[tilespmem:s21+$0x163C0] =	vst v62  }
0x2ed: {  	v17 =	vld [tilespmem:s21+$0x6320];
	v0 =	vadd.f32 v16, v15;
	[tilespmem:s21+$0x163D0] =	vst v63  }
0x2ee: {  	v20 =	vld [tilespmem:s21+$0xE320];
	[tilespmem:s21+$0x162C0] =	vst v1;
	v1 =	vadd.f32 v19, v18  }
0x2ef: {  	[tilespmem:s21+$0x162D0] =	vst v0;
	v0 =	vadd.f32 v22, v21  }
0x2f0: {  	[tilespmem:s21+$0x162E0] =	vst v1;
	v1 =	vadd.f32 v25, v24  }
0x2f1: {  	v31 =	vand.u32 $0xFFFF0000, v14;
	[tilespmem:s21+$0x162F0] =	vst v0;
	v0 =	vadd.f32 v28, v27  }
0x2f2: {  	v34 =	vshll.u32 v14, $0x10;
	[tilespmem:s21+$0x16300] =	vst v1;
	v1 =	vadd.f32 v31, v30  }
0x2f3: {  	s17 =	sadd.s32 $0x1, s17;
	v36 =	vand.u32 $0xFFFF0000, v17;
	v37 =	vand.u32 $0xFFFF0000, v20;
	[tilespmem:s21+$0x16310] =	vst v0;
	v0 =	vadd.f32 v34, v33  }
0x2f4: {  	p0 =	sne.s32 s17, $0x32;
	v39 =	vshll.u32 v17, $0x10;
	v40 =	vshll.u32 v20, $0x10;
	[tilespmem:s21+$0x16320] =	vst v1;
	v1 =	vadd.f32 v37, v36  }
.Ltmp5:
0x2f5: {  	s25 =	sshll.u32 s18, $0xE;
	v47 =	vand.u32 $0xFFFF0000, v29;
	v49 =	vand.u32 $0xFFFF0000, v32;
	[tilespmem:s21+$0x16330] =	vst v0;
	v0 =	vadd.f32 v40, v39;
	(pc) =	sbr.rel @p0 .LBB2_2-.Ltmp5, $4  }
0x2f6: {  	s14 =	sadd.s32 s7, s25;
	[tilespmem:s21+$0x16340] =	vst v1;
	v1 =	vadd.f32 v49, v47  }
0x2f7: {  	s14 =	sshrl.u32 s14, $0x3;
	[tilespmem:s21+$0x16350] =	vst v0  }
0x2f8: {  	s14 =	sadd.s32 s1, s14;
	[tilespmem:s21+$0x16380] =	vst v1  }
0x2f9: {  	[hbm4b:s14+s4] =	stream.linear.scatter [tilespmem:s15], [sflag:$0x8], $0x4000, $0x38;
	[tilespmem:$0x1A200] =	vst v63  }
0x2fa: {  	_ =	swait.ge [sflag:s16], $0x4000  }
0x2fb: {  	[sflag:s16] =	ssyncset.done $0x0  }
0x2fc: {  	[sflag:s16] =	ssyncadd.s32 $0xFFFFC000  }
0x2fd: {  	_ =	swait.ge [sflag:s9], $0x4000  }
0x2fe: {  	s17 =	rddreg [dreg:$0xb]  }
0x2ff: {  	s14 =	rddreg [dreg:$0x9];
	s17 =	sadd.s32 $0x1, s17  }
0x300: {  	p0 =	sne.s32 s17, s14  }
.Ltmp6:
0x301: {  	_ = 	snop;
	(pc) =	sbr.rel @p0 .LBB2_1-.Ltmp6, $3  }
0x302: {  	_ =	sdelay $0x1  }
0x303: {  	[sflag:s9] =	ssyncset.done $0x0  }
0x304: {  	[sflag:s9] =	ssyncadd.s32 $0xFFFFC000  }
0x305: {  	_ =	sfence.sel $0x180000  }
0x306: {  	[bflag:$0x0] =	sbarrier.arrive $0xFFFF  }
0x307: {  	_ =	strace $0x90000047  }
0x308: {  	s0 =	stileid.u32;
	[bflag:$0x2] =	sbarrier.arrive $0xFFFF  }
0x309: {  	p0 =	sne.s32 s0, $0x0;
	s0 =	rddreg [dreg:$0x3]  }
0x30a: {  	s0 =	sadd.s32 @!p0 $0x100000, s0  }
0x30b: {  	[sflag:s0] =	ssyncadd.tile.s32 @!p0 $0x1;
	_ =	shalt  }
.Lfunc_end2:
_tile_overlayer_lowered:
.L_overlay_start_2:
0x30c: {  	(tag) =	ssettag $0x2  }
0x30d: {  	s0 =	rddreg [dreg:$0x0];
	s2 =	stileid.u32  }
0x30e: {  	s1 =	rddreg [dreg:$0x1];
	p0 =	sne.s32 s2, $0x0  }
0x30f: {  	s3 =	rddreg [dreg:$0x2];
	[bflag:$0x3] =	sbarrier.arrive $0xFFFF;
	s2 =	simm.s32 @!p0 $0x1C09  }
0x310: {  	[timem:s3], [sflag:s2] =	dma.local @!p0 [hbm:s0], s1  }
0x311: {  	s0 =	simm.s32 @!p0 $0x9  }
0x312: {  	_ =	swait.ge @!p0 [sflag:s0], s1  }
0x313: {  	s1 =	ssub.s32 @!p0 $0x0, s1;
	[sflag:s0] =	ssyncset.done @!p0 $0x0  }
0x314: {  	[sflag:s0] =	ssyncadd.s32 @!p0 s1  }
0x315: {  	[bflag:$0x3] =	sbarrier.arrive $0xFFFF  }
0x316: {  	_ =	shalt  }

</sc_bundles>
